<compile_context>
chip_gen: v7x
topology: tpu7x:2x2x1
jax: 0.10.2.dev20260603
libtpu: 0.0.44.dev20260713+nightly
codegen_flags: <defaults>
</compile_context>

<pallas_src>
import functools

import jax
import jax.numpy as jnp
from jax import lax
from jax.experimental import pallas as pl
from jax.experimental.pallas import tpu as pltpu
from jax.experimental.pallas import tpu_sc as plsc

F32 = jnp.float32
I32 = jnp.int32

N = 10000
D = 128
B = 512
E = 320000
NT = 16
NC = 2
RPT = 640
ACC = NT * RPT
CH = 128
NCH = 160
GC = 32
NG = NCH // GC
EPAD = NT * NCH * CH
BCH = 5
SEGP = 528
RT = ACC // 128

_mesh = plsc.VectorSubcoreMesh(core_axis_name="c", subcore_axis_name="s")



@functools.partial(
    pl.kernel,
    mesh=_mesh,
    out_type=[jax.ShapeDtypeStruct((NC * ACC,), F32),
              jax.ShapeDtypeStruct((NC * SEGP,), F32)],
    scratch_types=[
        pltpu.VMEM((NCH, CH), I32),
        pltpu.VMEM((BCH, CH), I32),
        pltpu.VMEM((CH,), F32),
        pltpu.VMEM((RPT,), F32),
        pltpu.VMEM_SHARED((ACC,), F32),
        pltpu.VMEM_SHARED((SEGP,), F32),
    ],
)
def _deg_counts(dst_hbm, bat_hbm, deg_hbm, cnt_hbm,
                dst_v, bat_v, ones_v, zbuf, deg_sh, cnt_sh):
    c = lax.axis_index("c")
    s = lax.axis_index("s")
    pltpu.sync_copy(dst_hbm.at[c, s], dst_v)
    pltpu.sync_copy(bat_hbm.at[c, s], bat_v)
    for i in range(CH // 16):
        ones_v[pl.ds(i * 16, 16)] = jnp.full((16,), 1.0, F32)
    for i in range(RPT // 16):
        zbuf[pl.ds(i * 16, 16)] = jnp.zeros((16,), F32)
    pltpu.sync_copy(zbuf, deg_sh.at[pl.ds(s * RPT, RPT)])

    @pl.when(s == 0)
    def _():
        pltpu.sync_copy(zbuf.at[pl.ds(0, SEGP)], cnt_sh)

    plsc.subcore_barrier()

    def ebody(j, carry):
        pltpu.sync_copy(ones_v, deg_sh.at[dst_v.at[j]], add=True)
        return carry

    lax.fori_loop(0, NCH, ebody, 0)

    def bbody(j, carry):
        pltpu.sync_copy(ones_v, cnt_sh.at[bat_v.at[j]], add=True)
        return carry

    lax.fori_loop(0, BCH, bbody, 0)

    plsc.subcore_barrier()
    pltpu.sync_copy(deg_sh.at[pl.ds(s * RPT, RPT)], zbuf)
    pltpu.sync_copy(zbuf, deg_hbm.at[pl.ds(c * ACC + s * RPT, RPT)])

    @pl.when(s == 0)
    def _():
        pltpu.sync_copy(cnt_sh, zbuf.at[pl.ds(0, SEGP)])
        pltpu.sync_copy(zbuf.at[pl.ds(0, SEGP)], cnt_hbm.at[pl.ds(c * SEGP, SEGP)])


@functools.partial(
    pl.kernel,
    mesh=_mesh,
    out_type=jax.ShapeDtypeStruct((NC, ACC, D), F32),
    scratch_types=[
        pltpu.VMEM((GC, CH), I32),
        pltpu.VMEM((GC, CH), I32),
        pltpu.VMEM((CH, D), F32),
        pltpu.VMEM((CH, D), F32),
        pltpu.VMEM_SHARED((ACC, D), F32),
        pltpu.SemaphoreType.DMA,
        pltpu.SemaphoreType.DMA,
    ],
)
def _edge_scatter(y_hbm, src_hbm, dst_hbm, out_hbm,
                  src_v, dst_v, buf0, buf1, acc_sh, sem0, sem1):
    c = lax.axis_index("c")
    s = lax.axis_index("s")

    def zrow(j, carry):
        for i in range(D // 16):
            buf0[j, pl.ds(i * 16, 16)] = jnp.zeros((16,), F32)
        return carry

    lax.fori_loop(0, CH, zrow, 0)
    for t in range(RPT // CH):
        pltpu.sync_copy(buf0, acc_sh.at[pl.ds(s * RPT + t * CH, CH)])
    plsc.subcore_barrier()

    def group(g, carry):
        pltpu.sync_copy(src_hbm.at[c, s, pl.ds(g * GC, GC)], src_v)
        pltpu.sync_copy(dst_hbm.at[c, s, pl.ds(g * GC, GC)], dst_v)
        pltpu.async_copy(y_hbm.at[src_v.at[0]], buf0, sem0)

        def pair(jj, carry2):
            j = jj * 2
            pltpu.async_copy(y_hbm.at[src_v.at[j + 1]], buf1, sem1)
            pltpu.make_async_copy(y_hbm.at[src_v.at[j]], buf0, sem0).wait()
            pltpu.sync_copy(buf0, acc_sh.at[dst_v.at[j]], add=True)

            @pl.when(jj < GC // 2 - 1)
            def _():
                pltpu.async_copy(y_hbm.at[src_v.at[j + 2]], buf0, sem0)

            pltpu.make_async_copy(y_hbm.at[src_v.at[j + 1]], buf1, sem1).wait()
            pltpu.sync_copy(buf1, acc_sh.at[dst_v.at[j + 1]], add=True)
            return carry2

        lax.fori_loop(0, GC // 2, pair, 0)
        return carry

    lax.fori_loop(0, NG, group, 0)

    plsc.subcore_barrier()
    for t in range(RPT // CH):
        pltpu.sync_copy(acc_sh.at[pl.ds(s * RPT + t * CH, CH)], buf0)
        pltpu.sync_copy(buf0, out_hbm.at[c, pl.ds(s * RPT + t * CH, CH)])



def _y_body(x_ref, w_ref, dinv_ref, y_ref):
    y_ref[...] = (dinv_ref[0] *
                  jnp.dot(x_ref[0], w_ref[...], preferred_element_type=F32,
                          precision=lax.Precision.DEFAULT))[None]


_y_kernel = pl.pallas_call(
    _y_body,
    grid=(NC, RT),
    in_specs=[pl.BlockSpec((1, 128, D), lambda g, i: (g, i, 0)),
              pl.BlockSpec((D, D), lambda g, i: (0, 0)),
              pl.BlockSpec((1, 128, 1), lambda g, i: (g, i, 0))],
    out_specs=pl.BlockSpec((1, 128, D), lambda g, i: (g, i, 0)),
    out_shape=jax.ShapeDtypeStruct((NC, ACC, D), F32),
)


def _layer2_body(acc_ref, y_ref, dinv_ref, b_ref, w_ref, y2_ref):
    x1 = jnp.maximum(dinv_ref[0] * (acc_ref[0] + y_ref[0]) + b_ref[...], 0.0)
    y2_ref[...] = (dinv_ref[0] *
                   jnp.dot(x1, w_ref[...], preferred_element_type=F32,
                           precision=lax.Precision.DEFAULT))[None]


_layer2 = pl.pallas_call(
    _layer2_body,
    grid=(NC, RT),
    in_specs=[pl.BlockSpec((1, 128, D), lambda g, i: (g, i, 0)),
              pl.BlockSpec((1, 128, D), lambda g, i: (g, i, 0)),
              pl.BlockSpec((1, 128, 1), lambda g, i: (g, i, 0)),
              pl.BlockSpec((1, D), lambda g, i: (0, 0)),
              pl.BlockSpec((D, D), lambda g, i: (0, 0))],
    out_specs=pl.BlockSpec((1, 128, D), lambda g, i: (g, i, 0)),
    out_shape=jax.ShapeDtypeStruct((NC, ACC, D), F32),
)


def _segsum_body(acc_ref, y_ref, dinv_ref, b_ref, bat_ref, out_ref):
    i = pl.program_id(1)
    x2 = jnp.maximum(dinv_ref[0] * (acc_ref[0] + y_ref[0]) + b_ref[...], 0.0)
    bt = bat_ref[0, 0, :]
    seg = lax.broadcasted_iota(I32, (B, 128), 0)
    oh = (seg == bt[None, :]).astype(F32)
    contrib = jnp.dot(oh, x2, preferred_element_type=F32, precision=lax.Precision.HIGHEST)

    @pl.when(i == 0)
    def _():
        out_ref[...] = contrib[None]

    @pl.when(i != 0)
    def _():
        out_ref[...] += contrib[None]


_segsum = pl.pallas_call(
    _segsum_body,
    grid=(NC, RT),
    in_specs=[pl.BlockSpec((1, 128, D), lambda g, i: (g, i, 0)),
              pl.BlockSpec((1, 128, D), lambda g, i: (g, i, 0)),
              pl.BlockSpec((1, 128, 1), lambda g, i: (g, i, 0)),
              pl.BlockSpec((1, D), lambda g, i: (0, 0)),
              pl.BlockSpec((1, 1, 128), lambda g, i: (g * RT + i, 0, 0))],
    out_specs=pl.BlockSpec((1, B, D), lambda g, i: (g, 0, 0)),
    out_shape=jax.ShapeDtypeStruct((NC, B, D), F32),
)


def _stanh(x):
    e = jnp.exp(-2.0 * jnp.abs(x))
    t = (1.0 - e) / (1.0 + e)
    return jnp.where(x >= 0.0, t, -t)


def _ssig(x):
    e = jnp.exp(-jnp.abs(x))
    p = 1.0 / (1.0 + e)
    return jnp.where(x >= 0.0, p, 1.0 - p)


def _b16(x):
    return x.astype(jnp.bfloat16).astype(F32)


def _pre_body(xgsum_ref, cnt_ref, ap_ref, bp_ref, tp1_ref, tp2_ref,
              hbv_ref, hbu_ref, wp_ref, pb_ref, e1w_ref, e1b_ref,
              h0t_ref, h0b_ref, hid_ref):
    DEF = lax.Precision.DEFAULT
    xg1 = xgsum_ref[0] / cnt_ref[0]
    xg2 = xgsum_ref[1] / cnt_ref[1]
    nf1 = jnp.concatenate([xg1, ap_ref[...], bp_ref[...], tp1_ref[...]], axis=1)
    nf2 = jnp.concatenate([xg2, ap_ref[...], bp_ref[...], tp2_ref[...]], axis=1)
    h0t_ref[...] = jnp.maximum(
        jnp.dot(nf1, wp_ref[...], preferred_element_type=F32, precision=DEF)
        + pb_ref[...], 0.0)
    h0b_ref[...] = jnp.maximum(
        jnp.dot(nf2, wp_ref[...], preferred_element_type=F32, precision=DEF)
        + pb_ref[...], 0.0)
    hid_ref[0:B, :] = jnp.maximum(hbv_ref[...] * e1w_ref[...] + e1b_ref[...], 0.0)
    hid_ref[B:2 * B, :] = jnp.maximum(hbu_ref[...] * e1w_ref[...] + e1b_ref[...], 0.0)


_mpnn_pre = pl.pallas_call(
    _pre_body,
    out_shape=[jax.ShapeDtypeStruct((B, D), F32),
               jax.ShapeDtypeStruct((B, D), F32),
               jax.ShapeDtypeStruct((2 * B, 32), F32)],
)


def _theta_body(hid_ref, w_ref, b_ref, th_ref):
    th_ref[...] = (jnp.dot(hid_ref[...], w_ref[...], preferred_element_type=F32,
                           precision=lax.Precision.DEFAULT)
                   + b_ref[...]).astype(jnp.bfloat16)


TN = 1024
_theta = pl.pallas_call(
    _theta_body,
    grid=(D * D // TN,),
    in_specs=[pl.BlockSpec((2 * B, 32), lambda j: (0, 0)),
              pl.BlockSpec((32, TN), lambda j: (0, j)),
              pl.BlockSpec((1, TN), lambda j: (0, j))],
    out_specs=pl.BlockSpec((2 * B, TN), lambda j: (0, j)),
    out_shape=jax.ShapeDtypeStruct((2 * B, D * D), jnp.bfloat16),
)

PB = 8


def _pairmv_body(thv_ref, thu_ref, h0t_ref, h0b_ref, p1_ref, p2_ref, p3_ref):
    HI = lax.Precision.HIGHEST
    for p in range(PB):
        tv = thv_ref[p].astype(F32)
        tu = thu_ref[p].astype(F32)
        xt = _b16(h0t_ref[p:p + 1, :])
        xb = _b16(h0b_ref[p:p + 1, :])
        p1_ref[p:p + 1, :] = jnp.dot(xt, tv, preferred_element_type=F32, precision=HI)
        p2_ref[p:p + 1, :] = jnp.dot(xb, tv, preferred_element_type=F32, precision=HI)
        p3_ref[p:p + 1, :] = jnp.dot(xb, tu, preferred_element_type=F32, precision=HI)


_pairmv = pl.pallas_call(
    _pairmv_body,
    grid=(B // PB,),
    in_specs=[pl.BlockSpec((PB, D, D), lambda b: (b, 0, 0)),
              pl.BlockSpec((PB, D, D), lambda b: (b + B // PB, 0, 0)),
              pl.BlockSpec((PB, D), lambda b: (b, 0)),
              pl.BlockSpec((PB, D), lambda b: (b, 0))],
    out_specs=[pl.BlockSpec((PB, D), lambda b: (b, 0)),
               pl.BlockSpec((PB, D), lambda b: (b, 0)),
               pl.BlockSpec((PB, D), lambda b: (b, 0))],
    out_shape=[jax.ShapeDtypeStruct((B, D), F32),
               jax.ShapeDtypeStruct((B, D), F32),
               jax.ShapeDtypeStruct((B, D), F32)],
)


def _final_body(h0t_ref, h0b_ref, p1_ref, p2_ref, p3_ref, tx_ref,
                rw_ref, cb_ref, wi_ref, bi_ref, wh_ref, bh_ref,
                m1w_ref, m1b_ref, m2w_ref, m2b_ref, m3w_ref, m3b_ref,
                out_ref):
    DEF = lax.Precision.DEFAULT
    agg_t = p1_ref[...] + p2_ref[...]
    agg_b = p1_ref[...] + p3_ref[...]

    def gru(h0, agg):
        m = jnp.maximum(
            jnp.dot(h0, rw_ref[...], preferred_element_type=F32, precision=DEF)
            + agg + cb_ref[...], 0.0)
        gi = lax.dot_general(m, wi_ref[...], (((1,), (1,)), ((), ())),
                             preferred_element_type=F32, precision=DEF) + bi_ref[...]
        gh = lax.dot_general(h0, wh_ref[...], (((1,), (1,)), ((), ())),
                             preferred_element_type=F32, precision=DEF) + bh_ref[...]
        r = _ssig(gi[:, :D] + gh[:, :D])
        z = _ssig(gi[:, D:2 * D] + gh[:, D:2 * D])
        n = _stanh(gi[:, 2 * D:] + r * gh[:, 2 * D:])
        return (1.0 - z) * n + z * h0

    o_t = gru(h0t_ref[...], agg_t)
    o_b = gru(h0b_ref[...], agg_b)
    t_norm = (tx_ref[...] + 273.15 - (-60.0 + 273.15)) / ((289.3 + 273.15) - (-60.0 + 273.15))
    xcat = jnp.concatenate([o_t, o_b, t_norm], axis=1)
    o1 = jnp.maximum(
        jnp.dot(xcat, m1w_ref[...], preferred_element_type=F32, precision=DEF)
        + m1b_ref[...], 0.0)
    o2 = jnp.maximum(
        jnp.dot(o1, m2w_ref[...], preferred_element_type=F32, precision=DEF)
        + m2b_ref[...], 0.0)
    out_ref[...] = jnp.dot(o2, m3w_ref[...], preferred_element_type=F32,
                           precision=DEF) + m3b_ref[...]


_final = pl.pallas_call(
    _final_body,
    out_shape=jax.ShapeDtypeStruct((B, 1), F32),
)



def kernel(solvent_x, solvent_edge_index, solvent_batch, solvent_y, solvent_ap,
           solvent_bp, solvent_topopsa, solvent_inter_hb, solute_x,
           solute_edge_index, solute_batch, solute_topopsa, solute_inter_hb,
           T_x, W1, b1, W2, b2, proj_W, proj_b, en1_W, en1_b, en2_W, en2_b,
           root_W, conv_b, gru_Wi, gru_bi, gru_Wh, gru_bh, mlp1_W, mlp1_b,
           mlp2_W, mlp2_b, mlp3_W, mlp3_b):
    npad_e = EPAD - E

    def prep(ei, g):
        src = jnp.concatenate([ei[0] + g * ACC, jnp.full((npad_e,), g * ACC, I32)])
        dst = jnp.concatenate([ei[1], jnp.full((npad_e,), N, I32)])
        return src.reshape(NT, NCH, CH), dst.reshape(NT, NCH, CH)

    s0, d0 = prep(solvent_edge_index, 0)
    s1, d1 = prep(solute_edge_index, 1)
    src_i = jnp.stack([s0, s1])
    dst_i = jnp.stack([d0, d1])

    def prepb(bat):
        return jnp.concatenate(
            [bat, jnp.full((NT * BCH * CH - N,), B, I32)]).reshape(NT, BCH, CH)

    bat_i = jnp.stack([prepb(solvent_batch), prepb(solute_batch)])

    deg, cnt = _deg_counts(dst_i, bat_i)
    cnt = cnt.reshape(NC, SEGP)
    dinv = lax.rsqrt(deg + 1.0).reshape(NC, ACC, 1)
    x_all = jnp.stack([jnp.pad(solvent_x, ((0, ACC - N), (0, 0))),
                       jnp.pad(solute_x, ((0, ACC - N), (0, 0)))])
    y1 = _y_kernel(x_all, W1, dinv)
    acc1 = _edge_scatter(y1.reshape(NC * ACC, D), src_i, dst_i)
    y2 = _layer2(acc1, y1, dinv, b1.reshape(1, D), W2)
    acc2 = _edge_scatter(y2.reshape(NC * ACC, D), src_i, dst_i)

    def prepbr(bat):
        return jnp.concatenate([bat, jnp.full((ACC - N,), B, I32)])

    bat_r = jnp.stack([prepbr(solvent_batch),
                       prepbr(solute_batch)]).reshape(NC * RT, 1, CH)
    xgsum = _segsum(acc2, y2, dinv, b2.reshape(1, D), bat_r)

    cnt2 = jnp.maximum(cnt[:, :B], 1.0).reshape(NC, B, 1)
    h0t, h0b, hid = _mpnn_pre(
        xgsum, cnt2,
        solvent_ap.reshape(B, 1), solvent_bp.reshape(B, 1),
        solvent_topopsa.reshape(B, 1), solute_topopsa.reshape(B, 1),
        solvent_inter_hb.reshape(B, 1), solute_inter_hb.reshape(B, 1),
        proj_W, proj_b.reshape(1, D), en1_W, en1_b.reshape(1, 32))
    theta = _theta(hid, en2_W, en2_b.reshape(1, D * D))
    p1, p2, p3 = _pairmv(theta.reshape(2 * B, D, D), theta.reshape(2 * B, D, D),
                         h0t, h0b)
    out = _final(
        h0t, h0b, p1, p2, p3, T_x.reshape(B, 1),
        root_W, conv_b.reshape(1, D),
        gru_Wi, gru_bi.reshape(1, 3 * D), gru_Wh, gru_bh.reshape(1, 3 * D),
        mlp1_W, mlp1_b.reshape(1, 2 * D),
        mlp2_W, mlp2_b.reshape(1, D), mlp3_W, mlp3_b.reshape(1, 1))
    return out

# --- scband reference (transcript-rebuilt; emitter-appended) ---
"""Pipeline reference for scband-solv-gnncat-36189394437141 (READ-ONLY COPY).

The authoritative reference and input builder live on the scoring server;
editing this copy changes nothing except your own understanding.
"""

import jax, jax.numpy as jnp
import numpy as np

N_NODES = 10000
N_EDGES = 320000
D_IN = 128
HID = 128
B = 512
INT_KEYS = ('solvent_edge_index', 'solute_edge_index', 'solvent_batch', 'solute_batch')


def gcn_conv(x, edge_index, W, b):
    N = x.shape[0]
    sl = jnp.arange(N, dtype=edge_index.dtype)
    src = jnp.concatenate([edge_index[0], sl])
    dst = jnp.concatenate([edge_index[1], sl])
    deg = jnp.zeros((N,), x.dtype).at[dst].add(1.0)
    dinv = jax.lax.rsqrt(deg)
    norm = dinv[src] * dinv[dst]
    xw = x @ W
    out = jnp.zeros((N, W.shape[1]), x.dtype).at[dst].add(norm[:, None] * xw[src])
    return out + b


def seg_mean(x, seg, nseg):
    s = jnp.zeros((nseg, x.shape[1]), x.dtype).at[seg].add(x)
    c = jnp.zeros((nseg,), x.dtype).at[seg].add(1.0)
    return s / jnp.maximum(c, 1.0)[:, None]


def mpnn(node_feat, edge_index, edge_attr, F):
    h0 = jax.nn.relu(node_feat @ F['proj_W'] + F['proj_b'])
    d = F['proj_W'].shape[1]
    theta = jax.nn.relu(edge_attr @ F['en1_W'] + F['en1_b']) @ F['en2_W'] + F['en2_b']
    theta = theta.reshape(-1, d, d)
    src, dst = edge_index[0], edge_index[1]
    msg = jnp.einsum('ei,eio->eo', h0[src], theta)
    agg = jnp.zeros_like(h0).at[dst].add(msg)
    m = jax.nn.relu(h0 @ F['root_W'] + agg + F['conv_b'])
    gi = m @ F['gru_Wi'].T + F['gru_bi']
    gh = h0 @ F['gru_Wh'].T + F['gru_bh']
    r = jax.nn.sigmoid(gi[:, :d] + gh[:, :d])
    z = jax.nn.sigmoid(gi[:, d:2 * d] + gh[:, d:2 * d])
    n = jnp.tanh(gi[:, 2 * d:] + r * gh[:, 2 * d:])
    return (1.0 - z) * n + z * h0


def forward(F, I):
    bsz = F['solvent_y'].shape[0]
    x1 = jax.nn.relu(gcn_conv(F['solvent_x'], I['solvent_edge_index'], F['W1'], F['b1']))
    x1 = jax.nn.relu(gcn_conv(x1, I['solvent_edge_index'], F['W2'], F['b2']))
    x2 = jax.nn.relu(gcn_conv(F['solute_x'], I['solute_edge_index'], F['W1'], F['b1']))
    x2 = jax.nn.relu(gcn_conv(x2, I['solute_edge_index'], F['W2'], F['b2']))
    xg1 = seg_mean(x1, I['solvent_batch'], bsz)
    xg2 = seg_mean(x2, I['solute_batch'], bsz)
    ap = F['solvent_ap'][:, None]
    bp = F['solvent_bp'][:, None]
    u1 = jnp.concatenate([ap, bp, F['solvent_topopsa'][:, None]], axis=1)
    u2 = jnp.concatenate([ap, bp, F['solute_topopsa'][:, None]], axis=1)
    node_feat = jnp.concatenate([jnp.concatenate([xg1, u1], axis=1), jnp.concatenate([xg2, u2], axis=1)], axis=0)
    edge_feat = jnp.concatenate([jnp.tile(F['solvent_inter_hb'], 2), F['solvent_inter_hb'], F['solute_inter_hb']])[:, None]
    src = np.arange(bsz)
    dst = np.arange(bsz, 2 * bsz)
    self_c = np.arange(2 * bsz)
    one_way = np.concatenate([src, dst, self_c])
    other_way = np.concatenate([dst, src, self_c])
    sys_ei = jnp.asarray(np.stack([one_way, other_way]), dtype=jnp.int32)
    xg = mpnn(node_feat, sys_ei, edge_feat, F)
    xg = jnp.concatenate([xg[:bsz], xg[bsz:]], axis=1)
    T = F['T_x'][:, None] + 273.15
    T_min = -60.0 + 273.15
    T_max = 289.3 + 273.15
    T_norm = (T - T_min) / (T_max - T_min)
    xg = jnp.concatenate([xg, T_norm], axis=1)
    out = jax.nn.relu(xg @ F['mlp1_W'] + F['mlp1_b'])
    out = jax.nn.relu(out @ F['mlp2_W'] + F['mlp2_b'])
    out = out @ F['mlp3_W'] + F['mlp3_b']
    return out


def setup_inputs(seed: int = 0):
    key = jax.random.key(seed)
    ks = [jax.random.fold_in(key, i) for i in range(32)]

    def nrm(k, shape, s):
        return jax.random.normal(k, shape, jnp.float32) * s

    d = {}
    d['solvent_x'] = jax.random.normal(ks[0], (N_NODES, D_IN), jnp.float32)
    d['solvent_edge_index'] = jax.random.randint(ks[1], (2, N_EDGES), 0, N_NODES, jnp.int32)
    d['solvent_batch'] = jnp.sort(jax.random.randint(ks[2], (N_NODES,), 0, B, jnp.int32))
    d['solvent_y'] = jax.random.normal(ks[3], (B,), jnp.float32)
    d['solvent_ap'] = jax.random.uniform(ks[4], (B,), jnp.float32)
    d['solvent_bp'] = jax.random.uniform(ks[5], (B,), jnp.float32)
    d['solvent_topopsa'] = jax.random.uniform(ks[6], (B,), jnp.float32)
    d['solvent_inter_hb'] = jax.random.uniform(ks[7], (B,), jnp.float32)
    d['solute_x'] = jax.random.normal(ks[8], (N_NODES, D_IN), jnp.float32)
    d['solute_edge_index'] = jax.random.randint(ks[9], (2, N_EDGES), 0, N_NODES, jnp.int32)
    d['solute_batch'] = jnp.sort(jax.random.randint(ks[10], (N_NODES,), 0, B, jnp.int32))
    d['solute_topopsa'] = jax.random.uniform(ks[11], (B,), jnp.float32)
    d['solute_inter_hb'] = jax.random.uniform(ks[12], (B,), jnp.float32)
    d['T_x'] = jax.random.uniform(ks[13], (B,), jnp.float32) * 100.0
    d['W1'] = nrm(ks[14], (D_IN, HID), 0.09)
    d['b1'] = jnp.zeros((HID,), jnp.float32)
    d['W2'] = nrm(ks[15], (HID, HID), 0.09)
    d['b2'] = jnp.zeros((HID,), jnp.float32)
    d['proj_W'] = nrm(ks[16], (HID + 3, HID), 0.09)
    d['proj_b'] = jnp.zeros((HID,), jnp.float32)
    d['en1_W'] = nrm(ks[17], (1, 32), 0.5)
    d['en1_b'] = jnp.zeros((32,), jnp.float32)
    d['en2_W'] = nrm(ks[18], (32, HID * HID), 0.02)
    d['en2_b'] = jnp.zeros((HID * HID,), jnp.float32)
    d['root_W'] = nrm(ks[19], (HID, HID), 0.09)
    d['conv_b'] = jnp.zeros((HID,), jnp.float32)
    d['gru_Wi'] = nrm(ks[20], (3 * HID, HID), 0.09)
    d['gru_bi'] = jnp.zeros((3 * HID,), jnp.float32)
    d['gru_Wh'] = nrm(ks[21], (3 * HID, HID), 0.09)
    d['gru_bh'] = jnp.zeros((3 * HID,), jnp.float32)
    d['mlp1_W'] = nrm(ks[22], (2 * HID + 1, 2 * HID), 0.06)
    d['mlp1_b'] = jnp.zeros((2 * HID,), jnp.float32)
    d['mlp2_W'] = nrm(ks[23], (2 * HID, HID), 0.06)
    d['mlp2_b'] = jnp.zeros((HID,), jnp.float32)
    d['mlp3_W'] = nrm(ks[24], (HID, 1), 0.09)
    d['mlp3_b'] = jnp.zeros((1,), jnp.float32)
    return d


def reference(solvent_x, solvent_edge_index, solvent_batch, solvent_y, solvent_ap,
              solvent_bp, solvent_topopsa, solvent_inter_hb, solute_x,
              solute_edge_index, solute_batch, solute_topopsa, solute_inter_hb,
              T_x, W1, b1, W2, b2, proj_W, proj_b, en1_W, en1_b, en2_W, en2_b,
              root_W, conv_b, gru_Wi, gru_bi, gru_Wh, gru_bh, mlp1_W, mlp1_b,
              mlp2_W, mlp2_b, mlp3_W, mlp3_b):
    inputs = dict(locals())
    ints = {k: inputs[k] for k in INT_KEYS}
    floats = {k: v for k, v in inputs.items() if k not in INT_KEYS}
    return forward(floats, ints)

if __name__ == "__main__":
    import jax
    _d = setup_inputs()
    print(jax.jit(kernel)(*tuple(_d.values())))

</pallas_src>

<mosaic_0001>
#map = affine_map<(d0, d1) -> (0, 0, 0, 0)>
#map1 = affine_map<(d0, d1) -> (0)>
module attributes {stable_mosaic.version = 14 : i64} {
  func.func @_deg_counts(%arg0: i32, %arg1: i32, %arg2: memref<2x16x160x128xi32, #tpu.memory_space<hbm>>, %arg3: memref<2x16x5x128xi32, #tpu.memory_space<hbm>>, %arg4: memref<20480xf32, #tpu.memory_space<hbm>>, %arg5: memref<1056xf32, #tpu.memory_space<hbm>>, %arg6: memref<160x128xi32, #tpu.memory_space<vmem>>, %arg7: memref<5x128xi32, #tpu.memory_space<vmem>>, %arg8: memref<128xf32, #tpu.memory_space<vmem>>, %arg9: memref<640xf32, #tpu.memory_space<vmem>>, %arg10: memref<10240xf32, #tpu.memory_space<vmem_shared>>, %arg11: memref<528xf32, #tpu.memory_space<vmem_shared>>) attributes {dimension_semantics = [#tpu.dimension_semantics<core_parallel>, #tpu.dimension_semantics<subcore_parallel>], iteration_bounds = array<i64: 2, 16>, scalar_prefetch = 0 : i64, scratch_operands = 6 : i64, tpu.core_type = #tpu.core_type<sc_vector_subcore>, window_params = [{transform_indices = #map}, {transform_indices = #map}, {transform_indices = #map1}, {transform_indices = #map1}]} {
    "tpu.region"() ({
      %run_scoped3A = tpu.sem_alloc : memref<!tpu.dma_semaphore, #tpu.memory_space<semaphore_mem>>
      %dma_start3A = arith.constant 0 : i32
      %dma_start3A_312 = arith.constant 0 : i32
      %dma_start3A_313 = tpu.memref_slice %arg2[%arg0, %arg1, %dma_start3A, %dma_start3A_312] : memref<2x16x160x128xi32, #tpu.memory_space<hbm>> -> memref<1x1x160x128xi32, #tpu.memory_space<hbm>>
      %dma_start3A_314 = tpu.memref_squeeze %dma_start3A_313 : memref<1x1x160x128xi32, #tpu.memory_space<hbm>> -> memref<160x128xi32, #tpu.memory_space<hbm>>
      %dma_start3A_315 = arith.constant 0 : i32
      %dma_start3A_316 = arith.constant 0 : i32
      %dma_start3A_317 = tpu.memref_slice %arg2[%arg0, %arg1, %dma_start3A_315, %dma_start3A_316] : memref<2x16x160x128xi32, #tpu.memory_space<hbm>> -> memref<1x1x160x128xi32, #tpu.memory_space<hbm>>
      %dma_start3A_318 = tpu.memref_squeeze %dma_start3A_317 : memref<1x1x160x128xi32, #tpu.memory_space<hbm>> -> memref<160x128xi32, #tpu.memory_space<hbm>>
      tpu.enqueue_dma source(%dma_start3A_318 : memref<160x128xi32, #tpu.memory_space<hbm>>) target(%arg6 : memref<160x128xi32, #tpu.memory_space<vmem>>) target_semaphore(%run_scoped3A : memref<!tpu.dma_semaphore, #tpu.memory_space<semaphore_mem>>)
      %dma_wait3A = arith.constant 0 : i32
      %dma_wait3A_319 = arith.constant 0 : i32
      %dma_wait3A_320 = tpu.memref_slice %arg2[%arg0, %arg1, %dma_wait3A, %dma_wait3A_319] : memref<2x16x160x128xi32, #tpu.memory_space<hbm>> -> memref<1x1x160x128xi32, #tpu.memory_space<hbm>>
      %dma_wait3A_321 = tpu.memref_squeeze %dma_wait3A_320 : memref<1x1x160x128xi32, #tpu.memory_space<hbm>> -> memref<160x128xi32, #tpu.memory_space<hbm>>
      %dma_wait3A_322 = arith.constant 0 : i32
      %dma_wait3A_323 = arith.constant 0 : i32
      %dma_wait3A_324 = tpu.memref_slice %arg2[%arg0, %arg1, %dma_wait3A_322, %dma_wait3A_323] : memref<2x16x160x128xi32, #tpu.memory_space<hbm>> -> memref<1x1x160x128xi32, #tpu.memory_space<hbm>>
      %dma_wait3A_325 = tpu.memref_squeeze %dma_wait3A_324 : memref<1x1x160x128xi32, #tpu.memory_space<hbm>> -> memref<160x128xi32, #tpu.memory_space<hbm>>
      tpu.wait_dma2 semaphore(%run_scoped3A : memref<!tpu.dma_semaphore, #tpu.memory_space<semaphore_mem>>) src(%dma_wait3A_325 : memref<160x128xi32, #tpu.memory_space<hbm>>) dst(%arg6 : memref<160x128xi32, #tpu.memory_space<vmem>>)
      tpu.yield
    }) : () -> ()
    "tpu.region"() ({
      %run_scoped3A = tpu.sem_alloc : memref<!tpu.dma_semaphore, #tpu.memory_space<semaphore_mem>>
      %dma_start3A = arith.constant 0 : i32
      %dma_start3A_312 = arith.constant 0 : i32
      %dma_start3A_313 = tpu.memref_slice %arg3[%arg0, %arg1, %dma_start3A, %dma_start3A_312] : memref<2x16x5x128xi32, #tpu.memory_space<hbm>> -> memref<1x1x5x128xi32, #tpu.memory_space<hbm>>
      %dma_start3A_314 = tpu.memref_squeeze %dma_start3A_313 : memref<1x1x5x128xi32, #tpu.memory_space<hbm>> -> memref<5x128xi32, #tpu.memory_space<hbm>>
      %dma_start3A_315 = arith.constant 0 : i32
      %dma_start3A_316 = arith.constant 0 : i32
      %dma_start3A_317 = tpu.memref_slice %arg3[%arg0, %arg1, %dma_start3A_315, %dma_start3A_316] : memref<2x16x5x128xi32, #tpu.memory_space<hbm>> -> memref<1x1x5x128xi32, #tpu.memory_space<hbm>>
      %dma_start3A_318 = tpu.memref_squeeze %dma_start3A_317 : memref<1x1x5x128xi32, #tpu.memory_space<hbm>> -> memref<5x128xi32, #tpu.memory_space<hbm>>
      tpu.enqueue_dma source(%dma_start3A_318 : memref<5x128xi32, #tpu.memory_space<hbm>>) target(%arg7 : memref<5x128xi32, #tpu.memory_space<vmem>>) target_semaphore(%run_scoped3A : memref<!tpu.dma_semaphore, #tpu.memory_space<semaphore_mem>>)
      %dma_wait3A = arith.constant 0 : i32
      %dma_wait3A_319 = arith.constant 0 : i32
      %dma_wait3A_320 = tpu.memref_slice %arg3[%arg0, %arg1, %dma_wait3A, %dma_wait3A_319] : memref<2x16x5x128xi32, #tpu.memory_space<hbm>> -> memref<1x1x5x128xi32, #tpu.memory_space<hbm>>
      %dma_wait3A_321 = tpu.memref_squeeze %dma_wait3A_320 : memref<1x1x5x128xi32, #tpu.memory_space<hbm>> -> memref<5x128xi32, #tpu.memory_space<hbm>>
      %dma_wait3A_322 = arith.constant 0 : i32
      %dma_wait3A_323 = arith.constant 0 : i32
      %dma_wait3A_324 = tpu.memref_slice %arg3[%arg0, %arg1, %dma_wait3A_322, %dma_wait3A_323] : memref<2x16x5x128xi32, #tpu.memory_space<hbm>> -> memref<1x1x5x128xi32, #tpu.memory_space<hbm>>
      %dma_wait3A_325 = tpu.memref_squeeze %dma_wait3A_324 : memref<1x1x5x128xi32, #tpu.memory_space<hbm>> -> memref<5x128xi32, #tpu.memory_space<hbm>>
      tpu.wait_dma2 semaphore(%run_scoped3A : memref<!tpu.dma_semaphore, #tpu.memory_space<semaphore_mem>>) src(%dma_wait3A_325 : memref<5x128xi32, #tpu.memory_space<hbm>>) dst(%arg7 : memref<5x128xi32, #tpu.memory_space<vmem>>)
      tpu.yield
    }) : () -> ()
    %broadcast_in_dim3A = arith.constant 1.000000e+00 : f32
    %broadcast_in_dim3A_0 = vector.broadcast %broadcast_in_dim3A : f32 to vector<16xf32>
    %swap3A = arith.constant 0 : index
    %swap3A_1 = tpu.vector_load %arg8[%swap3A] {strides = array<i32>} : memref<128xf32, #tpu.memory_space<vmem>>, vector<16xf32>,
    %swap3A_2 = vector.shape_cast %swap3A_1 : vector<16xf32> to vector<16xf32>
    %swap3A_3 = vector.shape_cast %broadcast_in_dim3A_0 : vector<16xf32> to vector<16xf32>
    tpu.vector_store %arg8[%swap3A], %swap3A_3 {strides = array<i32>} : memref<128xf32, #tpu.memory_space<vmem>>, vector<16xf32>,
    %broadcast_in_dim3A_4 = arith.constant 1.000000e+00 : f32
    %broadcast_in_dim3A_5 = vector.broadcast %broadcast_in_dim3A_4 : f32 to vector<16xf32>
    %swap3A_6 = arith.constant 16 : index
    %swap3A_7 = tpu.vector_load %arg8[%swap3A_6] {strides = array<i32>} : memref<128xf32, #tpu.memory_space<vmem>>, vector<16xf32>,
    %swap3A_8 = vector.shape_cast %swap3A_7 : vector<16xf32> to vector<16xf32>
    %swap3A_9 = vector.shape_cast %broadcast_in_dim3A_5 : vector<16xf32> to vector<16xf32>
    tpu.vector_store %arg8[%swap3A_6], %swap3A_9 {strides = array<i32>} : memref<128xf32, #tpu.memory_space<vmem>>, vector<16xf32>,
    %broadcast_in_dim3A_10 = arith.constant 1.000000e+00 : f32
    %broadcast_in_dim3A_11 = vector.broadcast %broadcast_in_dim3A_10 : f32 to vector<16xf32>
    %swap3A_12 = arith.constant 32 : index
    %swap3A_13 = tpu.vector_load %arg8[%swap3A_12] {strides = array<i32>} : memref<128xf32, #tpu.memory_space<vmem>>, vector<16xf32>,
    %swap3A_14 = vector.shape_cast %swap3A_13 : vector<16xf32> to vector<16xf32>
    %swap3A_15 = vector.shape_cast %broadcast_in_dim3A_11 : vector<16xf32> to vector<16xf32>
    tpu.vector_store %arg8[%swap3A_12], %swap3A_15 {strides = array<i32>} : memref<128xf32, #tpu.memory_space<vmem>>, vector<16xf32>,
    %broadcast_in_dim3A_16 = arith.constant 1.000000e+00 : f32
    %broadcast_in_dim3A_17 = vector.broadcast %broadcast_in_dim3A_16 : f32 to vector<16xf32>
    %swap3A_18 = arith.constant 48 : index
    %swap3A_19 = tpu.vector_load %arg8[%swap3A_18] {strides = array<i32>} : memref<128xf32, #tpu.memory_space<vmem>>, vector<16xf32>,
    %swap3A_20 = vector.shape_cast %swap3A_19 : vector<16xf32> to vector<16xf32>
    %swap3A_21 = vector.shape_cast %broadcast_in_dim3A_17 : vector<16xf32> to vector<16xf32>
    tpu.vector_store %arg8[%swap3A_18], %swap3A_21 {strides = array<i32>} : memref<128xf32, #tpu.memory_space<vmem>>, vector<16xf32>,
    %broadcast_in_dim3A_22 = arith.constant 1.000000e+00 : f32
    %broadcast_in_dim3A_23 = vector.broadcast %broadcast_in_dim3A_22 : f32 to vector<16xf32>
    %swap3A_24 = arith.constant 64 : index
    %swap3A_25 = tpu.vector_load %arg8[%swap3A_24] {strides = array<i32>} : memref<128xf32, #tpu.memory_space<vmem>>, vector<16xf32>,
    %swap3A_26 = vector.shape_cast %swap3A_25 : vector<16xf32> to vector<16xf32>
    %swap3A_27 = vector.shape_cast %broadcast_in_dim3A_23 : vector<16xf32> to vector<16xf32>
    tpu.vector_store %arg8[%swap3A_24], %swap3A_27 {strides = array<i32>} : memref<128xf32, #tpu.memory_space<vmem>>, vector<16xf32>,
    %broadcast_in_dim3A_28 = arith.constant 1.000000e+00 : f32
    %broadcast_in_dim3A_29 = vector.broadcast %broadcast_in_dim3A_28 : f32 to vector<16xf32>
    %swap3A_30 = arith.constant 80 : index
    %swap3A_31 = tpu.vector_load %arg8[%swap3A_30] {strides = array<i32>} : memref<128xf32, #tpu.memory_space<vmem>>, vector<16xf32>,
    %swap3A_32 = vector.shape_cast %swap3A_31 : vector<16xf32> to vector<16xf32>
    %swap3A_33 = vector.shape_cast %broadcast_in_dim3A_29 : vector<16xf32> to vector<16xf32>
    tpu.vector_store %arg8[%swap3A_30], %swap3A_33 {strides = array<i32>} : memref<128xf32, #tpu.memory_space<vmem>>, vector<16xf32>,
    %broadcast_in_dim3A_34 = arith.constant 1.000000e+00 : f32
    %broadcast_in_dim3A_35 = vector.broadcast %broadcast_in_dim3A_34 : f32 to vector<16xf32>
    %swap3A_36 = arith.constant 96 : index
    %swap3A_37 = tpu.vector_load %arg8[%swap3A_36] {strides = array<i32>} : memref<128xf32, #tpu.memory_space<vmem>>, vector<16xf32>,
    %swap3A_38 = vector.shape_cast %swap3A_37 : vector<16xf32> to vector<16xf32>
    %swap3A_39 = vector.shape_cast %broadcast_in_dim3A_35 : vector<16xf32> to vector<16xf32>
    tpu.vector_store %arg8[%swap3A_36], %swap3A_39 {strides = array<i32>} : memref<128xf32, #tpu.memory_space<vmem>>, vector<16xf32>,
    %broadcast_in_dim3A_40 = arith.constant 1.000000e+00 : f32
    %broadcast_in_dim3A_41 = vector.broadcast %broadcast_in_dim3A_40 : f32 to vector<16xf32>
    %swap3A_42 = arith.constant 112 : index
    %swap3A_43 = tpu.vector_load %arg8[%swap3A_42] {strides = array<i32>} : memref<128xf32, #tpu.memory_space<vmem>>, vector<16xf32>,
    %swap3A_44 = vector.shape_cast %swap3A_43 : vector<16xf32> to vector<16xf32>
    %swap3A_45 = vector.shape_cast %broadcast_in_dim3A_41 : vector<16xf32> to vector<16xf32>
    tpu.vector_store %arg8[%swap3A_42], %swap3A_45 {strides = array<i32>} : memref<128xf32, #tpu.memory_space<vmem>>, vector<16xf32>,
    %broadcast_in_dim3A_46 = arith.constant 0.000000e+00 : f32
    %broadcast_in_dim3A_47 = vector.broadcast %broadcast_in_dim3A_46 : f32 to vector<16xf32>
    %swap3A_48 = arith.constant 0 : index
    %swap3A_49 = tpu.vector_load %arg9[%swap3A_48] {strides = array<i32>} : memref<640xf32, #tpu.memory_space<vmem>>, vector<16xf32>,
    %swap3A_50 = vector.shape_cast %swap3A_49 : vector<16xf32> to vector<16xf32>
    %swap3A_51 = vector.shape_cast %broadcast_in_dim3A_47 : vector<16xf32> to vector<16xf32>
    tpu.vector_store %arg9[%swap3A_48], %swap3A_51 {strides = array<i32>} : memref<640xf32, #tpu.memory_space<vmem>>, vector<16xf32>,
    %broadcast_in_dim3A_52 = arith.constant 0.000000e+00 : f32
    %broadcast_in_dim3A_53 = vector.broadcast %broadcast_in_dim3A_52 : f32 to vector<16xf32>
    %swap3A_54 = arith.constant 16 : index
    %swap3A_55 = tpu.vector_load %arg9[%swap3A_54] {strides = array<i32>} : memref<640xf32, #tpu.memory_space<vmem>>, vector<16xf32>,
    %swap3A_56 = vector.shape_cast %swap3A_55 : vector<16xf32> to vector<16xf32>
    %swap3A_57 = vector.shape_cast %broadcast_in_dim3A_53 : vector<16xf32> to vector<16xf32>
    tpu.vector_store %arg9[%swap3A_54], %swap3A_57 {strides = array<i32>} : memref<640xf32, #tpu.memory_space<vmem>>, vector<16xf32>,
    %broadcast_in_dim3A_58 = arith.constant 0.000000e+00 : f32
    %broadcast_in_dim3A_59 = vector.broadcast %broadcast_in_dim3A_58 : f32 to vector<16xf32>
    %swap3A_60 = arith.constant 32 : index
    %swap3A_61 = tpu.vector_load %arg9[%swap3A_60] {strides = array<i32>} : memref<640xf32, #tpu.memory_space<vmem>>, vector<16xf32>,
    %swap3A_62 = vector.shape_cast %swap3A_61 : vector<16xf32> to vector<16xf32>
    %swap3A_63 = vector.shape_cast %broadcast_in_dim3A_59 : vector<16xf32> to vector<16xf32>
    tpu.vector_store %arg9[%swap3A_60], %swap3A_63 {strides = array<i32>} : memref<640xf32, #tpu.memory_space<vmem>>, vector<16xf32>,
    %broadcast_in_dim3A_64 = arith.constant 0.000000e+00 : f32
    %broadcast_in_dim3A_65 = vector.broadcast %broadcast_in_dim3A_64 : f32 to vector<16xf32>
    %swap3A_66 = arith.constant 48 : index
    %swap3A_67 = tpu.vector_load %arg9[%swap3A_66] {strides = array<i32>} : memref<640xf32, #tpu.memory_space<vmem>>, vector<16xf32>,
    %swap3A_68 = vector.shape_cast %swap3A_67 : vector<16xf32> to vector<16xf32>
    %swap3A_69 = vector.shape_cast %broadcast_in_dim3A_65 : vector<16xf32> to vector<16xf32>
    tpu.vector_store %arg9[%swap3A_66], %swap3A_69 {strides = array<i32>} : memref<640xf32, #tpu.memory_space<vmem>>, vector<16xf32>,
    %broadcast_in_dim3A_70 = arith.constant 0.000000e+00 : f32
    %broadcast_in_dim3A_71 = vector.broadcast %broadcast_in_dim3A_70 : f32 to vector<16xf32>
    %swap3A_72 = arith.constant 64 : index
    %swap3A_73 = tpu.vector_load %arg9[%swap3A_72] {strides = array<i32>} : memref<640xf32, #tpu.memory_space<vmem>>, vector<16xf32>,
    %swap3A_74 = vector.shape_cast %swap3A_73 : vector<16xf32> to vector<16xf32>
    %swap3A_75 = vector.shape_cast %broadcast_in_dim3A_71 : vector<16xf32> to vector<16xf32>
    tpu.vector_store %arg9[%swap3A_72], %swap3A_75 {strides = array<i32>} : memref<640xf32, #tpu.memory_space<vmem>>, vector<16xf32>,
    %broadcast_in_dim3A_76 = arith.constant 0.000000e+00 : f32
    %broadcast_in_dim3A_77 = vector.broadcast %broadcast_in_dim3A_76 : f32 to vector<16xf32>
    %swap3A_78 = arith.constant 80 : index
    %swap3A_79 = tpu.vector_load %arg9[%swap3A_78] {strides = array<i32>} : memref<640xf32, #tpu.memory_space<vmem>>, vector<16xf32>,
    %swap3A_80 = vector.shape_cast %swap3A_79 : vector<16xf32> to vector<16xf32>
    %swap3A_81 = vector.shape_cast %broadcast_in_dim3A_77 : vector<16xf32> to vector<16xf32>
    tpu.vector_store %arg9[%swap3A_78], %swap3A_81 {strides = array<i32>} : memref<640xf32, #tpu.memory_space<vmem>>, vector<16xf32>,
    %broadcast_in_dim3A_82 = arith.constant 0.000000e+00 : f32
    %broadcast_in_dim3A_83 = vector.broadcast %broadcast_in_dim3A_82 : f32 to vector<16xf32>
    %swap3A_84 = arith.constant 96 : index
    %swap3A_85 = tpu.vector_load %arg9[%swap3A_84] {strides = array<i32>} : memref<640xf32, #tpu.memory_space<vmem>>, vector<16xf32>,
    %swap3A_86 = vector.shape_cast %swap3A_85 : vector<16xf32> to vector<16xf32>
    %swap3A_87 = vector.shape_cast %broadcast_in_dim3A_83 : vector<16xf32> to vector<16xf32>
    tpu.vector_store %arg9[%swap3A_84], %swap3A_87 {strides = array<i32>} : memref<640xf32, #tpu.memory_space<vmem>>, vector<16xf32>,
    %broadcast_in_dim3A_88 = arith.constant 0.000000e+00 : f32
    %broadcast_in_dim3A_89 = vector.broadcast %broadcast_in_dim3A_88 : f32 to vector<16xf32>
    %swap3A_90 = arith.constant 112 : index
    %swap3A_91 = tpu.vector_load %arg9[%swap3A_90] {strides = array<i32>} : memref<640xf32, #tpu.memory_space<vmem>>, vector<16xf32>,
    %swap3A_92 = vector.shape_cast %swap3A_91 : vector<16xf32> to vector<16xf32>
    %swap3A_93 = vector.shape_cast %broadcast_in_dim3A_89 : vector<16xf32> to vector<16xf32>
    tpu.vector_store %arg9[%swap3A_90], %swap3A_93 {strides = array<i32>} : memref<640xf32, #tpu.memory_space<vmem>>, vector<16xf32>,
    %broadcast_in_dim3A_94 = arith.constant 0.000000e+00 : f32
    %broadcast_in_dim3A_95 = vector.broadcast %broadcast_in_dim3A_94 : f32 to vector<16xf32>
    %swap3A_96 = arith.constant 128 : index
    %swap3A_97 = tpu.vector_load %arg9[%swap3A_96] {strides = array<i32>} : memref<640xf32, #tpu.memory_space<vmem>>, vector<16xf32>,
    %swap3A_98 = vector.shape_cast %swap3A_97 : vector<16xf32> to vector<16xf32>
    %swap3A_99 = vector.shape_cast %broadcast_in_dim3A_95 : vector<16xf32> to vector<16xf32>
    tpu.vector_store %arg9[%swap3A_96], %swap3A_99 {strides = array<i32>} : memref<640xf32, #tpu.memory_space<vmem>>, vector<16xf32>,
    %broadcast_in_dim3A_100 = arith.constant 0.000000e+00 : f32
    %broadcast_in_dim3A_101 = vector.broadcast %broadcast_in_dim3A_100 : f32 to vector<16xf32>
    %swap3A_102 = arith.constant 144 : index
    %swap3A_103 = tpu.vector_load %arg9[%swap3A_102] {strides = array<i32>} : memref<640xf32, #tpu.memory_space<vmem>>, vector<16xf32>,
    %swap3A_104 = vector.shape_cast %swap3A_103 : vector<16xf32> to vector<16xf32>
    %swap3A_105 = vector.shape_cast %broadcast_in_dim3A_101 : vector<16xf32> to vector<16xf32>
    tpu.vector_store %arg9[%swap3A_102], %swap3A_105 {strides = array<i32>} : memref<640xf32, #tpu.memory_space<vmem>>, vector<16xf32>,
    %broadcast_in_dim3A_106 = arith.constant 0.000000e+00 : f32
    %broadcast_in_dim3A_107 = vector.broadcast %broadcast_in_dim3A_106 : f32 to vector<16xf32>
    %swap3A_108 = arith.constant 160 : index
    %swap3A_109 = tpu.vector_load %arg9[%swap3A_108] {strides = array<i32>} : memref<640xf32, #tpu.memory_space<vmem>>, vector<16xf32>,
    %swap3A_110 = vector.shape_cast %swap3A_109 : vector<16xf32> to vector<16xf32>
    %swap3A_111 = vector.shape_cast %broadcast_in_dim3A_107 : vector<16xf32> to vector<16xf32>
    tpu.vector_store %arg9[%swap3A_108], %swap3A_111 {strides = array<i32>} : memref<640xf32, #tpu.memory_space<vmem>>, vector<16xf32>,
    %broadcast_in_dim3A_112 = arith.constant 0.000000e+00 : f32
    %broadcast_in_dim3A_113 = vector.broadcast %broadcast_in_dim3A_112 : f32 to vector<16xf32>
    %swap3A_114 = arith.constant 176 : index
    %swap3A_115 = tpu.vector_load %arg9[%swap3A_114] {strides = array<i32>} : memref<640xf32, #tpu.memory_space<vmem>>, vector<16xf32>,
    %swap3A_116 = vector.shape_cast %swap3A_115 : vector<16xf32> to vector<16xf32>
    %swap3A_117 = vector.shape_cast %broadcast_in_dim3A_113 : vector<16xf32> to vector<16xf32>
    tpu.vector_store %arg9[%swap3A_114], %swap3A_117 {strides = array<i32>} : memref<640xf32, #tpu.memory_space<vmem>>, vector<16xf32>,
    %broadcast_in_dim3A_118 = arith.constant 0.000000e+00 : f32
    %broadcast_in_dim3A_119 = vector.broadcast %broadcast_in_dim3A_118 : f32 to vector<16xf32>
    %swap3A_120 = arith.constant 192 : index
    %swap3A_121 = tpu.vector_load %arg9[%swap3A_120] {strides = array<i32>} : memref<640xf32, #tpu.memory_space<vmem>>, vector<16xf32>,
    %swap3A_122 = vector.shape_cast %swap3A_121 : vector<16xf32> to vector<16xf32>
    %swap3A_123 = vector.shape_cast %broadcast_in_dim3A_119 : vector<16xf32> to vector<16xf32>
    tpu.vector_store %arg9[%swap3A_120], %swap3A_123 {strides = array<i32>} : memref<640xf32, #tpu.memory_space<vmem>>, vector<16xf32>,
    %broadcast_in_dim3A_124 = arith.constant 0.000000e+00 : f32
    %broadcast_in_dim3A_125 = vector.broadcast %broadcast_in_dim3A_124 : f32 to vector<16xf32>
    %swap3A_126 = arith.constant 208 : index
    %swap3A_127 = tpu.vector_load %arg9[%swap3A_126] {strides = array<i32>} : memref<640xf32, #tpu.memory_space<vmem>>, vector<16xf32>,
    %swap3A_128 = vector.shape_cast %swap3A_127 : vector<16xf32> to vector<16xf32>
    %swap3A_129 = vector.shape_cast %broadcast_in_dim3A_125 : vector<16xf32> to vector<16xf32>
    tpu.vector_store %arg9[%swap3A_126], %swap3A_129 {strides = array<i32>} : memref<640xf32, #tpu.memory_space<vmem>>, vector<16xf32>,
    %broadcast_in_dim3A_130 = arith.constant 0.000000e+00 : f32
    %broadcast_in_dim3A_131 = vector.broadcast %broadcast_in_dim3A_130 : f32 to vector<16xf32>
    %swap3A_132 = arith.constant 224 : index
    %swap3A_133 = tpu.vector_load %arg9[%swap3A_132] {strides = array<i32>} : memref<640xf32, #tpu.memory_space<vmem>>, vector<16xf32>,
    %swap3A_134 = vector.shape_cast %swap3A_133 : vector<16xf32> to vector<16xf32>
    %swap3A_135 = vector.shape_cast %broadcast_in_dim3A_131 : vector<16xf32> to vector<16xf32>
    tpu.vector_store %arg9[%swap3A_132], %swap3A_135 {strides = array<i32>} : memref<640xf32, #tpu.memory_space<vmem>>, vector<16xf32>,
    %broadcast_in_dim3A_136 = arith.constant 0.000000e+00 : f32
    %broadcast_in_dim3A_137 = vector.broadcast %broadcast_in_dim3A_136 : f32 to vector<16xf32>
    %swap3A_138 = arith.constant 240 : index
    %swap3A_139 = tpu.vector_load %arg9[%swap3A_138] {strides = array<i32>} : memref<640xf32, #tpu.memory_space<vmem>>, vector<16xf32>,
    %swap3A_140 = vector.shape_cast %swap3A_139 : vector<16xf32> to vector<16xf32>
    %swap3A_141 = vector.shape_cast %broadcast_in_dim3A_137 : vector<16xf32> to vector<16xf32>
    tpu.vector_store %arg9[%swap3A_138], %swap3A_141 {strides = array<i32>} : memref<640xf32, #tpu.memory_space<vmem>>, vector<16xf32>,
    %broadcast_in_dim3A_142 = arith.constant 0.000000e+00 : f32
    %broadcast_in_dim3A_143 = vector.broadcast %broadcast_in_dim3A_142 : f32 to vector<16xf32>
    %swap3A_144 = arith.constant 256 : index
    %swap3A_145 = tpu.vector_load %arg9[%swap3A_144] {strides = array<i32>} : memref<640xf32, #tpu.memory_space<vmem>>, vector<16xf32>,
    %swap3A_146 = vector.shape_cast %swap3A_145 : vector<16xf32> to vector<16xf32>
    %swap3A_147 = vector.shape_cast %broadcast_in_dim3A_143 : vector<16xf32> to vector<16xf32>
    tpu.vector_store %arg9[%swap3A_144], %swap3A_147 {strides = array<i32>} : memref<640xf32, #tpu.memory_space<vmem>>, vector<16xf32>,
    %broadcast_in_dim3A_148 = arith.constant 0.000000e+00 : f32
    %broadcast_in_dim3A_149 = vector.broadcast %broadcast_in_dim3A_148 : f32 to vector<16xf32>
    %swap3A_150 = arith.constant 272 : index
    %swap3A_151 = tpu.vector_load %arg9[%swap3A_150] {strides = array<i32>} : memref<640xf32, #tpu.memory_space<vmem>>, vector<16xf32>,
    %swap3A_152 = vector.shape_cast %swap3A_151 : vector<16xf32> to vector<16xf32>
    %swap3A_153 = vector.shape_cast %broadcast_in_dim3A_149 : vector<16xf32> to vector<16xf32>
    tpu.vector_store %arg9[%swap3A_150], %swap3A_153 {strides = array<i32>} : memref<640xf32, #tpu.memory_space<vmem>>, vector<16xf32>,
    %broadcast_in_dim3A_154 = arith.constant 0.000000e+00 : f32
    %broadcast_in_dim3A_155 = vector.broadcast %broadcast_in_dim3A_154 : f32 to vector<16xf32>
    %swap3A_156 = arith.constant 288 : index
    %swap3A_157 = tpu.vector_load %arg9[%swap3A_156] {strides = array<i32>} : memref<640xf32, #tpu.memory_space<vmem>>, vector<16xf32>,
    %swap3A_158 = vector.shape_cast %swap3A_157 : vector<16xf32> to vector<16xf32>
    %swap3A_159 = vector.shape_cast %broadcast_in_dim3A_155 : vector<16xf32> to vector<16xf32>
    tpu.vector_store %arg9[%swap3A_156], %swap3A_159 {strides = array<i32>} : memref<640xf32, #tpu.memory_space<vmem>>, vector<16xf32>,
    %broadcast_in_dim3A_160 = arith.constant 0.000000e+00 : f32
    %broadcast_in_dim3A_161 = vector.broadcast %broadcast_in_dim3A_160 : f32 to vector<16xf32>
    %swap3A_162 = arith.constant 304 : index
    %swap3A_163 = tpu.vector_load %arg9[%swap3A_162] {strides = array<i32>} : memref<640xf32, #tpu.memory_space<vmem>>, vector<16xf32>,
    %swap3A_164 = vector.shape_cast %swap3A_163 : vector<16xf32> to vector<16xf32>
    %swap3A_165 = vector.shape_cast %broadcast_in_dim3A_161 : vector<16xf32> to vector<16xf32>
    tpu.vector_store %arg9[%swap3A_162], %swap3A_165 {strides = array<i32>} : memref<640xf32, #tpu.memory_space<vmem>>, vector<16xf32>,
    %broadcast_in_dim3A_166 = arith.constant 0.000000e+00 : f32
    %broadcast_in_dim3A_167 = vector.broadcast %broadcast_in_dim3A_166 : f32 to vector<16xf32>
    %swap3A_168 = arith.constant 320 : index
    %swap3A_169 = tpu.vector_load %arg9[%swap3A_168] {strides = array<i32>} : memref<640xf32, #tpu.memory_space<vmem>>, vector<16xf32>,
    %swap3A_170 = vector.shape_cast %swap3A_169 : vector<16xf32> to vector<16xf32>
    %swap3A_171 = vector.shape_cast %broadcast_in_dim3A_167 : vector<16xf32> to vector<16xf32>
    tpu.vector_store %arg9[%swap3A_168], %swap3A_171 {strides = array<i32>} : memref<640xf32, #tpu.memory_space<vmem>>, vector<16xf32>,
    %broadcast_in_dim3A_172 = arith.constant 0.000000e+00 : f32
    %broadcast_in_dim3A_173 = vector.broadcast %broadcast_in_dim3A_172 : f32 to vector<16xf32>
    %swap3A_174 = arith.constant 336 : index
    %swap3A_175 = tpu.vector_load %arg9[%swap3A_174] {strides = array<i32>} : memref<640xf32, #tpu.memory_space<vmem>>, vector<16xf32>,
    %swap3A_176 = vector.shape_cast %swap3A_175 : vector<16xf32> to vector<16xf32>
    %swap3A_177 = vector.shape_cast %broadcast_in_dim3A_173 : vector<16xf32> to vector<16xf32>
    tpu.vector_store %arg9[%swap3A_174], %swap3A_177 {strides = array<i32>} : memref<640xf32, #tpu.memory_space<vmem>>, vector<16xf32>,
    %broadcast_in_dim3A_178 = arith.constant 0.000000e+00 : f32
    %broadcast_in_dim3A_179 = vector.broadcast %broadcast_in_dim3A_178 : f32 to vector<16xf32>
    %swap3A_180 = arith.constant 352 : index
    %swap3A_181 = tpu.vector_load %arg9[%swap3A_180] {strides = array<i32>} : memref<640xf32, #tpu.memory_space<vmem>>, vector<16xf32>,
    %swap3A_182 = vector.shape_cast %swap3A_181 : vector<16xf32> to vector<16xf32>
    %swap3A_183 = vector.shape_cast %broadcast_in_dim3A_179 : vector<16xf32> to vector<16xf32>
    tpu.vector_store %arg9[%swap3A_180], %swap3A_183 {strides = array<i32>} : memref<640xf32, #tpu.memory_space<vmem>>, vector<16xf32>,
    %broadcast_in_dim3A_184 = arith.constant 0.000000e+00 : f32
    %broadcast_in_dim3A_185 = vector.broadcast %broadcast_in_dim3A_184 : f32 to vector<16xf32>
    %swap3A_186 = arith.constant 368 : index
    %swap3A_187 = tpu.vector_load %arg9[%swap3A_186] {strides = array<i32>} : memref<640xf32, #tpu.memory_space<vmem>>, vector<16xf32>,
    %swap3A_188 = vector.shape_cast %swap3A_187 : vector<16xf32> to vector<16xf32>
    %swap3A_189 = vector.shape_cast %broadcast_in_dim3A_185 : vector<16xf32> to vector<16xf32>
    tpu.vector_store %arg9[%swap3A_186], %swap3A_189 {strides = array<i32>} : memref<640xf32, #tpu.memory_space<vmem>>, vector<16xf32>,
    %broadcast_in_dim3A_190 = arith.constant 0.000000e+00 : f32
    %broadcast_in_dim3A_191 = vector.broadcast %broadcast_in_dim3A_190 : f32 to vector<16xf32>
    %swap3A_192 = arith.constant 384 : index
    %swap3A_193 = tpu.vector_load %arg9[%swap3A_192] {strides = array<i32>} : memref<640xf32, #tpu.memory_space<vmem>>, vector<16xf32>,
    %swap3A_194 = vector.shape_cast %swap3A_193 : vector<16xf32> to vector<16xf32>
    %swap3A_195 = vector.shape_cast %broadcast_in_dim3A_191 : vector<16xf32> to vector<16xf32>
    tpu.vector_store %arg9[%swap3A_192], %swap3A_195 {strides = array<i32>} : memref<640xf32, #tpu.memory_space<vmem>>, vector<16xf32>,
    %broadcast_in_dim3A_196 = arith.constant 0.000000e+00 : f32
    %broadcast_in_dim3A_197 = vector.broadcast %broadcast_in_dim3A_196 : f32 to vector<16xf32>
    %swap3A_198 = arith.constant 400 : index
    %swap3A_199 = tpu.vector_load %arg9[%swap3A_198] {strides = array<i32>} : memref<640xf32, #tpu.memory_space<vmem>>, vector<16xf32>,
    %swap3A_200 = vector.shape_cast %swap3A_199 : vector<16xf32> to vector<16xf32>
    %swap3A_201 = vector.shape_cast %broadcast_in_dim3A_197 : vector<16xf32> to vector<16xf32>
    tpu.vector_store %arg9[%swap3A_198], %swap3A_201 {strides = array<i32>} : memref<640xf32, #tpu.memory_space<vmem>>, vector<16xf32>,
    %broadcast_in_dim3A_202 = arith.constant 0.000000e+00 : f32
    %broadcast_in_dim3A_203 = vector.broadcast %broadcast_in_dim3A_202 : f32 to vector<16xf32>
    %swap3A_204 = arith.constant 416 : index
    %swap3A_205 = tpu.vector_load %arg9[%swap3A_204] {strides = array<i32>} : memref<640xf32, #tpu.memory_space<vmem>>, vector<16xf32>,
    %swap3A_206 = vector.shape_cast %swap3A_205 : vector<16xf32> to vector<16xf32>
    %swap3A_207 = vector.shape_cast %broadcast_in_dim3A_203 : vector<16xf32> to vector<16xf32>
    tpu.vector_store %arg9[%swap3A_204], %swap3A_207 {strides = array<i32>} : memref<640xf32, #tpu.memory_space<vmem>>, vector<16xf32>,
    %broadcast_in_dim3A_208 = arith.constant 0.000000e+00 : f32
    %broadcast_in_dim3A_209 = vector.broadcast %broadcast_in_dim3A_208 : f32 to vector<16xf32>
    %swap3A_210 = arith.constant 432 : index
    %swap3A_211 = tpu.vector_load %arg9[%swap3A_210] {strides = array<i32>} : memref<640xf32, #tpu.memory_space<vmem>>, vector<16xf32>,
    %swap3A_212 = vector.shape_cast %swap3A_211 : vector<16xf32> to vector<16xf32>
    %swap3A_213 = vector.shape_cast %broadcast_in_dim3A_209 : vector<16xf32> to vector<16xf32>
    tpu.vector_store %arg9[%swap3A_210], %swap3A_213 {strides = array<i32>} : memref<640xf32, #tpu.memory_space<vmem>>, vector<16xf32>,
    %broadcast_in_dim3A_214 = arith.constant 0.000000e+00 : f32
    %broadcast_in_dim3A_215 = vector.broadcast %broadcast_in_dim3A_214 : f32 to vector<16xf32>
    %swap3A_216 = arith.constant 448 : index
    %swap3A_217 = tpu.vector_load %arg9[%swap3A_216] {strides = array<i32>} : memref<640xf32, #tpu.memory_space<vmem>>, vector<16xf32>,
    %swap3A_218 = vector.shape_cast %swap3A_217 : vector<16xf32> to vector<16xf32>
    %swap3A_219 = vector.shape_cast %broadcast_in_dim3A_215 : vector<16xf32> to vector<16xf32>
    tpu.vector_store %arg9[%swap3A_216], %swap3A_219 {strides = array<i32>} : memref<640xf32, #tpu.memory_space<vmem>>, vector<16xf32>,
    %broadcast_in_dim3A_220 = arith.constant 0.000000e+00 : f32
    %broadcast_in_dim3A_221 = vector.broadcast %broadcast_in_dim3A_220 : f32 to vector<16xf32>
    %swap3A_222 = arith.constant 464 : index
    %swap3A_223 = tpu.vector_load %arg9[%swap3A_222] {strides = array<i32>} : memref<640xf32, #tpu.memory_space<vmem>>, vector<16xf32>,
    %swap3A_224 = vector.shape_cast %swap3A_223 : vector<16xf32> to vector<16xf32>
    %swap3A_225 = vector.shape_cast %broadcast_in_dim3A_221 : vector<16xf32> to vector<16xf32>
    tpu.vector_store %arg9[%swap3A_222], %swap3A_225 {strides = array<i32>} : memref<640xf32, #tpu.memory_space<vmem>>, vector<16xf32>,
    %broadcast_in_dim3A_226 = arith.constant 0.000000e+00 : f32
    %broadcast_in_dim3A_227 = vector.broadcast %broadcast_in_dim3A_226 : f32 to vector<16xf32>
    %swap3A_228 = arith.constant 480 : index
    %swap3A_229 = tpu.vector_load %arg9[%swap3A_228] {strides = array<i32>} : memref<640xf32, #tpu.memory_space<vmem>>, vector<16xf32>,
    %swap3A_230 = vector.shape_cast %swap3A_229 : vector<16xf32> to vector<16xf32>
    %swap3A_231 = vector.shape_cast %broadcast_in_dim3A_227 : vector<16xf32> to vector<16xf32>
    tpu.vector_store %arg9[%swap3A_228], %swap3A_231 {strides = array<i32>} : memref<640xf32, #tpu.memory_space<vmem>>, vector<16xf32>,
    %broadcast_in_dim3A_232 = arith.constant 0.000000e+00 : f32
    %broadcast_in_dim3A_233 = vector.broadcast %broadcast_in_dim3A_232 : f32 to vector<16xf32>
    %swap3A_234 = arith.constant 496 : index
    %swap3A_235 = tpu.vector_load %arg9[%swap3A_234] {strides = array<i32>} : memref<640xf32, #tpu.memory_space<vmem>>, vector<16xf32>,
    %swap3A_236 = vector.shape_cast %swap3A_235 : vector<16xf32> to vector<16xf32>
    %swap3A_237 = vector.shape_cast %broadcast_in_dim3A_233 : vector<16xf32> to vector<16xf32>
    tpu.vector_store %arg9[%swap3A_234], %swap3A_237 {strides = array<i32>} : memref<640xf32, #tpu.memory_space<vmem>>, vector<16xf32>,
    %broadcast_in_dim3A_238 = arith.constant 0.000000e+00 : f32
    %broadcast_in_dim3A_239 = vector.broadcast %broadcast_in_dim3A_238 : f32 to vector<16xf32>
    %swap3A_240 = arith.constant 512 : index
    %swap3A_241 = tpu.vector_load %arg9[%swap3A_240] {strides = array<i32>} : memref<640xf32, #tpu.memory_space<vmem>>, vector<16xf32>,
    %swap3A_242 = vector.shape_cast %swap3A_241 : vector<16xf32> to vector<16xf32>
    %swap3A_243 = vector.shape_cast %broadcast_in_dim3A_239 : vector<16xf32> to vector<16xf32>
    tpu.vector_store %arg9[%swap3A_240], %swap3A_243 {strides = array<i32>} : memref<640xf32, #tpu.memory_space<vmem>>, vector<16xf32>,
    %broadcast_in_dim3A_244 = arith.constant 0.000000e+00 : f32
    %broadcast_in_dim3A_245 = vector.broadcast %broadcast_in_dim3A_244 : f32 to vector<16xf32>
    %swap3A_246 = arith.constant 528 : index
    %swap3A_247 = tpu.vector_load %arg9[%swap3A_246] {strides = array<i32>} : memref<640xf32, #tpu.memory_space<vmem>>, vector<16xf32>,
    %swap3A_248 = vector.shape_cast %swap3A_247 : vector<16xf32> to vector<16xf32>
    %swap3A_249 = vector.shape_cast %broadcast_in_dim3A_245 : vector<16xf32> to vector<16xf32>
    tpu.vector_store %arg9[%swap3A_246], %swap3A_249 {strides = array<i32>} : memref<640xf32, #tpu.memory_space<vmem>>, vector<16xf32>,
    %broadcast_in_dim3A_250 = arith.constant 0.000000e+00 : f32
    %broadcast_in_dim3A_251 = vector.broadcast %broadcast_in_dim3A_250 : f32 to vector<16xf32>
    %swap3A_252 = arith.constant 544 : index
    %swap3A_253 = tpu.vector_load %arg9[%swap3A_252] {strides = array<i32>} : memref<640xf32, #tpu.memory_space<vmem>>, vector<16xf32>,
    %swap3A_254 = vector.shape_cast %swap3A_253 : vector<16xf32> to vector<16xf32>
    %swap3A_255 = vector.shape_cast %broadcast_in_dim3A_251 : vector<16xf32> to vector<16xf32>
    tpu.vector_store %arg9[%swap3A_252], %swap3A_255 {strides = array<i32>} : memref<640xf32, #tpu.memory_space<vmem>>, vector<16xf32>,
    %broadcast_in_dim3A_256 = arith.constant 0.000000e+00 : f32
    %broadcast_in_dim3A_257 = vector.broadcast %broadcast_in_dim3A_256 : f32 to vector<16xf32>
    %swap3A_258 = arith.constant 560 : index
    %swap3A_259 = tpu.vector_load %arg9[%swap3A_258] {strides = array<i32>} : memref<640xf32, #tpu.memory_space<vmem>>, vector<16xf32>,
    %swap3A_260 = vector.shape_cast %swap3A_259 : vector<16xf32> to vector<16xf32>
    %swap3A_261 = vector.shape_cast %broadcast_in_dim3A_257 : vector<16xf32> to vector<16xf32>
    tpu.vector_store %arg9[%swap3A_258], %swap3A_261 {strides = array<i32>} : memref<640xf32, #tpu.memory_space<vmem>>, vector<16xf32>,
    %broadcast_in_dim3A_262 = arith.constant 0.000000e+00 : f32
    %broadcast_in_dim3A_263 = vector.broadcast %broadcast_in_dim3A_262 : f32 to vector<16xf32>
    %swap3A_264 = arith.constant 576 : index
    %swap3A_265 = tpu.vector_load %arg9[%swap3A_264] {strides = array<i32>} : memref<640xf32, #tpu.memory_space<vmem>>, vector<16xf32>,
    %swap3A_266 = vector.shape_cast %swap3A_265 : vector<16xf32> to vector<16xf32>
    %swap3A_267 = vector.shape_cast %broadcast_in_dim3A_263 : vector<16xf32> to vector<16xf32>
    tpu.vector_store %arg9[%swap3A_264], %swap3A_267 {strides = array<i32>} : memref<640xf32, #tpu.memory_space<vmem>>, vector<16xf32>,
    %broadcast_in_dim3A_268 = arith.constant 0.000000e+00 : f32
    %broadcast_in_dim3A_269 = vector.broadcast %broadcast_in_dim3A_268 : f32 to vector<16xf32>
    %swap3A_270 = arith.constant 592 : index
    %swap3A_271 = tpu.vector_load %arg9[%swap3A_270] {strides = array<i32>} : memref<640xf32, #tpu.memory_space<vmem>>, vector<16xf32>,
    %swap3A_272 = vector.shape_cast %swap3A_271 : vector<16xf32> to vector<16xf32>
    %swap3A_273 = vector.shape_cast %broadcast_in_dim3A_269 : vector<16xf32> to vector<16xf32>
    tpu.vector_store %arg9[%swap3A_270], %swap3A_273 {strides = array<i32>} : memref<640xf32, #tpu.memory_space<vmem>>, vector<16xf32>,
    %broadcast_in_dim3A_274 = arith.constant 0.000000e+00 : f32
    %broadcast_in_dim3A_275 = vector.broadcast %broadcast_in_dim3A_274 : f32 to vector<16xf32>
    %swap3A_276 = arith.constant 608 : index
    %swap3A_277 = tpu.vector_load %arg9[%swap3A_276] {strides = array<i32>} : memref<640xf32, #tpu.memory_space<vmem>>, vector<16xf32>,
    %swap3A_278 = vector.shape_cast %swap3A_277 : vector<16xf32> to vector<16xf32>
    %swap3A_279 = vector.shape_cast %broadcast_in_dim3A_275 : vector<16xf32> to vector<16xf32>
    tpu.vector_store %arg9[%swap3A_276], %swap3A_279 {strides = array<i32>} : memref<640xf32, #tpu.memory_space<vmem>>, vector<16xf32>,
    %broadcast_in_dim3A_280 = arith.constant 0.000000e+00 : f32
    %broadcast_in_dim3A_281 = vector.broadcast %broadcast_in_dim3A_280 : f32 to vector<16xf32>
    %swap3A_282 = arith.constant 624 : index
    %swap3A_283 = tpu.vector_load %arg9[%swap3A_282] {strides = array<i32>} : memref<640xf32, #tpu.memory_space<vmem>>, vector<16xf32>,
    %swap3A_284 = vector.shape_cast %swap3A_283 : vector<16xf32> to vector<16xf32>
    %swap3A_285 = vector.shape_cast %broadcast_in_dim3A_281 : vector<16xf32> to vector<16xf32>
    tpu.vector_store %arg9[%swap3A_282], %swap3A_285 {strides = array<i32>} : memref<640xf32, #tpu.memory_space<vmem>>, vector<16xf32>,
    %mul3A = arith.constant 640 : i32
    %mul3A_286 = arith.muli %arg1, %mul3A : i32
    "tpu.region"() ({
      %run_scoped3A = tpu.sem_alloc : memref<!tpu.dma_semaphore, #tpu.memory_space<semaphore_mem>>
      %dma_start3A = tpu.memref_slice %arg10[%mul3A_286] : memref<10240xf32, #tpu.memory_space<vmem_shared>> -> memref<640xf32, #tpu.memory_space<vmem_shared>>
      %dma_start3A_312 = tpu.memref_slice %arg10[%mul3A_286] : memref<10240xf32, #tpu.memory_space<vmem_shared>> -> memref<640xf32, #tpu.memory_space<vmem_shared>>
      tpu.enqueue_dma source(%arg9 : memref<640xf32, #tpu.memory_space<vmem>>) target(%dma_start3A_312 : memref<640xf32, #tpu.memory_space<vmem_shared>>) target_semaphore(%run_scoped3A : memref<!tpu.dma_semaphore, #tpu.memory_space<semaphore_mem>>)
      %dma_wait3A = tpu.memref_slice %arg10[%mul3A_286] : memref<10240xf32, #tpu.memory_space<vmem_shared>> -> memref<640xf32, #tpu.memory_space<vmem_shared>>
      %dma_wait3A_313 = tpu.memref_slice %arg10[%mul3A_286] : memref<10240xf32, #tpu.memory_space<vmem_shared>> -> memref<640xf32, #tpu.memory_space<vmem_shared>>
      tpu.wait_dma2 semaphore(%run_scoped3A : memref<!tpu.dma_semaphore, #tpu.memory_space<semaphore_mem>>) src(%arg9 : memref<640xf32, #tpu.memory_space<vmem>>) dst(%dma_wait3A_313 : memref<640xf32, #tpu.memory_space<vmem_shared>>)
      tpu.yield
    }) : () -> ()
    %eq3A = arith.constant 0 : i32
    %eq3A_287 = arith.cmpi eq, %arg1, %eq3A : i32
    %convert_element_type3A = arith.extui %eq3A_287 : i1 to i32
    %cond3A = arith.constant 0 : i32
    %cond3A_288 = arith.cmpi ne, %convert_element_type3A, %cond3A : i32
    scf.if %cond3A_288 {
      "tpu.region"() ({
        %run_scoped3A = tpu.sem_alloc : memref<!tpu.dma_semaphore, #tpu.memory_space<semaphore_mem>>
        %dma_start3A = arith.constant 0 : i32
        %dma_start3A_312 = tpu.memref_slice %arg9[%dma_start3A] : memref<640xf32, #tpu.memory_space<vmem>> -> memref<528xf32, #tpu.memory_space<vmem>>
        %dma_start3A_313 = arith.constant 0 : i32
        %dma_start3A_314 = tpu.memref_slice %arg9[%dma_start3A_313] : memref<640xf32, #tpu.memory_space<vmem>> -> memref<528xf32, #tpu.memory_space<vmem>>
        tpu.enqueue_dma source(%dma_start3A_314 : memref<528xf32, #tpu.memory_space<vmem>>) target(%arg11 : memref<528xf32, #tpu.memory_space<vmem_shared>>) target_semaphore(%run_scoped3A : memref<!tpu.dma_semaphore, #tpu.memory_space<semaphore_mem>>)
        %dma_wait3A = arith.constant 0 : i32
        %dma_wait3A_315 = tpu.memref_slice %arg9[%dma_wait3A] : memref<640xf32, #tpu.memory_space<vmem>> -> memref<528xf32, #tpu.memory_space<vmem>>
        %dma_wait3A_316 = arith.constant 0 : i32
        %dma_wait3A_317 = tpu.memref_slice %arg9[%dma_wait3A_316] : memref<640xf32, #tpu.memory_space<vmem>> -> memref<528xf32, #tpu.memory_space<vmem>>
        tpu.wait_dma2 semaphore(%run_scoped3A : memref<!tpu.dma_semaphore, #tpu.memory_space<semaphore_mem>>) src(%dma_wait3A_317 : memref<528xf32, #tpu.memory_space<vmem>>) dst(%arg11 : memref<528xf32, #tpu.memory_space<vmem_shared>>)
        tpu.yield
      }) : () -> ()
    } else {
    }
    %barrier3A = arith.constant 0 : index
    tpu.barrier barrier_id(%barrier3A)
    %scan3A = arith.constant 0 : i32
    %scan3A_289 = arith.constant 0 : i32
    %scan3A_290 = arith.constant 160 : i32
    %scan3A_291 = arith.addi %scan3A_289, %scan3A_290 : i32
    %scan3A_292 = arith.constant 1 : i32
    scf.for %scan3A_312 = %scan3A_289 to %scan3A_291 step %scan3A_292  : i32 {
      "tpu.region"() ({
        %run_scoped3A = tpu.sem_alloc : memref<!tpu.dma_semaphore, #tpu.memory_space<semaphore_mem>>
        %dma_start3A = arith.constant 0 : i32
        %dma_start3A_313 = tpu.memref_slice %arg6[%scan3A_312, %dma_start3A] : memref<160x128xi32, #tpu.memory_space<vmem>> -> memref<1x128xi32, #tpu.memory_space<vmem>>
        %dma_start3A_314 = tpu.memref_squeeze %dma_start3A_313 : memref<1x128xi32, #tpu.memory_space<vmem>> -> memref<128xi32, #tpu.memory_space<vmem>>
        %dma_start3A_315 = arith.constant 0 : i32
        %dma_start3A_316 = tpu.memref_slice %arg10[%dma_start3A_315] : memref<10240xf32, #tpu.memory_space<vmem_shared>> -> memref<10240xf32, #tpu.memory_space<vmem_shared>>
        tpu.enqueue_indirect_dma source(%arg8 : memref<128xf32, #tpu.memory_space<vmem>>) target(%dma_start3A_316 : memref<10240xf32, #tpu.memory_space<vmem_shared>>) offsets(%dma_start3A_314 : memref<128xi32, #tpu.memory_space<vmem>>) semaphore(%run_scoped3A : memref<!tpu.dma_semaphore, #tpu.memory_space<semaphore_mem>>) {add = true}
        %dma_wait3A = arith.constant 0 : i32
        %dma_wait3A_317 = tpu.memref_slice %arg6[%scan3A_312, %dma_wait3A] : memref<160x128xi32, #tpu.memory_space<vmem>> -> memref<1x128xi32, #tpu.memory_space<vmem>>
        %dma_wait3A_318 = tpu.memref_squeeze %dma_wait3A_317 : memref<1x128xi32, #tpu.memory_space<vmem>> -> memref<128xi32, #tpu.memory_space<vmem>>
        %dma_wait3A_319 = arith.constant 0 : i32
        %dma_wait3A_320 = tpu.memref_slice %arg10[%dma_wait3A_319] : memref<10240xf32, #tpu.memory_space<vmem_shared>> -> memref<10240xf32, #tpu.memory_space<vmem_shared>>
        tpu.wait_indirect_dma semaphore(%run_scoped3A : memref<!tpu.dma_semaphore, #tpu.memory_space<semaphore_mem>>) src(%arg8 : memref<128xf32, #tpu.memory_space<vmem>>) dst(%dma_wait3A_320 : memref<10240xf32, #tpu.memory_space<vmem_shared>>)
        tpu.yield
      }) : () -> ()
    }
    %scan3A_293 = arith.constant 160 : i32
    %scan3A_294 = arith.constant 0 : i32
    %scan3A_295 = arith.constant 0 : i32
    %scan3A_296 = arith.constant 5 : i32
    %scan3A_297 = arith.addi %scan3A_295, %scan3A_296 : i32
    %scan3A_298 = arith.constant 1 : i32
    scf.for %scan3A_312 = %scan3A_295 to %scan3A_297 step %scan3A_298  : i32 {
      "tpu.region"() ({
        %run_scoped3A = tpu.sem_alloc : memref<!tpu.dma_semaphore, #tpu.memory_space<semaphore_mem>>
        %dma_start3A = arith.constant 0 : i32
        %dma_start3A_313 = tpu.memref_slice %arg7[%scan3A_312, %dma_start3A] : memref<5x128xi32, #tpu.memory_space<vmem>> -> memref<1x128xi32, #tpu.memory_space<vmem>>
        %dma_start3A_314 = tpu.memref_squeeze %dma_start3A_313 : memref<1x128xi32, #tpu.memory_space<vmem>> -> memref<128xi32, #tpu.memory_space<vmem>>
        %dma_start3A_315 = arith.constant 0 : i32
        %dma_start3A_316 = tpu.memref_slice %arg11[%dma_start3A_315] : memref<528xf32, #tpu.memory_space<vmem_shared>> -> memref<528xf32, #tpu.memory_space<vmem_shared>>
        tpu.enqueue_indirect_dma source(%arg8 : memref<128xf32, #tpu.memory_space<vmem>>) target(%dma_start3A_316 : memref<528xf32, #tpu.memory_space<vmem_shared>>) offsets(%dma_start3A_314 : memref<128xi32, #tpu.memory_space<vmem>>) semaphore(%run_scoped3A : memref<!tpu.dma_semaphore, #tpu.memory_space<semaphore_mem>>) {add = true}
        %dma_wait3A = arith.constant 0 : i32
        %dma_wait3A_317 = tpu.memref_slice %arg7[%scan3A_312, %dma_wait3A] : memref<5x128xi32, #tpu.memory_space<vmem>> -> memref<1x128xi32, #tpu.memory_space<vmem>>
        %dma_wait3A_318 = tpu.memref_squeeze %dma_wait3A_317 : memref<1x128xi32, #tpu.memory_space<vmem>> -> memref<128xi32, #tpu.memory_space<vmem>>
        %dma_wait3A_319 = arith.constant 0 : i32
        %dma_wait3A_320 = tpu.memref_slice %arg11[%dma_wait3A_319] : memref<528xf32, #tpu.memory_space<vmem_shared>> -> memref<528xf32, #tpu.memory_space<vmem_shared>>
        tpu.wait_indirect_dma semaphore(%run_scoped3A : memref<!tpu.dma_semaphore, #tpu.memory_space<semaphore_mem>>) src(%arg8 : memref<128xf32, #tpu.memory_space<vmem>>) dst(%dma_wait3A_320 : memref<528xf32, #tpu.memory_space<vmem_shared>>)
        tpu.yield
      }) : () -> ()
    }
    %scan3A_299 = arith.constant 5 : i32
    %barrier3A_300 = arith.constant 0 : index
    tpu.barrier barrier_id(%barrier3A_300)
    %mul3A_301 = arith.constant 640 : i32
    %mul3A_302 = arith.muli %arg1, %mul3A_301 : i32
    "tpu.region"() ({
      %run_scoped3A = tpu.sem_alloc : memref<!tpu.dma_semaphore, #tpu.memory_space<semaphore_mem>>
      %dma_start3A = tpu.memref_slice %arg10[%mul3A_302] : memref<10240xf32, #tpu.memory_space<vmem_shared>> -> memref<640xf32, #tpu.memory_space<vmem_shared>>
      %dma_start3A_312 = tpu.memref_slice %arg10[%mul3A_302] : memref<10240xf32, #tpu.memory_space<vmem_shared>> -> memref<640xf32, #tpu.memory_space<vmem_shared>>
      tpu.enqueue_dma source(%dma_start3A_312 : memref<640xf32, #tpu.memory_space<vmem_shared>>) target(%arg9 : memref<640xf32, #tpu.memory_space<vmem>>) target_semaphore(%run_scoped3A : memref<!tpu.dma_semaphore, #tpu.memory_space<semaphore_mem>>)
      %dma_wait3A = tpu.memref_slice %arg10[%mul3A_302] : memref<10240xf32, #tpu.memory_space<vmem_shared>> -> memref<640xf32, #tpu.memory_space<vmem_shared>>
      %dma_wait3A_313 = tpu.memref_slice %arg10[%mul3A_302] : memref<10240xf32, #tpu.memory_space<vmem_shared>> -> memref<640xf32, #tpu.memory_space<vmem_shared>>
      tpu.wait_dma2 semaphore(%run_scoped3A : memref<!tpu.dma_semaphore, #tpu.memory_space<semaphore_mem>>) src(%dma_wait3A_313 : memref<640xf32, #tpu.memory_space<vmem_shared>>) dst(%arg9 : memref<640xf32, #tpu.memory_space<vmem>>)
      tpu.yield
    }) : () -> ()
    %mul3A_303 = arith.constant 10240 : i32
    %mul3A_304 = arith.muli %arg0, %mul3A_303 : i32
    %mul3A_305 = arith.constant 640 : i32
    %mul3A_306 = arith.muli %arg1, %mul3A_305 : i32
    %add3A = arith.addi %mul3A_304, %mul3A_306 : i32
    "tpu.region"() ({
      %run_scoped3A = tpu.sem_alloc : memref<!tpu.dma_semaphore, #tpu.memory_space<semaphore_mem>>
      %dma_start3A = tpu.memref_slice %arg4[%add3A] : memref<20480xf32, #tpu.memory_space<hbm>> -> memref<640xf32, #tpu.memory_space<hbm>>
      %dma_start3A_312 = tpu.memref_slice %arg4[%add3A] : memref<20480xf32, #tpu.memory_space<hbm>> -> memref<640xf32, #tpu.memory_space<hbm>>
      tpu.enqueue_dma source(%arg9 : memref<640xf32, #tpu.memory_space<vmem>>) target(%dma_start3A_312 : memref<640xf32, #tpu.memory_space<hbm>>) target_semaphore(%run_scoped3A : memref<!tpu.dma_semaphore, #tpu.memory_space<semaphore_mem>>)
      %dma_wait3A = tpu.memref_slice %arg4[%add3A] : memref<20480xf32, #tpu.memory_space<hbm>> -> memref<640xf32, #tpu.memory_space<hbm>>
      %dma_wait3A_313 = tpu.memref_slice %arg4[%add3A] : memref<20480xf32, #tpu.memory_space<hbm>> -> memref<640xf32, #tpu.memory_space<hbm>>
      tpu.wait_dma2 semaphore(%run_scoped3A : memref<!tpu.dma_semaphore, #tpu.memory_space<semaphore_mem>>) src(%arg9 : memref<640xf32, #tpu.memory_space<vmem>>) dst(%dma_wait3A_313 : memref<640xf32, #tpu.memory_space<hbm>>)
      tpu.yield
    }) : () -> ()
    %eq3A_307 = arith.constant 0 : i32
    %eq3A_308 = arith.cmpi eq, %arg1, %eq3A_307 : i32
    %convert_element_type3A_309 = arith.extui %eq3A_308 : i1 to i32
    %cond3A_310 = arith.constant 0 : i32
    %cond3A_311 = arith.cmpi ne, %convert_element_type3A_309, %cond3A_310 : i32
    scf.if %cond3A_311 {
      "tpu.region"() ({
        %run_scoped3A = tpu.sem_alloc : memref<!tpu.dma_semaphore, #tpu.memory_space<semaphore_mem>>
        %dma_start3A = arith.constant 0 : i32
        %dma_start3A_314 = tpu.memref_slice %arg9[%dma_start3A] : memref<640xf32, #tpu.memory_space<vmem>> -> memref<528xf32, #tpu.memory_space<vmem>>
        %dma_start3A_315 = arith.constant 0 : i32
        %dma_start3A_316 = tpu.memref_slice %arg9[%dma_start3A_315] : memref<640xf32, #tpu.memory_space<vmem>> -> memref<528xf32, #tpu.memory_space<vmem>>
        tpu.enqueue_dma source(%arg11 : memref<528xf32, #tpu.memory_space<vmem_shared>>) target(%dma_start3A_316 : memref<528xf32, #tpu.memory_space<vmem>>) target_semaphore(%run_scoped3A : memref<!tpu.dma_semaphore, #tpu.memory_space<semaphore_mem>>)
        %dma_wait3A = arith.constant 0 : i32
        %dma_wait3A_317 = tpu.memref_slice %arg9[%dma_wait3A] : memref<640xf32, #tpu.memory_space<vmem>> -> memref<528xf32, #tpu.memory_space<vmem>>
        %dma_wait3A_318 = arith.constant 0 : i32
        %dma_wait3A_319 = tpu.memref_slice %arg9[%dma_wait3A_318] : memref<640xf32, #tpu.memory_space<vmem>> -> memref<528xf32, #tpu.memory_space<vmem>>
        tpu.wait_dma2 semaphore(%run_scoped3A : memref<!tpu.dma_semaphore, #tpu.memory_space<semaphore_mem>>) src(%arg11 : memref<528xf32, #tpu.memory_space<vmem_shared>>) dst(%dma_wait3A_319 : memref<528xf32, #tpu.memory_space<vmem>>)
        tpu.yield
      }) : () -> ()
      %mul3A_312 = arith.constant 528 : i32
      %mul3A_313 = arith.muli %arg0, %mul3A_312 : i32
      "tpu.region"() ({
        %run_scoped3A = tpu.sem_alloc : memref<!tpu.dma_semaphore, #tpu.memory_space<semaphore_mem>>
        %dma_start3A = arith.constant 0 : i32
        %dma_start3A_314 = tpu.memref_slice %arg9[%dma_start3A] : memref<640xf32, #tpu.memory_space<vmem>> -> memref<528xf32, #tpu.memory_space<vmem>>
        %dma_start3A_315 = tpu.memref_slice %arg5[%mul3A_313] : memref<1056xf32, #tpu.memory_space<hbm>> -> memref<528xf32, #tpu.memory_space<hbm>>
        %dma_start3A_316 = tpu.memref_slice %arg5[%mul3A_313] : memref<1056xf32, #tpu.memory_space<hbm>> -> memref<528xf32, #tpu.memory_space<hbm>>
        %dma_start3A_317 = arith.constant 0 : i32
        %dma_start3A_318 = tpu.memref_slice %arg9[%dma_start3A_317] : memref<640xf32, #tpu.memory_space<vmem>> -> memref<528xf32, #tpu.memory_space<vmem>>
        tpu.enqueue_dma source(%dma_start3A_318 : memref<528xf32, #tpu.memory_space<vmem>>) target(%dma_start3A_316 : memref<528xf32, #tpu.memory_space<hbm>>) target_semaphore(%run_scoped3A : memref<!tpu.dma_semaphore, #tpu.memory_space<semaphore_mem>>)
        %dma_wait3A = arith.constant 0 : i32
        %dma_wait3A_319 = tpu.memref_slice %arg9[%dma_wait3A] : memref<640xf32, #tpu.memory_space<vmem>> -> memref<528xf32, #tpu.memory_space<vmem>>
        %dma_wait3A_320 = tpu.memref_slice %arg5[%mul3A_313] : memref<1056xf32, #tpu.memory_space<hbm>> -> memref<528xf32, #tpu.memory_space<hbm>>
        %dma_wait3A_321 = tpu.memref_slice %arg5[%mul3A_313] : memref<1056xf32, #tpu.memory_space<hbm>> -> memref<528xf32, #tpu.memory_space<hbm>>
        %dma_wait3A_322 = arith.constant 0 : i32
        %dma_wait3A_323 = tpu.memref_slice %arg9[%dma_wait3A_322] : memref<640xf32, #tpu.memory_space<vmem>> -> memref<528xf32, #tpu.memory_space<vmem>>
        tpu.wait_dma2 semaphore(%run_scoped3A : memref<!tpu.dma_semaphore, #tpu.memory_space<semaphore_mem>>) src(%dma_wait3A_323 : memref<528xf32, #tpu.memory_space<vmem>>) dst(%dma_wait3A_321 : memref<528xf32, #tpu.memory_space<hbm>>)
        tpu.yield
      }) : () -> ()
    } else {
    }
    return
  }
}

#map = affine_map<(d0, d1) -> (0, 0)>
#map1 = affine_map<(d0, d1) -> (0, 0, 0, 0)>
#map2 = affine_map<(d0, d1) -> (0, 0, 0)>
module attributes {stable_mosaic.version = 14 : i64} {
  func.func @_edge_scatter(%arg0: i32, %arg1: i32, %arg2: memref<20480x128xf32, #tpu.memory_space<hbm>>, %arg3: memref<2x16x160x128xi32, #tpu.memory_space<hbm>>, %arg4: memref<2x16x160x128xi32, #tpu.memory_space<hbm>>, %arg5: memref<2x10240x128xf32, #tpu.memory_space<hbm>>, %arg6: memref<32x128xi32, #tpu.memory_space<vmem>>, %arg7: memref<32x128xi32, #tpu.memory_space<vmem>>, %arg8: memref<128x128xf32, #tpu.memory_space<vmem>>, %arg9: memref<128x128xf32, #tpu.memory_space<vmem>>, %arg10: memref<10240x128xf32, #tpu.memory_space<vmem_shared>>, %arg11: memref<!tpu.dma_semaphore, #tpu.memory_space<semaphore_mem>>, %arg12: memref<!tpu.dma_semaphore, #tpu.memory_space<semaphore_mem>>) attributes {dimension_semantics = [#tpu.dimension_semantics<core_parallel>, #tpu.dimension_semantics<subcore_parallel>], iteration_bounds = array<i64: 2, 16>, scalar_prefetch = 0 : i64, scratch_operands = 7 : i64, tpu.core_type = #tpu.core_type<sc_vector_subcore>, window_params = [{transform_indices = #map}, {transform_indices = #map1}, {transform_indices = #map1}, {transform_indices = #map2}]} {
    %scan3A = arith.constant 0 : i32
    %scan3A_0 = arith.constant 0 : i32
    %scan3A_1 = arith.constant 128 : i32
    %scan3A_2 = arith.addi %scan3A_0, %scan3A_1 : i32
    %scan3A_3 = arith.constant 1 : i32
    scf.for %scan3A_70 = %scan3A_0 to %scan3A_2 step %scan3A_3  : i32 {
      %broadcast_in_dim3A = arith.constant 0.000000e+00 : f32
      %broadcast_in_dim3A_71 = vector.broadcast %broadcast_in_dim3A : f32 to vector<16xf32>
      %swap3A = arith.index_cast %scan3A_70 : i32 to index
      %swap3A_72 = arith.constant 0 : index
      %swap3A_73 = tpu.vector_load %arg8[%swap3A, %swap3A_72] {strides = array<i32>} : memref<128x128xf32, #tpu.memory_space<vmem>>, vector<1x16xf32>,
      %swap3A_74 = vector.shape_cast %swap3A_73 : vector<1x16xf32> to vector<16xf32>
      %swap3A_75 = vector.shape_cast %broadcast_in_dim3A_71 : vector<16xf32> to vector<1x16xf32>
      tpu.vector_store %arg8[%swap3A, %swap3A_72], %swap3A_75 {strides = array<i32>} : memref<128x128xf32, #tpu.memory_space<vmem>>, vector<1x16xf32>,
      %broadcast_in_dim3A_76 = arith.constant 0.000000e+00 : f32
      %broadcast_in_dim3A_77 = vector.broadcast %broadcast_in_dim3A_76 : f32 to vector<16xf32>
      %swap3A_78 = arith.index_cast %scan3A_70 : i32 to index
      %swap3A_79 = arith.constant 16 : index
      %swap3A_80 = tpu.vector_load %arg8[%swap3A_78, %swap3A_79] {strides = array<i32>} : memref<128x128xf32, #tpu.memory_space<vmem>>, vector<1x16xf32>,
      %swap3A_81 = vector.shape_cast %swap3A_80 : vector<1x16xf32> to vector<16xf32>
      %swap3A_82 = vector.shape_cast %broadcast_in_dim3A_77 : vector<16xf32> to vector<1x16xf32>
      tpu.vector_store %arg8[%swap3A_78, %swap3A_79], %swap3A_82 {strides = array<i32>} : memref<128x128xf32, #tpu.memory_space<vmem>>, vector<1x16xf32>,
      %broadcast_in_dim3A_83 = arith.constant 0.000000e+00 : f32
      %broadcast_in_dim3A_84 = vector.broadcast %broadcast_in_dim3A_83 : f32 to vector<16xf32>
      %swap3A_85 = arith.index_cast %scan3A_70 : i32 to index
      %swap3A_86 = arith.constant 32 : index
      %swap3A_87 = tpu.vector_load %arg8[%swap3A_85, %swap3A_86] {strides = array<i32>} : memref<128x128xf32, #tpu.memory_space<vmem>>, vector<1x16xf32>,
      %swap3A_88 = vector.shape_cast %swap3A_87 : vector<1x16xf32> to vector<16xf32>
      %swap3A_89 = vector.shape_cast %broadcast_in_dim3A_84 : vector<16xf32> to vector<1x16xf32>
      tpu.vector_store %arg8[%swap3A_85, %swap3A_86], %swap3A_89 {strides = array<i32>} : memref<128x128xf32, #tpu.memory_space<vmem>>, vector<1x16xf32>,
      %broadcast_in_dim3A_90 = arith.constant 0.000000e+00 : f32
      %broadcast_in_dim3A_91 = vector.broadcast %broadcast_in_dim3A_90 : f32 to vector<16xf32>
      %swap3A_92 = arith.index_cast %scan3A_70 : i32 to index
      %swap3A_93 = arith.constant 48 : index
      %swap3A_94 = tpu.vector_load %arg8[%swap3A_92, %swap3A_93] {strides = array<i32>} : memref<128x128xf32, #tpu.memory_space<vmem>>, vector<1x16xf32>,
      %swap3A_95 = vector.shape_cast %swap3A_94 : vector<1x16xf32> to vector<16xf32>
      %swap3A_96 = vector.shape_cast %broadcast_in_dim3A_91 : vector<16xf32> to vector<1x16xf32>
      tpu.vector_store %arg8[%swap3A_92, %swap3A_93], %swap3A_96 {strides = array<i32>} : memref<128x128xf32, #tpu.memory_space<vmem>>, vector<1x16xf32>,
      %broadcast_in_dim3A_97 = arith.constant 0.000000e+00 : f32
      %broadcast_in_dim3A_98 = vector.broadcast %broadcast_in_dim3A_97 : f32 to vector<16xf32>
      %swap3A_99 = arith.index_cast %scan3A_70 : i32 to index
      %swap3A_100 = arith.constant 64 : index
      %swap3A_101 = tpu.vector_load %arg8[%swap3A_99, %swap3A_100] {strides = array<i32>} : memref<128x128xf32, #tpu.memory_space<vmem>>, vector<1x16xf32>,
      %swap3A_102 = vector.shape_cast %swap3A_101 : vector<1x16xf32> to vector<16xf32>
      %swap3A_103 = vector.shape_cast %broadcast_in_dim3A_98 : vector<16xf32> to vector<1x16xf32>
      tpu.vector_store %arg8[%swap3A_99, %swap3A_100], %swap3A_103 {strides = array<i32>} : memref<128x128xf32, #tpu.memory_space<vmem>>, vector<1x16xf32>,
      %broadcast_in_dim3A_104 = arith.constant 0.000000e+00 : f32
      %broadcast_in_dim3A_105 = vector.broadcast %broadcast_in_dim3A_104 : f32 to vector<16xf32>
      %swap3A_106 = arith.index_cast %scan3A_70 : i32 to index
      %swap3A_107 = arith.constant 80 : index
      %swap3A_108 = tpu.vector_load %arg8[%swap3A_106, %swap3A_107] {strides = array<i32>} : memref<128x128xf32, #tpu.memory_space<vmem>>, vector<1x16xf32>,
      %swap3A_109 = vector.shape_cast %swap3A_108 : vector<1x16xf32> to vector<16xf32>
      %swap3A_110 = vector.shape_cast %broadcast_in_dim3A_105 : vector<16xf32> to vector<1x16xf32>
      tpu.vector_store %arg8[%swap3A_106, %swap3A_107], %swap3A_110 {strides = array<i32>} : memref<128x128xf32, #tpu.memory_space<vmem>>, vector<1x16xf32>,
      %broadcast_in_dim3A_111 = arith.constant 0.000000e+00 : f32
      %broadcast_in_dim3A_112 = vector.broadcast %broadcast_in_dim3A_111 : f32 to vector<16xf32>
      %swap3A_113 = arith.index_cast %scan3A_70 : i32 to index
      %swap3A_114 = arith.constant 96 : index
      %swap3A_115 = tpu.vector_load %arg8[%swap3A_113, %swap3A_114] {strides = array<i32>} : memref<128x128xf32, #tpu.memory_space<vmem>>, vector<1x16xf32>,
      %swap3A_116 = vector.shape_cast %swap3A_115 : vector<1x16xf32> to vector<16xf32>
      %swap3A_117 = vector.shape_cast %broadcast_in_dim3A_112 : vector<16xf32> to vector<1x16xf32>
      tpu.vector_store %arg8[%swap3A_113, %swap3A_114], %swap3A_117 {strides = array<i32>} : memref<128x128xf32, #tpu.memory_space<vmem>>, vector<1x16xf32>,
      %broadcast_in_dim3A_118 = arith.constant 0.000000e+00 : f32
      %broadcast_in_dim3A_119 = vector.broadcast %broadcast_in_dim3A_118 : f32 to vector<16xf32>
      %swap3A_120 = arith.index_cast %scan3A_70 : i32 to index
      %swap3A_121 = arith.constant 112 : index
      %swap3A_122 = tpu.vector_load %arg8[%swap3A_120, %swap3A_121] {strides = array<i32>} : memref<128x128xf32, #tpu.memory_space<vmem>>, vector<1x16xf32>,
      %swap3A_123 = vector.shape_cast %swap3A_122 : vector<1x16xf32> to vector<16xf32>
      %swap3A_124 = vector.shape_cast %broadcast_in_dim3A_119 : vector<16xf32> to vector<1x16xf32>
      tpu.vector_store %arg8[%swap3A_120, %swap3A_121], %swap3A_124 {strides = array<i32>} : memref<128x128xf32, #tpu.memory_space<vmem>>, vector<1x16xf32>,
    }
    %scan3A_4 = arith.constant 128 : i32
    %mul3A = arith.constant 640 : i32
    %mul3A_5 = arith.muli %arg1, %mul3A : i32
    %add3A = arith.constant 0 : i32
    %add3A_6 = arith.addi %mul3A_5, %add3A : i32
    "tpu.region"() ({
      %run_scoped3A = tpu.sem_alloc : memref<!tpu.dma_semaphore, #tpu.memory_space<semaphore_mem>>
      %dma_start3A = arith.constant 0 : i32
      %dma_start3A_70 = tpu.memref_slice %arg10[%add3A_6, %dma_start3A] : memref<10240x128xf32, #tpu.memory_space<vmem_shared>> -> memref<128x128xf32, #tpu.memory_space<vmem_shared>>
      %dma_start3A_71 = arith.constant 0 : i32
      %dma_start3A_72 = tpu.memref_slice %arg10[%add3A_6, %dma_start3A_71] : memref<10240x128xf32, #tpu.memory_space<vmem_shared>> -> memref<128x128xf32, #tpu.memory_space<vmem_shared>>
      tpu.enqueue_dma source(%arg8 : memref<128x128xf32, #tpu.memory_space<vmem>>) target(%dma_start3A_72 : memref<128x128xf32, #tpu.memory_space<vmem_shared>>) target_semaphore(%run_scoped3A : memref<!tpu.dma_semaphore, #tpu.memory_space<semaphore_mem>>)
      %dma_wait3A = arith.constant 0 : i32
      %dma_wait3A_73 = tpu.memref_slice %arg10[%add3A_6, %dma_wait3A] : memref<10240x128xf32, #tpu.memory_space<vmem_shared>> -> memref<128x128xf32, #tpu.memory_space<vmem_shared>>
      %dma_wait3A_74 = arith.constant 0 : i32
      %dma_wait3A_75 = tpu.memref_slice %arg10[%add3A_6, %dma_wait3A_74] : memref<10240x128xf32, #tpu.memory_space<vmem_shared>> -> memref<128x128xf32, #tpu.memory_space<vmem_shared>>
      tpu.wait_dma2 semaphore(%run_scoped3A : memref<!tpu.dma_semaphore, #tpu.memory_space<semaphore_mem>>) src(%arg8 : memref<128x128xf32, #tpu.memory_space<vmem>>) dst(%dma_wait3A_75 : memref<128x128xf32, #tpu.memory_space<vmem_shared>>)
      tpu.yield
    }) : () -> ()
    %mul3A_7 = arith.constant 640 : i32
    %mul3A_8 = arith.muli %arg1, %mul3A_7 : i32
    %add3A_9 = arith.constant 128 : i32
    %add3A_10 = arith.addi %mul3A_8, %add3A_9 : i32
    "tpu.region"() ({
      %run_scoped3A = tpu.sem_alloc : memref<!tpu.dma_semaphore, #tpu.memory_space<semaphore_mem>>
      %dma_start3A = arith.constant 0 : i32
      %dma_start3A_70 = tpu.memref_slice %arg10[%add3A_10, %dma_start3A] : memref<10240x128xf32, #tpu.memory_space<vmem_shared>> -> memref<128x128xf32, #tpu.memory_space<vmem_shared>>
      %dma_start3A_71 = arith.constant 0 : i32
      %dma_start3A_72 = tpu.memref_slice %arg10[%add3A_10, %dma_start3A_71] : memref<10240x128xf32, #tpu.memory_space<vmem_shared>> -> memref<128x128xf32, #tpu.memory_space<vmem_shared>>
      tpu.enqueue_dma source(%arg8 : memref<128x128xf32, #tpu.memory_space<vmem>>) target(%dma_start3A_72 : memref<128x128xf32, #tpu.memory_space<vmem_shared>>) target_semaphore(%run_scoped3A : memref<!tpu.dma_semaphore, #tpu.memory_space<semaphore_mem>>)
      %dma_wait3A = arith.constant 0 : i32
      %dma_wait3A_73 = tpu.memref_slice %arg10[%add3A_10, %dma_wait3A] : memref<10240x128xf32, #tpu.memory_space<vmem_shared>> -> memref<128x128xf32, #tpu.memory_space<vmem_shared>>
      %dma_wait3A_74 = arith.constant 0 : i32
      %dma_wait3A_75 = tpu.memref_slice %arg10[%add3A_10, %dma_wait3A_74] : memref<10240x128xf32, #tpu.memory_space<vmem_shared>> -> memref<128x128xf32, #tpu.memory_space<vmem_shared>>
      tpu.wait_dma2 semaphore(%run_scoped3A : memref<!tpu.dma_semaphore, #tpu.memory_space<semaphore_mem>>) src(%arg8 : memref<128x128xf32, #tpu.memory_space<vmem>>) dst(%dma_wait3A_75 : memref<128x128xf32, #tpu.memory_space<vmem_shared>>)
      tpu.yield
    }) : () -> ()
    %mul3A_11 = arith.constant 640 : i32
    %mul3A_12 = arith.muli %arg1, %mul3A_11 : i32
    %add3A_13 = arith.constant 256 : i32
    %add3A_14 = arith.addi %mul3A_12, %add3A_13 : i32
    "tpu.region"() ({
      %run_scoped3A = tpu.sem_alloc : memref<!tpu.dma_semaphore, #tpu.memory_space<semaphore_mem>>
      %dma_start3A = arith.constant 0 : i32
      %dma_start3A_70 = tpu.memref_slice %arg10[%add3A_14, %dma_start3A] : memref<10240x128xf32, #tpu.memory_space<vmem_shared>> -> memref<128x128xf32, #tpu.memory_space<vmem_shared>>
      %dma_start3A_71 = arith.constant 0 : i32
      %dma_start3A_72 = tpu.memref_slice %arg10[%add3A_14, %dma_start3A_71] : memref<10240x128xf32, #tpu.memory_space<vmem_shared>> -> memref<128x128xf32, #tpu.memory_space<vmem_shared>>
      tpu.enqueue_dma source(%arg8 : memref<128x128xf32, #tpu.memory_space<vmem>>) target(%dma_start3A_72 : memref<128x128xf32, #tpu.memory_space<vmem_shared>>) target_semaphore(%run_scoped3A : memref<!tpu.dma_semaphore, #tpu.memory_space<semaphore_mem>>)
      %dma_wait3A = arith.constant 0 : i32
      %dma_wait3A_73 = tpu.memref_slice %arg10[%add3A_14, %dma_wait3A] : memref<10240x128xf32, #tpu.memory_space<vmem_shared>> -> memref<128x128xf32, #tpu.memory_space<vmem_shared>>
      %dma_wait3A_74 = arith.constant 0 : i32
      %dma_wait3A_75 = tpu.memref_slice %arg10[%add3A_14, %dma_wait3A_74] : memref<10240x128xf32, #tpu.memory_space<vmem_shared>> -> memref<128x128xf32, #tpu.memory_space<vmem_shared>>
      tpu.wait_dma2 semaphore(%run_scoped3A : memref<!tpu.dma_semaphore, #tpu.memory_space<semaphore_mem>>) src(%arg8 : memref<128x128xf32, #tpu.memory_space<vmem>>) dst(%dma_wait3A_75 : memref<128x128xf32, #tpu.memory_space<vmem_shared>>)
      tpu.yield
    }) : () -> ()
    %mul3A_15 = arith.constant 640 : i32
    %mul3A_16 = arith.muli %arg1, %mul3A_15 : i32
    %add3A_17 = arith.constant 384 : i32
    %add3A_18 = arith.addi %mul3A_16, %add3A_17 : i32
    "tpu.region"() ({
      %run_scoped3A = tpu.sem_alloc : memref<!tpu.dma_semaphore, #tpu.memory_space<semaphore_mem>>
      %dma_start3A = arith.constant 0 : i32
      %dma_start3A_70 = tpu.memref_slice %arg10[%add3A_18, %dma_start3A] : memref<10240x128xf32, #tpu.memory_space<vmem_shared>> -> memref<128x128xf32, #tpu.memory_space<vmem_shared>>
      %dma_start3A_71 = arith.constant 0 : i32
      %dma_start3A_72 = tpu.memref_slice %arg10[%add3A_18, %dma_start3A_71] : memref<10240x128xf32, #tpu.memory_space<vmem_shared>> -> memref<128x128xf32, #tpu.memory_space<vmem_shared>>
      tpu.enqueue_dma source(%arg8 : memref<128x128xf32, #tpu.memory_space<vmem>>) target(%dma_start3A_72 : memref<128x128xf32, #tpu.memory_space<vmem_shared>>) target_semaphore(%run_scoped3A : memref<!tpu.dma_semaphore, #tpu.memory_space<semaphore_mem>>)
      %dma_wait3A = arith.constant 0 : i32
      %dma_wait3A_73 = tpu.memref_slice %arg10[%add3A_18, %dma_wait3A] : memref<10240x128xf32, #tpu.memory_space<vmem_shared>> -> memref<128x128xf32, #tpu.memory_space<vmem_shared>>
      %dma_wait3A_74 = arith.constant 0 : i32
      %dma_wait3A_75 = tpu.memref_slice %arg10[%add3A_18, %dma_wait3A_74] : memref<10240x128xf32, #tpu.memory_space<vmem_shared>> -> memref<128x128xf32, #tpu.memory_space<vmem_shared>>
      tpu.wait_dma2 semaphore(%run_scoped3A : memref<!tpu.dma_semaphore, #tpu.memory_space<semaphore_mem>>) src(%arg8 : memref<128x128xf32, #tpu.memory_space<vmem>>) dst(%dma_wait3A_75 : memref<128x128xf32, #tpu.memory_space<vmem_shared>>)
      tpu.yield
    }) : () -> ()
    %mul3A_19 = arith.constant 640 : i32
    %mul3A_20 = arith.muli %arg1, %mul3A_19 : i32
    %add3A_21 = arith.constant 512 : i32
    %add3A_22 = arith.addi %mul3A_20, %add3A_21 : i32
    "tpu.region"() ({
      %run_scoped3A = tpu.sem_alloc : memref<!tpu.dma_semaphore, #tpu.memory_space<semaphore_mem>>
      %dma_start3A = arith.constant 0 : i32
      %dma_start3A_70 = tpu.memref_slice %arg10[%add3A_22, %dma_start3A] : memref<10240x128xf32, #tpu.memory_space<vmem_shared>> -> memref<128x128xf32, #tpu.memory_space<vmem_shared>>
      %dma_start3A_71 = arith.constant 0 : i32
      %dma_start3A_72 = tpu.memref_slice %arg10[%add3A_22, %dma_start3A_71] : memref<10240x128xf32, #tpu.memory_space<vmem_shared>> -> memref<128x128xf32, #tpu.memory_space<vmem_shared>>
      tpu.enqueue_dma source(%arg8 : memref<128x128xf32, #tpu.memory_space<vmem>>) target(%dma_start3A_72 : memref<128x128xf32, #tpu.memory_space<vmem_shared>>) target_semaphore(%run_scoped3A : memref<!tpu.dma_semaphore, #tpu.memory_space<semaphore_mem>>)
      %dma_wait3A = arith.constant 0 : i32
      %dma_wait3A_73 = tpu.memref_slice %arg10[%add3A_22, %dma_wait3A] : memref<10240x128xf32, #tpu.memory_space<vmem_shared>> -> memref<128x128xf32, #tpu.memory_space<vmem_shared>>
      %dma_wait3A_74 = arith.constant 0 : i32
      %dma_wait3A_75 = tpu.memref_slice %arg10[%add3A_22, %dma_wait3A_74] : memref<10240x128xf32, #tpu.memory_space<vmem_shared>> -> memref<128x128xf32, #tpu.memory_space<vmem_shared>>
      tpu.wait_dma2 semaphore(%run_scoped3A : memref<!tpu.dma_semaphore, #tpu.memory_space<semaphore_mem>>) src(%arg8 : memref<128x128xf32, #tpu.memory_space<vmem>>) dst(%dma_wait3A_75 : memref<128x128xf32, #tpu.memory_space<vmem_shared>>)
      tpu.yield
    }) : () -> ()
    %barrier3A = arith.constant 0 : index
    tpu.barrier barrier_id(%barrier3A)
    %scan3A_23 = arith.constant 0 : i32
    %scan3A_24 = arith.constant 0 : i32
    %scan3A_25 = arith.constant 5 : i32
    %scan3A_26 = arith.addi %scan3A_24, %scan3A_25 : i32
    %scan3A_27 = arith.constant 1 : i32
    scf.for %scan3A_70 = %scan3A_24 to %scan3A_26 step %scan3A_27  : i32 {
      %mul3A_71 = arith.constant 32 : i32
      %mul3A_72 = arith.muli %scan3A_70, %mul3A_71 : i32
      "tpu.region"() ({
        %run_scoped3A = tpu.sem_alloc : memref<!tpu.dma_semaphore, #tpu.memory_space<semaphore_mem>>
        %dma_start3A_87 = arith.constant 0 : i32
        %dma_start3A_88 = tpu.memref_slice %arg3[%arg0, %arg1, %mul3A_72, %dma_start3A_87] : memref<2x16x160x128xi32, #tpu.memory_space<hbm>> -> memref<1x1x32x128xi32, #tpu.memory_space<hbm>>
        %dma_start3A_89 = tpu.memref_squeeze %dma_start3A_88 : memref<1x1x32x128xi32, #tpu.memory_space<hbm>> -> memref<32x128xi32, #tpu.memory_space<hbm>>
        %dma_start3A_90 = arith.constant 0 : i32
        %dma_start3A_91 = tpu.memref_slice %arg3[%arg0, %arg1, %mul3A_72, %dma_start3A_90] : memref<2x16x160x128xi32, #tpu.memory_space<hbm>> -> memref<1x1x32x128xi32, #tpu.memory_space<hbm>>
        %dma_start3A_92 = tpu.memref_squeeze %dma_start3A_91 : memref<1x1x32x128xi32, #tpu.memory_space<hbm>> -> memref<32x128xi32, #tpu.memory_space<hbm>>
        tpu.enqueue_dma source(%dma_start3A_92 : memref<32x128xi32, #tpu.memory_space<hbm>>) target(%arg6 : memref<32x128xi32, #tpu.memory_space<vmem>>) target_semaphore(%run_scoped3A : memref<!tpu.dma_semaphore, #tpu.memory_space<semaphore_mem>>)
        %dma_wait3A = arith.constant 0 : i32
        %dma_wait3A_93 = tpu.memref_slice %arg3[%arg0, %arg1, %mul3A_72, %dma_wait3A] : memref<2x16x160x128xi32, #tpu.memory_space<hbm>> -> memref<1x1x32x128xi32, #tpu.memory_space<hbm>>
        %dma_wait3A_94 = tpu.memref_squeeze %dma_wait3A_93 : memref<1x1x32x128xi32, #tpu.memory_space<hbm>> -> memref<32x128xi32, #tpu.memory_space<hbm>>
        %dma_wait3A_95 = arith.constant 0 : i32
        %dma_wait3A_96 = tpu.memref_slice %arg3[%arg0, %arg1, %mul3A_72, %dma_wait3A_95] : memref<2x16x160x128xi32, #tpu.memory_space<hbm>> -> memref<1x1x32x128xi32, #tpu.memory_space<hbm>>
        %dma_wait3A_97 = tpu.memref_squeeze %dma_wait3A_96 : memref<1x1x32x128xi32, #tpu.memory_space<hbm>> -> memref<32x128xi32, #tpu.memory_space<hbm>>
        tpu.wait_dma2 semaphore(%run_scoped3A : memref<!tpu.dma_semaphore, #tpu.memory_space<semaphore_mem>>) src(%dma_wait3A_97 : memref<32x128xi32, #tpu.memory_space<hbm>>) dst(%arg6 : memref<32x128xi32, #tpu.memory_space<vmem>>)
        tpu.yield
      }) : () -> ()
      %mul3A_73 = arith.constant 32 : i32
      %mul3A_74 = arith.muli %scan3A_70, %mul3A_73 : i32
      "tpu.region"() ({
        %run_scoped3A = tpu.sem_alloc : memref<!tpu.dma_semaphore, #tpu.memory_space<semaphore_mem>>
        %dma_start3A_87 = arith.constant 0 : i32
        %dma_start3A_88 = tpu.memref_slice %arg4[%arg0, %arg1, %mul3A_74, %dma_start3A_87] : memref<2x16x160x128xi32, #tpu.memory_space<hbm>> -> memref<1x1x32x128xi32, #tpu.memory_space<hbm>>
        %dma_start3A_89 = tpu.memref_squeeze %dma_start3A_88 : memref<1x1x32x128xi32, #tpu.memory_space<hbm>> -> memref<32x128xi32, #tpu.memory_space<hbm>>
        %dma_start3A_90 = arith.constant 0 : i32
        %dma_start3A_91 = tpu.memref_slice %arg4[%arg0, %arg1, %mul3A_74, %dma_start3A_90] : memref<2x16x160x128xi32, #tpu.memory_space<hbm>> -> memref<1x1x32x128xi32, #tpu.memory_space<hbm>>
        %dma_start3A_92 = tpu.memref_squeeze %dma_start3A_91 : memref<1x1x32x128xi32, #tpu.memory_space<hbm>> -> memref<32x128xi32, #tpu.memory_space<hbm>>
        tpu.enqueue_dma source(%dma_start3A_92 : memref<32x128xi32, #tpu.memory_space<hbm>>) target(%arg7 : memref<32x128xi32, #tpu.memory_space<vmem>>) target_semaphore(%run_scoped3A : memref<!tpu.dma_semaphore, #tpu.memory_space<semaphore_mem>>)
        %dma_wait3A = arith.constant 0 : i32
        %dma_wait3A_93 = tpu.memref_slice %arg4[%arg0, %arg1, %mul3A_74, %dma_wait3A] : memref<2x16x160x128xi32, #tpu.memory_space<hbm>> -> memref<1x1x32x128xi32, #tpu.memory_space<hbm>>
        %dma_wait3A_94 = tpu.memref_squeeze %dma_wait3A_93 : memref<1x1x32x128xi32, #tpu.memory_space<hbm>> -> memref<32x128xi32, #tpu.memory_space<hbm>>
        %dma_wait3A_95 = arith.constant 0 : i32
        %dma_wait3A_96 = tpu.memref_slice %arg4[%arg0, %arg1, %mul3A_74, %dma_wait3A_95] : memref<2x16x160x128xi32, #tpu.memory_space<hbm>> -> memref<1x1x32x128xi32, #tpu.memory_space<hbm>>
        %dma_wait3A_97 = tpu.memref_squeeze %dma_wait3A_96 : memref<1x1x32x128xi32, #tpu.memory_space<hbm>> -> memref<32x128xi32, #tpu.memory_space<hbm>>
        tpu.wait_dma2 semaphore(%run_scoped3A : memref<!tpu.dma_semaphore, #tpu.memory_space<semaphore_mem>>) src(%dma_wait3A_97 : memref<32x128xi32, #tpu.memory_space<hbm>>) dst(%arg7 : memref<32x128xi32, #tpu.memory_space<vmem>>)
        tpu.yield
      }) : () -> ()
      %dma_start3A = arith.constant 0 : i32
      %dma_start3A_75 = arith.constant 0 : i32
      %dma_start3A_76 = tpu.memref_slice %arg6[%dma_start3A, %dma_start3A_75] : memref<32x128xi32, #tpu.memory_space<vmem>> -> memref<1x128xi32, #tpu.memory_space<vmem>>
      %dma_start3A_77 = tpu.memref_squeeze %dma_start3A_76 : memref<1x128xi32, #tpu.memory_space<vmem>> -> memref<128xi32, #tpu.memory_space<vmem>>
      %dma_start3A_78 = arith.constant 0 : i32
      %dma_start3A_79 = arith.constant 0 : i32
      %dma_start3A_80 = tpu.memref_slice %arg2[%dma_start3A_78, %dma_start3A_79] : memref<20480x128xf32, #tpu.memory_space<hbm>> -> memref<20480x128xf32, #tpu.memory_space<hbm>>
      tpu.enqueue_indirect_dma source(%dma_start3A_80 : memref<20480x128xf32, #tpu.memory_space<hbm>>) target(%arg8 : memref<128x128xf32, #tpu.memory_space<vmem>>) offsets(%dma_start3A_77 : memref<128xi32, #tpu.memory_space<vmem>>) semaphore(%arg11 : memref<!tpu.dma_semaphore, #tpu.memory_space<semaphore_mem>>)
      %scan3A_81 = arith.constant 0 : i32
      %scan3A_82 = arith.constant 0 : i32
      %scan3A_83 = arith.constant 16 : i32
      %scan3A_84 = arith.addi %scan3A_82, %scan3A_83 : i32
      %scan3A_85 = arith.constant 1 : i32
      scf.for %scan3A_87 = %scan3A_82 to %scan3A_84 step %scan3A_85  : i32 {
        %mul3A_88 = arith.constant 2 : i32
        %mul3A_89 = arith.muli %scan3A_87, %mul3A_88 : i32
        %add3A_90 = arith.constant 1 : i32
        %add3A_91 = arith.addi %mul3A_89, %add3A_90 : i32
        %dma_start3A_92 = arith.constant 0 : i32
        %dma_start3A_93 = tpu.memref_slice %arg6[%add3A_91, %dma_start3A_92] : memref<32x128xi32, #tpu.memory_space<vmem>> -> memref<1x128xi32, #tpu.memory_space<vmem>>
        %dma_start3A_94 = tpu.memref_squeeze %dma_start3A_93 : memref<1x128xi32, #tpu.memory_space<vmem>> -> memref<128xi32, #tpu.memory_space<vmem>>
        %dma_start3A_95 = arith.constant 0 : i32
        %dma_start3A_96 = arith.constant 0 : i32
        %dma_start3A_97 = tpu.memref_slice %arg2[%dma_start3A_95, %dma_start3A_96] : memref<20480x128xf32, #tpu.memory_space<hbm>> -> memref<20480x128xf32, #tpu.memory_space<hbm>>
        tpu.enqueue_indirect_dma source(%dma_start3A_97 : memref<20480x128xf32, #tpu.memory_space<hbm>>) target(%arg9 : memref<128x128xf32, #tpu.memory_space<vmem>>) offsets(%dma_start3A_94 : memref<128xi32, #tpu.memory_space<vmem>>) semaphore(%arg12 : memref<!tpu.dma_semaphore, #tpu.memory_space<semaphore_mem>>)
        %dma_wait3A = arith.constant 0 : i32
        %dma_wait3A_98 = tpu.memref_slice %arg6[%mul3A_89, %dma_wait3A] : memref<32x128xi32, #tpu.memory_space<vmem>> -> memref<1x128xi32, #tpu.memory_space<vmem>>
        %dma_wait3A_99 = tpu.memref_squeeze %dma_wait3A_98 : memref<1x128xi32, #tpu.memory_space<vmem>> -> memref<128xi32, #tpu.memory_space<vmem>>
        %dma_wait3A_100 = arith.constant 0 : i32
        %dma_wait3A_101 = arith.constant 0 : i32
        %dma_wait3A_102 = tpu.memref_slice %arg2[%dma_wait3A_100, %dma_wait3A_101] : memref<20480x128xf32, #tpu.memory_space<hbm>> -> memref<20480x128xf32, #tpu.memory_space<hbm>>
        tpu.wait_indirect_dma semaphore(%arg11 : memref<!tpu.dma_semaphore, #tpu.memory_space<semaphore_mem>>) src(%dma_wait3A_102 : memref<20480x128xf32, #tpu.memory_space<hbm>>) dst(%arg8 : memref<128x128xf32, #tpu.memory_space<vmem>>)
        "tpu.region"() ({
          %run_scoped3A = tpu.sem_alloc : memref<!tpu.dma_semaphore, #tpu.memory_space<semaphore_mem>>
          %dma_start3A_115 = arith.constant 0 : i32
          %dma_start3A_116 = tpu.memref_slice %arg7[%mul3A_89, %dma_start3A_115] : memref<32x128xi32, #tpu.memory_space<vmem>> -> memref<1x128xi32, #tpu.memory_space<vmem>>
          %dma_start3A_117 = tpu.memref_squeeze %dma_start3A_116 : memref<1x128xi32, #tpu.memory_space<vmem>> -> memref<128xi32, #tpu.memory_space<vmem>>
          %dma_start3A_118 = arith.constant 0 : i32
          %dma_start3A_119 = arith.constant 0 : i32
          %dma_start3A_120 = tpu.memref_slice %arg10[%dma_start3A_118, %dma_start3A_119] : memref<10240x128xf32, #tpu.memory_space<vmem_shared>> -> memref<10240x128xf32, #tpu.memory_space<vmem_shared>>
          tpu.enqueue_indirect_dma source(%arg8 : memref<128x128xf32, #tpu.memory_space<vmem>>) target(%dma_start3A_120 : memref<10240x128xf32, #tpu.memory_space<vmem_shared>>) offsets(%dma_start3A_117 : memref<128xi32, #tpu.memory_space<vmem>>) semaphore(%run_scoped3A : memref<!tpu.dma_semaphore, #tpu.memory_space<semaphore_mem>>) {add = true}
          %dma_wait3A_121 = arith.constant 0 : i32
          %dma_wait3A_122 = tpu.memref_slice %arg7[%mul3A_89, %dma_wait3A_121] : memref<32x128xi32, #tpu.memory_space<vmem>> -> memref<1x128xi32, #tpu.memory_space<vmem>>
          %dma_wait3A_123 = tpu.memref_squeeze %dma_wait3A_122 : memref<1x128xi32, #tpu.memory_space<vmem>> -> memref<128xi32, #tpu.memory_space<vmem>>
          %dma_wait3A_124 = arith.constant 0 : i32
          %dma_wait3A_125 = arith.constant 0 : i32
          %dma_wait3A_126 = tpu.memref_slice %arg10[%dma_wait3A_124, %dma_wait3A_125] : memref<10240x128xf32, #tpu.memory_space<vmem_shared>> -> memref<10240x128xf32, #tpu.memory_space<vmem_shared>>
          tpu.wait_indirect_dma semaphore(%run_scoped3A : memref<!tpu.dma_semaphore, #tpu.memory_space<semaphore_mem>>) src(%arg8 : memref<128x128xf32, #tpu.memory_space<vmem>>) dst(%dma_wait3A_126 : memref<10240x128xf32, #tpu.memory_space<vmem_shared>>)
          tpu.yield
        }) : () -> ()
        %lt3A = arith.constant 15 : i32
        %lt3A_103 = arith.cmpi slt, %scan3A_87, %lt3A : i32
        %convert_element_type3A = arith.extui %lt3A_103 : i1 to i32
        %cond3A = arith.constant 0 : i32
        %cond3A_104 = arith.cmpi ne, %convert_element_type3A, %cond3A : i32
        scf.if %cond3A_104 {
          %add3A_115 = arith.constant 2 : i32
          %add3A_116 = arith.addi %mul3A_89, %add3A_115 : i32
          %dma_start3A_117 = arith.constant 0 : i32
          %dma_start3A_118 = tpu.memref_slice %arg6[%add3A_116, %dma_start3A_117] : memref<32x128xi32, #tpu.memory_space<vmem>> -> memref<1x128xi32, #tpu.memory_space<vmem>>
          %dma_start3A_119 = tpu.memref_squeeze %dma_start3A_118 : memref<1x128xi32, #tpu.memory_space<vmem>> -> memref<128xi32, #tpu.memory_space<vmem>>
          %dma_start3A_120 = arith.constant 0 : i32
          %dma_start3A_121 = arith.constant 0 : i32
          %dma_start3A_122 = tpu.memref_slice %arg2[%dma_start3A_120, %dma_start3A_121] : memref<20480x128xf32, #tpu.memory_space<hbm>> -> memref<20480x128xf32, #tpu.memory_space<hbm>>
          tpu.enqueue_indirect_dma source(%dma_start3A_122 : memref<20480x128xf32, #tpu.memory_space<hbm>>) target(%arg8 : memref<128x128xf32, #tpu.memory_space<vmem>>) offsets(%dma_start3A_119 : memref<128xi32, #tpu.memory_space<vmem>>) semaphore(%arg11 : memref<!tpu.dma_semaphore, #tpu.memory_space<semaphore_mem>>)
        } else {
        }
        %add3A_105 = arith.constant 1 : i32
        %add3A_106 = arith.addi %mul3A_89, %add3A_105 : i32
        %dma_wait3A_107 = arith.constant 0 : i32
        %dma_wait3A_108 = tpu.memref_slice %arg6[%add3A_106, %dma_wait3A_107] : memref<32x128xi32, #tpu.memory_space<vmem>> -> memref<1x128xi32, #tpu.memory_space<vmem>>
        %dma_wait3A_109 = tpu.memref_squeeze %dma_wait3A_108 : memref<1x128xi32, #tpu.memory_space<vmem>> -> memref<128xi32, #tpu.memory_space<vmem>>
        %dma_wait3A_110 = arith.constant 0 : i32
        %dma_wait3A_111 = arith.constant 0 : i32
        %dma_wait3A_112 = tpu.memref_slice %arg2[%dma_wait3A_110, %dma_wait3A_111] : memref<20480x128xf32, #tpu.memory_space<hbm>> -> memref<20480x128xf32, #tpu.memory_space<hbm>>
        tpu.wait_indirect_dma semaphore(%arg12 : memref<!tpu.dma_semaphore, #tpu.memory_space<semaphore_mem>>) src(%dma_wait3A_112 : memref<20480x128xf32, #tpu.memory_space<hbm>>) dst(%arg9 : memref<128x128xf32, #tpu.memory_space<vmem>>)
        %add3A_113 = arith.constant 1 : i32
        %add3A_114 = arith.addi %mul3A_89, %add3A_113 : i32
        "tpu.region"() ({
          %run_scoped3A = tpu.sem_alloc : memref<!tpu.dma_semaphore, #tpu.memory_space<semaphore_mem>>
          %dma_start3A_115 = arith.constant 0 : i32
          %dma_start3A_116 = tpu.memref_slice %arg7[%add3A_114, %dma_start3A_115] : memref<32x128xi32, #tpu.memory_space<vmem>> -> memref<1x128xi32, #tpu.memory_space<vmem>>
          %dma_start3A_117 = tpu.memref_squeeze %dma_start3A_116 : memref<1x128xi32, #tpu.memory_space<vmem>> -> memref<128xi32, #tpu.memory_space<vmem>>
          %dma_start3A_118 = arith.constant 0 : i32
          %dma_start3A_119 = arith.constant 0 : i32
          %dma_start3A_120 = tpu.memref_slice %arg10[%dma_start3A_118, %dma_start3A_119] : memref<10240x128xf32, #tpu.memory_space<vmem_shared>> -> memref<10240x128xf32, #tpu.memory_space<vmem_shared>>
          tpu.enqueue_indirect_dma source(%arg9 : memref<128x128xf32, #tpu.memory_space<vmem>>) target(%dma_start3A_120 : memref<10240x128xf32, #tpu.memory_space<vmem_shared>>) offsets(%dma_start3A_117 : memref<128xi32, #tpu.memory_space<vmem>>) semaphore(%run_scoped3A : memref<!tpu.dma_semaphore, #tpu.memory_space<semaphore_mem>>) {add = true}
          %dma_wait3A_121 = arith.constant 0 : i32
          %dma_wait3A_122 = tpu.memref_slice %arg7[%add3A_114, %dma_wait3A_121] : memref<32x128xi32, #tpu.memory_space<vmem>> -> memref<1x128xi32, #tpu.memory_space<vmem>>
          %dma_wait3A_123 = tpu.memref_squeeze %dma_wait3A_122 : memref<1x128xi32, #tpu.memory_space<vmem>> -> memref<128xi32, #tpu.memory_space<vmem>>
          %dma_wait3A_124 = arith.constant 0 : i32
          %dma_wait3A_125 = arith.constant 0 : i32
          %dma_wait3A_126 = tpu.memref_slice %arg10[%dma_wait3A_124, %dma_wait3A_125] : memref<10240x128xf32, #tpu.memory_space<vmem_shared>> -> memref<10240x128xf32, #tpu.memory_space<vmem_shared>>
          tpu.wait_indirect_dma semaphore(%run_scoped3A : memref<!tpu.dma_semaphore, #tpu.memory_space<semaphore_mem>>) src(%arg9 : memref<128x128xf32, #tpu.memory_space<vmem>>) dst(%dma_wait3A_126 : memref<10240x128xf32, #tpu.memory_space<vmem_shared>>)
          tpu.yield
        }) : () -> ()
      }
      %scan3A_86 = arith.constant 16 : i32
    }
    %scan3A_28 = arith.constant 5 : i32
    %barrier3A_29 = arith.constant 0 : index
    tpu.barrier barrier_id(%barrier3A_29)
    %mul3A_30 = arith.constant 640 : i32
    %mul3A_31 = arith.muli %arg1, %mul3A_30 : i32
    %add3A_32 = arith.constant 0 : i32
    %add3A_33 = arith.addi %mul3A_31, %add3A_32 : i32
    "tpu.region"() ({
      %run_scoped3A = tpu.sem_alloc : memref<!tpu.dma_semaphore, #tpu.memory_space<semaphore_mem>>
      %dma_start3A = arith.constant 0 : i32
      %dma_start3A_70 = tpu.memref_slice %arg10[%add3A_33, %dma_start3A] : memref<10240x128xf32, #tpu.memory_space<vmem_shared>> -> memref<128x128xf32, #tpu.memory_space<vmem_shared>>
      %dma_start3A_71 = arith.constant 0 : i32
      %dma_start3A_72 = tpu.memref_slice %arg10[%add3A_33, %dma_start3A_71] : memref<10240x128xf32, #tpu.memory_space<vmem_shared>> -> memref<128x128xf32, #tpu.memory_space<vmem_shared>>
      tpu.enqueue_dma source(%dma_start3A_72 : memref<128x128xf32, #tpu.memory_space<vmem_shared>>) target(%arg8 : memref<128x128xf32, #tpu.memory_space<vmem>>) target_semaphore(%run_scoped3A : memref<!tpu.dma_semaphore, #tpu.memory_space<semaphore_mem>>)
      %dma_wait3A = arith.constant 0 : i32
      %dma_wait3A_73 = tpu.memref_slice %arg10[%add3A_33, %dma_wait3A] : memref<10240x128xf32, #tpu.memory_space<vmem_shared>> -> memref<128x128xf32, #tpu.memory_space<vmem_shared>>
      %dma_wait3A_74 = arith.constant 0 : i32
      %dma_wait3A_75 = tpu.memref_slice %arg10[%add3A_33, %dma_wait3A_74] : memref<10240x128xf32, #tpu.memory_space<vmem_shared>> -> memref<128x128xf32, #tpu.memory_space<vmem_shared>>
      tpu.wait_dma2 semaphore(%run_scoped3A : memref<!tpu.dma_semaphore, #tpu.memory_space<semaphore_mem>>) src(%dma_wait3A_75 : memref<128x128xf32, #tpu.memory_space<vmem_shared>>) dst(%arg8 : memref<128x128xf32, #tpu.memory_space<vmem>>)
      tpu.yield
    }) : () -> ()
    %mul3A_34 = arith.constant 640 : i32
    %mul3A_35 = arith.muli %arg1, %mul3A_34 : i32
    %add3A_36 = arith.constant 0 : i32
    %add3A_37 = arith.addi %mul3A_35, %add3A_36 : i32
    "tpu.region"() ({
      %run_scoped3A = tpu.sem_alloc : memref<!tpu.dma_semaphore, #tpu.memory_space<semaphore_mem>>
      %dma_start3A = arith.constant 0 : i32
      %dma_start3A_70 = tpu.memref_slice %arg5[%arg0, %add3A_37, %dma_start3A] : memref<2x10240x128xf32, #tpu.memory_space<hbm>> -> memref<1x128x128xf32, #tpu.memory_space<hbm>>
      %dma_start3A_71 = tpu.memref_squeeze %dma_start3A_70 : memref<1x128x128xf32, #tpu.memory_space<hbm>> -> memref<128x128xf32, #tpu.memory_space<hbm>>
      %dma_start3A_72 = arith.constant 0 : i32
      %dma_start3A_73 = tpu.memref_slice %arg5[%arg0, %add3A_37, %dma_start3A_72] : memref<2x10240x128xf32, #tpu.memory_space<hbm>> -> memref<1x128x128xf32, #tpu.memory_space<hbm>>
      %dma_start3A_74 = tpu.memref_squeeze %dma_start3A_73 : memref<1x128x128xf32, #tpu.memory_space<hbm>> -> memref<128x128xf32, #tpu.memory_space<hbm>>
      tpu.enqueue_dma source(%arg8 : memref<128x128xf32, #tpu.memory_space<vmem>>) target(%dma_start3A_74 : memref<128x128xf32, #tpu.memory_space<hbm>>) target_semaphore(%run_scoped3A : memref<!tpu.dma_semaphore, #tpu.memory_space<semaphore_mem>>)
      %dma_wait3A = arith.constant 0 : i32
      %dma_wait3A_75 = tpu.memref_slice %arg5[%arg0, %add3A_37, %dma_wait3A] : memref<2x10240x128xf32, #tpu.memory_space<hbm>> -> memref<1x128x128xf32, #tpu.memory_space<hbm>>
      %dma_wait3A_76 = tpu.memref_squeeze %dma_wait3A_75 : memref<1x128x128xf32, #tpu.memory_space<hbm>> -> memref<128x128xf32, #tpu.memory_space<hbm>>
      %dma_wait3A_77 = arith.constant 0 : i32
      %dma_wait3A_78 = tpu.memref_slice %arg5[%arg0, %add3A_37, %dma_wait3A_77] : memref<2x10240x128xf32, #tpu.memory_space<hbm>> -> memref<1x128x128xf32, #tpu.memory_space<hbm>>
      %dma_wait3A_79 = tpu.memref_squeeze %dma_wait3A_78 : memref<1x128x128xf32, #tpu.memory_space<hbm>> -> memref<128x128xf32, #tpu.memory_space<hbm>>
      tpu.wait_dma2 semaphore(%run_scoped3A : memref<!tpu.dma_semaphore, #tpu.memory_space<semaphore_mem>>) src(%arg8 : memref<128x128xf32, #tpu.memory_space<vmem>>) dst(%dma_wait3A_79 : memref<128x128xf32, #tpu.memory_space<hbm>>)
      tpu.yield
    }) : () -> ()
    %mul3A_38 = arith.constant 640 : i32
    %mul3A_39 = arith.muli %arg1, %mul3A_38 : i32
    %add3A_40 = arith.constant 128 : i32
    %add3A_41 = arith.addi %mul3A_39, %add3A_40 : i32
    "tpu.region"() ({
      %run_scoped3A = tpu.sem_alloc : memref<!tpu.dma_semaphore, #tpu.memory_space<semaphore_mem>>
      %dma_start3A = arith.constant 0 : i32
      %dma_start3A_70 = tpu.memref_slice %arg10[%add3A_41, %dma_start3A] : memref<10240x128xf32, #tpu.memory_space<vmem_shared>> -> memref<128x128xf32, #tpu.memory_space<vmem_shared>>
      %dma_start3A_71 = arith.constant 0 : i32
      %dma_start3A_72 = tpu.memref_slice %arg10[%add3A_41, %dma_start3A_71] : memref<10240x128xf32, #tpu.memory_space<vmem_shared>> -> memref<128x128xf32, #tpu.memory_space<vmem_shared>>
      tpu.enqueue_dma source(%dma_start3A_72 : memref<128x128xf32, #tpu.memory_space<vmem_shared>>) target(%arg8 : memref<128x128xf32, #tpu.memory_space<vmem>>) target_semaphore(%run_scoped3A : memref<!tpu.dma_semaphore, #tpu.memory_space<semaphore_mem>>)
      %dma_wait3A = arith.constant 0 : i32
      %dma_wait3A_73 = tpu.memref_slice %arg10[%add3A_41, %dma_wait3A] : memref<10240x128xf32, #tpu.memory_space<vmem_shared>> -> memref<128x128xf32, #tpu.memory_space<vmem_shared>>
      %dma_wait3A_74 = arith.constant 0 : i32
      %dma_wait3A_75 = tpu.memref_slice %arg10[%add3A_41, %dma_wait3A_74] : memref<10240x128xf32, #tpu.memory_space<vmem_shared>> -> memref<128x128xf32, #tpu.memory_space<vmem_shared>>
      tpu.wait_dma2 semaphore(%run_scoped3A : memref<!tpu.dma_semaphore, #tpu.memory_space<semaphore_mem>>) src(%dma_wait3A_75 : memref<128x128xf32, #tpu.memory_space<vmem_shared>>) dst(%arg8 : memref<128x128xf32, #tpu.memory_space<vmem>>)
      tpu.yield
    }) : () -> ()
    %mul3A_42 = arith.constant 640 : i32
    %mul3A_43 = arith.muli %arg1, %mul3A_42 : i32
    %add3A_44 = arith.constant 128 : i32
    %add3A_45 = arith.addi %mul3A_43, %add3A_44 : i32
    "tpu.region"() ({
      %run_scoped3A = tpu.sem_alloc : memref<!tpu.dma_semaphore, #tpu.memory_space<semaphore_mem>>
      %dma_start3A = arith.constant 0 : i32
      %dma_start3A_70 = tpu.memref_slice %arg5[%arg0, %add3A_45, %dma_start3A] : memref<2x10240x128xf32, #tpu.memory_space<hbm>> -> memref<1x128x128xf32, #tpu.memory_space<hbm>>
      %dma_start3A_71 = tpu.memref_squeeze %dma_start3A_70 : memref<1x128x128xf32, #tpu.memory_space<hbm>> -> memref<128x128xf32, #tpu.memory_space<hbm>>
      %dma_start3A_72 = arith.constant 0 : i32
      %dma_start3A_73 = tpu.memref_slice %arg5[%arg0, %add3A_45, %dma_start3A_72] : memref<2x10240x128xf32, #tpu.memory_space<hbm>> -> memref<1x128x128xf32, #tpu.memory_space<hbm>>
      %dma_start3A_74 = tpu.memref_squeeze %dma_start3A_73 : memref<1x128x128xf32, #tpu.memory_space<hbm>> -> memref<128x128xf32, #tpu.memory_space<hbm>>
      tpu.enqueue_dma source(%arg8 : memref<128x128xf32, #tpu.memory_space<vmem>>) target(%dma_start3A_74 : memref<128x128xf32, #tpu.memory_space<hbm>>) target_semaphore(%run_scoped3A : memref<!tpu.dma_semaphore, #tpu.memory_space<semaphore_mem>>)
      %dma_wait3A = arith.constant 0 : i32
      %dma_wait3A_75 = tpu.memref_slice %arg5[%arg0, %add3A_45, %dma_wait3A] : memref<2x10240x128xf32, #tpu.memory_space<hbm>> -> memref<1x128x128xf32, #tpu.memory_space<hbm>>
      %dma_wait3A_76 = tpu.memref_squeeze %dma_wait3A_75 : memref<1x128x128xf32, #tpu.memory_space<hbm>> -> memref<128x128xf32, #tpu.memory_space<hbm>>
      %dma_wait3A_77 = arith.constant 0 : i32
      %dma_wait3A_78 = tpu.memref_slice %arg5[%arg0, %add3A_45, %dma_wait3A_77] : memref<2x10240x128xf32, #tpu.memory_space<hbm>> -> memref<1x128x128xf32, #tpu.memory_space<hbm>>
      %dma_wait3A_79 = tpu.memref_squeeze %dma_wait3A_78 : memref<1x128x128xf32, #tpu.memory_space<hbm>> -> memref<128x128xf32, #tpu.memory_space<hbm>>
      tpu.wait_dma2 semaphore(%run_scoped3A : memref<!tpu.dma_semaphore, #tpu.memory_space<semaphore_mem>>) src(%arg8 : memref<128x128xf32, #tpu.memory_space<vmem>>) dst(%dma_wait3A_79 : memref<128x128xf32, #tpu.memory_space<hbm>>)
      tpu.yield
    }) : () -> ()
    %mul3A_46 = arith.constant 640 : i32
    %mul3A_47 = arith.muli %arg1, %mul3A_46 : i32
    %add3A_48 = arith.constant 256 : i32
    %add3A_49 = arith.addi %mul3A_47, %add3A_48 : i32
    "tpu.region"() ({
      %run_scoped3A = tpu.sem_alloc : memref<!tpu.dma_semaphore, #tpu.memory_space<semaphore_mem>>
      %dma_start3A = arith.constant 0 : i32
      %dma_start3A_70 = tpu.memref_slice %arg10[%add3A_49, %dma_start3A] : memref<10240x128xf32, #tpu.memory_space<vmem_shared>> -> memref<128x128xf32, #tpu.memory_space<vmem_shared>>
      %dma_start3A_71 = arith.constant 0 : i32
      %dma_start3A_72 = tpu.memref_slice %arg10[%add3A_49, %dma_start3A_71] : memref<10240x128xf32, #tpu.memory_space<vmem_shared>> -> memref<128x128xf32, #tpu.memory_space<vmem_shared>>
      tpu.enqueue_dma source(%dma_start3A_72 : memref<128x128xf32, #tpu.memory_space<vmem_shared>>) target(%arg8 : memref<128x128xf32, #tpu.memory_space<vmem>>) target_semaphore(%run_scoped3A : memref<!tpu.dma_semaphore, #tpu.memory_space<semaphore_mem>>)
      %dma_wait3A = arith.constant 0 : i32
      %dma_wait3A_73 = tpu.memref_slice %arg10[%add3A_49, %dma_wait3A] : memref<10240x128xf32, #tpu.memory_space<vmem_shared>> -> memref<128x128xf32, #tpu.memory_space<vmem_shared>>
      %dma_wait3A_74 = arith.constant 0 : i32
      %dma_wait3A_75 = tpu.memref_slice %arg10[%add3A_49, %dma_wait3A_74] : memref<10240x128xf32, #tpu.memory_space<vmem_shared>> -> memref<128x128xf32, #tpu.memory_space<vmem_shared>>
      tpu.wait_dma2 semaphore(%run_scoped3A : memref<!tpu.dma_semaphore, #tpu.memory_space<semaphore_mem>>) src(%dma_wait3A_75 : memref<128x128xf32, #tpu.memory_space<vmem_shared>>) dst(%arg8 : memref<128x128xf32, #tpu.memory_space<vmem>>)
      tpu.yield
    }) : () -> ()
    %mul3A_50 = arith.constant 640 : i32
    %mul3A_51 = arith.muli %arg1, %mul3A_50 : i32
    %add3A_52 = arith.constant 256 : i32
    %add3A_53 = arith.addi %mul3A_51, %add3A_52 : i32
    "tpu.region"() ({
      %run_scoped3A = tpu.sem_alloc : memref<!tpu.dma_semaphore, #tpu.memory_space<semaphore_mem>>
      %dma_start3A = arith.constant 0 : i32
      %dma_start3A_70 = tpu.memref_slice %arg5[%arg0, %add3A_53, %dma_start3A] : memref<2x10240x128xf32, #tpu.memory_space<hbm>> -> memref<1x128x128xf32, #tpu.memory_space<hbm>>
      %dma_start3A_71 = tpu.memref_squeeze %dma_start3A_70 : memref<1x128x128xf32, #tpu.memory_space<hbm>> -> memref<128x128xf32, #tpu.memory_space<hbm>>
      %dma_start3A_72 = arith.constant 0 : i32
      %dma_start3A_73 = tpu.memref_slice %arg5[%arg0, %add3A_53, %dma_start3A_72] : memref<2x10240x128xf32, #tpu.memory_space<hbm>> -> memref<1x128x128xf32, #tpu.memory_space<hbm>>
      %dma_start3A_74 = tpu.memref_squeeze %dma_start3A_73 : memref<1x128x128xf32, #tpu.memory_space<hbm>> -> memref<128x128xf32, #tpu.memory_space<hbm>>
      tpu.enqueue_dma source(%arg8 : memref<128x128xf32, #tpu.memory_space<vmem>>) target(%dma_start3A_74 : memref<128x128xf32, #tpu.memory_space<hbm>>) target_semaphore(%run_scoped3A : memref<!tpu.dma_semaphore, #tpu.memory_space<semaphore_mem>>)
      %dma_wait3A = arith.constant 0 : i32
      %dma_wait3A_75 = tpu.memref_slice %arg5[%arg0, %add3A_53, %dma_wait3A] : memref<2x10240x128xf32, #tpu.memory_space<hbm>> -> memref<1x128x128xf32, #tpu.memory_space<hbm>>
      %dma_wait3A_76 = tpu.memref_squeeze %dma_wait3A_75 : memref<1x128x128xf32, #tpu.memory_space<hbm>> -> memref<128x128xf32, #tpu.memory_space<hbm>>
      %dma_wait3A_77 = arith.constant 0 : i32
      %dma_wait3A_78 = tpu.memref_slice %arg5[%arg0, %add3A_53, %dma_wait3A_77] : memref<2x10240x128xf32, #tpu.memory_space<hbm>> -> memref<1x128x128xf32, #tpu.memory_space<hbm>>
      %dma_wait3A_79 = tpu.memref_squeeze %dma_wait3A_78 : memref<1x128x128xf32, #tpu.memory_space<hbm>> -> memref<128x128xf32, #tpu.memory_space<hbm>>
      tpu.wait_dma2 semaphore(%run_scoped3A : memref<!tpu.dma_semaphore, #tpu.memory_space<semaphore_mem>>) src(%arg8 : memref<128x128xf32, #tpu.memory_space<vmem>>) dst(%dma_wait3A_79 : memref<128x128xf32, #tpu.memory_space<hbm>>)
      tpu.yield
    }) : () -> ()
    %mul3A_54 = arith.constant 640 : i32
    %mul3A_55 = arith.muli %arg1, %mul3A_54 : i32
    %add3A_56 = arith.constant 384 : i32
    %add3A_57 = arith.addi %mul3A_55, %add3A_56 : i32
    "tpu.region"() ({
      %run_scoped3A = tpu.sem_alloc : memref<!tpu.dma_semaphore, #tpu.memory_space<semaphore_mem>>
      %dma_start3A = arith.constant 0 : i32
      %dma_start3A_70 = tpu.memref_slice %arg10[%add3A_57, %dma_start3A] : memref<10240x128xf32, #tpu.memory_space<vmem_shared>> -> memref<128x128xf32, #tpu.memory_space<vmem_shared>>
      %dma_start3A_71 = arith.constant 0 : i32
      %dma_start3A_72 = tpu.memref_slice %arg10[%add3A_57, %dma_start3A_71] : memref<10240x128xf32, #tpu.memory_space<vmem_shared>> -> memref<128x128xf32, #tpu.memory_space<vmem_shared>>
      tpu.enqueue_dma source(%dma_start3A_72 : memref<128x128xf32, #tpu.memory_space<vmem_shared>>) target(%arg8 : memref<128x128xf32, #tpu.memory_space<vmem>>) target_semaphore(%run_scoped3A : memref<!tpu.dma_semaphore, #tpu.memory_space<semaphore_mem>>)
      %dma_wait3A = arith.constant 0 : i32
      %dma_wait3A_73 = tpu.memref_slice %arg10[%add3A_57, %dma_wait3A] : memref<10240x128xf32, #tpu.memory_space<vmem_shared>> -> memref<128x128xf32, #tpu.memory_space<vmem_shared>>
      %dma_wait3A_74 = arith.constant 0 : i32
      %dma_wait3A_75 = tpu.memref_slice %arg10[%add3A_57, %dma_wait3A_74] : memref<10240x128xf32, #tpu.memory_space<vmem_shared>> -> memref<128x128xf32, #tpu.memory_space<vmem_shared>>
      tpu.wait_dma2 semaphore(%run_scoped3A : memref<!tpu.dma_semaphore, #tpu.memory_space<semaphore_mem>>) src(%dma_wait3A_75 : memref<128x128xf32, #tpu.memory_space<vmem_shared>>) dst(%arg8 : memref<128x128xf32, #tpu.memory_space<vmem>>)
      tpu.yield
    }) : () -> ()
    %mul3A_58 = arith.constant 640 : i32
    %mul3A_59 = arith.muli %arg1, %mul3A_58 : i32
    %add3A_60 = arith.constant 384 : i32
    %add3A_61 = arith.addi %mul3A_59, %add3A_60 : i32
    "tpu.region"() ({
      %run_scoped3A = tpu.sem_alloc : memref<!tpu.dma_semaphore, #tpu.memory_space<semaphore_mem>>
      %dma_start3A = arith.constant 0 : i32
      %dma_start3A_70 = tpu.memref_slice %arg5[%arg0, %add3A_61, %dma_start3A] : memref<2x10240x128xf32, #tpu.memory_space<hbm>> -> memref<1x128x128xf32, #tpu.memory_space<hbm>>
      %dma_start3A_71 = tpu.memref_squeeze %dma_start3A_70 : memref<1x128x128xf32, #tpu.memory_space<hbm>> -> memref<128x128xf32, #tpu.memory_space<hbm>>
      %dma_start3A_72 = arith.constant 0 : i32
      %dma_start3A_73 = tpu.memref_slice %arg5[%arg0, %add3A_61, %dma_start3A_72] : memref<2x10240x128xf32, #tpu.memory_space<hbm>> -> memref<1x128x128xf32, #tpu.memory_space<hbm>>
      %dma_start3A_74 = tpu.memref_squeeze %dma_start3A_73 : memref<1x128x128xf32, #tpu.memory_space<hbm>> -> memref<128x128xf32, #tpu.memory_space<hbm>>
      tpu.enqueue_dma source(%arg8 : memref<128x128xf32, #tpu.memory_space<vmem>>) target(%dma_start3A_74 : memref<128x128xf32, #tpu.memory_space<hbm>>) target_semaphore(%run_scoped3A : memref<!tpu.dma_semaphore, #tpu.memory_space<semaphore_mem>>)
      %dma_wait3A = arith.constant 0 : i32
      %dma_wait3A_75 = tpu.memref_slice %arg5[%arg0, %add3A_61, %dma_wait3A] : memref<2x10240x128xf32, #tpu.memory_space<hbm>> -> memref<1x128x128xf32, #tpu.memory_space<hbm>>
      %dma_wait3A_76 = tpu.memref_squeeze %dma_wait3A_75 : memref<1x128x128xf32, #tpu.memory_space<hbm>> -> memref<128x128xf32, #tpu.memory_space<hbm>>
      %dma_wait3A_77 = arith.constant 0 : i32
      %dma_wait3A_78 = tpu.memref_slice %arg5[%arg0, %add3A_61, %dma_wait3A_77] : memref<2x10240x128xf32, #tpu.memory_space<hbm>> -> memref<1x128x128xf32, #tpu.memory_space<hbm>>
      %dma_wait3A_79 = tpu.memref_squeeze %dma_wait3A_78 : memref<1x128x128xf32, #tpu.memory_space<hbm>> -> memref<128x128xf32, #tpu.memory_space<hbm>>
      tpu.wait_dma2 semaphore(%run_scoped3A : memref<!tpu.dma_semaphore, #tpu.memory_space<semaphore_mem>>) src(%arg8 : memref<128x128xf32, #tpu.memory_space<vmem>>) dst(%dma_wait3A_79 : memref<128x128xf32, #tpu.memory_space<hbm>>)
      tpu.yield
    }) : () -> ()
    %mul3A_62 = arith.constant 640 : i32
    %mul3A_63 = arith.muli %arg1, %mul3A_62 : i32
    %add3A_64 = arith.constant 512 : i32
    %add3A_65 = arith.addi %mul3A_63, %add3A_64 : i32
    "tpu.region"() ({
      %run_scoped3A = tpu.sem_alloc : memref<!tpu.dma_semaphore, #tpu.memory_space<semaphore_mem>>
      %dma_start3A = arith.constant 0 : i32
      %dma_start3A_70 = tpu.memref_slice %arg10[%add3A_65, %dma_start3A] : memref<10240x128xf32, #tpu.memory_space<vmem_shared>> -> memref<128x128xf32, #tpu.memory_space<vmem_shared>>
      %dma_start3A_71 = arith.constant 0 : i32
      %dma_start3A_72 = tpu.memref_slice %arg10[%add3A_65, %dma_start3A_71] : memref<10240x128xf32, #tpu.memory_space<vmem_shared>> -> memref<128x128xf32, #tpu.memory_space<vmem_shared>>
      tpu.enqueue_dma source(%dma_start3A_72 : memref<128x128xf32, #tpu.memory_space<vmem_shared>>) target(%arg8 : memref<128x128xf32, #tpu.memory_space<vmem>>) target_semaphore(%run_scoped3A : memref<!tpu.dma_semaphore, #tpu.memory_space<semaphore_mem>>)
      %dma_wait3A = arith.constant 0 : i32
      %dma_wait3A_73 = tpu.memref_slice %arg10[%add3A_65, %dma_wait3A] : memref<10240x128xf32, #tpu.memory_space<vmem_shared>> -> memref<128x128xf32, #tpu.memory_space<vmem_shared>>
      %dma_wait3A_74 = arith.constant 0 : i32
      %dma_wait3A_75 = tpu.memref_slice %arg10[%add3A_65, %dma_wait3A_74] : memref<10240x128xf32, #tpu.memory_space<vmem_shared>> -> memref<128x128xf32, #tpu.memory_space<vmem_shared>>
      tpu.wait_dma2 semaphore(%run_scoped3A : memref<!tpu.dma_semaphore, #tpu.memory_space<semaphore_mem>>) src(%dma_wait3A_75 : memref<128x128xf32, #tpu.memory_space<vmem_shared>>) dst(%arg8 : memref<128x128xf32, #tpu.memory_space<vmem>>)
      tpu.yield
    }) : () -> ()
    %mul3A_66 = arith.constant 640 : i32
    %mul3A_67 = arith.muli %arg1, %mul3A_66 : i32
    %add3A_68 = arith.constant 512 : i32
    %add3A_69 = arith.addi %mul3A_67, %add3A_68 : i32
    "tpu.region"() ({
      %run_scoped3A = tpu.sem_alloc : memref<!tpu.dma_semaphore, #tpu.memory_space<semaphore_mem>>
      %dma_start3A = arith.constant 0 : i32
      %dma_start3A_70 = tpu.memref_slice %arg5[%arg0, %add3A_69, %dma_start3A] : memref<2x10240x128xf32, #tpu.memory_space<hbm>> -> memref<1x128x128xf32, #tpu.memory_space<hbm>>
      %dma_start3A_71 = tpu.memref_squeeze %dma_start3A_70 : memref<1x128x128xf32, #tpu.memory_space<hbm>> -> memref<128x128xf32, #tpu.memory_space<hbm>>
      %dma_start3A_72 = arith.constant 0 : i32
      %dma_start3A_73 = tpu.memref_slice %arg5[%arg0, %add3A_69, %dma_start3A_72] : memref<2x10240x128xf32, #tpu.memory_space<hbm>> -> memref<1x128x128xf32, #tpu.memory_space<hbm>>
      %dma_start3A_74 = tpu.memref_squeeze %dma_start3A_73 : memref<1x128x128xf32, #tpu.memory_space<hbm>> -> memref<128x128xf32, #tpu.memory_space<hbm>>
      tpu.enqueue_dma source(%arg8 : memref<128x128xf32, #tpu.memory_space<vmem>>) target(%dma_start3A_74 : memref<128x128xf32, #tpu.memory_space<hbm>>) target_semaphore(%run_scoped3A : memref<!tpu.dma_semaphore, #tpu.memory_space<semaphore_mem>>)
      %dma_wait3A = arith.constant 0 : i32
      %dma_wait3A_75 = tpu.memref_slice %arg5[%arg0, %add3A_69, %dma_wait3A] : memref<2x10240x128xf32, #tpu.memory_space<hbm>> -> memref<1x128x128xf32, #tpu.memory_space<hbm>>
      %dma_wait3A_76 = tpu.memref_squeeze %dma_wait3A_75 : memref<1x128x128xf32, #tpu.memory_space<hbm>> -> memref<128x128xf32, #tpu.memory_space<hbm>>
      %dma_wait3A_77 = arith.constant 0 : i32
      %dma_wait3A_78 = tpu.memref_slice %arg5[%arg0, %add3A_69, %dma_wait3A_77] : memref<2x10240x128xf32, #tpu.memory_space<hbm>> -> memref<1x128x128xf32, #tpu.memory_space<hbm>>
      %dma_wait3A_79 = tpu.memref_squeeze %dma_wait3A_78 : memref<1x128x128xf32, #tpu.memory_space<hbm>> -> memref<128x128xf32, #tpu.memory_space<hbm>>
      tpu.wait_dma2 semaphore(%run_scoped3A : memref<!tpu.dma_semaphore, #tpu.memory_space<semaphore_mem>>) src(%arg8 : memref<128x128xf32, #tpu.memory_space<vmem>>) dst(%dma_wait3A_79 : memref<128x128xf32, #tpu.memory_space<hbm>>)
      tpu.yield
    }) : () -> ()
    return
  }
}

#map = affine_map<(d0, d1) -> (0, 0)>
#map1 = affine_map<(d0, d1) -> (0, 0, 0, 0)>
#map2 = affine_map<(d0, d1) -> (0, 0, 0)>
module attributes {stable_mosaic.version = 14 : i64} {
  func.func @_edge_scatter(%arg0: i32, %arg1: i32, %arg2: memref<20480x128xf32, #tpu.memory_space<hbm>>, %arg3: memref<2x16x160x128xi32, #tpu.memory_space<hbm>>, %arg4: memref<2x16x160x128xi32, #tpu.memory_space<hbm>>, %arg5: memref<2x10240x128xf32, #tpu.memory_space<hbm>>, %arg6: memref<32x128xi32, #tpu.memory_space<vmem>>, %arg7: memref<32x128xi32, #tpu.memory_space<vmem>>, %arg8: memref<128x128xf32, #tpu.memory_space<vmem>>, %arg9: memref<128x128xf32, #tpu.memory_space<vmem>>, %arg10: memref<10240x128xf32, #tpu.memory_space<vmem_shared>>, %arg11: memref<!tpu.dma_semaphore, #tpu.memory_space<semaphore_mem>>, %arg12: memref<!tpu.dma_semaphore, #tpu.memory_space<semaphore_mem>>) attributes {dimension_semantics = [#tpu.dimension_semantics<core_parallel>, #tpu.dimension_semantics<subcore_parallel>], iteration_bounds = array<i64: 2, 16>, scalar_prefetch = 0 : i64, scratch_operands = 7 : i64, tpu.core_type = #tpu.core_type<sc_vector_subcore>, window_params = [{transform_indices = #map}, {transform_indices = #map1}, {transform_indices = #map1}, {transform_indices = #map2}]} {
    %scan3A = arith.constant 0 : i32
    %scan3A_0 = arith.constant 0 : i32
    %scan3A_1 = arith.constant 128 : i32
    %scan3A_2 = arith.addi %scan3A_0, %scan3A_1 : i32
    %scan3A_3 = arith.constant 1 : i32
    scf.for %scan3A_70 = %scan3A_0 to %scan3A_2 step %scan3A_3  : i32 {
      %broadcast_in_dim3A = arith.constant 0.000000e+00 : f32
      %broadcast_in_dim3A_71 = vector.broadcast %broadcast_in_dim3A : f32 to vector<16xf32>
      %swap3A = arith.index_cast %scan3A_70 : i32 to index
      %swap3A_72 = arith.constant 0 : index
      %swap3A_73 = tpu.vector_load %arg8[%swap3A, %swap3A_72] {strides = array<i32>} : memref<128x128xf32, #tpu.memory_space<vmem>>, vector<1x16xf32>,
      %swap3A_74 = vector.shape_cast %swap3A_73 : vector<1x16xf32> to vector<16xf32>
      %swap3A_75 = vector.shape_cast %broadcast_in_dim3A_71 : vector<16xf32> to vector<1x16xf32>
      tpu.vector_store %arg8[%swap3A, %swap3A_72], %swap3A_75 {strides = array<i32>} : memref<128x128xf32, #tpu.memory_space<vmem>>, vector<1x16xf32>,
      %broadcast_in_dim3A_76 = arith.constant 0.000000e+00 : f32
      %broadcast_in_dim3A_77 = vector.broadcast %broadcast_in_dim3A_76 : f32 to vector<16xf32>
      %swap3A_78 = arith.index_cast %scan3A_70 : i32 to index
      %swap3A_79 = arith.constant 16 : index
      %swap3A_80 = tpu.vector_load %arg8[%swap3A_78, %swap3A_79] {strides = array<i32>} : memref<128x128xf32, #tpu.memory_space<vmem>>, vector<1x16xf32>,
      %swap3A_81 = vector.shape_cast %swap3A_80 : vector<1x16xf32> to vector<16xf32>
      %swap3A_82 = vector.shape_cast %broadcast_in_dim3A_77 : vector<16xf32> to vector<1x16xf32>
      tpu.vector_store %arg8[%swap3A_78, %swap3A_79], %swap3A_82 {strides = array<i32>} : memref<128x128xf32, #tpu.memory_space<vmem>>, vector<1x16xf32>,
      %broadcast_in_dim3A_83 = arith.constant 0.000000e+00 : f32
      %broadcast_in_dim3A_84 = vector.broadcast %broadcast_in_dim3A_83 : f32 to vector<16xf32>
      %swap3A_85 = arith.index_cast %scan3A_70 : i32 to index
      %swap3A_86 = arith.constant 32 : index
      %swap3A_87 = tpu.vector_load %arg8[%swap3A_85, %swap3A_86] {strides = array<i32>} : memref<128x128xf32, #tpu.memory_space<vmem>>, vector<1x16xf32>,
      %swap3A_88 = vector.shape_cast %swap3A_87 : vector<1x16xf32> to vector<16xf32>
      %swap3A_89 = vector.shape_cast %broadcast_in_dim3A_84 : vector<16xf32> to vector<1x16xf32>
      tpu.vector_store %arg8[%swap3A_85, %swap3A_86], %swap3A_89 {strides = array<i32>} : memref<128x128xf32, #tpu.memory_space<vmem>>, vector<1x16xf32>,
      %broadcast_in_dim3A_90 = arith.constant 0.000000e+00 : f32
      %broadcast_in_dim3A_91 = vector.broadcast %broadcast_in_dim3A_90 : f32 to vector<16xf32>
      %swap3A_92 = arith.index_cast %scan3A_70 : i32 to index
      %swap3A_93 = arith.constant 48 : index
      %swap3A_94 = tpu.vector_load %arg8[%swap3A_92, %swap3A_93] {strides = array<i32>} : memref<128x128xf32, #tpu.memory_space<vmem>>, vector<1x16xf32>,
      %swap3A_95 = vector.shape_cast %swap3A_94 : vector<1x16xf32> to vector<16xf32>
      %swap3A_96 = vector.shape_cast %broadcast_in_dim3A_91 : vector<16xf32> to vector<1x16xf32>
      tpu.vector_store %arg8[%swap3A_92, %swap3A_93], %swap3A_96 {strides = array<i32>} : memref<128x128xf32, #tpu.memory_space<vmem>>, vector<1x16xf32>,
      %broadcast_in_dim3A_97 = arith.constant 0.000000e+00 : f32
      %broadcast_in_dim3A_98 = vector.broadcast %broadcast_in_dim3A_97 : f32 to vector<16xf32>
      %swap3A_99 = arith.index_cast %scan3A_70 : i32 to index
      %swap3A_100 = arith.constant 64 : index
      %swap3A_101 = tpu.vector_load %arg8[%swap3A_99, %swap3A_100] {strides = array<i32>} : memref<128x128xf32, #tpu.memory_space<vmem>>, vector<1x16xf32>,
      %swap3A_102 = vector.shape_cast %swap3A_101 : vector<1x16xf32> to vector<16xf32>
      %swap3A_103 = vector.shape_cast %broadcast_in_dim3A_98 : vector<16xf32> to vector<1x16xf32>
      tpu.vector_store %arg8[%swap3A_99, %swap3A_100], %swap3A_103 {strides = array<i32>} : memref<128x128xf32, #tpu.memory_space<vmem>>, vector<1x16xf32>,
      %broadcast_in_dim3A_104 = arith.constant 0.000000e+00 : f32
      %broadcast_in_dim3A_105 = vector.broadcast %broadcast_in_dim3A_104 : f32 to vector<16xf32>
      %swap3A_106 = arith.index_cast %scan3A_70 : i32 to index
      %swap3A_107 = arith.constant 80 : index
      %swap3A_108 = tpu.vector_load %arg8[%swap3A_106, %swap3A_107] {strides = array<i32>} : memref<128x128xf32, #tpu.memory_space<vmem>>, vector<1x16xf32>,
      %swap3A_109 = vector.shape_cast %swap3A_108 : vector<1x16xf32> to vector<16xf32>
      %swap3A_110 = vector.shape_cast %broadcast_in_dim3A_105 : vector<16xf32> to vector<1x16xf32>
      tpu.vector_store %arg8[%swap3A_106, %swap3A_107], %swap3A_110 {strides = array<i32>} : memref<128x128xf32, #tpu.memory_space<vmem>>, vector<1x16xf32>,
      %broadcast_in_dim3A_111 = arith.constant 0.000000e+00 : f32
      %broadcast_in_dim3A_112 = vector.broadcast %broadcast_in_dim3A_111 : f32 to vector<16xf32>
      %swap3A_113 = arith.index_cast %scan3A_70 : i32 to index
      %swap3A_114 = arith.constant 96 : index
      %swap3A_115 = tpu.vector_load %arg8[%swap3A_113, %swap3A_114] {strides = array<i32>} : memref<128x128xf32, #tpu.memory_space<vmem>>, vector<1x16xf32>,
      %swap3A_116 = vector.shape_cast %swap3A_115 : vector<1x16xf32> to vector<16xf32>
      %swap3A_117 = vector.shape_cast %broadcast_in_dim3A_112 : vector<16xf32> to vector<1x16xf32>
      tpu.vector_store %arg8[%swap3A_113, %swap3A_114], %swap3A_117 {strides = array<i32>} : memref<128x128xf32, #tpu.memory_space<vmem>>, vector<1x16xf32>,
      %broadcast_in_dim3A_118 = arith.constant 0.000000e+00 : f32
      %broadcast_in_dim3A_119 = vector.broadcast %broadcast_in_dim3A_118 : f32 to vector<16xf32>
      %swap3A_120 = arith.index_cast %scan3A_70 : i32 to index
      %swap3A_121 = arith.constant 112 : index
      %swap3A_122 = tpu.vector_load %arg8[%swap3A_120, %swap3A_121] {strides = array<i32>} : memref<128x128xf32, #tpu.memory_space<vmem>>, vector<1x16xf32>,
      %swap3A_123 = vector.shape_cast %swap3A_122 : vector<1x16xf32> to vector<16xf32>
      %swap3A_124 = vector.shape_cast %broadcast_in_dim3A_119 : vector<16xf32> to vector<1x16xf32>
      tpu.vector_store %arg8[%swap3A_120, %swap3A_121], %swap3A_124 {strides = array<i32>} : memref<128x128xf32, #tpu.memory_space<vmem>>, vector<1x16xf32>,
    }
    %scan3A_4 = arith.constant 128 : i32
    %mul3A = arith.constant 640 : i32
    %mul3A_5 = arith.muli %arg1, %mul3A : i32
    %add3A = arith.constant 0 : i32
    %add3A_6 = arith.addi %mul3A_5, %add3A : i32
    "tpu.region"() ({
      %run_scoped3A = tpu.sem_alloc : memref<!tpu.dma_semaphore, #tpu.memory_space<semaphore_mem>>
      %dma_start3A = arith.constant 0 : i32
      %dma_start3A_70 = tpu.memref_slice %arg10[%add3A_6, %dma_start3A] : memref<10240x128xf32, #tpu.memory_space<vmem_shared>> -> memref<128x128xf32, #tpu.memory_space<vmem_shared>>
      %dma_start3A_71 = arith.constant 0 : i32
      %dma_start3A_72 = tpu.memref_slice %arg10[%add3A_6, %dma_start3A_71] : memref<10240x128xf32, #tpu.memory_space<vmem_shared>> -> memref<128x128xf32, #tpu.memory_space<vmem_shared>>
      tpu.enqueue_dma source(%arg8 : memref<128x128xf32, #tpu.memory_space<vmem>>) target(%dma_start3A_72 : memref<128x128xf32, #tpu.memory_space<vmem_shared>>) target_semaphore(%run_scoped3A : memref<!tpu.dma_semaphore, #tpu.memory_space<semaphore_mem>>)
      %dma_wait3A = arith.constant 0 : i32
      %dma_wait3A_73 = tpu.memref_slice %arg10[%add3A_6, %dma_wait3A] : memref<10240x128xf32, #tpu.memory_space<vmem_shared>> -> memref<128x128xf32, #tpu.memory_space<vmem_shared>>
      %dma_wait3A_74 = arith.constant 0 : i32
      %dma_wait3A_75 = tpu.memref_slice %arg10[%add3A_6, %dma_wait3A_74] : memref<10240x128xf32, #tpu.memory_space<vmem_shared>> -> memref<128x128xf32, #tpu.memory_space<vmem_shared>>
      tpu.wait_dma2 semaphore(%run_scoped3A : memref<!tpu.dma_semaphore, #tpu.memory_space<semaphore_mem>>) src(%arg8 : memref<128x128xf32, #tpu.memory_space<vmem>>) dst(%dma_wait3A_75 : memref<128x128xf32, #tpu.memory_space<vmem_shared>>)
      tpu.yield
    }) : () -> ()
    %mul3A_7 = arith.constant 640 : i32
    %mul3A_8 = arith.muli %arg1, %mul3A_7 : i32
    %add3A_9 = arith.constant 128 : i32
    %add3A_10 = arith.addi %mul3A_8, %add3A_9 : i32
    "tpu.region"() ({
      %run_scoped3A = tpu.sem_alloc : memref<!tpu.dma_semaphore, #tpu.memory_space<semaphore_mem>>
      %dma_start3A = arith.constant 0 : i32
      %dma_start3A_70 = tpu.memref_slice %arg10[%add3A_10, %dma_start3A] : memref<10240x128xf32, #tpu.memory_space<vmem_shared>> -> memref<128x128xf32, #tpu.memory_space<vmem_shared>>
      %dma_start3A_71 = arith.constant 0 : i32
      %dma_start3A_72 = tpu.memref_slice %arg10[%add3A_10, %dma_start3A_71] : memref<10240x128xf32, #tpu.memory_space<vmem_shared>> -> memref<128x128xf32, #tpu.memory_space<vmem_shared>>
      tpu.enqueue_dma source(%arg8 : memref<128x128xf32, #tpu.memory_space<vmem>>) target(%dma_start3A_72 : memref<128x128xf32, #tpu.memory_space<vmem_shared>>) target_semaphore(%run_scoped3A : memref<!tpu.dma_semaphore, #tpu.memory_space<semaphore_mem>>)
      %dma_wait3A = arith.constant 0 : i32
      %dma_wait3A_73 = tpu.memref_slice %arg10[%add3A_10, %dma_wait3A] : memref<10240x128xf32, #tpu.memory_space<vmem_shared>> -> memref<128x128xf32, #tpu.memory_space<vmem_shared>>
      %dma_wait3A_74 = arith.constant 0 : i32
      %dma_wait3A_75 = tpu.memref_slice %arg10[%add3A_10, %dma_wait3A_74] : memref<10240x128xf32, #tpu.memory_space<vmem_shared>> -> memref<128x128xf32, #tpu.memory_space<vmem_shared>>
      tpu.wait_dma2 semaphore(%run_scoped3A : memref<!tpu.dma_semaphore, #tpu.memory_space<semaphore_mem>>) src(%arg8 : memref<128x128xf32, #tpu.memory_space<vmem>>) dst(%dma_wait3A_75 : memref<128x128xf32, #tpu.memory_space<vmem_shared>>)
      tpu.yield
    }) : () -> ()
    %mul3A_11 = arith.constant 640 : i32
    %mul3A_12 = arith.muli %arg1, %mul3A_11 : i32
    %add3A_13 = arith.constant 256 : i32
    %add3A_14 = arith.addi %mul3A_12, %add3A_13 : i32
    "tpu.region"() ({
      %run_scoped3A = tpu.sem_alloc : memref<!tpu.dma_semaphore, #tpu.memory_space<semaphore_mem>>
      %dma_start3A = arith.constant 0 : i32
      %dma_start3A_70 = tpu.memref_slice %arg10[%add3A_14, %dma_start3A] : memref<10240x128xf32, #tpu.memory_space<vmem_shared>> -> memref<128x128xf32, #tpu.memory_space<vmem_shared>>
      %dma_start3A_71 = arith.constant 0 : i32
      %dma_start3A_72 = tpu.memref_slice %arg10[%add3A_14, %dma_start3A_71] : memref<10240x128xf32, #tpu.memory_space<vmem_shared>> -> memref<128x128xf32, #tpu.memory_space<vmem_shared>>
      tpu.enqueue_dma source(%arg8 : memref<128x128xf32, #tpu.memory_space<vmem>>) target(%dma_start3A_72 : memref<128x128xf32, #tpu.memory_space<vmem_shared>>) target_semaphore(%run_scoped3A : memref<!tpu.dma_semaphore, #tpu.memory_space<semaphore_mem>>)
      %dma_wait3A = arith.constant 0 : i32
      %dma_wait3A_73 = tpu.memref_slice %arg10[%add3A_14, %dma_wait3A] : memref<10240x128xf32, #tpu.memory_space<vmem_shared>> -> memref<128x128xf32, #tpu.memory_space<vmem_shared>>
      %dma_wait3A_74 = arith.constant 0 : i32
      %dma_wait3A_75 = tpu.memref_slice %arg10[%add3A_14, %dma_wait3A_74] : memref<10240x128xf32, #tpu.memory_space<vmem_shared>> -> memref<128x128xf32, #tpu.memory_space<vmem_shared>>
      tpu.wait_dma2 semaphore(%run_scoped3A : memref<!tpu.dma_semaphore, #tpu.memory_space<semaphore_mem>>) src(%arg8 : memref<128x128xf32, #tpu.memory_space<vmem>>) dst(%dma_wait3A_75 : memref<128x128xf32, #tpu.memory_space<vmem_shared>>)
      tpu.yield
    }) : () -> ()
    %mul3A_15 = arith.constant 640 : i32
    %mul3A_16 = arith.muli %arg1, %mul3A_15 : i32
    %add3A_17 = arith.constant 384 : i32
    %add3A_18 = arith.addi %mul3A_16, %add3A_17 : i32
    "tpu.region"() ({
      %run_scoped3A = tpu.sem_alloc : memref<!tpu.dma_semaphore, #tpu.memory_space<semaphore_mem>>
      %dma_start3A = arith.constant 0 : i32
      %dma_start3A_70 = tpu.memref_slice %arg10[%add3A_18, %dma_start3A] : memref<10240x128xf32, #tpu.memory_space<vmem_shared>> -> memref<128x128xf32, #tpu.memory_space<vmem_shared>>
      %dma_start3A_71 = arith.constant 0 : i32
      %dma_start3A_72 = tpu.memref_slice %arg10[%add3A_18, %dma_start3A_71] : memref<10240x128xf32, #tpu.memory_space<vmem_shared>> -> memref<128x128xf32, #tpu.memory_space<vmem_shared>>
      tpu.enqueue_dma source(%arg8 : memref<128x128xf32, #tpu.memory_space<vmem>>) target(%dma_start3A_72 : memref<128x128xf32, #tpu.memory_space<vmem_shared>>) target_semaphore(%run_scoped3A : memref<!tpu.dma_semaphore, #tpu.memory_space<semaphore_mem>>)
      %dma_wait3A = arith.constant 0 : i32
      %dma_wait3A_73 = tpu.memref_slice %arg10[%add3A_18, %dma_wait3A] : memref<10240x128xf32, #tpu.memory_space<vmem_shared>> -> memref<128x128xf32, #tpu.memory_space<vmem_shared>>
      %dma_wait3A_74 = arith.constant 0 : i32
      %dma_wait3A_75 = tpu.memref_slice %arg10[%add3A_18, %dma_wait3A_74] : memref<10240x128xf32, #tpu.memory_space<vmem_shared>> -> memref<128x128xf32, #tpu.memory_space<vmem_shared>>
      tpu.wait_dma2 semaphore(%run_scoped3A : memref<!tpu.dma_semaphore, #tpu.memory_space<semaphore_mem>>) src(%arg8 : memref<128x128xf32, #tpu.memory_space<vmem>>) dst(%dma_wait3A_75 : memref<128x128xf32, #tpu.memory_space<vmem_shared>>)
      tpu.yield
    }) : () -> ()
    %mul3A_19 = arith.constant 640 : i32
    %mul3A_20 = arith.muli %arg1, %mul3A_19 : i32
    %add3A_21 = arith.constant 512 : i32
    %add3A_22 = arith.addi %mul3A_20, %add3A_21 : i32
    "tpu.region"() ({
      %run_scoped3A = tpu.sem_alloc : memref<!tpu.dma_semaphore, #tpu.memory_space<semaphore_mem>>
      %dma_start3A = arith.constant 0 : i32
      %dma_start3A_70 = tpu.memref_slice %arg10[%add3A_22, %dma_start3A] : memref<10240x128xf32, #tpu.memory_space<vmem_shared>> -> memref<128x128xf32, #tpu.memory_space<vmem_shared>>
      %dma_start3A_71 = arith.constant 0 : i32
      %dma_start3A_72 = tpu.memref_slice %arg10[%add3A_22, %dma_start3A_71] : memref<10240x128xf32, #tpu.memory_space<vmem_shared>> -> memref<128x128xf32, #tpu.memory_space<vmem_shared>>
      tpu.enqueue_dma source(%arg8 : memref<128x128xf32, #tpu.memory_space<vmem>>) target(%dma_start3A_72 : memref<128x128xf32, #tpu.memory_space<vmem_shared>>) target_semaphore(%run_scoped3A : memref<!tpu.dma_semaphore, #tpu.memory_space<semaphore_mem>>)
      %dma_wait3A = arith.constant 0 : i32
      %dma_wait3A_73 = tpu.memref_slice %arg10[%add3A_22, %dma_wait3A] : memref<10240x128xf32, #tpu.memory_space<vmem_shared>> -> memref<128x128xf32, #tpu.memory_space<vmem_shared>>
      %dma_wait3A_74 = arith.constant 0 : i32
      %dma_wait3A_75 = tpu.memref_slice %arg10[%add3A_22, %dma_wait3A_74] : memref<10240x128xf32, #tpu.memory_space<vmem_shared>> -> memref<128x128xf32, #tpu.memory_space<vmem_shared>>
      tpu.wait_dma2 semaphore(%run_scoped3A : memref<!tpu.dma_semaphore, #tpu.memory_space<semaphore_mem>>) src(%arg8 : memref<128x128xf32, #tpu.memory_space<vmem>>) dst(%dma_wait3A_75 : memref<128x128xf32, #tpu.memory_space<vmem_shared>>)
      tpu.yield
    }) : () -> ()
    %barrier3A = arith.constant 0 : index
    tpu.barrier barrier_id(%barrier3A)
    %scan3A_23 = arith.constant 0 : i32
    %scan3A_24 = arith.constant 0 : i32
    %scan3A_25 = arith.constant 5 : i32
    %scan3A_26 = arith.addi %scan3A_24, %scan3A_25 : i32
    %scan3A_27 = arith.constant 1 : i32
    scf.for %scan3A_70 = %scan3A_24 to %scan3A_26 step %scan3A_27  : i32 {
      %mul3A_71 = arith.constant 32 : i32
      %mul3A_72 = arith.muli %scan3A_70, %mul3A_71 : i32
      "tpu.region"() ({
        %run_scoped3A = tpu.sem_alloc : memref<!tpu.dma_semaphore, #tpu.memory_space<semaphore_mem>>
        %dma_start3A_87 = arith.constant 0 : i32
        %dma_start3A_88 = tpu.memref_slice %arg3[%arg0, %arg1, %mul3A_72, %dma_start3A_87] : memref<2x16x160x128xi32, #tpu.memory_space<hbm>> -> memref<1x1x32x128xi32, #tpu.memory_space<hbm>>
        %dma_start3A_89 = tpu.memref_squeeze %dma_start3A_88 : memref<1x1x32x128xi32, #tpu.memory_space<hbm>> -> memref<32x128xi32, #tpu.memory_space<hbm>>
        %dma_start3A_90 = arith.constant 0 : i32
        %dma_start3A_91 = tpu.memref_slice %arg3[%arg0, %arg1, %mul3A_72, %dma_start3A_90] : memref<2x16x160x128xi32, #tpu.memory_space<hbm>> -> memref<1x1x32x128xi32, #tpu.memory_space<hbm>>
        %dma_start3A_92 = tpu.memref_squeeze %dma_start3A_91 : memref<1x1x32x128xi32, #tpu.memory_space<hbm>> -> memref<32x128xi32, #tpu.memory_space<hbm>>
        tpu.enqueue_dma source(%dma_start3A_92 : memref<32x128xi32, #tpu.memory_space<hbm>>) target(%arg6 : memref<32x128xi32, #tpu.memory_space<vmem>>) target_semaphore(%run_scoped3A : memref<!tpu.dma_semaphore, #tpu.memory_space<semaphore_mem>>)
        %dma_wait3A = arith.constant 0 : i32
        %dma_wait3A_93 = tpu.memref_slice %arg3[%arg0, %arg1, %mul3A_72, %dma_wait3A] : memref<2x16x160x128xi32, #tpu.memory_space<hbm>> -> memref<1x1x32x128xi32, #tpu.memory_space<hbm>>
        %dma_wait3A_94 = tpu.memref_squeeze %dma_wait3A_93 : memref<1x1x32x128xi32, #tpu.memory_space<hbm>> -> memref<32x128xi32, #tpu.memory_space<hbm>>
        %dma_wait3A_95 = arith.constant 0 : i32
        %dma_wait3A_96 = tpu.memref_slice %arg3[%arg0, %arg1, %mul3A_72, %dma_wait3A_95] : memref<2x16x160x128xi32, #tpu.memory_space<hbm>> -> memref<1x1x32x128xi32, #tpu.memory_space<hbm>>
        %dma_wait3A_97 = tpu.memref_squeeze %dma_wait3A_96 : memref<1x1x32x128xi32, #tpu.memory_space<hbm>> -> memref<32x128xi32, #tpu.memory_space<hbm>>
        tpu.wait_dma2 semaphore(%run_scoped3A : memref<!tpu.dma_semaphore, #tpu.memory_space<semaphore_mem>>) src(%dma_wait3A_97 : memref<32x128xi32, #tpu.memory_space<hbm>>) dst(%arg6 : memref<32x128xi32, #tpu.memory_space<vmem>>)
        tpu.yield
      }) : () -> ()
      %mul3A_73 = arith.constant 32 : i32
      %mul3A_74 = arith.muli %scan3A_70, %mul3A_73 : i32
      "tpu.region"() ({
        %run_scoped3A = tpu.sem_alloc : memref<!tpu.dma_semaphore, #tpu.memory_space<semaphore_mem>>
        %dma_start3A_87 = arith.constant 0 : i32
        %dma_start3A_88 = tpu.memref_slice %arg4[%arg0, %arg1, %mul3A_74, %dma_start3A_87] : memref<2x16x160x128xi32, #tpu.memory_space<hbm>> -> memref<1x1x32x128xi32, #tpu.memory_space<hbm>>
        %dma_start3A_89 = tpu.memref_squeeze %dma_start3A_88 : memref<1x1x32x128xi32, #tpu.memory_space<hbm>> -> memref<32x128xi32, #tpu.memory_space<hbm>>
        %dma_start3A_90 = arith.constant 0 : i32
        %dma_start3A_91 = tpu.memref_slice %arg4[%arg0, %arg1, %mul3A_74, %dma_start3A_90] : memref<2x16x160x128xi32, #tpu.memory_space<hbm>> -> memref<1x1x32x128xi32, #tpu.memory_space<hbm>>
        %dma_start3A_92 = tpu.memref_squeeze %dma_start3A_91 : memref<1x1x32x128xi32, #tpu.memory_space<hbm>> -> memref<32x128xi32, #tpu.memory_space<hbm>>
        tpu.enqueue_dma source(%dma_start3A_92 : memref<32x128xi32, #tpu.memory_space<hbm>>) target(%arg7 : memref<32x128xi32, #tpu.memory_space<vmem>>) target_semaphore(%run_scoped3A : memref<!tpu.dma_semaphore, #tpu.memory_space<semaphore_mem>>)
        %dma_wait3A = arith.constant 0 : i32
        %dma_wait3A_93 = tpu.memref_slice %arg4[%arg0, %arg1, %mul3A_74, %dma_wait3A] : memref<2x16x160x128xi32, #tpu.memory_space<hbm>> -> memref<1x1x32x128xi32, #tpu.memory_space<hbm>>
        %dma_wait3A_94 = tpu.memref_squeeze %dma_wait3A_93 : memref<1x1x32x128xi32, #tpu.memory_space<hbm>> -> memref<32x128xi32, #tpu.memory_space<hbm>>
        %dma_wait3A_95 = arith.constant 0 : i32
        %dma_wait3A_96 = tpu.memref_slice %arg4[%arg0, %arg1, %mul3A_74, %dma_wait3A_95] : memref<2x16x160x128xi32, #tpu.memory_space<hbm>> -> memref<1x1x32x128xi32, #tpu.memory_space<hbm>>
        %dma_wait3A_97 = tpu.memref_squeeze %dma_wait3A_96 : memref<1x1x32x128xi32, #tpu.memory_space<hbm>> -> memref<32x128xi32, #tpu.memory_space<hbm>>
        tpu.wait_dma2 semaphore(%run_scoped3A : memref<!tpu.dma_semaphore, #tpu.memory_space<semaphore_mem>>) src(%dma_wait3A_97 : memref<32x128xi32, #tpu.memory_space<hbm>>) dst(%arg7 : memref<32x128xi32, #tpu.memory_space<vmem>>)
        tpu.yield
      }) : () -> ()
      %dma_start3A = arith.constant 0 : i32
      %dma_start3A_75 = arith.constant 0 : i32
      %dma_start3A_76 = tpu.memref_slice %arg6[%dma_start3A, %dma_start3A_75] : memref<32x128xi32, #tpu.memory_space<vmem>> -> memref<1x128xi32, #tpu.memory_space<vmem>>
      %dma_start3A_77 = tpu.memref_squeeze %dma_start3A_76 : memref<1x128xi32, #tpu.memory_space<vmem>> -> memref<128xi32, #tpu.memory_space<vmem>>
      %dma_start3A_78 = arith.constant 0 : i32
      %dma_start3A_79 = arith.constant 0 : i32
      %dma_start3A_80 = tpu.memref_slice %arg2[%dma_start3A_78, %dma_start3A_79] : memref<20480x128xf32, #tpu.memory_space<hbm>> -> memref<20480x128xf32, #tpu.memory_space<hbm>>
      tpu.enqueue_indirect_dma source(%dma_start3A_80 : memref<20480x128xf32, #tpu.memory_space<hbm>>) target(%arg8 : memref<128x128xf32, #tpu.memory_space<vmem>>) offsets(%dma_start3A_77 : memref<128xi32, #tpu.memory_space<vmem>>) semaphore(%arg11 : memref<!tpu.dma_semaphore, #tpu.memory_space<semaphore_mem>>)
      %scan3A_81 = arith.constant 0 : i32
      %scan3A_82 = arith.constant 0 : i32
      %scan3A_83 = arith.constant 16 : i32
      %scan3A_84 = arith.addi %scan3A_82, %scan3A_83 : i32
      %scan3A_85 = arith.constant 1 : i32
      scf.for %scan3A_87 = %scan3A_82 to %scan3A_84 step %scan3A_85  : i32 {
        %mul3A_88 = arith.constant 2 : i32
        %mul3A_89 = arith.muli %scan3A_87, %mul3A_88 : i32
        %add3A_90 = arith.constant 1 : i32
        %add3A_91 = arith.addi %mul3A_89, %add3A_90 : i32
        %dma_start3A_92 = arith.constant 0 : i32
        %dma_start3A_93 = tpu.memref_slice %arg6[%add3A_91, %dma_start3A_92] : memref<32x128xi32, #tpu.memory_space<vmem>> -> memref<1x128xi32, #tpu.memory_space<vmem>>
        %dma_start3A_94 = tpu.memref_squeeze %dma_start3A_93 : memref<1x128xi32, #tpu.memory_space<vmem>> -> memref<128xi32, #tpu.memory_space<vmem>>
        %dma_start3A_95 = arith.constant 0 : i32
        %dma_start3A_96 = arith.constant 0 : i32
        %dma_start3A_97 = tpu.memref_slice %arg2[%dma_start3A_95, %dma_start3A_96] : memref<20480x128xf32, #tpu.memory_space<hbm>> -> memref<20480x128xf32, #tpu.memory_space<hbm>>
        tpu.enqueue_indirect_dma source(%dma_start3A_97 : memref<20480x128xf32, #tpu.memory_space<hbm>>) target(%arg9 : memref<128x128xf32, #tpu.memory_space<vmem>>) offsets(%dma_start3A_94 : memref<128xi32, #tpu.memory_space<vmem>>) semaphore(%arg12 : memref<!tpu.dma_semaphore, #tpu.memory_space<semaphore_mem>>)
        %dma_wait3A = arith.constant 0 : i32
        %dma_wait3A_98 = tpu.memref_slice %arg6[%mul3A_89, %dma_wait3A] : memref<32x128xi32, #tpu.memory_space<vmem>> -> memref<1x128xi32, #tpu.memory_space<vmem>>
        %dma_wait3A_99 = tpu.memref_squeeze %dma_wait3A_98 : memref<1x128xi32, #tpu.memory_space<vmem>> -> memref<128xi32, #tpu.memory_space<vmem>>
        %dma_wait3A_100 = arith.constant 0 : i32
        %dma_wait3A_101 = arith.constant 0 : i32
        %dma_wait3A_102 = tpu.memref_slice %arg2[%dma_wait3A_100, %dma_wait3A_101] : memref<20480x128xf32, #tpu.memory_space<hbm>> -> memref<20480x128xf32, #tpu.memory_space<hbm>>
        tpu.wait_indirect_dma semaphore(%arg11 : memref<!tpu.dma_semaphore, #tpu.memory_space<semaphore_mem>>) src(%dma_wait3A_102 : memref<20480x128xf32, #tpu.memory_space<hbm>>) dst(%arg8 : memref<128x128xf32, #tpu.memory_space<vmem>>)
        "tpu.region"() ({
          %run_scoped3A = tpu.sem_alloc : memref<!tpu.dma_semaphore, #tpu.memory_space<semaphore_mem>>
          %dma_start3A_115 = arith.constant 0 : i32
          %dma_start3A_116 = tpu.memref_slice %arg7[%mul3A_89, %dma_start3A_115] : memref<32x128xi32, #tpu.memory_space<vmem>> -> memref<1x128xi32, #tpu.memory_space<vmem>>
          %dma_start3A_117 = tpu.memref_squeeze %dma_start3A_116 : memref<1x128xi32, #tpu.memory_space<vmem>> -> memref<128xi32, #tpu.memory_space<vmem>>
          %dma_start3A_118 = arith.constant 0 : i32
          %dma_start3A_119 = arith.constant 0 : i32
          %dma_start3A_120 = tpu.memref_slice %arg10[%dma_start3A_118, %dma_start3A_119] : memref<10240x128xf32, #tpu.memory_space<vmem_shared>> -> memref<10240x128xf32, #tpu.memory_space<vmem_shared>>
          tpu.enqueue_indirect_dma source(%arg8 : memref<128x128xf32, #tpu.memory_space<vmem>>) target(%dma_start3A_120 : memref<10240x128xf32, #tpu.memory_space<vmem_shared>>) offsets(%dma_start3A_117 : memref<128xi32, #tpu.memory_space<vmem>>) semaphore(%run_scoped3A : memref<!tpu.dma_semaphore, #tpu.memory_space<semaphore_mem>>) {add = true}
          %dma_wait3A_121 = arith.constant 0 : i32
          %dma_wait3A_122 = tpu.memref_slice %arg7[%mul3A_89, %dma_wait3A_121] : memref<32x128xi32, #tpu.memory_space<vmem>> -> memref<1x128xi32, #tpu.memory_space<vmem>>
          %dma_wait3A_123 = tpu.memref_squeeze %dma_wait3A_122 : memref<1x128xi32, #tpu.memory_space<vmem>> -> memref<128xi32, #tpu.memory_space<vmem>>
          %dma_wait3A_124 = arith.constant 0 : i32
          %dma_wait3A_125 = arith.constant 0 : i32
          %dma_wait3A_126 = tpu.memref_slice %arg10[%dma_wait3A_124, %dma_wait3A_125] : memref<10240x128xf32, #tpu.memory_space<vmem_shared>> -> memref<10240x128xf32, #tpu.memory_space<vmem_shared>>
          tpu.wait_indirect_dma semaphore(%run_scoped3A : memref<!tpu.dma_semaphore, #tpu.memory_space<semaphore_mem>>) src(%arg8 : memref<128x128xf32, #tpu.memory_space<vmem>>) dst(%dma_wait3A_126 : memref<10240x128xf32, #tpu.memory_space<vmem_shared>>)
          tpu.yield
        }) : () -> ()
        %lt3A = arith.constant 15 : i32
        %lt3A_103 = arith.cmpi slt, %scan3A_87, %lt3A : i32
        %convert_element_type3A = arith.extui %lt3A_103 : i1 to i32
        %cond3A = arith.constant 0 : i32
        %cond3A_104 = arith.cmpi ne, %convert_element_type3A, %cond3A : i32
        scf.if %cond3A_104 {
          %add3A_115 = arith.constant 2 : i32
          %add3A_116 = arith.addi %mul3A_89, %add3A_115 : i32
          %dma_start3A_117 = arith.constant 0 : i32
          %dma_start3A_118 = tpu.memref_slice %arg6[%add3A_116, %dma_start3A_117] : memref<32x128xi32, #tpu.memory_space<vmem>> -> memref<1x128xi32, #tpu.memory_space<vmem>>
          %dma_start3A_119 = tpu.memref_squeeze %dma_start3A_118 : memref<1x128xi32, #tpu.memory_space<vmem>> -> memref<128xi32, #tpu.memory_space<vmem>>
          %dma_start3A_120 = arith.constant 0 : i32
          %dma_start3A_121 = arith.constant 0 : i32
          %dma_start3A_122 = tpu.memref_slice %arg2[%dma_start3A_120, %dma_start3A_121] : memref<20480x128xf32, #tpu.memory_space<hbm>> -> memref<20480x128xf32, #tpu.memory_space<hbm>>
          tpu.enqueue_indirect_dma source(%dma_start3A_122 : memref<20480x128xf32, #tpu.memory_space<hbm>>) target(%arg8 : memref<128x128xf32, #tpu.memory_space<vmem>>) offsets(%dma_start3A_119 : memref<128xi32, #tpu.memory_space<vmem>>) semaphore(%arg11 : memref<!tpu.dma_semaphore, #tpu.memory_space<semaphore_mem>>)
        } else {
        }
        %add3A_105 = arith.constant 1 : i32
        %add3A_106 = arith.addi %mul3A_89, %add3A_105 : i32
        %dma_wait3A_107 = arith.constant 0 : i32
        %dma_wait3A_108 = tpu.memref_slice %arg6[%add3A_106, %dma_wait3A_107] : memref<32x128xi32, #tpu.memory_space<vmem>> -> memref<1x128xi32, #tpu.memory_space<vmem>>
        %dma_wait3A_109 = tpu.memref_squeeze %dma_wait3A_108 : memref<1x128xi32, #tpu.memory_space<vmem>> -> memref<128xi32, #tpu.memory_space<vmem>>
        %dma_wait3A_110 = arith.constant 0 : i32
        %dma_wait3A_111 = arith.constant 0 : i32
        %dma_wait3A_112 = tpu.memref_slice %arg2[%dma_wait3A_110, %dma_wait3A_111] : memref<20480x128xf32, #tpu.memory_space<hbm>> -> memref<20480x128xf32, #tpu.memory_space<hbm>>
        tpu.wait_indirect_dma semaphore(%arg12 : memref<!tpu.dma_semaphore, #tpu.memory_space<semaphore_mem>>) src(%dma_wait3A_112 : memref<20480x128xf32, #tpu.memory_space<hbm>>) dst(%arg9 : memref<128x128xf32, #tpu.memory_space<vmem>>)
        %add3A_113 = arith.constant 1 : i32
        %add3A_114 = arith.addi %mul3A_89, %add3A_113 : i32
        "tpu.region"() ({
          %run_scoped3A = tpu.sem_alloc : memref<!tpu.dma_semaphore, #tpu.memory_space<semaphore_mem>>
          %dma_start3A_115 = arith.constant 0 : i32
          %dma_start3A_116 = tpu.memref_slice %arg7[%add3A_114, %dma_start3A_115] : memref<32x128xi32, #tpu.memory_space<vmem>> -> memref<1x128xi32, #tpu.memory_space<vmem>>
          %dma_start3A_117 = tpu.memref_squeeze %dma_start3A_116 : memref<1x128xi32, #tpu.memory_space<vmem>> -> memref<128xi32, #tpu.memory_space<vmem>>
          %dma_start3A_118 = arith.constant 0 : i32
          %dma_start3A_119 = arith.constant 0 : i32
          %dma_start3A_120 = tpu.memref_slice %arg10[%dma_start3A_118, %dma_start3A_119] : memref<10240x128xf32, #tpu.memory_space<vmem_shared>> -> memref<10240x128xf32, #tpu.memory_space<vmem_shared>>
          tpu.enqueue_indirect_dma source(%arg9 : memref<128x128xf32, #tpu.memory_space<vmem>>) target(%dma_start3A_120 : memref<10240x128xf32, #tpu.memory_space<vmem_shared>>) offsets(%dma_start3A_117 : memref<128xi32, #tpu.memory_space<vmem>>) semaphore(%run_scoped3A : memref<!tpu.dma_semaphore, #tpu.memory_space<semaphore_mem>>) {add = true}
          %dma_wait3A_121 = arith.constant 0 : i32
          %dma_wait3A_122 = tpu.memref_slice %arg7[%add3A_114, %dma_wait3A_121] : memref<32x128xi32, #tpu.memory_space<vmem>> -> memref<1x128xi32, #tpu.memory_space<vmem>>
          %dma_wait3A_123 = tpu.memref_squeeze %dma_wait3A_122 : memref<1x128xi32, #tpu.memory_space<vmem>> -> memref<128xi32, #tpu.memory_space<vmem>>
          %dma_wait3A_124 = arith.constant 0 : i32
          %dma_wait3A_125 = arith.constant 0 : i32
          %dma_wait3A_126 = tpu.memref_slice %arg10[%dma_wait3A_124, %dma_wait3A_125] : memref<10240x128xf32, #tpu.memory_space<vmem_shared>> -> memref<10240x128xf32, #tpu.memory_space<vmem_shared>>
          tpu.wait_indirect_dma semaphore(%run_scoped3A : memref<!tpu.dma_semaphore, #tpu.memory_space<semaphore_mem>>) src(%arg9 : memref<128x128xf32, #tpu.memory_space<vmem>>) dst(%dma_wait3A_126 : memref<10240x128xf32, #tpu.memory_space<vmem_shared>>)
          tpu.yield
        }) : () -> ()
      }
      %scan3A_86 = arith.constant 16 : i32
    }
    %scan3A_28 = arith.constant 5 : i32
    %barrier3A_29 = arith.constant 0 : index
    tpu.barrier barrier_id(%barrier3A_29)
    %mul3A_30 = arith.constant 640 : i32
    %mul3A_31 = arith.muli %arg1, %mul3A_30 : i32
    %add3A_32 = arith.constant 0 : i32
    %add3A_33 = arith.addi %mul3A_31, %add3A_32 : i32
    "tpu.region"() ({
      %run_scoped3A = tpu.sem_alloc : memref<!tpu.dma_semaphore, #tpu.memory_space<semaphore_mem>>
      %dma_start3A = arith.constant 0 : i32
      %dma_start3A_70 = tpu.memref_slice %arg10[%add3A_33, %dma_start3A] : memref<10240x128xf32, #tpu.memory_space<vmem_shared>> -> memref<128x128xf32, #tpu.memory_space<vmem_shared>>
      %dma_start3A_71 = arith.constant 0 : i32
      %dma_start3A_72 = tpu.memref_slice %arg10[%add3A_33, %dma_start3A_71] : memref<10240x128xf32, #tpu.memory_space<vmem_shared>> -> memref<128x128xf32, #tpu.memory_space<vmem_shared>>
      tpu.enqueue_dma source(%dma_start3A_72 : memref<128x128xf32, #tpu.memory_space<vmem_shared>>) target(%arg8 : memref<128x128xf32, #tpu.memory_space<vmem>>) target_semaphore(%run_scoped3A : memref<!tpu.dma_semaphore, #tpu.memory_space<semaphore_mem>>)
      %dma_wait3A = arith.constant 0 : i32
      %dma_wait3A_73 = tpu.memref_slice %arg10[%add3A_33, %dma_wait3A] : memref<10240x128xf32, #tpu.memory_space<vmem_shared>> -> memref<128x128xf32, #tpu.memory_space<vmem_shared>>
      %dma_wait3A_74 = arith.constant 0 : i32
      %dma_wait3A_75 = tpu.memref_slice %arg10[%add3A_33, %dma_wait3A_74] : memref<10240x128xf32, #tpu.memory_space<vmem_shared>> -> memref<128x128xf32, #tpu.memory_space<vmem_shared>>
      tpu.wait_dma2 semaphore(%run_scoped3A : memref<!tpu.dma_semaphore, #tpu.memory_space<semaphore_mem>>) src(%dma_wait3A_75 : memref<128x128xf32, #tpu.memory_space<vmem_shared>>) dst(%arg8 : memref<128x128xf32, #tpu.memory_space<vmem>>)
      tpu.yield
    }) : () -> ()
    %mul3A_34 = arith.constant 640 : i32
    %mul3A_35 = arith.muli %arg1, %mul3A_34 : i32
    %add3A_36 = arith.constant 0 : i32
    %add3A_37 = arith.addi %mul3A_35, %add3A_36 : i32
    "tpu.region"() ({
      %run_scoped3A = tpu.sem_alloc : memref<!tpu.dma_semaphore, #tpu.memory_space<semaphore_mem>>
      %dma_start3A = arith.constant 0 : i32
      %dma_start3A_70 = tpu.memref_slice %arg5[%arg0, %add3A_37, %dma_start3A] : memref<2x10240x128xf32, #tpu.memory_space<hbm>> -> memref<1x128x128xf32, #tpu.memory_space<hbm>>
      %dma_start3A_71 = tpu.memref_squeeze %dma_start3A_70 : memref<1x128x128xf32, #tpu.memory_space<hbm>> -> memref<128x128xf32, #tpu.memory_space<hbm>>
      %dma_start3A_72 = arith.constant 0 : i32
      %dma_start3A_73 = tpu.memref_slice %arg5[%arg0, %add3A_37, %dma_start3A_72] : memref<2x10240x128xf32, #tpu.memory_space<hbm>> -> memref<1x128x128xf32, #tpu.memory_space<hbm>>
      %dma_start3A_74 = tpu.memref_squeeze %dma_start3A_73 : memref<1x128x128xf32, #tpu.memory_space<hbm>> -> memref<128x128xf32, #tpu.memory_space<hbm>>
      tpu.enqueue_dma source(%arg8 : memref<128x128xf32, #tpu.memory_space<vmem>>) target(%dma_start3A_74 : memref<128x128xf32, #tpu.memory_space<hbm>>) target_semaphore(%run_scoped3A : memref<!tpu.dma_semaphore, #tpu.memory_space<semaphore_mem>>)
      %dma_wait3A = arith.constant 0 : i32
      %dma_wait3A_75 = tpu.memref_slice %arg5[%arg0, %add3A_37, %dma_wait3A] : memref<2x10240x128xf32, #tpu.memory_space<hbm>> -> memref<1x128x128xf32, #tpu.memory_space<hbm>>
      %dma_wait3A_76 = tpu.memref_squeeze %dma_wait3A_75 : memref<1x128x128xf32, #tpu.memory_space<hbm>> -> memref<128x128xf32, #tpu.memory_space<hbm>>
      %dma_wait3A_77 = arith.constant 0 : i32
      %dma_wait3A_78 = tpu.memref_slice %arg5[%arg0, %add3A_37, %dma_wait3A_77] : memref<2x10240x128xf32, #tpu.memory_space<hbm>> -> memref<1x128x128xf32, #tpu.memory_space<hbm>>
      %dma_wait3A_79 = tpu.memref_squeeze %dma_wait3A_78 : memref<1x128x128xf32, #tpu.memory_space<hbm>> -> memref<128x128xf32, #tpu.memory_space<hbm>>
      tpu.wait_dma2 semaphore(%run_scoped3A : memref<!tpu.dma_semaphore, #tpu.memory_space<semaphore_mem>>) src(%arg8 : memref<128x128xf32, #tpu.memory_space<vmem>>) dst(%dma_wait3A_79 : memref<128x128xf32, #tpu.memory_space<hbm>>)
      tpu.yield
    }) : () -> ()
    %mul3A_38 = arith.constant 640 : i32
    %mul3A_39 = arith.muli %arg1, %mul3A_38 : i32
    %add3A_40 = arith.constant 128 : i32
    %add3A_41 = arith.addi %mul3A_39, %add3A_40 : i32
    "tpu.region"() ({
      %run_scoped3A = tpu.sem_alloc : memref<!tpu.dma_semaphore, #tpu.memory_space<semaphore_mem>>
      %dma_start3A = arith.constant 0 : i32
      %dma_start3A_70 = tpu.memref_slice %arg10[%add3A_41, %dma_start3A] : memref<10240x128xf32, #tpu.memory_space<vmem_shared>> -> memref<128x128xf32, #tpu.memory_space<vmem_shared>>
      %dma_start3A_71 = arith.constant 0 : i32
      %dma_start3A_72 = tpu.memref_slice %arg10[%add3A_41, %dma_start3A_71] : memref<10240x128xf32, #tpu.memory_space<vmem_shared>> -> memref<128x128xf32, #tpu.memory_space<vmem_shared>>
      tpu.enqueue_dma source(%dma_start3A_72 : memref<128x128xf32, #tpu.memory_space<vmem_shared>>) target(%arg8 : memref<128x128xf32, #tpu.memory_space<vmem>>) target_semaphore(%run_scoped3A : memref<!tpu.dma_semaphore, #tpu.memory_space<semaphore_mem>>)
      %dma_wait3A = arith.constant 0 : i32
      %dma_wait3A_73 = tpu.memref_slice %arg10[%add3A_41, %dma_wait3A] : memref<10240x128xf32, #tpu.memory_space<vmem_shared>> -> memref<128x128xf32, #tpu.memory_space<vmem_shared>>
      %dma_wait3A_74 = arith.constant 0 : i32
      %dma_wait3A_75 = tpu.memref_slice %arg10[%add3A_41, %dma_wait3A_74] : memref<10240x128xf32, #tpu.memory_space<vmem_shared>> -> memref<128x128xf32, #tpu.memory_space<vmem_shared>>
      tpu.wait_dma2 semaphore(%run_scoped3A : memref<!tpu.dma_semaphore, #tpu.memory_space<semaphore_mem>>) src(%dma_wait3A_75 : memref<128x128xf32, #tpu.memory_space<vmem_shared>>) dst(%arg8 : memref<128x128xf32, #tpu.memory_space<vmem>>)
      tpu.yield
    }) : () -> ()
    %mul3A_42 = arith.constant 640 : i32
    %mul3A_43 = arith.muli %arg1, %mul3A_42 : i32
    %add3A_44 = arith.constant 128 : i32
    %add3A_45 = arith.addi %mul3A_43, %add3A_44 : i32
    "tpu.region"() ({
      %run_scoped3A = tpu.sem_alloc : memref<!tpu.dma_semaphore, #tpu.memory_space<semaphore_mem>>
      %dma_start3A = arith.constant 0 : i32
      %dma_start3A_70 = tpu.memref_slice %arg5[%arg0, %add3A_45, %dma_start3A] : memref<2x10240x128xf32, #tpu.memory_space<hbm>> -> memref<1x128x128xf32, #tpu.memory_space<hbm>>
      %dma_start3A_71 = tpu.memref_squeeze %dma_start3A_70 : memref<1x128x128xf32, #tpu.memory_space<hbm>> -> memref<128x128xf32, #tpu.memory_space<hbm>>
      %dma_start3A_72 = arith.constant 0 : i32
      %dma_start3A_73 = tpu.memref_slice %arg5[%arg0, %add3A_45, %dma_start3A_72] : memref<2x10240x128xf32, #tpu.memory_space<hbm>> -> memref<1x128x128xf32, #tpu.memory_space<hbm>>
      %dma_start3A_74 = tpu.memref_squeeze %dma_start3A_73 : memref<1x128x128xf32, #tpu.memory_space<hbm>> -> memref<128x128xf32, #tpu.memory_space<hbm>>
      tpu.enqueue_dma source(%arg8 : memref<128x128xf32, #tpu.memory_space<vmem>>) target(%dma_start3A_74 : memref<128x128xf32, #tpu.memory_space<hbm>>) target_semaphore(%run_scoped3A : memref<!tpu.dma_semaphore, #tpu.memory_space<semaphore_mem>>)
      %dma_wait3A = arith.constant 0 : i32
      %dma_wait3A_75 = tpu.memref_slice %arg5[%arg0, %add3A_45, %dma_wait3A] : memref<2x10240x128xf32, #tpu.memory_space<hbm>> -> memref<1x128x128xf32, #tpu.memory_space<hbm>>
      %dma_wait3A_76 = tpu.memref_squeeze %dma_wait3A_75 : memref<1x128x128xf32, #tpu.memory_space<hbm>> -> memref<128x128xf32, #tpu.memory_space<hbm>>
      %dma_wait3A_77 = arith.constant 0 : i32
      %dma_wait3A_78 = tpu.memref_slice %arg5[%arg0, %add3A_45, %dma_wait3A_77] : memref<2x10240x128xf32, #tpu.memory_space<hbm>> -> memref<1x128x128xf32, #tpu.memory_space<hbm>>
      %dma_wait3A_79 = tpu.memref_squeeze %dma_wait3A_78 : memref<1x128x128xf32, #tpu.memory_space<hbm>> -> memref<128x128xf32, #tpu.memory_space<hbm>>
      tpu.wait_dma2 semaphore(%run_scoped3A : memref<!tpu.dma_semaphore, #tpu.memory_space<semaphore_mem>>) src(%arg8 : memref<128x128xf32, #tpu.memory_space<vmem>>) dst(%dma_wait3A_79 : memref<128x128xf32, #tpu.memory_space<hbm>>)
      tpu.yield
    }) : () -> ()
    %mul3A_46 = arith.constant 640 : i32
    %mul3A_47 = arith.muli %arg1, %mul3A_46 : i32
    %add3A_48 = arith.constant 256 : i32
    %add3A_49 = arith.addi %mul3A_47, %add3A_48 : i32
    "tpu.region"() ({
      %run_scoped3A = tpu.sem_alloc : memref<!tpu.dma_semaphore, #tpu.memory_space<semaphore_mem>>
      %dma_start3A = arith.constant 0 : i32
      %dma_start3A_70 = tpu.memref_slice %arg10[%add3A_49, %dma_start3A] : memref<10240x128xf32, #tpu.memory_space<vmem_shared>> -> memref<128x128xf32, #tpu.memory_space<vmem_shared>>
      %dma_start3A_71 = arith.constant 0 : i32
      %dma_start3A_72 = tpu.memref_slice %arg10[%add3A_49, %dma_start3A_71] : memref<10240x128xf32, #tpu.memory_space<vmem_shared>> -> memref<128x128xf32, #tpu.memory_space<vmem_shared>>
      tpu.enqueue_dma source(%dma_start3A_72 : memref<128x128xf32, #tpu.memory_space<vmem_shared>>) target(%arg8 : memref<128x128xf32, #tpu.memory_space<vmem>>) target_semaphore(%run_scoped3A : memref<!tpu.dma_semaphore, #tpu.memory_space<semaphore_mem>>)
      %dma_wait3A = arith.constant 0 : i32
      %dma_wait3A_73 = tpu.memref_slice %arg10[%add3A_49, %dma_wait3A] : memref<10240x128xf32, #tpu.memory_space<vmem_shared>> -> memref<128x128xf32, #tpu.memory_space<vmem_shared>>
      %dma_wait3A_74 = arith.constant 0 : i32
      %dma_wait3A_75 = tpu.memref_slice %arg10[%add3A_49, %dma_wait3A_74] : memref<10240x128xf32, #tpu.memory_space<vmem_shared>> -> memref<128x128xf32, #tpu.memory_space<vmem_shared>>
      tpu.wait_dma2 semaphore(%run_scoped3A : memref<!tpu.dma_semaphore, #tpu.memory_space<semaphore_mem>>) src(%dma_wait3A_75 : memref<128x128xf32, #tpu.memory_space<vmem_shared>>) dst(%arg8 : memref<128x128xf32, #tpu.memory_space<vmem>>)
      tpu.yield
    }) : () -> ()
    %mul3A_50 = arith.constant 640 : i32
    %mul3A_51 = arith.muli %arg1, %mul3A_50 : i32
    %add3A_52 = arith.constant 256 : i32
    %add3A_53 = arith.addi %mul3A_51, %add3A_52 : i32
    "tpu.region"() ({
      %run_scoped3A = tpu.sem_alloc : memref<!tpu.dma_semaphore, #tpu.memory_space<semaphore_mem>>
      %dma_start3A = arith.constant 0 : i32
      %dma_start3A_70 = tpu.memref_slice %arg5[%arg0, %add3A_53, %dma_start3A] : memref<2x10240x128xf32, #tpu.memory_space<hbm>> -> memref<1x128x128xf32, #tpu.memory_space<hbm>>
      %dma_start3A_71 = tpu.memref_squeeze %dma_start3A_70 : memref<1x128x128xf32, #tpu.memory_space<hbm>> -> memref<128x128xf32, #tpu.memory_space<hbm>>
      %dma_start3A_72 = arith.constant 0 : i32
      %dma_start3A_73 = tpu.memref_slice %arg5[%arg0, %add3A_53, %dma_start3A_72] : memref<2x10240x128xf32, #tpu.memory_space<hbm>> -> memref<1x128x128xf32, #tpu.memory_space<hbm>>
      %dma_start3A_74 = tpu.memref_squeeze %dma_start3A_73 : memref<1x128x128xf32, #tpu.memory_space<hbm>> -> memref<128x128xf32, #tpu.memory_space<hbm>>
      tpu.enqueue_dma source(%arg8 : memref<128x128xf32, #tpu.memory_space<vmem>>) target(%dma_start3A_74 : memref<128x128xf32, #tpu.memory_space<hbm>>) target_semaphore(%run_scoped3A : memref<!tpu.dma_semaphore, #tpu.memory_space<semaphore_mem>>)
      %dma_wait3A = arith.constant 0 : i32
      %dma_wait3A_75 = tpu.memref_slice %arg5[%arg0, %add3A_53, %dma_wait3A] : memref<2x10240x128xf32, #tpu.memory_space<hbm>> -> memref<1x128x128xf32, #tpu.memory_space<hbm>>
      %dma_wait3A_76 = tpu.memref_squeeze %dma_wait3A_75 : memref<1x128x128xf32, #tpu.memory_space<hbm>> -> memref<128x128xf32, #tpu.memory_space<hbm>>
      %dma_wait3A_77 = arith.constant 0 : i32
      %dma_wait3A_78 = tpu.memref_slice %arg5[%arg0, %add3A_53, %dma_wait3A_77] : memref<2x10240x128xf32, #tpu.memory_space<hbm>> -> memref<1x128x128xf32, #tpu.memory_space<hbm>>
      %dma_wait3A_79 = tpu.memref_squeeze %dma_wait3A_78 : memref<1x128x128xf32, #tpu.memory_space<hbm>> -> memref<128x128xf32, #tpu.memory_space<hbm>>
      tpu.wait_dma2 semaphore(%run_scoped3A : memref<!tpu.dma_semaphore, #tpu.memory_space<semaphore_mem>>) src(%arg8 : memref<128x128xf32, #tpu.memory_space<vmem>>) dst(%dma_wait3A_79 : memref<128x128xf32, #tpu.memory_space<hbm>>)
      tpu.yield
    }) : () -> ()
    %mul3A_54 = arith.constant 640 : i32
    %mul3A_55 = arith.muli %arg1, %mul3A_54 : i32
    %add3A_56 = arith.constant 384 : i32
    %add3A_57 = arith.addi %mul3A_55, %add3A_56 : i32
    "tpu.region"() ({
      %run_scoped3A = tpu.sem_alloc : memref<!tpu.dma_semaphore, #tpu.memory_space<semaphore_mem>>
      %dma_start3A = arith.constant 0 : i32
      %dma_start3A_70 = tpu.memref_slice %arg10[%add3A_57, %dma_start3A] : memref<10240x128xf32, #tpu.memory_space<vmem_shared>> -> memref<128x128xf32, #tpu.memory_space<vmem_shared>>
      %dma_start3A_71 = arith.constant 0 : i32
      %dma_start3A_72 = tpu.memref_slice %arg10[%add3A_57, %dma_start3A_71] : memref<10240x128xf32, #tpu.memory_space<vmem_shared>> -> memref<128x128xf32, #tpu.memory_space<vmem_shared>>
      tpu.enqueue_dma source(%dma_start3A_72 : memref<128x128xf32, #tpu.memory_space<vmem_shared>>) target(%arg8 : memref<128x128xf32, #tpu.memory_space<vmem>>) target_semaphore(%run_scoped3A : memref<!tpu.dma_semaphore, #tpu.memory_space<semaphore_mem>>)
      %dma_wait3A = arith.constant 0 : i32
      %dma_wait3A_73 = tpu.memref_slice %arg10[%add3A_57, %dma_wait3A] : memref<10240x128xf32, #tpu.memory_space<vmem_shared>> -> memref<128x128xf32, #tpu.memory_space<vmem_shared>>
      %dma_wait3A_74 = arith.constant 0 : i32
      %dma_wait3A_75 = tpu.memref_slice %arg10[%add3A_57, %dma_wait3A_74] : memref<10240x128xf32, #tpu.memory_space<vmem_shared>> -> memref<128x128xf32, #tpu.memory_space<vmem_shared>>
      tpu.wait_dma2 semaphore(%run_scoped3A : memref<!tpu.dma_semaphore, #tpu.memory_space<semaphore_mem>>) src(%dma_wait3A_75 : memref<128x128xf32, #tpu.memory_space<vmem_shared>>) dst(%arg8 : memref<128x128xf32, #tpu.memory_space<vmem>>)
      tpu.yield
    }) : () -> ()
    %mul3A_58 = arith.constant 640 : i32
    %mul3A_59 = arith.muli %arg1, %mul3A_58 : i32
    %add3A_60 = arith.constant 384 : i32
    %add3A_61 = arith.addi %mul3A_59, %add3A_60 : i32
    "tpu.region"() ({
      %run_scoped3A = tpu.sem_alloc : memref<!tpu.dma_semaphore, #tpu.memory_space<semaphore_mem>>
      %dma_start3A = arith.constant 0 : i32
      %dma_start3A_70 = tpu.memref_slice %arg5[%arg0, %add3A_61, %dma_start3A] : memref<2x10240x128xf32, #tpu.memory_space<hbm>> -> memref<1x128x128xf32, #tpu.memory_space<hbm>>
      %dma_start3A_71 = tpu.memref_squeeze %dma_start3A_70 : memref<1x128x128xf32, #tpu.memory_space<hbm>> -> memref<128x128xf32, #tpu.memory_space<hbm>>
      %dma_start3A_72 = arith.constant 0 : i32
      %dma_start3A_73 = tpu.memref_slice %arg5[%arg0, %add3A_61, %dma_start3A_72] : memref<2x10240x128xf32, #tpu.memory_space<hbm>> -> memref<1x128x128xf32, #tpu.memory_space<hbm>>
      %dma_start3A_74 = tpu.memref_squeeze %dma_start3A_73 : memref<1x128x128xf32, #tpu.memory_space<hbm>> -> memref<128x128xf32, #tpu.memory_space<hbm>>
      tpu.enqueue_dma source(%arg8 : memref<128x128xf32, #tpu.memory_space<vmem>>) target(%dma_start3A_74 : memref<128x128xf32, #tpu.memory_space<hbm>>) target_semaphore(%run_scoped3A : memref<!tpu.dma_semaphore, #tpu.memory_space<semaphore_mem>>)
      %dma_wait3A = arith.constant 0 : i32
      %dma_wait3A_75 = tpu.memref_slice %arg5[%arg0, %add3A_61, %dma_wait3A] : memref<2x10240x128xf32, #tpu.memory_space<hbm>> -> memref<1x128x128xf32, #tpu.memory_space<hbm>>
      %dma_wait3A_76 = tpu.memref_squeeze %dma_wait3A_75 : memref<1x128x128xf32, #tpu.memory_space<hbm>> -> memref<128x128xf32, #tpu.memory_space<hbm>>
      %dma_wait3A_77 = arith.constant 0 : i32
      %dma_wait3A_78 = tpu.memref_slice %arg5[%arg0, %add3A_61, %dma_wait3A_77] : memref<2x10240x128xf32, #tpu.memory_space<hbm>> -> memref<1x128x128xf32, #tpu.memory_space<hbm>>
      %dma_wait3A_79 = tpu.memref_squeeze %dma_wait3A_78 : memref<1x128x128xf32, #tpu.memory_space<hbm>> -> memref<128x128xf32, #tpu.memory_space<hbm>>
      tpu.wait_dma2 semaphore(%run_scoped3A : memref<!tpu.dma_semaphore, #tpu.memory_space<semaphore_mem>>) src(%arg8 : memref<128x128xf32, #tpu.memory_space<vmem>>) dst(%dma_wait3A_79 : memref<128x128xf32, #tpu.memory_space<hbm>>)
      tpu.yield
    }) : () -> ()
    %mul3A_62 = arith.constant 640 : i32
    %mul3A_63 = arith.muli %arg1, %mul3A_62 : i32
    %add3A_64 = arith.constant 512 : i32
    %add3A_65 = arith.addi %mul3A_63, %add3A_64 : i32
    "tpu.region"() ({
      %run_scoped3A = tpu.sem_alloc : memref<!tpu.dma_semaphore, #tpu.memory_space<semaphore_mem>>
      %dma_start3A = arith.constant 0 : i32
      %dma_start3A_70 = tpu.memref_slice %arg10[%add3A_65, %dma_start3A] : memref<10240x128xf32, #tpu.memory_space<vmem_shared>> -> memref<128x128xf32, #tpu.memory_space<vmem_shared>>
      %dma_start3A_71 = arith.constant 0 : i32
      %dma_start3A_72 = tpu.memref_slice %arg10[%add3A_65, %dma_start3A_71] : memref<10240x128xf32, #tpu.memory_space<vmem_shared>> -> memref<128x128xf32, #tpu.memory_space<vmem_shared>>
      tpu.enqueue_dma source(%dma_start3A_72 : memref<128x128xf32, #tpu.memory_space<vmem_shared>>) target(%arg8 : memref<128x128xf32, #tpu.memory_space<vmem>>) target_semaphore(%run_scoped3A : memref<!tpu.dma_semaphore, #tpu.memory_space<semaphore_mem>>)
      %dma_wait3A = arith.constant 0 : i32
      %dma_wait3A_73 = tpu.memref_slice %arg10[%add3A_65, %dma_wait3A] : memref<10240x128xf32, #tpu.memory_space<vmem_shared>> -> memref<128x128xf32, #tpu.memory_space<vmem_shared>>
      %dma_wait3A_74 = arith.constant 0 : i32
      %dma_wait3A_75 = tpu.memref_slice %arg10[%add3A_65, %dma_wait3A_74] : memref<10240x128xf32, #tpu.memory_space<vmem_shared>> -> memref<128x128xf32, #tpu.memory_space<vmem_shared>>
      tpu.wait_dma2 semaphore(%run_scoped3A : memref<!tpu.dma_semaphore, #tpu.memory_space<semaphore_mem>>) src(%dma_wait3A_75 : memref<128x128xf32, #tpu.memory_space<vmem_shared>>) dst(%arg8 : memref<128x128xf32, #tpu.memory_space<vmem>>)
      tpu.yield
    }) : () -> ()
    %mul3A_66 = arith.constant 640 : i32
    %mul3A_67 = arith.muli %arg1, %mul3A_66 : i32
    %add3A_68 = arith.constant 512 : i32
    %add3A_69 = arith.addi %mul3A_67, %add3A_68 : i32
    "tpu.region"() ({
      %run_scoped3A = tpu.sem_alloc : memref<!tpu.dma_semaphore, #tpu.memory_space<semaphore_mem>>
      %dma_start3A = arith.constant 0 : i32
      %dma_start3A_70 = tpu.memref_slice %arg5[%arg0, %add3A_69, %dma_start3A] : memref<2x10240x128xf32, #tpu.memory_space<hbm>> -> memref<1x128x128xf32, #tpu.memory_space<hbm>>
      %dma_start3A_71 = tpu.memref_squeeze %dma_start3A_70 : memref<1x128x128xf32, #tpu.memory_space<hbm>> -> memref<128x128xf32, #tpu.memory_space<hbm>>
      %dma_start3A_72 = arith.constant 0 : i32
      %dma_start3A_73 = tpu.memref_slice %arg5[%arg0, %add3A_69, %dma_start3A_72] : memref<2x10240x128xf32, #tpu.memory_space<hbm>> -> memref<1x128x128xf32, #tpu.memory_space<hbm>>
      %dma_start3A_74 = tpu.memref_squeeze %dma_start3A_73 : memref<1x128x128xf32, #tpu.memory_space<hbm>> -> memref<128x128xf32, #tpu.memory_space<hbm>>
      tpu.enqueue_dma source(%arg8 : memref<128x128xf32, #tpu.memory_space<vmem>>) target(%dma_start3A_74 : memref<128x128xf32, #tpu.memory_space<hbm>>) target_semaphore(%run_scoped3A : memref<!tpu.dma_semaphore, #tpu.memory_space<semaphore_mem>>)
      %dma_wait3A = arith.constant 0 : i32
      %dma_wait3A_75 = tpu.memref_slice %arg5[%arg0, %add3A_69, %dma_wait3A] : memref<2x10240x128xf32, #tpu.memory_space<hbm>> -> memref<1x128x128xf32, #tpu.memory_space<hbm>>
      %dma_wait3A_76 = tpu.memref_squeeze %dma_wait3A_75 : memref<1x128x128xf32, #tpu.memory_space<hbm>> -> memref<128x128xf32, #tpu.memory_space<hbm>>
      %dma_wait3A_77 = arith.constant 0 : i32
      %dma_wait3A_78 = tpu.memref_slice %arg5[%arg0, %add3A_69, %dma_wait3A_77] : memref<2x10240x128xf32, #tpu.memory_space<hbm>> -> memref<1x128x128xf32, #tpu.memory_space<hbm>>
      %dma_wait3A_79 = tpu.memref_squeeze %dma_wait3A_78 : memref<1x128x128xf32, #tpu.memory_space<hbm>> -> memref<128x128xf32, #tpu.memory_space<hbm>>
      tpu.wait_dma2 semaphore(%run_scoped3A : memref<!tpu.dma_semaphore, #tpu.memory_space<semaphore_mem>>) src(%arg8 : memref<128x128xf32, #tpu.memory_space<vmem>>) dst(%dma_wait3A_79 : memref<128x128xf32, #tpu.memory_space<hbm>>)
      tpu.yield
    }) : () -> ()
    return
  }
}

module attributes {stable_mosaic.version = 14 : i64} {
  func.func @_y_body(%arg0: i32, %arg1: i32, %arg2: memref<1x128x128xf32, #tpu.memory_space<vmem>>, %arg3: memref<128x128xf32, #tpu.memory_space<vmem>>, %arg4: memref<1x128x1xf32, #tpu.memory_space<vmem>>, %arg5: memref<1x128x128xf32, #tpu.memory_space<vmem>>) attributes {dimension_semantics = [#tpu.dimension_semantics<arbitrary>, #tpu.dimension_semantics<arbitrary>], iteration_bounds = array<i64: 2, 80>, scalar_prefetch = 0 : i64, scratch_operands = 0 : i64, tpu.core_type = #tpu.core_type<tc>, window_params = [{transform_indices = @transform_0, window_bounds = array<i64: 1, 128, 128>}, {pipeline_mode = #tpu.pipeline_mode<synchronous>, transform_indices = @transform_1, window_bounds = array<i64: 128, 128>}, {transform_indices = @transform_2, window_bounds = array<i64: 1, 128, 1>}, {transform_indices = @transform_3, window_bounds = array<i64: 1, 128, 128>}]} {
    %get3A = arith.constant 0 : index
    %get3A_0 = arith.constant 0 : index
    %get3A_1 = arith.constant 0 : index
    %get3A_2 = vector.load %arg4[%get3A, %get3A_0, %get3A_1] : memref<1x128x1xf32, #tpu.memory_space<vmem>>, vector<1x128x1xf32>
    %get3A_3 = vector.shape_cast %get3A_2 : vector<1x128x1xf32> to vector<128x1xf32>
    %get3A_4 = arith.constant 0 : index
    %get3A_5 = arith.constant 0 : index
    %get3A_6 = arith.constant 0 : index
    %get3A_7 = vector.load %arg2[%get3A_4, %get3A_5, %get3A_6] : memref<1x128x128xf32, #tpu.memory_space<vmem>>, vector<1x128x128xf32>
    %get3A_8 = vector.shape_cast %get3A_7 : vector<1x128x128xf32> to vector<128x128xf32>
    %get3A_9 = arith.constant 0 : index
    %get3A_10 = arith.constant 0 : index
    %get3A_11 = vector.load %arg3[%get3A_9, %get3A_10] : memref<128x128xf32, #tpu.memory_space<vmem>>, vector<128x128xf32>
    %dot_general3A = arith.constant dense<0.000000e+00> : vector<128x128xf32>
    %dot_general3A_12 = tpu.matmul %get3A_8, %get3A_11, %dot_general3A {dimension_numbers = #tpu.dot_dimension_numbers<[1], [0], [0], [1], [0, 0, 1, 1], [], []>, transpose_lhs_hint = false} : vector<128x128xf32>, vector<128x128xf32>, vector<128x128xf32> -> vector<128x128xf32>
    %mul3A = vector.broadcast %get3A_3 : vector<128x1xf32> to vector<128x128xf32>
    %mul3A_13 = arith.mulf %mul3A, %dot_general3A_12 : vector<128x128xf32>
    %broadcast_in_dim3A = vector.shape_cast %mul3A_13 : vector<128x128xf32> to vector<1x128x128xf32>
    %swap3A = arith.constant 0 : index
    %swap3A_14 = arith.constant 0 : index
    %swap3A_15 = arith.constant 0 : index
    %swap3A_16 = vector.load %arg5[%swap3A, %swap3A_14, %swap3A_15] : memref<1x128x128xf32, #tpu.memory_space<vmem>>, vector<1x128x128xf32>
    tpu.vector_store %arg5[%swap3A, %swap3A_14, %swap3A_15], %broadcast_in_dim3A {strides = array<i32>} : memref<1x128x128xf32, #tpu.memory_space<vmem>>, vector<1x128x128xf32>,
    return
  }
  func.func @transform_0(%arg0: i32, %arg1: i32) -> (i32, i32, i32) {
    %c0_i32 = arith.constant 0 : i32
    %c0_i32_0 = arith.constant 0 : i32
    return %arg0, %arg1, %c0_i32 : i32, i32, i32
  }
  func.func @transform_1(%arg0: i32, %arg1: i32) -> (i32, i32) {
    %c0_i32 = arith.constant 0 : i32
    %c0_i32_0 = arith.constant 0 : i32
    %c0_i32_1 = arith.constant 0 : i32
    return %c0_i32, %c0_i32_0 : i32, i32
  }
  func.func @transform_2(%arg0: i32, %arg1: i32) -> (i32, i32, i32) {
    %c0_i32 = arith.constant 0 : i32
    %c0_i32_0 = arith.constant 0 : i32
    return %arg0, %arg1, %c0_i32 : i32, i32, i32
  }
  func.func @transform_3(%arg0: i32, %arg1: i32) -> (i32, i32, i32) {
    %c0_i32 = arith.constant 0 : i32
    %c0_i32_0 = arith.constant 0 : i32
    return %arg0, %arg1, %c0_i32 : i32, i32, i32
  }
}

module attributes {stable_mosaic.version = 14 : i64} {
  func.func @_layer2_body(%arg0: i32, %arg1: i32, %arg2: memref<1x128x128xf32, #tpu.memory_space<vmem>>, %arg3: memref<1x128x128xf32, #tpu.memory_space<vmem>>, %arg4: memref<1x128x1xf32, #tpu.memory_space<vmem>>, %arg5: memref<1x128xf32, #tpu.memory_space<vmem>>, %arg6: memref<128x128xf32, #tpu.memory_space<vmem>>, %arg7: memref<1x128x128xf32, #tpu.memory_space<vmem>>) attributes {dimension_semantics = [#tpu.dimension_semantics<arbitrary>, #tpu.dimension_semantics<arbitrary>], iteration_bounds = array<i64: 2, 80>, scalar_prefetch = 0 : i64, scratch_operands = 0 : i64, tpu.core_type = #tpu.core_type<tc>, window_params = [{transform_indices = @transform_0, window_bounds = array<i64: 1, 128, 128>}, {transform_indices = @transform_1, window_bounds = array<i64: 1, 128, 128>}, {transform_indices = @transform_2, window_bounds = array<i64: 1, 128, 1>}, {pipeline_mode = #tpu.pipeline_mode<synchronous>, transform_indices = @transform_3, window_bounds = array<i64: 1, 128>}, {pipeline_mode = #tpu.pipeline_mode<synchronous>, transform_indices = @transform_4, window_bounds = array<i64: 128, 128>}, {transform_indices = @transform_5, window_bounds = array<i64: 1, 128, 128>}]} {
    %get3A = arith.constant 0 : index
    %get3A_0 = arith.constant 0 : index
    %get3A_1 = arith.constant 0 : index
    %get3A_2 = vector.load %arg4[%get3A, %get3A_0, %get3A_1] : memref<1x128x1xf32, #tpu.memory_space<vmem>>, vector<1x128x1xf32>
    %get3A_3 = vector.shape_cast %get3A_2 : vector<1x128x1xf32> to vector<128x1xf32>
    %get3A_4 = arith.constant 0 : index
    %get3A_5 = arith.constant 0 : index
    %get3A_6 = arith.constant 0 : index
    %get3A_7 = vector.load %arg2[%get3A_4, %get3A_5, %get3A_6] : memref<1x128x128xf32, #tpu.memory_space<vmem>>, vector<1x128x128xf32>
    %get3A_8 = vector.shape_cast %get3A_7 : vector<1x128x128xf32> to vector<128x128xf32>
    %get3A_9 = arith.constant 0 : index
    %get3A_10 = arith.constant 0 : index
    %get3A_11 = arith.constant 0 : index
    %get3A_12 = vector.load %arg3[%get3A_9, %get3A_10, %get3A_11] : memref<1x128x128xf32, #tpu.memory_space<vmem>>, vector<1x128x128xf32>
    %get3A_13 = vector.shape_cast %get3A_12 : vector<1x128x128xf32> to vector<128x128xf32>
    %add3A = arith.addf %get3A_8, %get3A_13 : vector<128x128xf32>
    %mul3A = vector.broadcast %get3A_3 : vector<128x1xf32> to vector<128x128xf32>
    %mul3A_14 = arith.mulf %mul3A, %add3A : vector<128x128xf32>
    %get3A_15 = arith.constant 0 : index
    %get3A_16 = arith.constant 0 : index
    %get3A_17 = vector.load %arg5[%get3A_15, %get3A_16] : memref<1x128xf32, #tpu.memory_space<vmem>>, vector<1x128xf32>
    %add3A_18 = vector.broadcast %get3A_17 : vector<1x128xf32> to vector<128x128xf32>
    %add3A_19 = arith.addf %mul3A_14, %add3A_18 : vector<128x128xf32>
    %max3A = arith.constant 0.000000e+00 : f32
    %max3A_20 = vector.broadcast %max3A : f32 to vector<128x128xf32>
    %max3A_21 = arith.maximumf %add3A_19, %max3A_20 : vector<128x128xf32>
    %get3A_22 = arith.constant 0 : index
    %get3A_23 = arith.constant 0 : index
    %get3A_24 = arith.constant 0 : index
    %get3A_25 = vector.load %arg4[%get3A_22, %get3A_23, %get3A_24] : memref<1x128x1xf32, #tpu.memory_space<vmem>>, vector<1x128x1xf32>
    %get3A_26 = vector.shape_cast %get3A_25 : vector<1x128x1xf32> to vector<128x1xf32>
    %get3A_27 = arith.constant 0 : index
    %get3A_28 = arith.constant 0 : index
    %get3A_29 = vector.load %arg6[%get3A_27, %get3A_28] : memref<128x128xf32, #tpu.memory_space<vmem>>, vector<128x128xf32>
    %dot_general3A = arith.constant dense<0.000000e+00> : vector<128x128xf32>
    %dot_general3A_30 = tpu.matmul %max3A_21, %get3A_29, %dot_general3A {dimension_numbers = #tpu.dot_dimension_numbers<[1], [0], [0], [1], [0, 0, 1, 1], [], []>, transpose_lhs_hint = false} : vector<128x128xf32>, vector<128x128xf32>, vector<128x128xf32> -> vector<128x128xf32>
    %mul3A_31 = vector.broadcast %get3A_26 : vector<128x1xf32> to vector<128x128xf32>
    %mul3A_32 = arith.mulf %mul3A_31, %dot_general3A_30 : vector<128x128xf32>
    %broadcast_in_dim3A = vector.shape_cast %mul3A_32 : vector<128x128xf32> to vector<1x128x128xf32>
    %swap3A = arith.constant 0 : index
    %swap3A_33 = arith.constant 0 : index
    %swap3A_34 = arith.constant 0 : index
    %swap3A_35 = vector.load %arg7[%swap3A, %swap3A_33, %swap3A_34] : memref<1x128x128xf32, #tpu.memory_space<vmem>>, vector<1x128x128xf32>
    tpu.vector_store %arg7[%swap3A, %swap3A_33, %swap3A_34], %broadcast_in_dim3A {strides = array<i32>} : memref<1x128x128xf32, #tpu.memory_space<vmem>>, vector<1x128x128xf32>,
    return
  }
  func.func @transform_0(%arg0: i32, %arg1: i32) -> (i32, i32, i32) {
    %c0_i32 = arith.constant 0 : i32
    %c0_i32_0 = arith.constant 0 : i32
    return %arg0, %arg1, %c0_i32 : i32, i32, i32
  }
  func.func @transform_1(%arg0: i32, %arg1: i32) -> (i32, i32, i32) {
    %c0_i32 = arith.constant 0 : i32
    %c0_i32_0 = arith.constant 0 : i32
    return %arg0, %arg1, %c0_i32 : i32, i32, i32
  }
  func.func @transform_2(%arg0: i32, %arg1: i32) -> (i32, i32, i32) {
    %c0_i32 = arith.constant 0 : i32
    %c0_i32_0 = arith.constant 0 : i32
    return %arg0, %arg1, %c0_i32 : i32, i32, i32
  }
  func.func @transform_3(%arg0: i32, %arg1: i32) -> (i32, i32) {
    %c0_i32 = arith.constant 0 : i32
    %c0_i32_0 = arith.constant 0 : i32
    %c0_i32_1 = arith.constant 0 : i32
    return %c0_i32, %c0_i32_0 : i32, i32
  }
  func.func @transform_4(%arg0: i32, %arg1: i32) -> (i32, i32) {
    %c0_i32 = arith.constant 0 : i32
    %c0_i32_0 = arith.constant 0 : i32
    %c0_i32_1 = arith.constant 0 : i32
    return %c0_i32, %c0_i32_0 : i32, i32
  }
  func.func @transform_5(%arg0: i32, %arg1: i32) -> (i32, i32, i32) {
    %c0_i32 = arith.constant 0 : i32
    %c0_i32_0 = arith.constant 0 : i32
    return %arg0, %arg1, %c0_i32 : i32, i32, i32
  }
}

module attributes {stable_mosaic.version = 14 : i64} {
  func.func @_segsum_body(%arg0: i32, %arg1: i32, %arg2: memref<1x128x128xf32, #tpu.memory_space<vmem>>, %arg3: memref<1x128x128xf32, #tpu.memory_space<vmem>>, %arg4: memref<1x128x1xf32, #tpu.memory_space<vmem>>, %arg5: memref<1x128xf32, #tpu.memory_space<vmem>>, %arg6: memref<1x1x128xi32, #tpu.memory_space<vmem>>, %arg7: memref<1x512x128xf32, #tpu.memory_space<vmem>>) attributes {dimension_semantics = [#tpu.dimension_semantics<arbitrary>, #tpu.dimension_semantics<arbitrary>], iteration_bounds = array<i64: 2, 80>, scalar_prefetch = 0 : i64, scratch_operands = 0 : i64, tpu.core_type = #tpu.core_type<tc>, window_params = [{transform_indices = @transform_0, window_bounds = array<i64: 1, 128, 128>}, {transform_indices = @transform_1, window_bounds = array<i64: 1, 128, 128>}, {transform_indices = @transform_2, window_bounds = array<i64: 1, 128, 1>}, {pipeline_mode = #tpu.pipeline_mode<synchronous>, transform_indices = @transform_3, window_bounds = array<i64: 1, 128>}, {transform_indices = @transform_4, window_bounds = array<i64: 1, 1, 128>}, {transform_indices = @transform_5, window_bounds = array<i64: 1, 512, 128>}]} {
    %get3A = arith.constant 0 : index
    %get3A_0 = arith.constant 0 : index
    %get3A_1 = arith.constant 0 : index
    %get3A_2 = vector.load %arg4[%get3A, %get3A_0, %get3A_1] : memref<1x128x1xf32, #tpu.memory_space<vmem>>, vector<1x128x1xf32>
    %get3A_3 = vector.shape_cast %get3A_2 : vector<1x128x1xf32> to vector<128x1xf32>
    %get3A_4 = arith.constant 0 : index
    %get3A_5 = arith.constant 0 : index
    %get3A_6 = arith.constant 0 : index
    %get3A_7 = vector.load %arg2[%get3A_4, %get3A_5, %get3A_6] : memref<1x128x128xf32, #tpu.memory_space<vmem>>, vector<1x128x128xf32>
    %get3A_8 = vector.shape_cast %get3A_7 : vector<1x128x128xf32> to vector<128x128xf32>
    %get3A_9 = arith.constant 0 : index
    %get3A_10 = arith.constant 0 : index
    %get3A_11 = arith.constant 0 : index
    %get3A_12 = vector.load %arg3[%get3A_9, %get3A_10, %get3A_11] : memref<1x128x128xf32, #tpu.memory_space<vmem>>, vector<1x128x128xf32>
    %get3A_13 = vector.shape_cast %get3A_12 : vector<1x128x128xf32> to vector<128x128xf32>
    %add3A = arith.addf %get3A_8, %get3A_13 : vector<128x128xf32>
    %mul3A = vector.broadcast %get3A_3 : vector<128x1xf32> to vector<128x128xf32>
    %mul3A_14 = arith.mulf %mul3A, %add3A : vector<128x128xf32>
    %get3A_15 = arith.constant 0 : index
    %get3A_16 = arith.constant 0 : index
    %get3A_17 = vector.load %arg5[%get3A_15, %get3A_16] : memref<1x128xf32, #tpu.memory_space<vmem>>, vector<1x128xf32>
    %add3A_18 = vector.broadcast %get3A_17 : vector<1x128xf32> to vector<128x128xf32>
    %add3A_19 = arith.addf %mul3A_14, %add3A_18 : vector<128x128xf32>
    %max3A = arith.constant 0.000000e+00 : f32
    %max3A_20 = vector.broadcast %max3A : f32 to vector<128x128xf32>
    %max3A_21 = arith.maximumf %add3A_19, %max3A_20 : vector<128x128xf32>
    %get3A_22 = arith.constant 0 : index
    %get3A_23 = arith.constant 0 : index
    %get3A_24 = arith.constant 0 : index
    %get3A_25 = vector.load %arg6[%get3A_22, %get3A_23, %get3A_24] : memref<1x1x128xi32, #tpu.memory_space<vmem>>, vector<1x1x128xi32>
    %get3A_26 = vector.shape_cast %get3A_25 : vector<1x1x128xi32> to vector<128xi32>
    %iota3A = tpu.iota {dimensions = array<i32: 0>} : vector<512x128xi32>
    %broadcast_in_dim3A = vector.shape_cast %get3A_26 : vector<128xi32> to vector<1x128xi32>
    %eq3A = vector.broadcast %broadcast_in_dim3A : vector<1x128xi32> to vector<512x128xi32>
    %eq3A_27 = arith.cmpi eq, %iota3A, %eq3A : vector<512x128xi32>
    %convert_element_type3A = arith.extui %eq3A_27 : vector<512x128xi1> to vector<512x128xi32>
    %convert_element_type3A_28 = arith.sitofp %convert_element_type3A : vector<512x128xi32> to vector<512x128xf32>
    %dot_general3A = arith.constant dense<0.000000e+00> : vector<512x128xf32>
    %dot_general3A_29 = tpu.matmul %convert_element_type3A_28, %max3A_21, %dot_general3A {dimension_numbers = #tpu.dot_dimension_numbers<[1], [0], [0], [1], [0, 0, 1, 1], [], []>, precision = #tpu.contract_precision<fp32>, transpose_lhs_hint = false} : vector<512x128xf32>, vector<128x128xf32>, vector<512x128xf32> -> vector<512x128xf32>
    %eq3A_30 = arith.constant 0 : i32
    %eq3A_31 = arith.cmpi eq, %arg1, %eq3A_30 : i32
    %convert_element_type3A_32 = arith.extui %eq3A_31 : i1 to i32
    %cond3A = arith.constant 0 : i32
    %cond3A_33 = arith.cmpi ne, %convert_element_type3A_32, %cond3A : i32
    scf.if %cond3A_33 {
      %broadcast_in_dim3A_38 = vector.shape_cast %dot_general3A_29 : vector<512x128xf32> to vector<1x512x128xf32>
      %swap3A = arith.constant 0 : index
      %swap3A_39 = arith.constant 0 : index
      %swap3A_40 = arith.constant 0 : index
      %swap3A_41 = vector.load %arg7[%swap3A, %swap3A_39, %swap3A_40] : memref<1x512x128xf32, #tpu.memory_space<vmem>>, vector<1x512x128xf32>
      tpu.vector_store %arg7[%swap3A, %swap3A_39, %swap3A_40], %broadcast_in_dim3A_38 {strides = array<i32>} : memref<1x512x128xf32, #tpu.memory_space<vmem>>, vector<1x512x128xf32>,
    } else {
    }
    %ne3A = arith.constant 0 : i32
    %ne3A_34 = arith.cmpi ne, %arg1, %ne3A : i32
    %convert_element_type3A_35 = arith.extui %ne3A_34 : i1 to i32
    %cond3A_36 = arith.constant 0 : i32
    %cond3A_37 = arith.cmpi ne, %convert_element_type3A_35, %cond3A_36 : i32
    scf.if %cond3A_37 {
      %get3A_38 = arith.constant 0 : index
      %get3A_39 = arith.constant 0 : index
      %get3A_40 = arith.constant 0 : index
      %get3A_41 = vector.load %arg7[%get3A_38, %get3A_39, %get3A_40] : memref<1x512x128xf32, #tpu.memory_space<vmem>>, vector<1x512x128xf32>
      %broadcast_in_dim3A_42 = vector.shape_cast %dot_general3A_29 : vector<512x128xf32> to vector<1x512x128xf32>
      %add3A_43 = arith.addf %get3A_41, %broadcast_in_dim3A_42 : vector<1x512x128xf32>
      %swap3A = arith.constant 0 : index
      %swap3A_44 = arith.constant 0 : index
      %swap3A_45 = arith.constant 0 : index
      %swap3A_46 = vector.load %arg7[%swap3A, %swap3A_44, %swap3A_45] : memref<1x512x128xf32, #tpu.memory_space<vmem>>, vector<1x512x128xf32>
      tpu.vector_store %arg7[%swap3A, %swap3A_44, %swap3A_45], %add3A_43 {strides = array<i32>} : memref<1x512x128xf32, #tpu.memory_space<vmem>>, vector<1x512x128xf32>,
    } else {
    }
    return
  }
  func.func @transform_0(%arg0: i32, %arg1: i32) -> (i32, i32, i32) {
    %c0_i32 = arith.constant 0 : i32
    %c0_i32_0 = arith.constant 0 : i32
    return %arg0, %arg1, %c0_i32 : i32, i32, i32
  }
  func.func @transform_1(%arg0: i32, %arg1: i32) -> (i32, i32, i32) {
    %c0_i32 = arith.constant 0 : i32
    %c0_i32_0 = arith.constant 0 : i32
    return %arg0, %arg1, %c0_i32 : i32, i32, i32
  }
  func.func @transform_2(%arg0: i32, %arg1: i32) -> (i32, i32, i32) {
    %c0_i32 = arith.constant 0 : i32
    %c0_i32_0 = arith.constant 0 : i32
    return %arg0, %arg1, %c0_i32 : i32, i32, i32
  }
  func.func @transform_3(%arg0: i32, %arg1: i32) -> (i32, i32) {
    %c0_i32 = arith.constant 0 : i32
    %c0_i32_0 = arith.constant 0 : i32
    %c0_i32_1 = arith.constant 0 : i32
    return %c0_i32, %c0_i32_0 : i32, i32
  }
  func.func @transform_4(%arg0: i32, %arg1: i32) -> (i32, i32, i32) {
    %mul3A = arith.constant 80 : i32
    %mul3A_0 = arith.muli %arg0, %mul3A : i32
    %add3A = arith.addi %mul3A_0, %arg1 : i32
    %c0_i32 = arith.constant 0 : i32
    %c0_i32_1 = arith.constant 0 : i32
    %c0_i32_2 = arith.constant 0 : i32
    return %add3A, %c0_i32, %c0_i32_1 : i32, i32, i32
  }
  func.func @transform_5(%arg0: i32, %arg1: i32) -> (i32, i32, i32) {
    %c0_i32 = arith.constant 0 : i32
    %c0_i32_0 = arith.constant 0 : i32
    %c0_i32_1 = arith.constant 0 : i32
    return %arg0, %c0_i32, %c0_i32_0 : i32, i32, i32
  }
}

module attributes {stable_mosaic.version = 14 : i64} {
  func.func @_pre_body(%arg0: memref<2x512x128xf32, #tpu.memory_space<vmem>>, %arg1: memref<2x512x1xf32, #tpu.memory_space<vmem>>, %arg2: memref<512x1xf32, #tpu.memory_space<vmem>>, %arg3: memref<512x1xf32, #tpu.memory_space<vmem>>, %arg4: memref<512x1xf32, #tpu.memory_space<vmem>>, %arg5: memref<512x1xf32, #tpu.memory_space<vmem>>, %arg6: memref<512x1xf32, #tpu.memory_space<vmem>>, %arg7: memref<512x1xf32, #tpu.memory_space<vmem>>, %arg8: memref<131x128xf32, #tpu.memory_space<vmem>>, %arg9: memref<1x128xf32, #tpu.memory_space<vmem>>, %arg10: memref<1x32xf32, #tpu.memory_space<vmem>>, %arg11: memref<1x32xf32, #tpu.memory_space<vmem>>, %arg12: memref<512x128xf32, #tpu.memory_space<vmem>>, %arg13: memref<512x128xf32, #tpu.memory_space<vmem>>, %arg14: memref<1024x32xf32, #tpu.memory_space<vmem>>) attributes {dimension_semantics = [], scalar_prefetch = 0 : i64, scratch_operands = 0 : i64, tpu.core_type = #tpu.core_type<tc>} {
    %get3A = arith.constant 0 : index
    %get3A_0 = arith.constant 0 : index
    %get3A_1 = arith.constant 0 : index
    %get3A_2 = vector.load %arg0[%get3A, %get3A_0, %get3A_1] : memref<2x512x128xf32, #tpu.memory_space<vmem>>, vector<1x512x128xf32>
    %get3A_3 = vector.shape_cast %get3A_2 : vector<1x512x128xf32> to vector<512x128xf32>
    %get3A_4 = arith.constant 0 : index
    %get3A_5 = arith.constant 0 : index
    %get3A_6 = arith.constant 0 : index
    %get3A_7 = vector.load %arg1[%get3A_4, %get3A_5, %get3A_6] : memref<2x512x1xf32, #tpu.memory_space<vmem>>, vector<1x512x1xf32>
    %get3A_8 = vector.shape_cast %get3A_7 : vector<1x512x1xf32> to vector<512x1xf32>
    %div3A = vector.broadcast %get3A_8 : vector<512x1xf32> to vector<512x128xf32>
    %div3A_9 = arith.divf %get3A_3, %div3A : vector<512x128xf32>
    %get3A_10 = arith.constant 1 : index
    %get3A_11 = arith.constant 0 : index
    %get3A_12 = arith.constant 0 : index
    %get3A_13 = vector.load %arg0[%get3A_10, %get3A_11, %get3A_12] : memref<2x512x128xf32, #tpu.memory_space<vmem>>, vector<1x512x128xf32>
    %get3A_14 = vector.shape_cast %get3A_13 : vector<1x512x128xf32> to vector<512x128xf32>
    %get3A_15 = arith.constant 1 : index
    %get3A_16 = arith.constant 0 : index
    %get3A_17 = arith.constant 0 : index
    %get3A_18 = vector.load %arg1[%get3A_15, %get3A_16, %get3A_17] : memref<2x512x1xf32, #tpu.memory_space<vmem>>, vector<1x512x1xf32>
    %get3A_19 = vector.shape_cast %get3A_18 : vector<1x512x1xf32> to vector<512x1xf32>
    %div3A_20 = vector.broadcast %get3A_19 : vector<512x1xf32> to vector<512x128xf32>
    %div3A_21 = arith.divf %get3A_14, %div3A_20 : vector<512x128xf32>
    %get3A_22 = arith.constant 0 : index
    %get3A_23 = arith.constant 0 : index
    %get3A_24 = vector.load %arg2[%get3A_22, %get3A_23] : memref<512x1xf32, #tpu.memory_space<vmem>>, vector<512x1xf32>
    %get3A_25 = arith.constant 0 : index
    %get3A_26 = arith.constant 0 : index
    %get3A_27 = vector.load %arg3[%get3A_25, %get3A_26] : memref<512x1xf32, #tpu.memory_space<vmem>>, vector<512x1xf32>
    %get3A_28 = arith.constant 0 : index
    %get3A_29 = arith.constant 0 : index
    %get3A_30 = vector.load %arg4[%get3A_28, %get3A_29] : memref<512x1xf32, #tpu.memory_space<vmem>>, vector<512x1xf32>
    %concatenate3A = tpu.concatenate %div3A_9, %get3A_24, %get3A_27, %get3A_30 in 1 : vector<512x128xf32>, vector<512x1xf32>, vector<512x1xf32>, vector<512x1xf32> -> vector<512x131xf32>
    %get3A_31 = arith.constant 0 : index
    %get3A_32 = arith.constant 0 : index
    %get3A_33 = vector.load %arg2[%get3A_31, %get3A_32] : memref<512x1xf32, #tpu.memory_space<vmem>>, vector<512x1xf32>
    %get3A_34 = arith.constant 0 : index
    %get3A_35 = arith.constant 0 : index
    %get3A_36 = vector.load %arg3[%get3A_34, %get3A_35] : memref<512x1xf32, #tpu.memory_space<vmem>>, vector<512x1xf32>
    %get3A_37 = arith.constant 0 : index
    %get3A_38 = arith.constant 0 : index
    %get3A_39 = vector.load %arg5[%get3A_37, %get3A_38] : memref<512x1xf32, #tpu.memory_space<vmem>>, vector<512x1xf32>
    %concatenate3A_40 = tpu.concatenate %div3A_21, %get3A_33, %get3A_36, %get3A_39 in 1 : vector<512x128xf32>, vector<512x1xf32>, vector<512x1xf32>, vector<512x1xf32> -> vector<512x131xf32>
    %get3A_41 = arith.constant 0 : index
    %get3A_42 = arith.constant 0 : index
    %get3A_43 = vector.load %arg8[%get3A_41, %get3A_42] : memref<131x128xf32, #tpu.memory_space<vmem>>, vector<131x128xf32>
    %dot_general3A = arith.constant dense<0.000000e+00> : vector<512x128xf32>
    %dot_general3A_44 = tpu.matmul %concatenate3A, %get3A_43, %dot_general3A {dimension_numbers = #tpu.dot_dimension_numbers<[1], [0], [0], [1], [0, 0, 1, 1], [], []>, transpose_lhs_hint = false} : vector<512x131xf32>, vector<131x128xf32>, vector<512x128xf32> -> vector<512x128xf32>
    %get3A_45 = arith.constant 0 : index
    %get3A_46 = arith.constant 0 : index
    %get3A_47 = vector.load %arg9[%get3A_45, %get3A_46] : memref<1x128xf32, #tpu.memory_space<vmem>>, vector<1x128xf32>
    %add3A = vector.broadcast %get3A_47 : vector<1x128xf32> to vector<512x128xf32>
    %add3A_48 = arith.addf %dot_general3A_44, %add3A : vector<512x128xf32>
    %max3A = arith.constant 0.000000e+00 : f32
    %max3A_49 = vector.broadcast %max3A : f32 to vector<512x128xf32>
    %max3A_50 = arith.maximumf %add3A_48, %max3A_49 : vector<512x128xf32>
    %swap3A = arith.constant 0 : index
    %swap3A_51 = arith.constant 0 : index
    %swap3A_52 = vector.load %arg12[%swap3A, %swap3A_51] : memref<512x128xf32, #tpu.memory_space<vmem>>, vector<512x128xf32>
    tpu.vector_store %arg12[%swap3A, %swap3A_51], %max3A_50 {strides = array<i32>} : memref<512x128xf32, #tpu.memory_space<vmem>>, vector<512x128xf32>,
    %get3A_53 = arith.constant 0 : index
    %get3A_54 = arith.constant 0 : index
    %get3A_55 = vector.load %arg8[%get3A_53, %get3A_54] : memref<131x128xf32, #tpu.memory_space<vmem>>, vector<131x128xf32>
    %dot_general3A_56 = arith.constant dense<0.000000e+00> : vector<512x128xf32>
    %dot_general3A_57 = tpu.matmul %concatenate3A_40, %get3A_55, %dot_general3A_56 {dimension_numbers = #tpu.dot_dimension_numbers<[1], [0], [0], [1], [0, 0, 1, 1], [], []>, transpose_lhs_hint = false} : vector<512x131xf32>, vector<131x128xf32>, vector<512x128xf32> -> vector<512x128xf32>
    %get3A_58 = arith.constant 0 : index
    %get3A_59 = arith.constant 0 : index
    %get3A_60 = vector.load %arg9[%get3A_58, %get3A_59] : memref<1x128xf32, #tpu.memory_space<vmem>>, vector<1x128xf32>
    %add3A_61 = vector.broadcast %get3A_60 : vector<1x128xf32> to vector<512x128xf32>
    %add3A_62 = arith.addf %dot_general3A_57, %add3A_61 : vector<512x128xf32>
    %max3A_63 = arith.constant 0.000000e+00 : f32
    %max3A_64 = vector.broadcast %max3A_63 : f32 to vector<512x128xf32>
    %max3A_65 = arith.maximumf %add3A_62, %max3A_64 : vector<512x128xf32>
    %swap3A_66 = arith.constant 0 : index
    %swap3A_67 = arith.constant 0 : index
    %swap3A_68 = vector.load %arg13[%swap3A_66, %swap3A_67] : memref<512x128xf32, #tpu.memory_space<vmem>>, vector<512x128xf32>
    tpu.vector_store %arg13[%swap3A_66, %swap3A_67], %max3A_65 {strides = array<i32>} : memref<512x128xf32, #tpu.memory_space<vmem>>, vector<512x128xf32>,
    %get3A_69 = arith.constant 0 : index
    %get3A_70 = arith.constant 0 : index
    %get3A_71 = vector.load %arg6[%get3A_69, %get3A_70] : memref<512x1xf32, #tpu.memory_space<vmem>>, vector<512x1xf32>
    %get3A_72 = arith.constant 0 : index
    %get3A_73 = arith.constant 0 : index
    %get3A_74 = vector.load %arg10[%get3A_72, %get3A_73] : memref<1x32xf32, #tpu.memory_space<vmem>>, vector<1x32xf32>
    %mul3A = vector.broadcast %get3A_71 : vector<512x1xf32> to vector<512x32xf32>
    %mul3A_75 = vector.broadcast %get3A_74 : vector<1x32xf32> to vector<512x32xf32>
    %mul3A_76 = arith.mulf %mul3A, %mul3A_75 : vector<512x32xf32>
    %get3A_77 = arith.constant 0 : index
    %get3A_78 = arith.constant 0 : index
    %get3A_79 = vector.load %arg11[%get3A_77, %get3A_78] : memref<1x32xf32, #tpu.memory_space<vmem>>, vector<1x32xf32>
    %add3A_80 = vector.broadcast %get3A_79 : vector<1x32xf32> to vector<512x32xf32>
    %add3A_81 = arith.addf %mul3A_76, %add3A_80 : vector<512x32xf32>
    %max3A_82 = arith.constant 0.000000e+00 : f32
    %max3A_83 = vector.broadcast %max3A_82 : f32 to vector<512x32xf32>
    %max3A_84 = arith.maximumf %add3A_81, %max3A_83 : vector<512x32xf32>
    %swap3A_85 = arith.constant 0 : index
    %swap3A_86 = arith.constant 0 : index
    %swap3A_87 = vector.load %arg14[%swap3A_85, %swap3A_86] : memref<1024x32xf32, #tpu.memory_space<vmem>>, vector<512x32xf32>
    tpu.vector_store %arg14[%swap3A_85, %swap3A_86], %max3A_84 {strides = array<i32>} : memref<1024x32xf32, #tpu.memory_space<vmem>>, vector<512x32xf32>,
    %get3A_88 = arith.constant 0 : index
    %get3A_89 = arith.constant 0 : index
    %get3A_90 = vector.load %arg7[%get3A_88, %get3A_89] : memref<512x1xf32, #tpu.memory_space<vmem>>, vector<512x1xf32>
    %get3A_91 = arith.constant 0 : index
    %get3A_92 = arith.constant 0 : index
    %get3A_93 = vector.load %arg10[%get3A_91, %get3A_92] : memref<1x32xf32, #tpu.memory_space<vmem>>, vector<1x32xf32>
    %mul3A_94 = vector.broadcast %get3A_90 : vector<512x1xf32> to vector<512x32xf32>
    %mul3A_95 = vector.broadcast %get3A_93 : vector<1x32xf32> to vector<512x32xf32>
    %mul3A_96 = arith.mulf %mul3A_94, %mul3A_95 : vector<512x32xf32>
    %get3A_97 = arith.constant 0 : index
    %get3A_98 = arith.constant 0 : index
    %get3A_99 = vector.load %arg11[%get3A_97, %get3A_98] : memref<1x32xf32, #tpu.memory_space<vmem>>, vector<1x32xf32>
    %add3A_100 = vector.broadcast %get3A_99 : vector<1x32xf32> to vector<512x32xf32>
    %add3A_101 = arith.addf %mul3A_96, %add3A_100 : vector<512x32xf32>
    %max3A_102 = arith.constant 0.000000e+00 : f32
    %max3A_103 = vector.broadcast %max3A_102 : f32 to vector<512x32xf32>
    %max3A_104 = arith.maximumf %add3A_101, %max3A_103 : vector<512x32xf32>
    %swap3A_105 = arith.constant 512 : index
    %swap3A_106 = arith.constant 0 : index
    %swap3A_107 = vector.load %arg14[%swap3A_105, %swap3A_106] : memref<1024x32xf32, #tpu.memory_space<vmem>>, vector<512x32xf32>
    tpu.vector_store %arg14[%swap3A_105, %swap3A_106], %max3A_104 {strides = array<i32>} : memref<1024x32xf32, #tpu.memory_space<vmem>>, vector<512x32xf32>,
    return
  }
}

module attributes {stable_mosaic.version = 14 : i64} {
  func.func @_theta_body(%arg0: i32, %arg1: memref<1024x32xf32, #tpu.memory_space<vmem>>, %arg2: memref<32x1024xf32, #tpu.memory_space<vmem>>, %arg3: memref<1x1024xf32, #tpu.memory_space<vmem>>, %arg4: memref<1024x1024xbf16, #tpu.memory_space<vmem>>) attributes {dimension_semantics = [#tpu.dimension_semantics<arbitrary>], iteration_bounds = array<i64: 16>, scalar_prefetch = 0 : i64, scratch_operands = 0 : i64, tpu.core_type = #tpu.core_type<tc>, window_params = [{pipeline_mode = #tpu.pipeline_mode<synchronous>, transform_indices = @transform_0, window_bounds = array<i64: 1024, 32>}, {transform_indices = @transform_1, window_bounds = array<i64: 32, 1024>}, {transform_indices = @transform_2, window_bounds = array<i64: 1, 1024>}, {transform_indices = @transform_3, window_bounds = array<i64: 1024, 1024>}]} {
    %get3A = arith.constant 0 : index
    %get3A_0 = arith.constant 0 : index
    %get3A_1 = vector.load %arg1[%get3A, %get3A_0] : memref<1024x32xf32, #tpu.memory_space<vmem>>, vector<1024x32xf32>
    %get3A_2 = arith.constant 0 : index
    %get3A_3 = arith.constant 0 : index
    %get3A_4 = vector.load %arg2[%get3A_2, %get3A_3] : memref<32x1024xf32, #tpu.memory_space<vmem>>, vector<32x1024xf32>
    %dot_general3A = arith.constant dense<0.000000e+00> : vector<1024x1024xf32>
    %dot_general3A_5 = tpu.matmul %get3A_1, %get3A_4, %dot_general3A {dimension_numbers = #tpu.dot_dimension_numbers<[1], [0], [0], [1], [0, 0, 1, 1], [], []>, transpose_lhs_hint = false} : vector<1024x32xf32>, vector<32x1024xf32>, vector<1024x1024xf32> -> vector<1024x1024xf32>
    %get3A_6 = arith.constant 0 : index
    %get3A_7 = arith.constant 0 : index
    %get3A_8 = vector.load %arg3[%get3A_6, %get3A_7] : memref<1x1024xf32, #tpu.memory_space<vmem>>, vector<1x1024xf32>
    %add3A = vector.broadcast %get3A_8 : vector<1x1024xf32> to vector<1024x1024xf32>
    %add3A_9 = arith.addf %dot_general3A_5, %add3A : vector<1024x1024xf32>
    %convert_element_type3A = arith.truncf %add3A_9 : vector<1024x1024xf32> to vector<1024x1024xbf16>
    %swap3A = arith.constant 0 : index
    %swap3A_10 = arith.constant 0 : index
    %swap3A_11 = vector.load %arg4[%swap3A, %swap3A_10] : memref<1024x1024xbf16, #tpu.memory_space<vmem>>, vector<1024x1024xbf16>
    tpu.vector_store %arg4[%swap3A, %swap3A_10], %convert_element_type3A {strides = array<i32>} : memref<1024x1024xbf16, #tpu.memory_space<vmem>>, vector<1024x1024xbf16>,
    return
  }
  func.func @transform_0(%arg0: i32) -> (i32, i32) {
    %c0_i32 = arith.constant 0 : i32
    %c0_i32_0 = arith.constant 0 : i32
    %c0_i32_1 = arith.constant 0 : i32
    return %c0_i32, %c0_i32_0 : i32, i32
  }
  func.func @transform_1(%arg0: i32) -> (i32, i32) {
    %c0_i32 = arith.constant 0 : i32
    %c0_i32_0 = arith.constant 0 : i32
    return %c0_i32, %arg0 : i32, i32
  }
  func.func @transform_2(%arg0: i32) -> (i32, i32) {
    %c0_i32 = arith.constant 0 : i32
    %c0_i32_0 = arith.constant 0 : i32
    return %c0_i32, %arg0 : i32, i32
  }
  func.func @transform_3(%arg0: i32) -> (i32, i32) {
    %c0_i32 = arith.constant 0 : i32
    %c0_i32_0 = arith.constant 0 : i32
    return %c0_i32, %arg0 : i32, i32
  }
}

module attributes {stable_mosaic.version = 14 : i64} {
  func.func @_pairmv_body(%arg0: i32, %arg1: memref<8x128x128xbf16, #tpu.memory_space<vmem>>, %arg2: memref<8x128x128xbf16, #tpu.memory_space<vmem>>, %arg3: memref<8x128xf32, #tpu.memory_space<vmem>>, %arg4: memref<8x128xf32, #tpu.memory_space<vmem>>, %arg5: memref<8x128xf32, #tpu.memory_space<vmem>>, %arg6: memref<8x128xf32, #tpu.memory_space<vmem>>, %arg7: memref<8x128xf32, #tpu.memory_space<vmem>>) attributes {dimension_semantics = [#tpu.dimension_semantics<arbitrary>], iteration_bounds = array<i64: 64>, scalar_prefetch = 0 : i64, scratch_operands = 0 : i64, tpu.core_type = #tpu.core_type<tc>, window_params = [{transform_indices = @transform_0, window_bounds = array<i64: 8, 128, 128>}, {transform_indices = @transform_1, window_bounds = array<i64: 8, 128, 128>}, {transform_indices = @transform_2, window_bounds = array<i64: 8, 128>}, {transform_indices = @transform_3, window_bounds = array<i64: 8, 128>}, {transform_indices = @transform_4, window_bounds = array<i64: 8, 128>}, {transform_indices = @transform_5, window_bounds = array<i64: 8, 128>}, {transform_indices = @transform_6, window_bounds = array<i64: 8, 128>}]} {
    %get3A = arith.constant 0 : index
    %get3A_0 = arith.constant 0 : index
    %get3A_1 = arith.constant 0 : index
    %get3A_2 = vector.load %arg1[%get3A, %get3A_0, %get3A_1] : memref<8x128x128xbf16, #tpu.memory_space<vmem>>, vector<1x128x128xbf16>
    %get3A_3 = vector.shape_cast %get3A_2 : vector<1x128x128xbf16> to vector<128x128xbf16>
    %convert_element_type3A = arith.extf %get3A_3 : vector<128x128xbf16> to vector<128x128xf32>
    %get3A_4 = arith.constant 0 : index
    %get3A_5 = arith.constant 0 : index
    %get3A_6 = arith.constant 0 : index
    %get3A_7 = vector.load %arg2[%get3A_4, %get3A_5, %get3A_6] : memref<8x128x128xbf16, #tpu.memory_space<vmem>>, vector<1x128x128xbf16>
    %get3A_8 = vector.shape_cast %get3A_7 : vector<1x128x128xbf16> to vector<128x128xbf16>
    %convert_element_type3A_9 = arith.extf %get3A_8 : vector<128x128xbf16> to vector<128x128xf32>
    %get3A_10 = arith.constant 0 : index
    %get3A_11 = arith.constant 0 : index
    %get3A_12 = vector.load %arg3[%get3A_10, %get3A_11] : memref<8x128xf32, #tpu.memory_space<vmem>>, vector<1x128xf32>
    %convert_element_type3A_13 = arith.truncf %get3A_12 : vector<1x128xf32> to vector<1x128xbf16>
    %convert_element_type3A_14 = arith.extf %convert_element_type3A_13 : vector<1x128xbf16> to vector<1x128xf32>
    %get3A_15 = arith.constant 0 : index
    %get3A_16 = arith.constant 0 : index
    %get3A_17 = vector.load %arg4[%get3A_15, %get3A_16] : memref<8x128xf32, #tpu.memory_space<vmem>>, vector<1x128xf32>
    %convert_element_type3A_18 = arith.truncf %get3A_17 : vector<1x128xf32> to vector<1x128xbf16>
    %convert_element_type3A_19 = arith.extf %convert_element_type3A_18 : vector<1x128xbf16> to vector<1x128xf32>
    %dot_general3A = arith.constant dense<0.000000e+00> : vector<1x128xf32>
    %dot_general3A_20 = tpu.matmul %convert_element_type3A_14, %convert_element_type3A, %dot_general3A {dimension_numbers = #tpu.dot_dimension_numbers<[1], [0], [0], [1], [0, 0, 1, 1], [], []>, precision = #tpu.contract_precision<fp32>, transpose_lhs_hint = false} : vector<1x128xf32>, vector<128x128xf32>, vector<1x128xf32> -> vector<1x128xf32>
    %swap3A = arith.constant 0 : index
    %swap3A_21 = arith.constant 0 : index
    %swap3A_22 = vector.load %arg5[%swap3A, %swap3A_21] : memref<8x128xf32, #tpu.memory_space<vmem>>, vector<1x128xf32>
    tpu.vector_store %arg5[%swap3A, %swap3A_21], %dot_general3A_20 {strides = array<i32>} : memref<8x128xf32, #tpu.memory_space<vmem>>, vector<1x128xf32>,
    %dot_general3A_23 = arith.constant dense<0.000000e+00> : vector<1x128xf32>
    %dot_general3A_24 = tpu.matmul %convert_element_type3A_19, %convert_element_type3A, %dot_general3A_23 {dimension_numbers = #tpu.dot_dimension_numbers<[1], [0], [0], [1], [0, 0, 1, 1], [], []>, precision = #tpu.contract_precision<fp32>, transpose_lhs_hint = false} : vector<1x128xf32>, vector<128x128xf32>, vector<1x128xf32> -> vector<1x128xf32>
    %swap3A_25 = arith.constant 0 : index
    %swap3A_26 = arith.constant 0 : index
    %swap3A_27 = vector.load %arg6[%swap3A_25, %swap3A_26] : memref<8x128xf32, #tpu.memory_space<vmem>>, vector<1x128xf32>
    tpu.vector_store %arg6[%swap3A_25, %swap3A_26], %dot_general3A_24 {strides = array<i32>} : memref<8x128xf32, #tpu.memory_space<vmem>>, vector<1x128xf32>,
    %dot_general3A_28 = arith.constant dense<0.000000e+00> : vector<1x128xf32>
    %dot_general3A_29 = tpu.matmul %convert_element_type3A_19, %convert_element_type3A_9, %dot_general3A_28 {dimension_numbers = #tpu.dot_dimension_numbers<[1], [0], [0], [1], [0, 0, 1, 1], [], []>, precision = #tpu.contract_precision<fp32>, transpose_lhs_hint = false} : vector<1x128xf32>, vector<128x128xf32>, vector<1x128xf32> -> vector<1x128xf32>
    %swap3A_30 = arith.constant 0 : index
    %swap3A_31 = arith.constant 0 : index
    %swap3A_32 = vector.load %arg7[%swap3A_30, %swap3A_31] : memref<8x128xf32, #tpu.memory_space<vmem>>, vector<1x128xf32>
    tpu.vector_store %arg7[%swap3A_30, %swap3A_31], %dot_general3A_29 {strides = array<i32>} : memref<8x128xf32, #tpu.memory_space<vmem>>, vector<1x128xf32>,
    %get3A_33 = arith.constant 1 : index
    %get3A_34 = arith.constant 0 : index
    %get3A_35 = arith.constant 0 : index
    %get3A_36 = vector.load %arg1[%get3A_33, %get3A_34, %get3A_35] : memref<8x128x128xbf16, #tpu.memory_space<vmem>>, vector<1x128x128xbf16>
    %get3A_37 = vector.shape_cast %get3A_36 : vector<1x128x128xbf16> to vector<128x128xbf16>
    %convert_element_type3A_38 = arith.extf %get3A_37 : vector<128x128xbf16> to vector<128x128xf32>
    %get3A_39 = arith.constant 1 : index
    %get3A_40 = arith.constant 0 : index
    %get3A_41 = arith.constant 0 : index
    %get3A_42 = vector.load %arg2[%get3A_39, %get3A_40, %get3A_41] : memref<8x128x128xbf16, #tpu.memory_space<vmem>>, vector<1x128x128xbf16>
    %get3A_43 = vector.shape_cast %get3A_42 : vector<1x128x128xbf16> to vector<128x128xbf16>
    %convert_element_type3A_44 = arith.extf %get3A_43 : vector<128x128xbf16> to vector<128x128xf32>
    %get3A_45 = arith.constant 1 : index
    %get3A_46 = arith.constant 0 : index
    %get3A_47 = vector.load %arg3[%get3A_45, %get3A_46] : memref<8x128xf32, #tpu.memory_space<vmem>>, vector<1x128xf32>
    %convert_element_type3A_48 = arith.truncf %get3A_47 : vector<1x128xf32> to vector<1x128xbf16>
    %convert_element_type3A_49 = arith.extf %convert_element_type3A_48 : vector<1x128xbf16> to vector<1x128xf32>
    %get3A_50 = arith.constant 1 : index
    %get3A_51 = arith.constant 0 : index
    %get3A_52 = vector.load %arg4[%get3A_50, %get3A_51] : memref<8x128xf32, #tpu.memory_space<vmem>>, vector<1x128xf32>
    %convert_element_type3A_53 = arith.truncf %get3A_52 : vector<1x128xf32> to vector<1x128xbf16>
    %convert_element_type3A_54 = arith.extf %convert_element_type3A_53 : vector<1x128xbf16> to vector<1x128xf32>
    %dot_general3A_55 = arith.constant dense<0.000000e+00> : vector<1x128xf32>
    %dot_general3A_56 = tpu.matmul %convert_element_type3A_49, %convert_element_type3A_38, %dot_general3A_55 {dimension_numbers = #tpu.dot_dimension_numbers<[1], [0], [0], [1], [0, 0, 1, 1], [], []>, precision = #tpu.contract_precision<fp32>, transpose_lhs_hint = false} : vector<1x128xf32>, vector<128x128xf32>, vector<1x128xf32> -> vector<1x128xf32>
    %swap3A_57 = arith.constant 1 : index
    %swap3A_58 = arith.constant 0 : index
    %swap3A_59 = vector.load %arg5[%swap3A_57, %swap3A_58] : memref<8x128xf32, #tpu.memory_space<vmem>>, vector<1x128xf32>
    tpu.vector_store %arg5[%swap3A_57, %swap3A_58], %dot_general3A_56 {strides = array<i32>} : memref<8x128xf32, #tpu.memory_space<vmem>>, vector<1x128xf32>,
    %dot_general3A_60 = arith.constant dense<0.000000e+00> : vector<1x128xf32>
    %dot_general3A_61 = tpu.matmul %convert_element_type3A_54, %convert_element_type3A_38, %dot_general3A_60 {dimension_numbers = #tpu.dot_dimension_numbers<[1], [0], [0], [1], [0, 0, 1, 1], [], []>, precision = #tpu.contract_precision<fp32>, transpose_lhs_hint = false} : vector<1x128xf32>, vector<128x128xf32>, vector<1x128xf32> -> vector<1x128xf32>
    %swap3A_62 = arith.constant 1 : index
    %swap3A_63 = arith.constant 0 : index
    %swap3A_64 = vector.load %arg6[%swap3A_62, %swap3A_63] : memref<8x128xf32, #tpu.memory_space<vmem>>, vector<1x128xf32>
    tpu.vector_store %arg6[%swap3A_62, %swap3A_63], %dot_general3A_61 {strides = array<i32>} : memref<8x128xf32, #tpu.memory_space<vmem>>, vector<1x128xf32>,
    %dot_general3A_65 = arith.constant dense<0.000000e+00> : vector<1x128xf32>
    %dot_general3A_66 = tpu.matmul %convert_element_type3A_54, %convert_element_type3A_44, %dot_general3A_65 {dimension_numbers = #tpu.dot_dimension_numbers<[1], [0], [0], [1], [0, 0, 1, 1], [], []>, precision = #tpu.contract_precision<fp32>, transpose_lhs_hint = false} : vector<1x128xf32>, vector<128x128xf32>, vector<1x128xf32> -> vector<1x128xf32>
    %swap3A_67 = arith.constant 1 : index
    %swap3A_68 = arith.constant 0 : index
    %swap3A_69 = vector.load %arg7[%swap3A_67, %swap3A_68] : memref<8x128xf32, #tpu.memory_space<vmem>>, vector<1x128xf32>
    tpu.vector_store %arg7[%swap3A_67, %swap3A_68], %dot_general3A_66 {strides = array<i32>} : memref<8x128xf32, #tpu.memory_space<vmem>>, vector<1x128xf32>,
    %get3A_70 = arith.constant 2 : index
    %get3A_71 = arith.constant 0 : index
    %get3A_72 = arith.constant 0 : index
    %get3A_73 = vector.load %arg1[%get3A_70, %get3A_71, %get3A_72] : memref<8x128x128xbf16, #tpu.memory_space<vmem>>, vector<1x128x128xbf16>
    %get3A_74 = vector.shape_cast %get3A_73 : vector<1x128x128xbf16> to vector<128x128xbf16>
    %convert_element_type3A_75 = arith.extf %get3A_74 : vector<128x128xbf16> to vector<128x128xf32>
    %get3A_76 = arith.constant 2 : index
    %get3A_77 = arith.constant 0 : index
    %get3A_78 = arith.constant 0 : index
    %get3A_79 = vector.load %arg2[%get3A_76, %get3A_77, %get3A_78] : memref<8x128x128xbf16, #tpu.memory_space<vmem>>, vector<1x128x128xbf16>
    %get3A_80 = vector.shape_cast %get3A_79 : vector<1x128x128xbf16> to vector<128x128xbf16>
    %convert_element_type3A_81 = arith.extf %get3A_80 : vector<128x128xbf16> to vector<128x128xf32>
    %get3A_82 = arith.constant 2 : index
    %get3A_83 = arith.constant 0 : index
    %get3A_84 = vector.load %arg3[%get3A_82, %get3A_83] : memref<8x128xf32, #tpu.memory_space<vmem>>, vector<1x128xf32>
    %convert_element_type3A_85 = arith.truncf %get3A_84 : vector<1x128xf32> to vector<1x128xbf16>
    %convert_element_type3A_86 = arith.extf %convert_element_type3A_85 : vector<1x128xbf16> to vector<1x128xf32>
    %get3A_87 = arith.constant 2 : index
    %get3A_88 = arith.constant 0 : index
    %get3A_89 = vector.load %arg4[%get3A_87, %get3A_88] : memref<8x128xf32, #tpu.memory_space<vmem>>, vector<1x128xf32>
    %convert_element_type3A_90 = arith.truncf %get3A_89 : vector<1x128xf32> to vector<1x128xbf16>
    %convert_element_type3A_91 = arith.extf %convert_element_type3A_90 : vector<1x128xbf16> to vector<1x128xf32>
    %dot_general3A_92 = arith.constant dense<0.000000e+00> : vector<1x128xf32>
    %dot_general3A_93 = tpu.matmul %convert_element_type3A_86, %convert_element_type3A_75, %dot_general3A_92 {dimension_numbers = #tpu.dot_dimension_numbers<[1], [0], [0], [1], [0, 0, 1, 1], [], []>, precision = #tpu.contract_precision<fp32>, transpose_lhs_hint = false} : vector<1x128xf32>, vector<128x128xf32>, vector<1x128xf32> -> vector<1x128xf32>
    %swap3A_94 = arith.constant 2 : index
    %swap3A_95 = arith.constant 0 : index
    %swap3A_96 = vector.load %arg5[%swap3A_94, %swap3A_95] : memref<8x128xf32, #tpu.memory_space<vmem>>, vector<1x128xf32>
    tpu.vector_store %arg5[%swap3A_94, %swap3A_95], %dot_general3A_93 {strides = array<i32>} : memref<8x128xf32, #tpu.memory_space<vmem>>, vector<1x128xf32>,
    %dot_general3A_97 = arith.constant dense<0.000000e+00> : vector<1x128xf32>
    %dot_general3A_98 = tpu.matmul %convert_element_type3A_91, %convert_element_type3A_75, %dot_general3A_97 {dimension_numbers = #tpu.dot_dimension_numbers<[1], [0], [0], [1], [0, 0, 1, 1], [], []>, precision = #tpu.contract_precision<fp32>, transpose_lhs_hint = false} : vector<1x128xf32>, vector<128x128xf32>, vector<1x128xf32> -> vector<1x128xf32>
    %swap3A_99 = arith.constant 2 : index
    %swap3A_100 = arith.constant 0 : index
    %swap3A_101 = vector.load %arg6[%swap3A_99, %swap3A_100] : memref<8x128xf32, #tpu.memory_space<vmem>>, vector<1x128xf32>
    tpu.vector_store %arg6[%swap3A_99, %swap3A_100], %dot_general3A_98 {strides = array<i32>} : memref<8x128xf32, #tpu.memory_space<vmem>>, vector<1x128xf32>,
    %dot_general3A_102 = arith.constant dense<0.000000e+00> : vector<1x128xf32>
    %dot_general3A_103 = tpu.matmul %convert_element_type3A_91, %convert_element_type3A_81, %dot_general3A_102 {dimension_numbers = #tpu.dot_dimension_numbers<[1], [0], [0], [1], [0, 0, 1, 1], [], []>, precision = #tpu.contract_precision<fp32>, transpose_lhs_hint = false} : vector<1x128xf32>, vector<128x128xf32>, vector<1x128xf32> -> vector<1x128xf32>
    %swap3A_104 = arith.constant 2 : index
    %swap3A_105 = arith.constant 0 : index
    %swap3A_106 = vector.load %arg7[%swap3A_104, %swap3A_105] : memref<8x128xf32, #tpu.memory_space<vmem>>, vector<1x128xf32>
    tpu.vector_store %arg7[%swap3A_104, %swap3A_105], %dot_general3A_103 {strides = array<i32>} : memref<8x128xf32, #tpu.memory_space<vmem>>, vector<1x128xf32>,
    %get3A_107 = arith.constant 3 : index
    %get3A_108 = arith.constant 0 : index
    %get3A_109 = arith.constant 0 : index
    %get3A_110 = vector.load %arg1[%get3A_107, %get3A_108, %get3A_109] : memref<8x128x128xbf16, #tpu.memory_space<vmem>>, vector<1x128x128xbf16>
    %get3A_111 = vector.shape_cast %get3A_110 : vector<1x128x128xbf16> to vector<128x128xbf16>
    %convert_element_type3A_112 = arith.extf %get3A_111 : vector<128x128xbf16> to vector<128x128xf32>
    %get3A_113 = arith.constant 3 : index
    %get3A_114 = arith.constant 0 : index
    %get3A_115 = arith.constant 0 : index
    %get3A_116 = vector.load %arg2[%get3A_113, %get3A_114, %get3A_115] : memref<8x128x128xbf16, #tpu.memory_space<vmem>>, vector<1x128x128xbf16>
    %get3A_117 = vector.shape_cast %get3A_116 : vector<1x128x128xbf16> to vector<128x128xbf16>
    %convert_element_type3A_118 = arith.extf %get3A_117 : vector<128x128xbf16> to vector<128x128xf32>
    %get3A_119 = arith.constant 3 : index
    %get3A_120 = arith.constant 0 : index
    %get3A_121 = vector.load %arg3[%get3A_119, %get3A_120] : memref<8x128xf32, #tpu.memory_space<vmem>>, vector<1x128xf32>
    %convert_element_type3A_122 = arith.truncf %get3A_121 : vector<1x128xf32> to vector<1x128xbf16>
    %convert_element_type3A_123 = arith.extf %convert_element_type3A_122 : vector<1x128xbf16> to vector<1x128xf32>
    %get3A_124 = arith.constant 3 : index
    %get3A_125 = arith.constant 0 : index
    %get3A_126 = vector.load %arg4[%get3A_124, %get3A_125] : memref<8x128xf32, #tpu.memory_space<vmem>>, vector<1x128xf32>
    %convert_element_type3A_127 = arith.truncf %get3A_126 : vector<1x128xf32> to vector<1x128xbf16>
    %convert_element_type3A_128 = arith.extf %convert_element_type3A_127 : vector<1x128xbf16> to vector<1x128xf32>
    %dot_general3A_129 = arith.constant dense<0.000000e+00> : vector<1x128xf32>
    %dot_general3A_130 = tpu.matmul %convert_element_type3A_123, %convert_element_type3A_112, %dot_general3A_129 {dimension_numbers = #tpu.dot_dimension_numbers<[1], [0], [0], [1], [0, 0, 1, 1], [], []>, precision = #tpu.contract_precision<fp32>, transpose_lhs_hint = false} : vector<1x128xf32>, vector<128x128xf32>, vector<1x128xf32> -> vector<1x128xf32>
    %swap3A_131 = arith.constant 3 : index
    %swap3A_132 = arith.constant 0 : index
    %swap3A_133 = vector.load %arg5[%swap3A_131, %swap3A_132] : memref<8x128xf32, #tpu.memory_space<vmem>>, vector<1x128xf32>
    tpu.vector_store %arg5[%swap3A_131, %swap3A_132], %dot_general3A_130 {strides = array<i32>} : memref<8x128xf32, #tpu.memory_space<vmem>>, vector<1x128xf32>,
    %dot_general3A_134 = arith.constant dense<0.000000e+00> : vector<1x128xf32>
    %dot_general3A_135 = tpu.matmul %convert_element_type3A_128, %convert_element_type3A_112, %dot_general3A_134 {dimension_numbers = #tpu.dot_dimension_numbers<[1], [0], [0], [1], [0, 0, 1, 1], [], []>, precision = #tpu.contract_precision<fp32>, transpose_lhs_hint = false} : vector<1x128xf32>, vector<128x128xf32>, vector<1x128xf32> -> vector<1x128xf32>
    %swap3A_136 = arith.constant 3 : index
    %swap3A_137 = arith.constant 0 : index
    %swap3A_138 = vector.load %arg6[%swap3A_136, %swap3A_137] : memref<8x128xf32, #tpu.memory_space<vmem>>, vector<1x128xf32>
    tpu.vector_store %arg6[%swap3A_136, %swap3A_137], %dot_general3A_135 {strides = array<i32>} : memref<8x128xf32, #tpu.memory_space<vmem>>, vector<1x128xf32>,
    %dot_general3A_139 = arith.constant dense<0.000000e+00> : vector<1x128xf32>
    %dot_general3A_140 = tpu.matmul %convert_element_type3A_128, %convert_element_type3A_118, %dot_general3A_139 {dimension_numbers = #tpu.dot_dimension_numbers<[1], [0], [0], [1], [0, 0, 1, 1], [], []>, precision = #tpu.contract_precision<fp32>, transpose_lhs_hint = false} : vector<1x128xf32>, vector<128x128xf32>, vector<1x128xf32> -> vector<1x128xf32>
    %swap3A_141 = arith.constant 3 : index
    %swap3A_142 = arith.constant 0 : index
    %swap3A_143 = vector.load %arg7[%swap3A_141, %swap3A_142] : memref<8x128xf32, #tpu.memory_space<vmem>>, vector<1x128xf32>
    tpu.vector_store %arg7[%swap3A_141, %swap3A_142], %dot_general3A_140 {strides = array<i32>} : memref<8x128xf32, #tpu.memory_space<vmem>>, vector<1x128xf32>,
    %get3A_144 = arith.constant 4 : index
    %get3A_145 = arith.constant 0 : index
    %get3A_146 = arith.constant 0 : index
    %get3A_147 = vector.load %arg1[%get3A_144, %get3A_145, %get3A_146] : memref<8x128x128xbf16, #tpu.memory_space<vmem>>, vector<1x128x128xbf16>
    %get3A_148 = vector.shape_cast %get3A_147 : vector<1x128x128xbf16> to vector<128x128xbf16>
    %convert_element_type3A_149 = arith.extf %get3A_148 : vector<128x128xbf16> to vector<128x128xf32>
    %get3A_150 = arith.constant 4 : index
    %get3A_151 = arith.constant 0 : index
    %get3A_152 = arith.constant 0 : index
    %get3A_153 = vector.load %arg2[%get3A_150, %get3A_151, %get3A_152] : memref<8x128x128xbf16, #tpu.memory_space<vmem>>, vector<1x128x128xbf16>
    %get3A_154 = vector.shape_cast %get3A_153 : vector<1x128x128xbf16> to vector<128x128xbf16>
    %convert_element_type3A_155 = arith.extf %get3A_154 : vector<128x128xbf16> to vector<128x128xf32>
    %get3A_156 = arith.constant 4 : index
    %get3A_157 = arith.constant 0 : index
    %get3A_158 = vector.load %arg3[%get3A_156, %get3A_157] : memref<8x128xf32, #tpu.memory_space<vmem>>, vector<1x128xf32>
    %convert_element_type3A_159 = arith.truncf %get3A_158 : vector<1x128xf32> to vector<1x128xbf16>
    %convert_element_type3A_160 = arith.extf %convert_element_type3A_159 : vector<1x128xbf16> to vector<1x128xf32>
    %get3A_161 = arith.constant 4 : index
    %get3A_162 = arith.constant 0 : index
    %get3A_163 = vector.load %arg4[%get3A_161, %get3A_162] : memref<8x128xf32, #tpu.memory_space<vmem>>, vector<1x128xf32>
    %convert_element_type3A_164 = arith.truncf %get3A_163 : vector<1x128xf32> to vector<1x128xbf16>
    %convert_element_type3A_165 = arith.extf %convert_element_type3A_164 : vector<1x128xbf16> to vector<1x128xf32>
    %dot_general3A_166 = arith.constant dense<0.000000e+00> : vector<1x128xf32>
    %dot_general3A_167 = tpu.matmul %convert_element_type3A_160, %convert_element_type3A_149, %dot_general3A_166 {dimension_numbers = #tpu.dot_dimension_numbers<[1], [0], [0], [1], [0, 0, 1, 1], [], []>, precision = #tpu.contract_precision<fp32>, transpose_lhs_hint = false} : vector<1x128xf32>, vector<128x128xf32>, vector<1x128xf32> -> vector<1x128xf32>
    %swap3A_168 = arith.constant 4 : index
    %swap3A_169 = arith.constant 0 : index
    %swap3A_170 = vector.load %arg5[%swap3A_168, %swap3A_169] : memref<8x128xf32, #tpu.memory_space<vmem>>, vector<1x128xf32>
    tpu.vector_store %arg5[%swap3A_168, %swap3A_169], %dot_general3A_167 {strides = array<i32>} : memref<8x128xf32, #tpu.memory_space<vmem>>, vector<1x128xf32>,
    %dot_general3A_171 = arith.constant dense<0.000000e+00> : vector<1x128xf32>
    %dot_general3A_172 = tpu.matmul %convert_element_type3A_165, %convert_element_type3A_149, %dot_general3A_171 {dimension_numbers = #tpu.dot_dimension_numbers<[1], [0], [0], [1], [0, 0, 1, 1], [], []>, precision = #tpu.contract_precision<fp32>, transpose_lhs_hint = false} : vector<1x128xf32>, vector<128x128xf32>, vector<1x128xf32> -> vector<1x128xf32>
    %swap3A_173 = arith.constant 4 : index
    %swap3A_174 = arith.constant 0 : index
    %swap3A_175 = vector.load %arg6[%swap3A_173, %swap3A_174] : memref<8x128xf32, #tpu.memory_space<vmem>>, vector<1x128xf32>
    tpu.vector_store %arg6[%swap3A_173, %swap3A_174], %dot_general3A_172 {strides = array<i32>} : memref<8x128xf32, #tpu.memory_space<vmem>>, vector<1x128xf32>,
    %dot_general3A_176 = arith.constant dense<0.000000e+00> : vector<1x128xf32>
    %dot_general3A_177 = tpu.matmul %convert_element_type3A_165, %convert_element_type3A_155, %dot_general3A_176 {dimension_numbers = #tpu.dot_dimension_numbers<[1], [0], [0], [1], [0, 0, 1, 1], [], []>, precision = #tpu.contract_precision<fp32>, transpose_lhs_hint = false} : vector<1x128xf32>, vector<128x128xf32>, vector<1x128xf32> -> vector<1x128xf32>
    %swap3A_178 = arith.constant 4 : index
    %swap3A_179 = arith.constant 0 : index
    %swap3A_180 = vector.load %arg7[%swap3A_178, %swap3A_179] : memref<8x128xf32, #tpu.memory_space<vmem>>, vector<1x128xf32>
    tpu.vector_store %arg7[%swap3A_178, %swap3A_179], %dot_general3A_177 {strides = array<i32>} : memref<8x128xf32, #tpu.memory_space<vmem>>, vector<1x128xf32>,
    %get3A_181 = arith.constant 5 : index
    %get3A_182 = arith.constant 0 : index
    %get3A_183 = arith.constant 0 : index
    %get3A_184 = vector.load %arg1[%get3A_181, %get3A_182, %get3A_183] : memref<8x128x128xbf16, #tpu.memory_space<vmem>>, vector<1x128x128xbf16>
    %get3A_185 = vector.shape_cast %get3A_184 : vector<1x128x128xbf16> to vector<128x128xbf16>
    %convert_element_type3A_186 = arith.extf %get3A_185 : vector<128x128xbf16> to vector<128x128xf32>
    %get3A_187 = arith.constant 5 : index
    %get3A_188 = arith.constant 0 : index
    %get3A_189 = arith.constant 0 : index
    %get3A_190 = vector.load %arg2[%get3A_187, %get3A_188, %get3A_189] : memref<8x128x128xbf16, #tpu.memory_space<vmem>>, vector<1x128x128xbf16>
    %get3A_191 = vector.shape_cast %get3A_190 : vector<1x128x128xbf16> to vector<128x128xbf16>
    %convert_element_type3A_192 = arith.extf %get3A_191 : vector<128x128xbf16> to vector<128x128xf32>
    %get3A_193 = arith.constant 5 : index
    %get3A_194 = arith.constant 0 : index
    %get3A_195 = vector.load %arg3[%get3A_193, %get3A_194] : memref<8x128xf32, #tpu.memory_space<vmem>>, vector<1x128xf32>
    %convert_element_type3A_196 = arith.truncf %get3A_195 : vector<1x128xf32> to vector<1x128xbf16>
    %convert_element_type3A_197 = arith.extf %convert_element_type3A_196 : vector<1x128xbf16> to vector<1x128xf32>
    %get3A_198 = arith.constant 5 : index
    %get3A_199 = arith.constant 0 : index
    %get3A_200 = vector.load %arg4[%get3A_198, %get3A_199] : memref<8x128xf32, #tpu.memory_space<vmem>>, vector<1x128xf32>
    %convert_element_type3A_201 = arith.truncf %get3A_200 : vector<1x128xf32> to vector<1x128xbf16>
    %convert_element_type3A_202 = arith.extf %convert_element_type3A_201 : vector<1x128xbf16> to vector<1x128xf32>
    %dot_general3A_203 = arith.constant dense<0.000000e+00> : vector<1x128xf32>
    %dot_general3A_204 = tpu.matmul %convert_element_type3A_197, %convert_element_type3A_186, %dot_general3A_203 {dimension_numbers = #tpu.dot_dimension_numbers<[1], [0], [0], [1], [0, 0, 1, 1], [], []>, precision = #tpu.contract_precision<fp32>, transpose_lhs_hint = false} : vector<1x128xf32>, vector<128x128xf32>, vector<1x128xf32> -> vector<1x128xf32>
    %swap3A_205 = arith.constant 5 : index
    %swap3A_206 = arith.constant 0 : index
    %swap3A_207 = vector.load %arg5[%swap3A_205, %swap3A_206] : memref<8x128xf32, #tpu.memory_space<vmem>>, vector<1x128xf32>
    tpu.vector_store %arg5[%swap3A_205, %swap3A_206], %dot_general3A_204 {strides = array<i32>} : memref<8x128xf32, #tpu.memory_space<vmem>>, vector<1x128xf32>,
    %dot_general3A_208 = arith.constant dense<0.000000e+00> : vector<1x128xf32>
    %dot_general3A_209 = tpu.matmul %convert_element_type3A_202, %convert_element_type3A_186, %dot_general3A_208 {dimension_numbers = #tpu.dot_dimension_numbers<[1], [0], [0], [1], [0, 0, 1, 1], [], []>, precision = #tpu.contract_precision<fp32>, transpose_lhs_hint = false} : vector<1x128xf32>, vector<128x128xf32>, vector<1x128xf32> -> vector<1x128xf32>
    %swap3A_210 = arith.constant 5 : index
    %swap3A_211 = arith.constant 0 : index
    %swap3A_212 = vector.load %arg6[%swap3A_210, %swap3A_211] : memref<8x128xf32, #tpu.memory_space<vmem>>, vector<1x128xf32>
    tpu.vector_store %arg6[%swap3A_210, %swap3A_211], %dot_general3A_209 {strides = array<i32>} : memref<8x128xf32, #tpu.memory_space<vmem>>, vector<1x128xf32>,
    %dot_general3A_213 = arith.constant dense<0.000000e+00> : vector<1x128xf32>
    %dot_general3A_214 = tpu.matmul %convert_element_type3A_202, %convert_element_type3A_192, %dot_general3A_213 {dimension_numbers = #tpu.dot_dimension_numbers<[1], [0], [0], [1], [0, 0, 1, 1], [], []>, precision = #tpu.contract_precision<fp32>, transpose_lhs_hint = false} : vector<1x128xf32>, vector<128x128xf32>, vector<1x128xf32> -> vector<1x128xf32>
    %swap3A_215 = arith.constant 5 : index
    %swap3A_216 = arith.constant 0 : index
    %swap3A_217 = vector.load %arg7[%swap3A_215, %swap3A_216] : memref<8x128xf32, #tpu.memory_space<vmem>>, vector<1x128xf32>
    tpu.vector_store %arg7[%swap3A_215, %swap3A_216], %dot_general3A_214 {strides = array<i32>} : memref<8x128xf32, #tpu.memory_space<vmem>>, vector<1x128xf32>,
    %get3A_218 = arith.constant 6 : index
    %get3A_219 = arith.constant 0 : index
    %get3A_220 = arith.constant 0 : index
    %get3A_221 = vector.load %arg1[%get3A_218, %get3A_219, %get3A_220] : memref<8x128x128xbf16, #tpu.memory_space<vmem>>, vector<1x128x128xbf16>
    %get3A_222 = vector.shape_cast %get3A_221 : vector<1x128x128xbf16> to vector<128x128xbf16>
    %convert_element_type3A_223 = arith.extf %get3A_222 : vector<128x128xbf16> to vector<128x128xf32>
    %get3A_224 = arith.constant 6 : index
    %get3A_225 = arith.constant 0 : index
    %get3A_226 = arith.constant 0 : index
    %get3A_227 = vector.load %arg2[%get3A_224, %get3A_225, %get3A_226] : memref<8x128x128xbf16, #tpu.memory_space<vmem>>, vector<1x128x128xbf16>
    %get3A_228 = vector.shape_cast %get3A_227 : vector<1x128x128xbf16> to vector<128x128xbf16>
    %convert_element_type3A_229 = arith.extf %get3A_228 : vector<128x128xbf16> to vector<128x128xf32>
    %get3A_230 = arith.constant 6 : index
    %get3A_231 = arith.constant 0 : index
    %get3A_232 = vector.load %arg3[%get3A_230, %get3A_231] : memref<8x128xf32, #tpu.memory_space<vmem>>, vector<1x128xf32>
    %convert_element_type3A_233 = arith.truncf %get3A_232 : vector<1x128xf32> to vector<1x128xbf16>
    %convert_element_type3A_234 = arith.extf %convert_element_type3A_233 : vector<1x128xbf16> to vector<1x128xf32>
    %get3A_235 = arith.constant 6 : index
    %get3A_236 = arith.constant 0 : index
    %get3A_237 = vector.load %arg4[%get3A_235, %get3A_236] : memref<8x128xf32, #tpu.memory_space<vmem>>, vector<1x128xf32>
    %convert_element_type3A_238 = arith.truncf %get3A_237 : vector<1x128xf32> to vector<1x128xbf16>
    %convert_element_type3A_239 = arith.extf %convert_element_type3A_238 : vector<1x128xbf16> to vector<1x128xf32>
    %dot_general3A_240 = arith.constant dense<0.000000e+00> : vector<1x128xf32>
    %dot_general3A_241 = tpu.matmul %convert_element_type3A_234, %convert_element_type3A_223, %dot_general3A_240 {dimension_numbers = #tpu.dot_dimension_numbers<[1], [0], [0], [1], [0, 0, 1, 1], [], []>, precision = #tpu.contract_precision<fp32>, transpose_lhs_hint = false} : vector<1x128xf32>, vector<128x128xf32>, vector<1x128xf32> -> vector<1x128xf32>
    %swap3A_242 = arith.constant 6 : index
    %swap3A_243 = arith.constant 0 : index
    %swap3A_244 = vector.load %arg5[%swap3A_242, %swap3A_243] : memref<8x128xf32, #tpu.memory_space<vmem>>, vector<1x128xf32>
    tpu.vector_store %arg5[%swap3A_242, %swap3A_243], %dot_general3A_241 {strides = array<i32>} : memref<8x128xf32, #tpu.memory_space<vmem>>, vector<1x128xf32>,
    %dot_general3A_245 = arith.constant dense<0.000000e+00> : vector<1x128xf32>
    %dot_general3A_246 = tpu.matmul %convert_element_type3A_239, %convert_element_type3A_223, %dot_general3A_245 {dimension_numbers = #tpu.dot_dimension_numbers<[1], [0], [0], [1], [0, 0, 1, 1], [], []>, precision = #tpu.contract_precision<fp32>, transpose_lhs_hint = false} : vector<1x128xf32>, vector<128x128xf32>, vector<1x128xf32> -> vector<1x128xf32>
    %swap3A_247 = arith.constant 6 : index
    %swap3A_248 = arith.constant 0 : index
    %swap3A_249 = vector.load %arg6[%swap3A_247, %swap3A_248] : memref<8x128xf32, #tpu.memory_space<vmem>>, vector<1x128xf32>
    tpu.vector_store %arg6[%swap3A_247, %swap3A_248], %dot_general3A_246 {strides = array<i32>} : memref<8x128xf32, #tpu.memory_space<vmem>>, vector<1x128xf32>,
    %dot_general3A_250 = arith.constant dense<0.000000e+00> : vector<1x128xf32>
    %dot_general3A_251 = tpu.matmul %convert_element_type3A_239, %convert_element_type3A_229, %dot_general3A_250 {dimension_numbers = #tpu.dot_dimension_numbers<[1], [0], [0], [1], [0, 0, 1, 1], [], []>, precision = #tpu.contract_precision<fp32>, transpose_lhs_hint = false} : vector<1x128xf32>, vector<128x128xf32>, vector<1x128xf32> -> vector<1x128xf32>
    %swap3A_252 = arith.constant 6 : index
    %swap3A_253 = arith.constant 0 : index
    %swap3A_254 = vector.load %arg7[%swap3A_252, %swap3A_253] : memref<8x128xf32, #tpu.memory_space<vmem>>, vector<1x128xf32>
    tpu.vector_store %arg7[%swap3A_252, %swap3A_253], %dot_general3A_251 {strides = array<i32>} : memref<8x128xf32, #tpu.memory_space<vmem>>, vector<1x128xf32>,
    %get3A_255 = arith.constant 7 : index
    %get3A_256 = arith.constant 0 : index
    %get3A_257 = arith.constant 0 : index
    %get3A_258 = vector.load %arg1[%get3A_255, %get3A_256, %get3A_257] : memref<8x128x128xbf16, #tpu.memory_space<vmem>>, vector<1x128x128xbf16>
    %get3A_259 = vector.shape_cast %get3A_258 : vector<1x128x128xbf16> to vector<128x128xbf16>
    %convert_element_type3A_260 = arith.extf %get3A_259 : vector<128x128xbf16> to vector<128x128xf32>
    %get3A_261 = arith.constant 7 : index
    %get3A_262 = arith.constant 0 : index
    %get3A_263 = arith.constant 0 : index
    %get3A_264 = vector.load %arg2[%get3A_261, %get3A_262, %get3A_263] : memref<8x128x128xbf16, #tpu.memory_space<vmem>>, vector<1x128x128xbf16>
    %get3A_265 = vector.shape_cast %get3A_264 : vector<1x128x128xbf16> to vector<128x128xbf16>
    %convert_element_type3A_266 = arith.extf %get3A_265 : vector<128x128xbf16> to vector<128x128xf32>
    %get3A_267 = arith.constant 7 : index
    %get3A_268 = arith.constant 0 : index
    %get3A_269 = vector.load %arg3[%get3A_267, %get3A_268] : memref<8x128xf32, #tpu.memory_space<vmem>>, vector<1x128xf32>
    %convert_element_type3A_270 = arith.truncf %get3A_269 : vector<1x128xf32> to vector<1x128xbf16>
    %convert_element_type3A_271 = arith.extf %convert_element_type3A_270 : vector<1x128xbf16> to vector<1x128xf32>
    %get3A_272 = arith.constant 7 : index
    %get3A_273 = arith.constant 0 : index
    %get3A_274 = vector.load %arg4[%get3A_272, %get3A_273] : memref<8x128xf32, #tpu.memory_space<vmem>>, vector<1x128xf32>
    %convert_element_type3A_275 = arith.truncf %get3A_274 : vector<1x128xf32> to vector<1x128xbf16>
    %convert_element_type3A_276 = arith.extf %convert_element_type3A_275 : vector<1x128xbf16> to vector<1x128xf32>
    %dot_general3A_277 = arith.constant dense<0.000000e+00> : vector<1x128xf32>
    %dot_general3A_278 = tpu.matmul %convert_element_type3A_271, %convert_element_type3A_260, %dot_general3A_277 {dimension_numbers = #tpu.dot_dimension_numbers<[1], [0], [0], [1], [0, 0, 1, 1], [], []>, precision = #tpu.contract_precision<fp32>, transpose_lhs_hint = false} : vector<1x128xf32>, vector<128x128xf32>, vector<1x128xf32> -> vector<1x128xf32>
    %swap3A_279 = arith.constant 7 : index
    %swap3A_280 = arith.constant 0 : index
    %swap3A_281 = vector.load %arg5[%swap3A_279, %swap3A_280] : memref<8x128xf32, #tpu.memory_space<vmem>>, vector<1x128xf32>
    tpu.vector_store %arg5[%swap3A_279, %swap3A_280], %dot_general3A_278 {strides = array<i32>} : memref<8x128xf32, #tpu.memory_space<vmem>>, vector<1x128xf32>,
    %dot_general3A_282 = arith.constant dense<0.000000e+00> : vector<1x128xf32>
    %dot_general3A_283 = tpu.matmul %convert_element_type3A_276, %convert_element_type3A_260, %dot_general3A_282 {dimension_numbers = #tpu.dot_dimension_numbers<[1], [0], [0], [1], [0, 0, 1, 1], [], []>, precision = #tpu.contract_precision<fp32>, transpose_lhs_hint = false} : vector<1x128xf32>, vector<128x128xf32>, vector<1x128xf32> -> vector<1x128xf32>
    %swap3A_284 = arith.constant 7 : index
    %swap3A_285 = arith.constant 0 : index
    %swap3A_286 = vector.load %arg6[%swap3A_284, %swap3A_285] : memref<8x128xf32, #tpu.memory_space<vmem>>, vector<1x128xf32>
    tpu.vector_store %arg6[%swap3A_284, %swap3A_285], %dot_general3A_283 {strides = array<i32>} : memref<8x128xf32, #tpu.memory_space<vmem>>, vector<1x128xf32>,
    %dot_general3A_287 = arith.constant dense<0.000000e+00> : vector<1x128xf32>
    %dot_general3A_288 = tpu.matmul %convert_element_type3A_276, %convert_element_type3A_266, %dot_general3A_287 {dimension_numbers = #tpu.dot_dimension_numbers<[1], [0], [0], [1], [0, 0, 1, 1], [], []>, precision = #tpu.contract_precision<fp32>, transpose_lhs_hint = false} : vector<1x128xf32>, vector<128x128xf32>, vector<1x128xf32> -> vector<1x128xf32>
    %swap3A_289 = arith.constant 7 : index
    %swap3A_290 = arith.constant 0 : index
    %swap3A_291 = vector.load %arg7[%swap3A_289, %swap3A_290] : memref<8x128xf32, #tpu.memory_space<vmem>>, vector<1x128xf32>
    tpu.vector_store %arg7[%swap3A_289, %swap3A_290], %dot_general3A_288 {strides = array<i32>} : memref<8x128xf32, #tpu.memory_space<vmem>>, vector<1x128xf32>,
    return
  }
  func.func @transform_0(%arg0: i32) -> (i32, i32, i32) {
    %c0_i32 = arith.constant 0 : i32
    %c0_i32_0 = arith.constant 0 : i32
    %c0_i32_1 = arith.constant 0 : i32
    return %arg0, %c0_i32, %c0_i32_0 : i32, i32, i32
  }
  func.func @transform_1(%arg0: i32) -> (i32, i32, i32) {
    %add3A = arith.constant 64 : i32
    %add3A_0 = arith.addi %arg0, %add3A : i32
    %c0_i32 = arith.constant 0 : i32
    %c0_i32_1 = arith.constant 0 : i32
    %c0_i32_2 = arith.constant 0 : i32
    return %add3A_0, %c0_i32, %c0_i32_1 : i32, i32, i32
  }
  func.func @transform_2(%arg0: i32) -> (i32, i32) {
    %c0_i32 = arith.constant 0 : i32
    %c0_i32_0 = arith.constant 0 : i32
    return %arg0, %c0_i32 : i32, i32
  }
  func.func @transform_3(%arg0: i32) -> (i32, i32) {
    %c0_i32 = arith.constant 0 : i32
    %c0_i32_0 = arith.constant 0 : i32
    return %arg0, %c0_i32 : i32, i32
  }
  func.func @transform_4(%arg0: i32) -> (i32, i32) {
    %c0_i32 = arith.constant 0 : i32
    %c0_i32_0 = arith.constant 0 : i32
    return %arg0, %c0_i32 : i32, i32
  }
  func.func @transform_5(%arg0: i32) -> (i32, i32) {
    %c0_i32 = arith.constant 0 : i32
    %c0_i32_0 = arith.constant 0 : i32
    return %arg0, %c0_i32 : i32, i32
  }
  func.func @transform_6(%arg0: i32) -> (i32, i32) {
    %c0_i32 = arith.constant 0 : i32
    %c0_i32_0 = arith.constant 0 : i32
    return %arg0, %c0_i32 : i32, i32
  }
}

module attributes {stable_mosaic.version = 14 : i64} {
  func.func @_final_body(%arg0: memref<512x128xf32, #tpu.memory_space<vmem>>, %arg1: memref<512x128xf32, #tpu.memory_space<vmem>>, %arg2: memref<512x128xf32, #tpu.memory_space<vmem>>, %arg3: memref<512x128xf32, #tpu.memory_space<vmem>>, %arg4: memref<512x128xf32, #tpu.memory_space<vmem>>, %arg5: memref<512x1xf32, #tpu.memory_space<vmem>>, %arg6: memref<128x128xf32, #tpu.memory_space<vmem>>, %arg7: memref<1x128xf32, #tpu.memory_space<vmem>>, %arg8: memref<384x128xf32, #tpu.memory_space<vmem>>, %arg9: memref<1x384xf32, #tpu.memory_space<vmem>>, %arg10: memref<384x128xf32, #tpu.memory_space<vmem>>, %arg11: memref<1x384xf32, #tpu.memory_space<vmem>>, %arg12: memref<257x256xf32, #tpu.memory_space<vmem>>, %arg13: memref<1x256xf32, #tpu.memory_space<vmem>>, %arg14: memref<256x128xf32, #tpu.memory_space<vmem>>, %arg15: memref<1x128xf32, #tpu.memory_space<vmem>>, %arg16: memref<128x1xf32, #tpu.memory_space<vmem>>, %arg17: memref<1x1xf32, #tpu.memory_space<vmem>>, %arg18: memref<512x1xf32, #tpu.memory_space<vmem>>) attributes {dimension_semantics = [], scalar_prefetch = 0 : i64, scratch_operands = 0 : i64, tpu.core_type = #tpu.core_type<tc>} {
    %get3A = arith.constant 0 : index
    %get3A_0 = arith.constant 0 : index
    %get3A_1 = vector.load %arg2[%get3A, %get3A_0] : memref<512x128xf32, #tpu.memory_space<vmem>>, vector<512x128xf32>
    %get3A_2 = arith.constant 0 : index
    %get3A_3 = arith.constant 0 : index
    %get3A_4 = vector.load %arg3[%get3A_2, %get3A_3] : memref<512x128xf32, #tpu.memory_space<vmem>>, vector<512x128xf32>
    %add3A = arith.addf %get3A_1, %get3A_4 : vector<512x128xf32>
    %get3A_5 = arith.constant 0 : index
    %get3A_6 = arith.constant 0 : index
    %get3A_7 = vector.load %arg2[%get3A_5, %get3A_6] : memref<512x128xf32, #tpu.memory_space<vmem>>, vector<512x128xf32>
    %get3A_8 = arith.constant 0 : index
    %get3A_9 = arith.constant 0 : index
    %get3A_10 = vector.load %arg4[%get3A_8, %get3A_9] : memref<512x128xf32, #tpu.memory_space<vmem>>, vector<512x128xf32>
    %add3A_11 = arith.addf %get3A_7, %get3A_10 : vector<512x128xf32>
    %get3A_12 = arith.constant 0 : index
    %get3A_13 = arith.constant 0 : index
    %get3A_14 = vector.load %arg0[%get3A_12, %get3A_13] : memref<512x128xf32, #tpu.memory_space<vmem>>, vector<512x128xf32>
    %get3A_15 = arith.constant 0 : index
    %get3A_16 = arith.constant 0 : index
    %get3A_17 = vector.load %arg6[%get3A_15, %get3A_16] : memref<128x128xf32, #tpu.memory_space<vmem>>, vector<128x128xf32>
    %dot_general3A = arith.constant dense<0.000000e+00> : vector<512x128xf32>
    %dot_general3A_18 = tpu.matmul %get3A_14, %get3A_17, %dot_general3A {dimension_numbers = #tpu.dot_dimension_numbers<[1], [0], [0], [1], [0, 0, 1, 1], [], []>, transpose_lhs_hint = false} : vector<512x128xf32>, vector<128x128xf32>, vector<512x128xf32> -> vector<512x128xf32>
    %add3A_19 = arith.addf %dot_general3A_18, %add3A : vector<512x128xf32>
    %get3A_20 = arith.constant 0 : index
    %get3A_21 = arith.constant 0 : index
    %get3A_22 = vector.load %arg7[%get3A_20, %get3A_21] : memref<1x128xf32, #tpu.memory_space<vmem>>, vector<1x128xf32>
    %add3A_23 = vector.broadcast %get3A_22 : vector<1x128xf32> to vector<512x128xf32>
    %add3A_24 = arith.addf %add3A_19, %add3A_23 : vector<512x128xf32>
    %max3A = arith.constant 0.000000e+00 : f32
    %max3A_25 = vector.broadcast %max3A : f32 to vector<512x128xf32>
    %max3A_26 = arith.maximumf %add3A_24, %max3A_25 : vector<512x128xf32>
    %get3A_27 = arith.constant 0 : index
    %get3A_28 = arith.constant 0 : index
    %get3A_29 = vector.load %arg8[%get3A_27, %get3A_28] : memref<384x128xf32, #tpu.memory_space<vmem>>, vector<384x128xf32>
    %dot_general3A_30 = arith.constant dense<0.000000e+00> : vector<512x384xf32>
    %dot_general3A_31 = tpu.matmul %max3A_26, %get3A_29, %dot_general3A_30 {dimension_numbers = #tpu.dot_dimension_numbers<[1], [1], [0], [0], [0, 0, 1, 0], [], []>, transpose_lhs_hint = false} : vector<512x128xf32>, vector<384x128xf32>, vector<512x384xf32> -> vector<512x384xf32>
    %get3A_32 = arith.constant 0 : index
    %get3A_33 = arith.constant 0 : index
    %get3A_34 = vector.load %arg9[%get3A_32, %get3A_33] : memref<1x384xf32, #tpu.memory_space<vmem>>, vector<1x384xf32>
    %add3A_35 = vector.broadcast %get3A_34 : vector<1x384xf32> to vector<512x384xf32>
    %add3A_36 = arith.addf %dot_general3A_31, %add3A_35 : vector<512x384xf32>
    %get3A_37 = arith.constant 0 : index
    %get3A_38 = arith.constant 0 : index
    %get3A_39 = vector.load %arg10[%get3A_37, %get3A_38] : memref<384x128xf32, #tpu.memory_space<vmem>>, vector<384x128xf32>
    %dot_general3A_40 = arith.constant dense<0.000000e+00> : vector<512x384xf32>
    %dot_general3A_41 = tpu.matmul %get3A_14, %get3A_39, %dot_general3A_40 {dimension_numbers = #tpu.dot_dimension_numbers<[1], [1], [0], [0], [0, 0, 1, 0], [], []>, transpose_lhs_hint = false} : vector<512x128xf32>, vector<384x128xf32>, vector<512x384xf32> -> vector<512x384xf32>
    %get3A_42 = arith.constant 0 : index
    %get3A_43 = arith.constant 0 : index
    %get3A_44 = vector.load %arg11[%get3A_42, %get3A_43] : memref<1x384xf32, #tpu.memory_space<vmem>>, vector<1x384xf32>
    %add3A_45 = vector.broadcast %get3A_44 : vector<1x384xf32> to vector<512x384xf32>
    %add3A_46 = arith.addf %dot_general3A_41, %add3A_45 : vector<512x384xf32>
    %slice3A = vector.extract_strided_slice %add3A_36 {offsets = [0, 0], sizes = [512, 128], strides = [1, 1]} : vector<512x384xf32> to vector<512x128xf32>
    %slice3A_47 = vector.extract_strided_slice %add3A_46 {offsets = [0, 0], sizes = [512, 128], strides = [1, 1]} : vector<512x384xf32> to vector<512x128xf32>
    %add3A_48 = arith.addf %slice3A, %slice3A_47 : vector<512x128xf32>
    %abs3A = math.absf %add3A_48 : vector<512x128xf32>
    %neg3A = arith.constant 0.000000e+00 : f32
    %neg3A_49 = vector.broadcast %neg3A : f32 to vector<512x128xf32>
    %neg3A_50 = arith.subf %neg3A_49, %abs3A : vector<512x128xf32>
    %exp3A = math.exp %neg3A_50 : vector<512x128xf32>
    %add3A_51 = arith.constant 1.000000e+00 : f32
    %add3A_52 = vector.broadcast %add3A_51 : f32 to vector<512x128xf32>
    %add3A_53 = arith.addf %add3A_52, %exp3A : vector<512x128xf32>
    %div3A = arith.constant 1.000000e+00 : f32
    %div3A_54 = vector.broadcast %div3A : f32 to vector<512x128xf32>
    %div3A_55 = arith.divf %div3A_54, %add3A_53 : vector<512x128xf32>
    %ge3A = arith.constant 0.000000e+00 : f32
    %ge3A_56 = vector.broadcast %ge3A : f32 to vector<512x128xf32>
    %ge3A_57 = arith.cmpf oge, %add3A_48, %ge3A_56 : vector<512x128xf32>
    %sub3A = arith.constant 1.000000e+00 : f32
    %sub3A_58 = vector.broadcast %sub3A : f32 to vector<512x128xf32>
    %sub3A_59 = arith.subf %sub3A_58, %div3A_55 : vector<512x128xf32>
    %select_n3A = arith.select %ge3A_57, %div3A_55, %sub3A_59 : vector<512x128xi1>, vector<512x128xf32>
    %slice3A_60 = vector.extract_strided_slice %add3A_36 {offsets = [0, 128], sizes = [512, 128], strides = [1, 1]} : vector<512x384xf32> to vector<512x128xf32>
    %slice3A_61 = vector.extract_strided_slice %add3A_46 {offsets = [0, 128], sizes = [512, 128], strides = [1, 1]} : vector<512x384xf32> to vector<512x128xf32>
    %add3A_62 = arith.addf %slice3A_60, %slice3A_61 : vector<512x128xf32>
    %abs3A_63 = math.absf %add3A_62 : vector<512x128xf32>
    %neg3A_64 = arith.constant 0.000000e+00 : f32
    %neg3A_65 = vector.broadcast %neg3A_64 : f32 to vector<512x128xf32>
    %neg3A_66 = arith.subf %neg3A_65, %abs3A_63 : vector<512x128xf32>
    %exp3A_67 = math.exp %neg3A_66 : vector<512x128xf32>
    %add3A_68 = arith.constant 1.000000e+00 : f32
    %add3A_69 = vector.broadcast %add3A_68 : f32 to vector<512x128xf32>
    %add3A_70 = arith.addf %add3A_69, %exp3A_67 : vector<512x128xf32>
    %div3A_71 = arith.constant 1.000000e+00 : f32
    %div3A_72 = vector.broadcast %div3A_71 : f32 to vector<512x128xf32>
    %div3A_73 = arith.divf %div3A_72, %add3A_70 : vector<512x128xf32>
    %ge3A_74 = arith.constant 0.000000e+00 : f32
    %ge3A_75 = vector.broadcast %ge3A_74 : f32 to vector<512x128xf32>
    %ge3A_76 = arith.cmpf oge, %add3A_62, %ge3A_75 : vector<512x128xf32>
    %sub3A_77 = arith.constant 1.000000e+00 : f32
    %sub3A_78 = vector.broadcast %sub3A_77 : f32 to vector<512x128xf32>
    %sub3A_79 = arith.subf %sub3A_78, %div3A_73 : vector<512x128xf32>
    %select_n3A_80 = arith.select %ge3A_76, %div3A_73, %sub3A_79 : vector<512x128xi1>, vector<512x128xf32>
    %slice3A_81 = vector.extract_strided_slice %add3A_36 {offsets = [0, 256], sizes = [512, 128], strides = [1, 1]} : vector<512x384xf32> to vector<512x128xf32>
    %slice3A_82 = vector.extract_strided_slice %add3A_46 {offsets = [0, 256], sizes = [512, 128], strides = [1, 1]} : vector<512x384xf32> to vector<512x128xf32>
    %mul3A = arith.mulf %select_n3A, %slice3A_82 : vector<512x128xf32>
    %add3A_83 = arith.addf %slice3A_81, %mul3A : vector<512x128xf32>
    %abs3A_84 = math.absf %add3A_83 : vector<512x128xf32>
    %mul3A_85 = arith.constant -2.000000e+00 : f32
    %mul3A_86 = vector.broadcast %mul3A_85 : f32 to vector<512x128xf32>
    %mul3A_87 = arith.mulf %mul3A_86, %abs3A_84 : vector<512x128xf32>
    %exp3A_88 = math.exp %mul3A_87 : vector<512x128xf32>
    %sub3A_89 = arith.constant 1.000000e+00 : f32
    %sub3A_90 = vector.broadcast %sub3A_89 : f32 to vector<512x128xf32>
    %sub3A_91 = arith.subf %sub3A_90, %exp3A_88 : vector<512x128xf32>
    %add3A_92 = arith.constant 1.000000e+00 : f32
    %add3A_93 = vector.broadcast %add3A_92 : f32 to vector<512x128xf32>
    %add3A_94 = arith.addf %add3A_93, %exp3A_88 : vector<512x128xf32>
    %div3A_95 = arith.divf %sub3A_91, %add3A_94 : vector<512x128xf32>
    %ge3A_96 = arith.constant 0.000000e+00 : f32
    %ge3A_97 = vector.broadcast %ge3A_96 : f32 to vector<512x128xf32>
    %ge3A_98 = arith.cmpf oge, %add3A_83, %ge3A_97 : vector<512x128xf32>
    %neg3A_99 = arith.constant 0.000000e+00 : f32
    %neg3A_100 = vector.broadcast %neg3A_99 : f32 to vector<512x128xf32>
    %neg3A_101 = arith.subf %neg3A_100, %div3A_95 : vector<512x128xf32>
    %select_n3A_102 = arith.select %ge3A_98, %div3A_95, %neg3A_101 : vector<512x128xi1>, vector<512x128xf32>
    %sub3A_103 = arith.constant 1.000000e+00 : f32
    %sub3A_104 = vector.broadcast %sub3A_103 : f32 to vector<512x128xf32>
    %sub3A_105 = arith.subf %sub3A_104, %select_n3A_80 : vector<512x128xf32>
    %mul3A_106 = arith.mulf %sub3A_105, %select_n3A_102 : vector<512x128xf32>
    %mul3A_107 = arith.mulf %select_n3A_80, %get3A_14 : vector<512x128xf32>
    %add3A_108 = arith.addf %mul3A_106, %mul3A_107 : vector<512x128xf32>
    %get3A_109 = arith.constant 0 : index
    %get3A_110 = arith.constant 0 : index
    %get3A_111 = vector.load %arg1[%get3A_109, %get3A_110] : memref<512x128xf32, #tpu.memory_space<vmem>>, vector<512x128xf32>
    %get3A_112 = arith.constant 0 : index
    %get3A_113 = arith.constant 0 : index
    %get3A_114 = vector.load %arg6[%get3A_112, %get3A_113] : memref<128x128xf32, #tpu.memory_space<vmem>>, vector<128x128xf32>
    %dot_general3A_115 = arith.constant dense<0.000000e+00> : vector<512x128xf32>
    %dot_general3A_116 = tpu.matmul %get3A_111, %get3A_114, %dot_general3A_115 {dimension_numbers = #tpu.dot_dimension_numbers<[1], [0], [0], [1], [0, 0, 1, 1], [], []>, transpose_lhs_hint = false} : vector<512x128xf32>, vector<128x128xf32>, vector<512x128xf32> -> vector<512x128xf32>
    %add3A_117 = arith.addf %dot_general3A_116, %add3A_11 : vector<512x128xf32>
    %get3A_118 = arith.constant 0 : index
    %get3A_119 = arith.constant 0 : index
    %get3A_120 = vector.load %arg7[%get3A_118, %get3A_119] : memref<1x128xf32, #tpu.memory_space<vmem>>, vector<1x128xf32>
    %add3A_121 = vector.broadcast %get3A_120 : vector<1x128xf32> to vector<512x128xf32>
    %add3A_122 = arith.addf %add3A_117, %add3A_121 : vector<512x128xf32>
    %max3A_123 = arith.constant 0.000000e+00 : f32
    %max3A_124 = vector.broadcast %max3A_123 : f32 to vector<512x128xf32>
    %max3A_125 = arith.maximumf %add3A_122, %max3A_124 : vector<512x128xf32>
    %get3A_126 = arith.constant 0 : index
    %get3A_127 = arith.constant 0 : index
    %get3A_128 = vector.load %arg8[%get3A_126, %get3A_127] : memref<384x128xf32, #tpu.memory_space<vmem>>, vector<384x128xf32>
    %dot_general3A_129 = arith.constant dense<0.000000e+00> : vector<512x384xf32>
    %dot_general3A_130 = tpu.matmul %max3A_125, %get3A_128, %dot_general3A_129 {dimension_numbers = #tpu.dot_dimension_numbers<[1], [1], [0], [0], [0, 0, 1, 0], [], []>, transpose_lhs_hint = false} : vector<512x128xf32>, vector<384x128xf32>, vector<512x384xf32> -> vector<512x384xf32>
    %get3A_131 = arith.constant 0 : index
    %get3A_132 = arith.constant 0 : index
    %get3A_133 = vector.load %arg9[%get3A_131, %get3A_132] : memref<1x384xf32, #tpu.memory_space<vmem>>, vector<1x384xf32>
    %add3A_134 = vector.broadcast %get3A_133 : vector<1x384xf32> to vector<512x384xf32>
    %add3A_135 = arith.addf %dot_general3A_130, %add3A_134 : vector<512x384xf32>
    %get3A_136 = arith.constant 0 : index
    %get3A_137 = arith.constant 0 : index
    %get3A_138 = vector.load %arg10[%get3A_136, %get3A_137] : memref<384x128xf32, #tpu.memory_space<vmem>>, vector<384x128xf32>
    %dot_general3A_139 = arith.constant dense<0.000000e+00> : vector<512x384xf32>
    %dot_general3A_140 = tpu.matmul %get3A_111, %get3A_138, %dot_general3A_139 {dimension_numbers = #tpu.dot_dimension_numbers<[1], [1], [0], [0], [0, 0, 1, 0], [], []>, transpose_lhs_hint = false} : vector<512x128xf32>, vector<384x128xf32>, vector<512x384xf32> -> vector<512x384xf32>
    %get3A_141 = arith.constant 0 : index
    %get3A_142 = arith.constant 0 : index
    %get3A_143 = vector.load %arg11[%get3A_141, %get3A_142] : memref<1x384xf32, #tpu.memory_space<vmem>>, vector<1x384xf32>
    %add3A_144 = vector.broadcast %get3A_143 : vector<1x384xf32> to vector<512x384xf32>
    %add3A_145 = arith.addf %dot_general3A_140, %add3A_144 : vector<512x384xf32>
    %slice3A_146 = vector.extract_strided_slice %add3A_135 {offsets = [0, 0], sizes = [512, 128], strides = [1, 1]} : vector<512x384xf32> to vector<512x128xf32>
    %slice3A_147 = vector.extract_strided_slice %add3A_145 {offsets = [0, 0], sizes = [512, 128], strides = [1, 1]} : vector<512x384xf32> to vector<512x128xf32>
    %add3A_148 = arith.addf %slice3A_146, %slice3A_147 : vector<512x128xf32>
    %abs3A_149 = math.absf %add3A_148 : vector<512x128xf32>
    %neg3A_150 = arith.constant 0.000000e+00 : f32
    %neg3A_151 = vector.broadcast %neg3A_150 : f32 to vector<512x128xf32>
    %neg3A_152 = arith.subf %neg3A_151, %abs3A_149 : vector<512x128xf32>
    %exp3A_153 = math.exp %neg3A_152 : vector<512x128xf32>
    %add3A_154 = arith.constant 1.000000e+00 : f32
    %add3A_155 = vector.broadcast %add3A_154 : f32 to vector<512x128xf32>
    %add3A_156 = arith.addf %add3A_155, %exp3A_153 : vector<512x128xf32>
    %div3A_157 = arith.constant 1.000000e+00 : f32
    %div3A_158 = vector.broadcast %div3A_157 : f32 to vector<512x128xf32>
    %div3A_159 = arith.divf %div3A_158, %add3A_156 : vector<512x128xf32>
    %ge3A_160 = arith.constant 0.000000e+00 : f32
    %ge3A_161 = vector.broadcast %ge3A_160 : f32 to vector<512x128xf32>
    %ge3A_162 = arith.cmpf oge, %add3A_148, %ge3A_161 : vector<512x128xf32>
    %sub3A_163 = arith.constant 1.000000e+00 : f32
    %sub3A_164 = vector.broadcast %sub3A_163 : f32 to vector<512x128xf32>
    %sub3A_165 = arith.subf %sub3A_164, %div3A_159 : vector<512x128xf32>
    %select_n3A_166 = arith.select %ge3A_162, %div3A_159, %sub3A_165 : vector<512x128xi1>, vector<512x128xf32>
    %slice3A_167 = vector.extract_strided_slice %add3A_135 {offsets = [0, 128], sizes = [512, 128], strides = [1, 1]} : vector<512x384xf32> to vector<512x128xf32>
    %slice3A_168 = vector.extract_strided_slice %add3A_145 {offsets = [0, 128], sizes = [512, 128], strides = [1, 1]} : vector<512x384xf32> to vector<512x128xf32>
    %add3A_169 = arith.addf %slice3A_167, %slice3A_168 : vector<512x128xf32>
    %abs3A_170 = math.absf %add3A_169 : vector<512x128xf32>
    %neg3A_171 = arith.constant 0.000000e+00 : f32
    %neg3A_172 = vector.broadcast %neg3A_171 : f32 to vector<512x128xf32>
    %neg3A_173 = arith.subf %neg3A_172, %abs3A_170 : vector<512x128xf32>
    %exp3A_174 = math.exp %neg3A_173 : vector<512x128xf32>
    %add3A_175 = arith.constant 1.000000e+00 : f32
    %add3A_176 = vector.broadcast %add3A_175 : f32 to vector<512x128xf32>
    %add3A_177 = arith.addf %add3A_176, %exp3A_174 : vector<512x128xf32>
    %div3A_178 = arith.constant 1.000000e+00 : f32
    %div3A_179 = vector.broadcast %div3A_178 : f32 to vector<512x128xf32>
    %div3A_180 = arith.divf %div3A_179, %add3A_177 : vector<512x128xf32>
    %ge3A_181 = arith.constant 0.000000e+00 : f32
    %ge3A_182 = vector.broadcast %ge3A_181 : f32 to vector<512x128xf32>
    %ge3A_183 = arith.cmpf oge, %add3A_169, %ge3A_182 : vector<512x128xf32>
    %sub3A_184 = arith.constant 1.000000e+00 : f32
    %sub3A_185 = vector.broadcast %sub3A_184 : f32 to vector<512x128xf32>
    %sub3A_186 = arith.subf %sub3A_185, %div3A_180 : vector<512x128xf32>
    %select_n3A_187 = arith.select %ge3A_183, %div3A_180, %sub3A_186 : vector<512x128xi1>, vector<512x128xf32>
    %slice3A_188 = vector.extract_strided_slice %add3A_135 {offsets = [0, 256], sizes = [512, 128], strides = [1, 1]} : vector<512x384xf32> to vector<512x128xf32>
    %slice3A_189 = vector.extract_strided_slice %add3A_145 {offsets = [0, 256], sizes = [512, 128], strides = [1, 1]} : vector<512x384xf32> to vector<512x128xf32>
    %mul3A_190 = arith.mulf %select_n3A_166, %slice3A_189 : vector<512x128xf32>
    %add3A_191 = arith.addf %slice3A_188, %mul3A_190 : vector<512x128xf32>
    %abs3A_192 = math.absf %add3A_191 : vector<512x128xf32>
    %mul3A_193 = arith.constant -2.000000e+00 : f32
    %mul3A_194 = vector.broadcast %mul3A_193 : f32 to vector<512x128xf32>
    %mul3A_195 = arith.mulf %mul3A_194, %abs3A_192 : vector<512x128xf32>
    %exp3A_196 = math.exp %mul3A_195 : vector<512x128xf32>
    %sub3A_197 = arith.constant 1.000000e+00 : f32
    %sub3A_198 = vector.broadcast %sub3A_197 : f32 to vector<512x128xf32>
    %sub3A_199 = arith.subf %sub3A_198, %exp3A_196 : vector<512x128xf32>
    %add3A_200 = arith.constant 1.000000e+00 : f32
    %add3A_201 = vector.broadcast %add3A_200 : f32 to vector<512x128xf32>
    %add3A_202 = arith.addf %add3A_201, %exp3A_196 : vector<512x128xf32>
    %div3A_203 = arith.divf %sub3A_199, %add3A_202 : vector<512x128xf32>
    %ge3A_204 = arith.constant 0.000000e+00 : f32
    %ge3A_205 = vector.broadcast %ge3A_204 : f32 to vector<512x128xf32>
    %ge3A_206 = arith.cmpf oge, %add3A_191, %ge3A_205 : vector<512x128xf32>
    %neg3A_207 = arith.constant 0.000000e+00 : f32
    %neg3A_208 = vector.broadcast %neg3A_207 : f32 to vector<512x128xf32>
    %neg3A_209 = arith.subf %neg3A_208, %div3A_203 : vector<512x128xf32>
    %select_n3A_210 = arith.select %ge3A_206, %div3A_203, %neg3A_209 : vector<512x128xi1>, vector<512x128xf32>
    %sub3A_211 = arith.constant 1.000000e+00 : f32
    %sub3A_212 = vector.broadcast %sub3A_211 : f32 to vector<512x128xf32>
    %sub3A_213 = arith.subf %sub3A_212, %select_n3A_187 : vector<512x128xf32>
    %mul3A_214 = arith.mulf %sub3A_213, %select_n3A_210 : vector<512x128xf32>
    %mul3A_215 = arith.mulf %select_n3A_187, %get3A_111 : vector<512x128xf32>
    %add3A_216 = arith.addf %mul3A_214, %mul3A_215 : vector<512x128xf32>
    %get3A_217 = arith.constant 0 : index
    %get3A_218 = arith.constant 0 : index
    %get3A_219 = vector.load %arg5[%get3A_217, %get3A_218] : memref<512x1xf32, #tpu.memory_space<vmem>>, vector<512x1xf32>
    %add3A_220 = arith.constant 2.731500e+02 : f32
    %add3A_221 = vector.broadcast %add3A_220 : f32 to vector<512x1xf32>
    %add3A_222 = arith.addf %get3A_219, %add3A_221 : vector<512x1xf32>
    %sub3A_223 = arith.constant 2.131500e+02 : f32
    %sub3A_224 = vector.broadcast %sub3A_223 : f32 to vector<512x1xf32>
    %sub3A_225 = arith.subf %add3A_222, %sub3A_224 : vector<512x1xf32>
    %div3A_226 = arith.constant 3.493000e+02 : f32
    %div3A_227 = vector.broadcast %div3A_226 : f32 to vector<512x1xf32>
    %div3A_228 = arith.divf %sub3A_225, %div3A_227 : vector<512x1xf32>
    %concatenate3A = tpu.concatenate %add3A_108, %add3A_216, %div3A_228 in 1 : vector<512x128xf32>, vector<512x128xf32>, vector<512x1xf32> -> vector<512x257xf32>
    %get3A_229 = arith.constant 0 : index
    %get3A_230 = arith.constant 0 : index
    %get3A_231 = vector.load %arg12[%get3A_229, %get3A_230] : memref<257x256xf32, #tpu.memory_space<vmem>>, vector<257x256xf32>
    %dot_general3A_232 = arith.constant dense<0.000000e+00> : vector<512x256xf32>
    %dot_general3A_233 = tpu.matmul %concatenate3A, %get3A_231, %dot_general3A_232 {dimension_numbers = #tpu.dot_dimension_numbers<[1], [0], [0], [1], [0, 0, 1, 1], [], []>, transpose_lhs_hint = false} : vector<512x257xf32>, vector<257x256xf32>, vector<512x256xf32> -> vector<512x256xf32>
    %get3A_234 = arith.constant 0 : index
    %get3A_235 = arith.constant 0 : index
    %get3A_236 = vector.load %arg13[%get3A_234, %get3A_235] : memref<1x256xf32, #tpu.memory_space<vmem>>, vector<1x256xf32>
    %add3A_237 = vector.broadcast %get3A_236 : vector<1x256xf32> to vector<512x256xf32>
    %add3A_238 = arith.addf %dot_general3A_233, %add3A_237 : vector<512x256xf32>
    %max3A_239 = arith.constant 0.000000e+00 : f32
    %max3A_240 = vector.broadcast %max3A_239 : f32 to vector<512x256xf32>
    %max3A_241 = arith.maximumf %add3A_238, %max3A_240 : vector<512x256xf32>
    %get3A_242 = arith.constant 0 : index
    %get3A_243 = arith.constant 0 : index
    %get3A_244 = vector.load %arg14[%get3A_242, %get3A_243] : memref<256x128xf32, #tpu.memory_space<vmem>>, vector<256x128xf32>
    %dot_general3A_245 = arith.constant dense<0.000000e+00> : vector<512x128xf32>
    %dot_general3A_246 = tpu.matmul %max3A_241, %get3A_244, %dot_general3A_245 {dimension_numbers = #tpu.dot_dimension_numbers<[1], [0], [0], [1], [0, 0, 1, 1], [], []>, transpose_lhs_hint = false} : vector<512x256xf32>, vector<256x128xf32>, vector<512x128xf32> -> vector<512x128xf32>
    %get3A_247 = arith.constant 0 : index
    %get3A_248 = arith.constant 0 : index
    %get3A_249 = vector.load %arg15[%get3A_247, %get3A_248] : memref<1x128xf32, #tpu.memory_space<vmem>>, vector<1x128xf32>
    %add3A_250 = vector.broadcast %get3A_249 : vector<1x128xf32> to vector<512x128xf32>
    %add3A_251 = arith.addf %dot_general3A_246, %add3A_250 : vector<512x128xf32>
    %max3A_252 = arith.constant 0.000000e+00 : f32
    %max3A_253 = vector.broadcast %max3A_252 : f32 to vector<512x128xf32>
    %max3A_254 = arith.maximumf %add3A_251, %max3A_253 : vector<512x128xf32>
    %get3A_255 = arith.constant 0 : index
    %get3A_256 = arith.constant 0 : index
    %get3A_257 = vector.load %arg16[%get3A_255, %get3A_256] : memref<128x1xf32, #tpu.memory_space<vmem>>, vector<128x1xf32>
    %dot_general3A_258 = arith.constant dense<0.000000e+00> : vector<512x1xf32>
    %dot_general3A_259 = tpu.matmul %max3A_254, %get3A_257, %dot_general3A_258 {dimension_numbers = #tpu.dot_dimension_numbers<[1], [0], [0], [1], [0, 0, 1, 1], [], []>, transpose_lhs_hint = false} : vector<512x128xf32>, vector<128x1xf32>, vector<512x1xf32> -> vector<512x1xf32>
    %get3A_260 = arith.constant 0 : index
    %get3A_261 = arith.constant 0 : index
    %get3A_262 = vector.load %arg17[%get3A_260, %get3A_261] : memref<1x1xf32, #tpu.memory_space<vmem>>, vector<1x1xf32>
    %add3A_263 = vector.broadcast %get3A_262 : vector<1x1xf32> to vector<512x1xf32>
    %add3A_264 = arith.addf %dot_general3A_259, %add3A_263 : vector<512x1xf32>
    %swap3A = arith.constant 0 : index
    %swap3A_265 = arith.constant 0 : index
    %swap3A_266 = vector.load %arg18[%swap3A, %swap3A_265] : memref<512x1xf32, #tpu.memory_space<vmem>>, vector<512x1xf32>
    tpu.vector_store %arg18[%swap3A, %swap3A_265], %add3A_264 {strides = array<i32>} : memref<512x1xf32, #tpu.memory_space<vmem>>, vector<512x1xf32>,
    return
  }
}

</mosaic_0001>

<sc_bundles>
// kernel: kernel.12.cloned.1.call-start
scs
__scs_entry_jumppad:
0x0: {  	(pc) =	sbr.rel $0x88, $3  }
0x1: {  	(tag) =	ssettag $0x0;
	lr =	simm.s32 $0x1  }
0x2: {  	[smem:$0x3F7E] =	sst lr;
	_ =	strace $0xD0000000  }
0x3: {  	_ = 	snop  }
0x4: {  	_ = 	snop  }
0x5: {  	_ = 	snop  }
0x6: {  	_ = 	snop  }
0x7: {  	_ = 	snop  }
__scs_overlays_trampoline_lowered:
0x8: {  	[smem:$0x3F8D] =	sst s0  }
0x9: {  	[smem:$0x3F8E] =	sst s1  }
0xa: {  	[smem:$0x3F8F] =	sst s2  }
0xb: {  	[smem:$0x3F90] =	sst s3  }
0xc: {  	[smem:$0x3F91] =	sst s4  }
0xd: {  	[smem:$0x3F92] =	sst s5  }
0xe: {  	[smem:$0x3F93] =	sst s6  }
0xf: {  	[smem:$0x3F94] =	sst s7  }
0x10: {  	[smem:$0x3F95] =	sst s8  }
0x11: {  	[smem:$0x3F96] =	sst s9;
	s0 =	simm.s32 @!p0 $0x0  }
0x12: {  	s1 =	sld [smem:$0x3F7C];
	s0 =	simm.s32 @p0 $0x1  }
0x13: {  	[smem:$0x3F97] =	sst s0;
	s0 =	simm.s32 @!p1 $0x0  }
0x14: {  	s2 =	sld [smem:$0x3F7B];
	s0 =	simm.s32 @p1 $0x1  }
0x15: {  	[smem:$0x3F98] =	sst s0;
	s0 =	simm.s32 @!p2 $0x0  }
0x16: {  	s3 =	sld [smem:$0x3FDB];
	s0 =	simm.s32 @p2 $0x1  }
0x17: {  	s4 =	simm.s32 $0x1BF5;
	[smem:$0x3F9A] =	sst s0  }
0x18: {  	s0 =	sld [smem:$0x3F7D];
	_ =	swait.ge [sflag:s4], $0x0  }
0x19: {  	s7 =	sld [smem:$0x3F7E]  }
0x1a: {  	s8 =	sadd.s32 $0xFFFFE003, lr  }
0x1b: {  	s9 =	sadd.s32 $0xFFFFFEF7, lr;
	s5 =	simm.s32 $0xFFFFFFFF;
	p2 =	slt.u32 s8, $0xFFFFF086  }
0x1c: {  	p1 =	slt.u32 s9, $0xF7A;
	s5 =	simm.s32 @!p2 $0x0  }
0x1d: {  	s5 =	simm.s32 @p1 $0x1;
	p0 =	seq.s32 s7, s2  }
0x1e: {  	s7 =	smul.u32 @!p0 $0xF7A, s2;
	p2 =	seq.s32 @!p0 s5, $0x0  }
0x1f: {  	s9 =	smul.u32 $0xF7A, s1;
	s8 =	simm.s32 @!p0 $0x1BF5;
	p2 =	por !p2, p0  }
0x20: {  	[sflag:s8] =	ssyncset.s32 @!p0 $0xFFFFF086;
	s6 =	sadd.s32 @!p0 s3, s7;
	s7 =	simm.s32 @!p0 $0x108  }
0x21: {  	s3 =	sadd.s32 s3, s9;
	s6 =	sadd.s32 @!p0 $0x88, s6;
	s7 =	simm.s32 @p2 $0x1082  }
0x22: {  	[simem:s7], [sflag:s8] =	dma.local @!p0 [hbm:s6], $0xF7A  }
0x23: {  	s9 =	sor.u32 $0xD0000000, s2;
	s6 =	simm.s32 $0x108;
	_ =	swait.ge @!p0 [sflag:s8], $0x0  }
0x24: {  	s3 =	sadd.s32 $0x88, s3;
	s6 =	simm.s32 @!p1 $0x1082;
	[sflag:s4] =	ssyncset.s32 $0xFFFFF086  }
0x25: {  	[simem:s6], [sflag:s4] =	dma.local [hbm:s3], $0xF7A  }
0x26: {  	[smem:$0x3F7E] =	sst s1;
	(tag) =	ssettag s2;
	_ =	strace s9  }
0x27: {  	s1 =	sld [smem:$0x3F8E]  }
0x28: {  	s2 =	sld [smem:$0x3F8F]  }
0x29: {  	s4 =	sld [smem:$0x3F91]  }
0x2a: {  	p0 =	seq.s32 s5, $0x0;
	s5 =	sld [smem:$0x3F92]  }
0x2b: {  	s6 =	sld [smem:$0x3F93]  }
0x2c: {  	s7 =	sld [smem:$0x3F94]  }
0x2d: {  	s3 =	simm.s32 $0x108;
	s8 =	sld [smem:$0x3F95]  }
0x2e: {  	s3 =	simm.s32 @!p0 $0x1082;
	s9 =	sld [smem:$0x3F96]  }
0x2f: {  	lr =	sadd.s32 s0, s3;
	s0 =	sld [smem:$0x3F8D]  }
0x30: {  	s3 =	sld [smem:$0x3F90]  }
0x31: {  	[smem:$0x3F99] =	sst s10  }
0x32: {  	s10 =	sld [smem:$0x3F97];
	_ =	sdelay $0x3  }
0x33: {  	p0 =	seq.s32 s10, $0x1;
	s10 =	sld [smem:$0x3F99];
	_ =	sdelay $0x3  }
0x34: {  	[smem:$0x3F99] =	sst s10  }
0x35: {  	s10 =	sld [smem:$0x3F98];
	_ =	sdelay $0x3  }
0x36: {  	p1 =	seq.s32 s10, $0x1;
	s10 =	sld [smem:$0x3F99];
	_ =	sdelay $0x3  }
0x37: {  	[smem:$0x3F99] =	sst s10  }
0x38: {  	s10 =	sld [smem:$0x3F9A]  }
0x39: {  	_ = 	snop;
	(pc) =	sbr.ind lr, $3  }
0x3a: {  	_ = 	snop  }
0x3b: {  	_ = 	snop  }
0x3c: {  	p2 =	seq.s32 s10, $0x1;
	s10 =	sld [smem:$0x3F99]  }
0x3d: {  	_ =	shalt  }
0x3e: {  	_ =	shalt  }
0x3f: {  	_ =	shalt  }
0x40: {  	_ =	shalt  }
0x41: {  	_ =	shalt  }
0x42: {  	_ =	shalt  }
0x43: {  	_ =	shalt  }
0x44: {  	_ =	shalt  }
0x45: {  	_ =	shalt  }
0x46: {  	_ =	shalt  }
0x47: {  	_ =	shalt  }
0x48: {  	_ =	shalt  }
0x49: {  	_ =	shalt  }
0x4a: {  	_ =	shalt  }
0x4b: {  	_ =	shalt  }
0x4c: {  	_ =	shalt  }
0x4d: {  	_ =	shalt  }
0x4e: {  	_ =	shalt  }
0x4f: {  	_ =	shalt  }
0x50: {  	_ =	shalt  }
0x51: {  	_ =	shalt  }
0x52: {  	_ =	shalt  }
0x53: {  	_ =	shalt  }
0x54: {  	_ =	shalt  }
0x55: {  	_ =	shalt  }
0x56: {  	_ =	shalt  }
0x57: {  	_ =	shalt  }
0x58: {  	_ =	shalt  }
0x59: {  	_ =	shalt  }
0x5a: {  	_ =	shalt  }
0x5b: {  	_ =	shalt  }
0x5c: {  	_ =	shalt  }
0x5d: {  	_ =	shalt  }
0x5e: {  	_ =	shalt  }
0x5f: {  	_ =	shalt  }
0x60: {  	_ =	shalt  }
0x61: {  	_ =	shalt  }
0x62: {  	_ =	shalt  }
0x63: {  	_ =	shalt  }
0x64: {  	_ =	shalt  }
0x65: {  	_ =	shalt  }
0x66: {  	_ =	shalt  }
0x67: {  	_ =	shalt  }
0x68: {  	_ =	shalt  }
0x69: {  	_ =	shalt  }
0x6a: {  	_ =	shalt  }
0x6b: {  	_ =	shalt  }
0x6c: {  	_ =	shalt  }
0x6d: {  	_ =	shalt  }
0x6e: {  	_ =	shalt  }
0x6f: {  	_ =	shalt  }
0x70: {  	_ =	shalt  }
0x71: {  	_ =	shalt  }
0x72: {  	_ =	shalt  }
0x73: {  	_ =	shalt  }
0x74: {  	_ =	shalt  }
0x75: {  	_ =	shalt  }
0x76: {  	_ =	shalt  }
0x77: {  	_ =	shalt  }
0x78: {  	_ =	shalt  }
0x79: {  	_ =	shalt  }
0x7a: {  	_ =	shalt  }
0x7b: {  	_ =	shalt  }
0x7c: {  	_ =	shalt  }
0x7d: {  	_ =	shalt  }
0x7e: {  	_ =	shalt  }
0x7f: {  	_ =	shalt  }
0x80: {  	_ =	shalt  }
0x81: {  	_ =	shalt  }
0x82: {  	_ =	shalt  }
0x83: {  	_ =	shalt  }
0x84: {  	_ =	shalt  }
0x85: {  	_ =	shalt  }
0x86: {  	_ =	shalt  }
0x87: {  	_ =	shalt  }
.Lfunc_end0:
.L_simem_size_0:
called_computation.1_lowered:
.L_overlay_start_0:
0x88: {  	s2 =	sld [smem:$0x3FD9]  }
0x89: {  	s3 =	sld [smem:$0x3FFE];
	_ =	sdelay $0x1  }
0x8a: {  	s1 =	srdreg.scid  }
0x8b: {  	s0 =	sand.u32 $0x1, s1  }
0x8c: {  	s16 =	sshll.u32 s0, $0xA;
	s2 =	sadd.s32 s3, s2  }
0x8d: {  	s2 =	sadd.s32 s2, s16  }
0x8e: {  	[smem:$0x3FA5] =	sst s2  }
0x8f: {  	_ = 	snop  }
0x90: {  	(tm) =	ssettm $0x1  }
0x91: {  	s17 =	sld [smem:$0x3FFB];
	_ =	sdelay $0x3  }
0x92: {  	_ =	strace s17  }
0x93: {  	s2 =	sld [smem:$0x3FFC];
	_ =	sdelay $0x3  }
0x94: {  	_ =	strace s2  }
0x95: {  	s2 =	sld [smem:$0x3FFD];
	_ =	sdelay $0x3  }
0x96: {  	_ =	strace s2  }
0x97: {  	_ =	strace $0x8FFFFFFF  }
0x98: {  	s18 =	sld [smem:$0x3FDB];
	_ =	sdelay $0x1  }
0x99: {  	s19 =	simm.s32 $_scs_section_size  }
0x9a: {  	s4 =	simm.s32 $_size__tile_overlayer_lowered;
	s5 =	simm.s32 $_tile_overlayer_lowered  }
0x9b: {  	s22 =	simm.s32 $0x1BFF;
	s21 =	sshll.u32 s5, $0x1;
	s2 =	sadd.s32 s19, s18  }
0x9c: {  	s6 =	simm.s32 $0x0;
	s20 =	sshll.u32 s4, $0x1;
	s4 =	sadd.s32 s21, s2  }
0x9d: {  	[timem:s6], [sflag:s22] =	dma.local [hbm:s4], s20  }
0x9e: {  	_ =	swait.ge [sflag:s22], s20  }
0x9f: {  	s3 =	ssub.s32 $0x0, s20;
	[sflag:s22] =	ssyncset.done $0x0  }
0xa0: {  	[sflag:s22] =	ssyncadd.s32 s3;
	_ =	sdelay $0x1  }
0xa1: {  	s23 =	simm.s32 $0x1B8B  }
0xa2: {  	_ =	swait.ge [sflag:s23], $0x1  }
0xa3: {  	[sflag:s23] =	ssyncset.done $0x0  }
0xa4: {  	s25 =	simm.s32 $0x1B8E;
	s24 =	sld [smem:$0x3FFE];
	[sflag:s23] =	ssyncadd.s32 $0xFFFFFFFF  }
0xa5: {  	s26 =	simm.s32 $execute0_lowered;
	[smem:$0x3FD2] =	sst s25  }
0xa6: {  	s4 =	sshll.u32 s26, $0x1;
	_ =	strace $0x80000046;
	[dreg:$0x1] =	wrdreg $0xFFFFFFFF  }
0xa7: {  	s28 =	simm.s32 $_size_execute0_lowered;
	s2 =	sadd.s32 s2, s4;
	[dreg:$0x0] =	wrdreg $0x0  }
0xa8: {  	s4 =	sshll.u32 s28, $0x1;
	[dreg:$0x2] =	wrdreg s2  }
0xa9: {  	[dreg:$0x3] =	wrdreg s4  }
0xaa: {  	[dreg:$0x4] =	wrdreg $0xC0  }
0xab: {  	_ =	task [dreg:s6], $0x5FFFF  }
0xac: {  	[dreg:$0x1] =	wrdreg $0xFFFFFFFF  }
0xad: {  	[dreg:$0x0] =	wrdreg $0x60  }
0xae: {  	[dreg:$0x2] =	wrdreg s24  }
0xaf: {  	[dreg:$0x3] =	wrdreg $0x57000  }
0xb0: {  	[dreg:$0x4] =	wrdreg $0x59800  }
0xb1: {  	[dreg:$0x5] =	wrdreg $0x9  }
0xb2: {  	_ =	task.clear_ibuf [dreg:s6], $0x6FFFF;
	_ =	strace $0x90000046  }
0xb3: {  	s29 =	simm.s32 $0x9;
	_ =	strace $0x80000048  }
0xb4: {  	_ =	swait.ge [sflag:s29], $0x1  }
0xb5: {  	[sflag:s29] =	ssyncadd.s32 $0xFFFFFFFF  }
0xb6: {  	_ =	strace $0x90000048  }
0xb7: {  	_ =	sfence  }
0xb8: {  	s30 =	sld [smem:$0x0];
	_ =	sdelay $0x2  }
0xb9: {  	s31 =	sshll.u32 s1, $0xD;
	s1 =	sshrl.u32 s1, $0x2  }
0xba: {  	s3 =	sand.u32 $0x4000, s31;
	s1 =	sadd.s32 s1, s30  }
0xbb: {  	s0 =	sor.u32 s3, s0;
	s1 =	sshll.u32 s1, $0x11  }
0xbc: {  	s0 =	sor.u32 s1, s0  }
0xbd: {  	s0 =	sadd.s32 $0x8F2B, s0  }
0xbe: {  	[sflag:s0] =	ssyncadd.remote.s32 $0x1  }
0xbf: {  	_ =	sfence.sel $0xFFFF  }
0xc0: {  	[dreg:$0x0] =	wrdreg $0xFFFFFFFF;
	(pc) =	sbr.abs _section_cstart, $3  }
0xc1: {  	[dreg:$0x1] =	wrdreg $0xFFFFFFFF  }
0xc2: {  	_ =	task.clear_ibuf [dreg:s6], $0x2FFFF;
	_ =	strace $0x9FFFFFFF  }
0xc3: {  	(tm) =	ssettm $0x7FFFFFFF  }
tec
execute0_lowered:
.L_overlay_start_1:
0x0: {  	(tag) =	ssettag $0x1  }
0x1: {  	s4 =	rddreg [dreg:$0x0];
	s1 =	srdreg.scid  }
0x2: {  	s0 =	rddreg [dreg:$0x1];
	s10 =	stileid.u32  }
0x3: {  	s2 =	rddreg [dreg:$0x2];
	s3 =	simm.s32 $0x0;
	s13 =	simm.s32 $0x80  }
0x4: {  	s14 =	simm.s32 $0x5400;
	s15 =	simm.s32 $0x5080;
	s16 =	simm.s32 $0x5100  }
0x5: {  	s17 =	simm.s32 $0x5180;
	s18 =	simm.s32 $0x5200;
	s19 =	simm.s32 $0x0  }
0x6: {  	s5 =	sand.u32 $0x1, s1;
	s7 =	smul.u32 $0x5000, s10;
	s1 =	rddreg [dreg:$0x3]  }
0x7: {  	s8 =	smul.u32 $0x280, s10;
	[smem:$0x7FF] =	sst s3;
	s9 =	sshll.u32 s10, $0x7  }
0x8: {  	p0 =	sne.s32 s10, $0x0;
	s10 =	simm.s32 $0x1;
	s6 =	smul.u32 $0x50000, s5  }
0x9: {  	s29 =	smul.u32 $0x2800, s5;
	_ =	strace $0x80000047;
	s9 =	sadd.s32 s9, s4  }
0xa: {  	s11 =	smul.u32 $0x42, s5;
	s12 =	ssub.s32 $0x2, s5;
	s5 =	sshll.u32 s5, $0xB  }
0xb: {  	s30 =	sshrl.u32 s12, $0x1;
	s5 =	sadd.s32 s5, s9;
	s6 =	sadd.s32 s7, s6  }
0xc: {  	s7 =	sadd.s32 s8, s29;
	s11 =	sadd.s32 s11, s4;
	s31 =	ssub.s32 s12, s30  }
0xd: {  	s5 =	sadd.s32 $0x6E00, s5;
	s12 =	simm.s32 $0x5480;
	s6 =	sshrl.u32 s6, $0x3  }
0xe: {  	s7 =	sshrl.u32 s7, $0x3;
	s9 =	smax.u32 s31, $0x1;
	s6 =	sadd.s32 s6, s4  }
0xf: {  	s7 =	sadd.s32 s7, s4;
	s4 =	sadd.s32 $0x7E00, s6;
	s6 =	sadd.s32 s8, s0  }
0x10: {  	v0 =	vimm.f32 $1.000000000e+00;
	v1 =	vimm.f32 $0.0e+00;
	s7 =	sadd.s32 $0x2FE00, s7;
	s8 =	sadd.s32 $0x30800, s11;
	s11 =	simm.s32 $0x5000  }
.LBB2_1:
0x11: {  	[tilespmem:s3], [sflag:$0x1] =	stream.linear.gather [hbm4b:s4+s3], $0x5000, $0x38;
	[tilespmem:$0x59A8] =	vst v63  }
0x12: {  	_ =	swait.ge [sflag:s10], $0x5000  }
0x13: {  	[sflag:s10] =	ssyncset.done $0x0  }
0x14: {  	[sflag:s10] =	ssyncadd.s32 $0xFFFFB000  }
0x15: {  	[tilespmem:s11], [sflag:$0x1] =	stream.linear.gather [hbm4b:s5+s3], $0x280, $0x38;
	[tilespmem:$0x59A8] =	vst v63  }
0x16: {  	_ =	swait.ge [sflag:s10], $0x280  }
0x17: {  	[sflag:s10] =	ssyncset.done $0x0  }
0x18: {  	[sflag:s10] =	ssyncadd.s32 $0xFFFFFD80  }
0x19: {  	[tilespmem:$0x5400] =	vst v0  }
0x1a: {  	[tilespmem:$0x5410] =	vst v0  }
0x1b: {  	[tilespmem:$0x5420] =	vst v0  }
0x1c: {  	[tilespmem:$0x5430] =	vst v0  }
0x1d: {  	[tilespmem:$0x5440] =	vst v0  }
0x1e: {  	[tilespmem:$0x5450] =	vst v0  }
0x1f: {  	[tilespmem:$0x5460] =	vst v0  }
0x20: {  	[tilespmem:$0x5470] =	vst v0  }
0x21: {  	[tilespmem:$0x5480] =	vst v1  }
0x22: {  	[tilespmem:$0x5490] =	vst v1  }
0x23: {  	[tilespmem:$0x54A0] =	vst v1  }
0x24: {  	[tilespmem:$0x54B0] =	vst v1  }
0x25: {  	[tilespmem:$0x54C0] =	vst v1  }
0x26: {  	[tilespmem:$0x54D0] =	vst v1  }
0x27: {  	[tilespmem:$0x54E0] =	vst v1  }
0x28: {  	[tilespmem:$0x54F0] =	vst v1  }
0x29: {  	[tilespmem:$0x5500] =	vst v1  }
0x2a: {  	[tilespmem:$0x5510] =	vst v1  }
0x2b: {  	[tilespmem:$0x5520] =	vst v1  }
0x2c: {  	[tilespmem:$0x5530] =	vst v1  }
0x2d: {  	[tilespmem:$0x5540] =	vst v1  }
0x2e: {  	[tilespmem:$0x5550] =	vst v1  }
0x2f: {  	[tilespmem:$0x5560] =	vst v1  }
0x30: {  	[tilespmem:$0x5570] =	vst v1  }
0x31: {  	[tilespmem:$0x5580] =	vst v1  }
0x32: {  	[tilespmem:$0x5590] =	vst v1  }
0x33: {  	[tilespmem:$0x55A0] =	vst v1  }
0x34: {  	[tilespmem:$0x55B0] =	vst v1  }
0x35: {  	[tilespmem:$0x55C0] =	vst v1  }
0x36: {  	[tilespmem:$0x55D0] =	vst v1  }
0x37: {  	[tilespmem:$0x55E0] =	vst v1  }
0x38: {  	[tilespmem:$0x55F0] =	vst v1  }
0x39: {  	[tilespmem:$0x5600] =	vst v1  }
0x3a: {  	[tilespmem:$0x5610] =	vst v1  }
0x3b: {  	[tilespmem:$0x5620] =	vst v1  }
0x3c: {  	[tilespmem:$0x5630] =	vst v1  }
0x3d: {  	[tilespmem:$0x5640] =	vst v1  }
0x3e: {  	[tilespmem:$0x5650] =	vst v1  }
0x3f: {  	[tilespmem:$0x5660] =	vst v1  }
0x40: {  	[tilespmem:$0x5670] =	vst v1  }
0x41: {  	[tilespmem:$0x5680] =	vst v1  }
0x42: {  	[tilespmem:$0x5690] =	vst v1  }
0x43: {  	[tilespmem:$0x56A0] =	vst v1  }
0x44: {  	[tilespmem:$0x56B0] =	vst v1  }
0x45: {  	[tilespmem:$0x56C0] =	vst v1  }
0x46: {  	[tilespmem:$0x56D0] =	vst v1  }
0x47: {  	[tilespmem:$0x56E0] =	vst v1  }
0x48: {  	[tilespmem:$0x56F0] =	vst v1  }
0x49: {  	[spmem:s6] =	stream.linear.scatter [tilespmem:s12], [sflag:$0x1], $0x280, $0x38;
	[tilespmem:$0x59A8] =	vst v63  }
0x4a: {  	_ =	swait.ge [sflag:s10], $0x280  }
0x4b: {  	[sflag:s10] =	ssyncset.done $0x0  }
0x4c: {  	s20 =	simm.s32 @!p0 $0x5480;
	[sflag:s10] =	ssyncadd.s32 $0xFFFFFD80  }
0x4d: {  	[spmem:s2] =	stream.linear.scatter @!p0 [tilespmem:s20], [sflag:$0x1], $0x210, $0x38;
	[tilespmem:$0x59A8] =	vst v63  }
0x4e: {  	s20 =	simm.s32 @!p0 $0x1  }
0x4f: {  	_ =	swait.ge @!p0 [sflag:s20], $0x210  }
0x50: {  	[sflag:s20] =	ssyncset.done @!p0 $0x0  }
0x51: {  	[sflag:s20] =	ssyncadd.s32 @!p0 $0xFFFFFDF0  }
0x52: {  	s31 =	simm.s32 $0x0;
	[bflag:$0x0] =	sbarrier.arrive $0xFFFF  }
0x53: {  	[spmem:s0] =	stream.indirect.scatter.add.f32 [tilespmem:s14], [sflag:$0x1], $0x1, s31, s13, $0xb8;
	[tilespmem:$0x59A8] =	vst v63  }
0x54: {  	_ =	swait.ge [sflag:s10], $0x80  }
0x55: {  	s20 =	simm.s32 $0x200;
	[sflag:s10] =	ssyncset.done $0x0  }
.LBB2_2:
0x56: {  	s21 =	sshra.s32 s20, $0x2;
	[sflag:s10] =	ssyncadd.s32 $0xFFFFFF80;
	p1 =	sne.s32 s20, $0x13E00  }
0x57: {  	[spmem:s0] =	stream.indirect.scatter.add.f32 [tilespmem:s14], [sflag:$0x1], $0x1, s21, s13, $0xb8;
	[tilespmem:$0x59A8] =	vst v63  }
.Ltmp0:
0x58: {  	_ = 	snop;
	(pc) =	sbr.rel @p1 .LBB2_2-.Ltmp0, $4  }
0x59: {  	_ = 	snop  }
0x5a: {  	s20 =	sadd.s32 $0x200, s20  }
0x5b: {  	_ =	swait.ge [sflag:s10], $0x80  }
0x5c: {  	[sflag:s10] =	ssyncset.done $0x0  }
0x5d: {  	[sflag:s10] =	ssyncadd.s32 $0xFFFFFF80  }
0x5e: {  	[spmem:s2] =	stream.indirect.scatter.add.f32 [tilespmem:s14], [sflag:$0x1], $0x1, s11, s13, $0xb8;
	[tilespmem:$0x59A8] =	vst v63  }
0x5f: {  	_ =	swait.ge [sflag:s10], $0x80  }
0x60: {  	[sflag:s10] =	ssyncset.done $0x0  }
0x61: {  	[sflag:s10] =	ssyncadd.s32 $0xFFFFFF80  }
0x62: {  	[spmem:s2] =	stream.indirect.scatter.add.f32 [tilespmem:s14], [sflag:$0x1], $0x1, s15, s13, $0xb8;
	[tilespmem:$0x59A8] =	vst v63  }
0x63: {  	_ =	swait.ge [sflag:s10], $0x80  }
0x64: {  	[sflag:s10] =	ssyncset.done $0x0  }
0x65: {  	[sflag:s10] =	ssyncadd.s32 $0xFFFFFF80  }
0x66: {  	[spmem:s2] =	stream.indirect.scatter.add.f32 [tilespmem:s14], [sflag:$0x1], $0x1, s16, s13, $0xb8;
	[tilespmem:$0x59A8] =	vst v63  }
0x67: {  	_ =	swait.ge [sflag:s10], $0x80  }
0x68: {  	[sflag:s10] =	ssyncset.done $0x0  }
0x69: {  	[sflag:s10] =	ssyncadd.s32 $0xFFFFFF80  }
0x6a: {  	[spmem:s2] =	stream.indirect.scatter.add.f32 [tilespmem:s14], [sflag:$0x1], $0x1, s17, s13, $0xb8;
	[tilespmem:$0x59A8] =	vst v63  }
0x6b: {  	_ =	swait.ge [sflag:s10], $0x80  }
0x6c: {  	[sflag:s10] =	ssyncset.done $0x0  }
0x6d: {  	[sflag:s10] =	ssyncadd.s32 $0xFFFFFF80  }
0x6e: {  	[spmem:s2] =	stream.indirect.scatter.add.f32 [tilespmem:s14], [sflag:$0x1], $0x1, s18, s13, $0xb8;
	[tilespmem:$0x59A8] =	vst v63  }
0x6f: {  	_ =	swait.ge [sflag:s10], $0x80  }
0x70: {  	[sflag:s10] =	ssyncset.done $0x0  }
0x71: {  	[sflag:s10] =	ssyncadd.s32 $0xFFFFFF80  }
0x72: {  	[bflag:$0x0] =	sbarrier.arrive $0xFFFF  }
0x73: {  	[tilespmem:s12], [sflag:$0x1] =	stream.linear.gather [spmem:s6], $0x280, $0x38;
	[tilespmem:$0x59A8] =	vst v63  }
0x74: {  	_ =	swait.ge [sflag:s10], $0x280  }
0x75: {  	[sflag:s10] =	ssyncset.done $0x0  }
0x76: {  	[sflag:s10] =	ssyncadd.s32 $0xFFFFFD80  }
0x77: {  	[hbm4b:s7+s3] =	stream.linear.scatter [tilespmem:s12], [sflag:$0x1], $0x280, $0x38;
	[tilespmem:$0x59A8] =	vst v63  }
0x78: {  	_ =	swait.ge [sflag:s10], $0x280  }
0x79: {  	[sflag:s10] =	ssyncset.done $0x0  }
0x7a: {  	s20 =	simm.s32 @!p0 $0x5480;
	s21 =	simm.s32 @!p0 $0x1;
	[sflag:s10] =	ssyncadd.s32 $0xFFFFFD80  }
0x7b: {  	[tilespmem:s20], [sflag:$0x1] =	stream.linear.gather @!p0 [spmem:s2], $0x210, $0x38;
	[tilespmem:$0x59A8] =	vst v63  }
0x7c: {  	s19 =	sadd.s32 $0x1, s19;
	_ =	swait.ge @!p0 [sflag:s21], $0x210  }
0x7d: {  	p1 =	sne.s32 s19, s9;
	[sflag:s21] =	ssyncset.done @!p0 $0x0  }
.Ltmp1:
0x7e: {  	s22 =	simm.s32 @!p0 $0x0;
	[sflag:s21] =	ssyncadd.s32 @!p0 $0xFFFFFDF0;
	(pc) =	sbr.rel @p1 .LBB2_1-.Ltmp1, $4  }
0x7f: {  	[hbm4b:s8+s22] =	stream.linear.scatter @!p0 [tilespmem:s20], [sflag:$0x1], $0x210, $0x38;
	[tilespmem:$0x59A8] =	vst v63  }
0x80: {  	_ =	swait.ge @!p0 [sflag:s21], $0x210  }
0x81: {  	[sflag:s21] =	ssyncset.done @!p0 $0x0  }
0x82: {  	[sflag:s21] =	ssyncadd.s32 @!p0 $0xFFFFFDF0  }
0x83: {  	_ =	sfence.sel $0x180000  }
0x84: {  	[bflag:$0x0] =	sbarrier.arrive $0xFFFF  }
0x85: {  	_ =	strace $0x90000047  }
0x86: {  	s0 =	sadd.s32 @!p0 $0x100000, s1;
	[bflag:$0x2] =	sbarrier.arrive $0xFFFF  }
0x87: {  	[sflag:s0] =	ssyncadd.tile.s32 @!p0 $0x1;
	_ =	shalt  }
.Lfunc_end2:
_tile_overlayer_lowered:
.L_overlay_start_2:
0x88: {  	(tag) =	ssettag $0x2  }
0x89: {  	s0 =	rddreg [dreg:$0x0];
	s2 =	stileid.u32  }
0x8a: {  	s1 =	rddreg [dreg:$0x1];
	p0 =	sne.s32 s2, $0x0  }
0x8b: {  	s3 =	rddreg [dreg:$0x2];
	[bflag:$0x3] =	sbarrier.arrive $0xFFFF;
	s2 =	simm.s32 @!p0 $0x1C01  }
0x8c: {  	[timem:s3], [sflag:s2] =	dma.local @!p0 [hbm:s0], s1  }
0x8d: {  	s0 =	simm.s32 @!p0 $0x1  }
0x8e: {  	_ =	swait.ge @!p0 [sflag:s0], s1  }
0x8f: {  	s1 =	ssub.s32 @!p0 $0x0, s1;
	[sflag:s0] =	ssyncset.done @!p0 $0x0  }
0x90: {  	[sflag:s0] =	ssyncadd.s32 @!p0 s1  }
0x91: {  	[bflag:$0x3] =	sbarrier.arrive $0xFFFF  }
0x92: {  	_ =	shalt  }

// kernel: kernel.15.cloned.1.call-start
scs
__scs_entry_jumppad:
0x0: {  	(pc) =	sbr.rel $0x88, $3  }
0x1: {  	(tag) =	ssettag $0x0;
	lr =	simm.s32 $0x1  }
0x2: {  	[smem:$0x3F7E] =	sst lr;
	_ =	strace $0xD0000000  }
0x3: {  	_ = 	snop  }
0x4: {  	_ = 	snop  }
0x5: {  	_ = 	snop  }
0x6: {  	_ = 	snop  }
0x7: {  	_ = 	snop  }
__scs_overlays_trampoline_lowered:
0x8: {  	[smem:$0x3F8D] =	sst s0  }
0x9: {  	[smem:$0x3F8E] =	sst s1  }
0xa: {  	[smem:$0x3F8F] =	sst s2  }
0xb: {  	[smem:$0x3F90] =	sst s3  }
0xc: {  	[smem:$0x3F91] =	sst s4  }
0xd: {  	[smem:$0x3F92] =	sst s5  }
0xe: {  	[smem:$0x3F93] =	sst s6  }
0xf: {  	[smem:$0x3F94] =	sst s7  }
0x10: {  	[smem:$0x3F95] =	sst s8  }
0x11: {  	[smem:$0x3F96] =	sst s9;
	s0 =	simm.s32 @!p0 $0x0  }
0x12: {  	s1 =	sld [smem:$0x3F7C];
	s0 =	simm.s32 @p0 $0x1  }
0x13: {  	[smem:$0x3F97] =	sst s0;
	s0 =	simm.s32 @!p1 $0x0  }
0x14: {  	s2 =	sld [smem:$0x3F7B];
	s0 =	simm.s32 @p1 $0x1  }
0x15: {  	[smem:$0x3F98] =	sst s0;
	s0 =	simm.s32 @!p2 $0x0  }
0x16: {  	s3 =	sld [smem:$0x3FDB];
	s0 =	simm.s32 @p2 $0x1  }
0x17: {  	s4 =	simm.s32 $0x1BF5;
	[smem:$0x3F9A] =	sst s0  }
0x18: {  	s0 =	sld [smem:$0x3F7D];
	_ =	swait.ge [sflag:s4], $0x0  }
0x19: {  	s7 =	sld [smem:$0x3F7E]  }
0x1a: {  	s8 =	sadd.s32 $0xFFFFE003, lr  }
0x1b: {  	s9 =	sadd.s32 $0xFFFFFEF7, lr;
	s5 =	simm.s32 $0xFFFFFFFF;
	p2 =	slt.u32 s8, $0xFFFFF086  }
0x1c: {  	p1 =	slt.u32 s9, $0xF7A;
	s5 =	simm.s32 @!p2 $0x0  }
0x1d: {  	s5 =	simm.s32 @p1 $0x1;
	p0 =	seq.s32 s7, s2  }
0x1e: {  	s7 =	smul.u32 @!p0 $0xF7A, s2;
	p2 =	seq.s32 @!p0 s5, $0x0  }
0x1f: {  	s9 =	smul.u32 $0xF7A, s1;
	s8 =	simm.s32 @!p0 $0x1BF5;
	p2 =	por !p2, p0  }
0x20: {  	[sflag:s8] =	ssyncset.s32 @!p0 $0xFFFFF086;
	s6 =	sadd.s32 @!p0 s3, s7;
	s7 =	simm.s32 @!p0 $0x108  }
0x21: {  	s3 =	sadd.s32 s3, s9;
	s6 =	sadd.s32 @!p0 $0x88, s6;
	s7 =	simm.s32 @p2 $0x1082  }
0x22: {  	[simem:s7], [sflag:s8] =	dma.local @!p0 [hbm:s6], $0xF7A  }
0x23: {  	s9 =	sor.u32 $0xD0000000, s2;
	s6 =	simm.s32 $0x108;
	_ =	swait.ge @!p0 [sflag:s8], $0x0  }
0x24: {  	s3 =	sadd.s32 $0x88, s3;
	s6 =	simm.s32 @!p1 $0x1082;
	[sflag:s4] =	ssyncset.s32 $0xFFFFF086  }
0x25: {  	[simem:s6], [sflag:s4] =	dma.local [hbm:s3], $0xF7A  }
0x26: {  	[smem:$0x3F7E] =	sst s1;
	(tag) =	ssettag s2;
	_ =	strace s9  }
0x27: {  	s1 =	sld [smem:$0x3F8E]  }
0x28: {  	s2 =	sld [smem:$0x3F8F]  }
0x29: {  	s4 =	sld [smem:$0x3F91]  }
0x2a: {  	p0 =	seq.s32 s5, $0x0;
	s5 =	sld [smem:$0x3F92]  }
0x2b: {  	s6 =	sld [smem:$0x3F93]  }
0x2c: {  	s7 =	sld [smem:$0x3F94]  }
0x2d: {  	s3 =	simm.s32 $0x108;
	s8 =	sld [smem:$0x3F95]  }
0x2e: {  	s3 =	simm.s32 @!p0 $0x1082;
	s9 =	sld [smem:$0x3F96]  }
0x2f: {  	lr =	sadd.s32 s0, s3;
	s0 =	sld [smem:$0x3F8D]  }
0x30: {  	s3 =	sld [smem:$0x3F90]  }
0x31: {  	[smem:$0x3F99] =	sst s10  }
0x32: {  	s10 =	sld [smem:$0x3F97];
	_ =	sdelay $0x3  }
0x33: {  	p0 =	seq.s32 s10, $0x1;
	s10 =	sld [smem:$0x3F99];
	_ =	sdelay $0x3  }
0x34: {  	[smem:$0x3F99] =	sst s10  }
0x35: {  	s10 =	sld [smem:$0x3F98];
	_ =	sdelay $0x3  }
0x36: {  	p1 =	seq.s32 s10, $0x1;
	s10 =	sld [smem:$0x3F99];
	_ =	sdelay $0x3  }
0x37: {  	[smem:$0x3F99] =	sst s10  }
0x38: {  	s10 =	sld [smem:$0x3F9A]  }
0x39: {  	_ = 	snop;
	(pc) =	sbr.ind lr, $3  }
0x3a: {  	_ = 	snop  }
0x3b: {  	_ = 	snop  }
0x3c: {  	p2 =	seq.s32 s10, $0x1;
	s10 =	sld [smem:$0x3F99]  }
0x3d: {  	_ =	shalt  }
0x3e: {  	_ =	shalt  }
0x3f: {  	_ =	shalt  }
0x40: {  	_ =	shalt  }
0x41: {  	_ =	shalt  }
0x42: {  	_ =	shalt  }
0x43: {  	_ =	shalt  }
0x44: {  	_ =	shalt  }
0x45: {  	_ =	shalt  }
0x46: {  	_ =	shalt  }
0x47: {  	_ =	shalt  }
0x48: {  	_ =	shalt  }
0x49: {  	_ =	shalt  }
0x4a: {  	_ =	shalt  }
0x4b: {  	_ =	shalt  }
0x4c: {  	_ =	shalt  }
0x4d: {  	_ =	shalt  }
0x4e: {  	_ =	shalt  }
0x4f: {  	_ =	shalt  }
0x50: {  	_ =	shalt  }
0x51: {  	_ =	shalt  }
0x52: {  	_ =	shalt  }
0x53: {  	_ =	shalt  }
0x54: {  	_ =	shalt  }
0x55: {  	_ =	shalt  }
0x56: {  	_ =	shalt  }
0x57: {  	_ =	shalt  }
0x58: {  	_ =	shalt  }
0x59: {  	_ =	shalt  }
0x5a: {  	_ =	shalt  }
0x5b: {  	_ =	shalt  }
0x5c: {  	_ =	shalt  }
0x5d: {  	_ =	shalt  }
0x5e: {  	_ =	shalt  }
0x5f: {  	_ =	shalt  }
0x60: {  	_ =	shalt  }
0x61: {  	_ =	shalt  }
0x62: {  	_ =	shalt  }
0x63: {  	_ =	shalt  }
0x64: {  	_ =	shalt  }
0x65: {  	_ =	shalt  }
0x66: {  	_ =	shalt  }
0x67: {  	_ =	shalt  }
0x68: {  	_ =	shalt  }
0x69: {  	_ =	shalt  }
0x6a: {  	_ =	shalt  }
0x6b: {  	_ =	shalt  }
0x6c: {  	_ =	shalt  }
0x6d: {  	_ =	shalt  }
0x6e: {  	_ =	shalt  }
0x6f: {  	_ =	shalt  }
0x70: {  	_ =	shalt  }
0x71: {  	_ =	shalt  }
0x72: {  	_ =	shalt  }
0x73: {  	_ =	shalt  }
0x74: {  	_ =	shalt  }
0x75: {  	_ =	shalt  }
0x76: {  	_ =	shalt  }
0x77: {  	_ =	shalt  }
0x78: {  	_ =	shalt  }
0x79: {  	_ =	shalt  }
0x7a: {  	_ =	shalt  }
0x7b: {  	_ =	shalt  }
0x7c: {  	_ =	shalt  }
0x7d: {  	_ =	shalt  }
0x7e: {  	_ =	shalt  }
0x7f: {  	_ =	shalt  }
0x80: {  	_ =	shalt  }
0x81: {  	_ =	shalt  }
0x82: {  	_ =	shalt  }
0x83: {  	_ =	shalt  }
0x84: {  	_ =	shalt  }
0x85: {  	_ =	shalt  }
0x86: {  	_ =	shalt  }
0x87: {  	_ =	shalt  }
.Lfunc_end0:
.L_simem_size_0:
called_computation.2_lowered:
.L_overlay_start_0:
0x88: {  	s2 =	sld [smem:$0x3FD9]  }
0x89: {  	s3 =	sld [smem:$0x3FFE];
	_ =	sdelay $0x1  }
0x8a: {  	s1 =	srdreg.scid  }
0x8b: {  	s0 =	sand.u32 $0x1, s1  }
0x8c: {  	s16 =	sshll.u32 s0, $0xA;
	s2 =	sadd.s32 s3, s2  }
0x8d: {  	s2 =	sadd.s32 s2, s16  }
0x8e: {  	[smem:$0x3FA5] =	sst s2  }
0x8f: {  	_ = 	snop  }
0x90: {  	(tm) =	ssettm $0x1  }
0x91: {  	s17 =	sld [smem:$0x3FFB];
	_ =	sdelay $0x3  }
0x92: {  	_ =	strace s17  }
0x93: {  	s2 =	sld [smem:$0x3FFC];
	_ =	sdelay $0x3  }
0x94: {  	_ =	strace s2  }
0x95: {  	s2 =	sld [smem:$0x3FFD];
	_ =	sdelay $0x3  }
0x96: {  	_ =	strace s2  }
0x97: {  	_ =	strace $0x8FFFFFFF  }
0x98: {  	s18 =	sld [smem:$0x3FDB];
	_ =	sdelay $0x1  }
0x99: {  	s19 =	simm.s32 $_scs_section_size  }
0x9a: {  	s4 =	simm.s32 $_size__tile_overlayer_lowered;
	s5 =	simm.s32 $_tile_overlayer_lowered  }
0x9b: {  	s22 =	simm.s32 $0x1BFF;
	s21 =	sshll.u32 s5, $0x1;
	s2 =	sadd.s32 s19, s18  }
0x9c: {  	s6 =	simm.s32 $0x0;
	s20 =	sshll.u32 s4, $0x1;
	s4 =	sadd.s32 s21, s2  }
0x9d: {  	[timem:s6], [sflag:s22] =	dma.local [hbm:s4], s20  }
0x9e: {  	_ =	swait.ge [sflag:s22], s20  }
0x9f: {  	s3 =	ssub.s32 $0x0, s20;
	[sflag:s22] =	ssyncset.done $0x0  }
0xa0: {  	[sflag:s22] =	ssyncadd.s32 s3;
	_ =	sdelay $0x1  }
0xa1: {  	s23 =	simm.s32 $0x1B8B  }
0xa2: {  	_ =	swait.ge [sflag:s23], $0x1  }
0xa3: {  	[sflag:s23] =	ssyncset.done $0x0  }
0xa4: {  	s25 =	simm.s32 $0x1B8E;
	s24 =	sld [smem:$0x3FFE];
	[sflag:s23] =	ssyncadd.s32 $0xFFFFFFFF  }
0xa5: {  	s26 =	simm.s32 $execute0_lowered;
	[smem:$0x3FD2] =	sst s25  }
0xa6: {  	s4 =	sshll.u32 s26, $0x1;
	_ =	strace $0x80000049;
	[dreg:$0x1] =	wrdreg $0xFFFFFFFF  }
0xa7: {  	s28 =	simm.s32 $_size_execute0_lowered;
	s2 =	sadd.s32 s2, s4;
	[dreg:$0x0] =	wrdreg $0x0  }
0xa8: {  	s4 =	sshll.u32 s28, $0x1;
	[dreg:$0x2] =	wrdreg s2  }
0xa9: {  	[dreg:$0x3] =	wrdreg s4  }
0xaa: {  	[dreg:$0x4] =	wrdreg $0xC0  }
0xab: {  	_ =	task [dreg:s6], $0x5FFFF  }
0xac: {  	[dreg:$0x1] =	wrdreg $0xFFFFFFFF  }
0xad: {  	[dreg:$0x0] =	wrdreg $0x60  }
0xae: {  	[dreg:$0x2] =	wrdreg s24  }
0xaf: {  	[dreg:$0x3] =	wrdreg $0xA0000  }
0xb0: {  	[dreg:$0x4] =	wrdreg $0x9  }
0xb1: {  	_ =	task.clear_ibuf [dreg:s6], $0x5FFFF;
	_ =	strace $0x90000049  }
0xb2: {  	s29 =	simm.s32 $0x9;
	_ =	strace $0x8000004B  }
0xb3: {  	_ =	swait.ge [sflag:s29], $0x1  }
0xb4: {  	[sflag:s29] =	ssyncadd.s32 $0xFFFFFFFF  }
0xb5: {  	_ =	strace $0x9000004B  }
0xb6: {  	_ =	sfence  }
0xb7: {  	s30 =	sld [smem:$0x0];
	_ =	sdelay $0x2  }
0xb8: {  	s31 =	sshll.u32 s1, $0xD;
	s1 =	sshrl.u32 s1, $0x2  }
0xb9: {  	s3 =	sand.u32 $0x4000, s31;
	s1 =	sadd.s32 s1, s30  }
0xba: {  	s0 =	sor.u32 s3, s0;
	s1 =	sshll.u32 s1, $0x11  }
0xbb: {  	s0 =	sor.u32 s1, s0  }
0xbc: {  	s0 =	sadd.s32 $0x8F2B, s0  }
0xbd: {  	[sflag:s0] =	ssyncadd.remote.s32 $0x1  }
0xbe: {  	_ =	sfence.sel $0xFFFF  }
0xbf: {  	[dreg:$0x0] =	wrdreg $0xFFFFFFFF;
	(pc) =	sbr.abs _section_cstart, $3  }
0xc0: {  	[dreg:$0x1] =	wrdreg $0xFFFFFFFF  }
0xc1: {  	_ =	task.clear_ibuf [dreg:s6], $0x2FFFF;
	_ =	strace $0x9FFFFFFF  }
0xc2: {  	(tm) =	ssettm $0x7FFFFFFF  }
0xc3: {  	_ =	shalt  }
tec
execute0_lowered:
.L_overlay_start_1:
0x0: {  	(tag) =	ssettag $0x1  }
0x1: {  	s0 =	rddreg [dreg:$0x0]  }
0x2: {  	s1 =	rddreg [dreg:$0x1];
	s3 =	simm.s32 $0x0  }
0x3: {  	s2 =	srdreg.scid;
	s14 =	stileid.u32;
	s28 =	simm.s32 $0x1F00  }
0x4: {  	s29 =	simm.s32 $0x1F80;
	s30 =	simm.s32 $0x0;
	s31 =	simm.s32 $0x0  }
0x5: {  	[smem:$0x7FF] =	sst s3;
	s4 =	sadd.s32 $0x80A00, s0;
	s7 =	smul.u32 $0x50000, s14  }
0x6: {  	s2 =	sand.u32 $0x1, s2;
	s5 =	sadd.s32 $0x1BE00, s0;
	s11 =	smul.u32 $0x14000, s14  }
0x7: {  	s6 =	sadd.s32 $0x7E00, s0;
	s0 =	sadd.s32 $0xD0A00, s0;
	s14 =	smul.u32 $0x5000, s14  }
0x8: {  	_ =	strace $0x8000004A;
	s8 =	ssub.s32 $0x2, s2;
	s17 =	smul.u32 $0x140000, s2  }
0x9: {  	s2 =	smul.u32 $0x50000, s2;
	s9 =	sshrl.u32 s8, $0x1;
	s7 =	sshrl.u32 s7, $0x2  }
0xa: {  	s12 =	sadd.s32 $0x4000, s11;
	s15 =	sadd.s32 $0x8000, s11;
	s16 =	sadd.s32 $0xC000, s11  }
0xb: {  	s18 =	sadd.s32 $0x10000, s11;
	s13 =	ssub.s32 s8, s9;
	s7 =	sadd.s32 s7, s1  }
0xc: {  	s8 =	sadd.s32 s12, s1;
	s9 =	sadd.s32 s15, s1;
	s10 =	sadd.s32 s16, s1  }
0xd: {  	s19 =	sadd.s32 s11, s17;
	s12 =	sadd.s32 s17, s12;
	s11 =	sadd.s32 s18, s1  }
0xe: {  	s22 =	sadd.s32 s17, s15;
	s23 =	sadd.s32 s17, s16;
	s24 =	sadd.s32 s17, s18  }
0xf: {  	s19 =	sshrl.u32 s19, $0x3;
	s20 =	sshrl.u32 s12, $0x3;
	s12 =	sadd.s32 s14, s2  }
0x10: {  	s2 =	sshrl.u32 s22, $0x3;
	s25 =	sshrl.u32 s23, $0x3;
	s18 =	sshrl.u32 s24, $0x3  }
0x11: {  	s22 =	simm.s32 $0x80;
	s23 =	simm.s32 $0x6000;
	s19 =	sadd.s32 s0, s19  }
0x12: {  	s24 =	simm.s32 $0x1;
	s21 =	sadd.s32 s0, s20;
	[dreg:$0x3] =	wrdreg s19  }
0x13: {  	s2 =	sadd.s32 s0, s2;
	s26 =	sadd.s32 s0, s25;
	[dreg:$0x4] =	wrdreg s21  }
0x14: {  	s17 =	sadd.s32 s0, s18;
	s18 =	smax.u32 s13, $0x1;
	[dreg:$0x5] =	wrdreg s2  }
0x15: {  	s20 =	simm.s32 $0x3;
	s25 =	simm.s32 $0x2;
	[dreg:$0x6] =	wrdreg s26  }
0x16: {  	v0 =	vimm.f32 $0.0e+00;
	s19 =	simm.s32 $0x2000;
	s21 =	simm.s32 $0x1000;
	s26 =	simm.s32 $0xF80  }
.LBB2_1:
0x17: {  	s0 =	simm.s32 $0x0;
	s2 =	simm.s32 $0x200  }
.LBB2_2:
0x18: {  	p0 =	sne.s32 s2, $0xFE00;
	[tilespmem:s0+$0x2070] =	vst v0  }
0x19: {  	[tilespmem:s0+$0x2000] =	vst v0  }
0x1a: {  	[tilespmem:s0+$0x2010] =	vst v0  }
.Ltmp0:
0x1b: {  	[tilespmem:s0+$0x2020] =	vst v0;
	(pc) =	sbr.rel @p0 .LBB2_2-.Ltmp0, $4  }
0x1c: {  	[tilespmem:s0+$0x2030] =	vst v0  }
0x1d: {  	[tilespmem:s0+$0x2040] =	vst v0  }
0x1e: {  	[tilespmem:s0+$0x2050] =	vst v0  }
0x1f: {  	[tilespmem:s0+$0x2060] =	vst v0;
	s0 =	sshra.s32 s2, $0x2;
	s2 =	sadd.s32 $0x200, s2  }
0x20: {  	[tilespmem:s0+$0x2070] =	vst v0  }
0x21: {  	[tilespmem:s0+$0x2000] =	vst v0  }
0x22: {  	[tilespmem:s0+$0x2010] =	vst v0  }
0x23: {  	[tilespmem:s0+$0x2020] =	vst v0  }
0x24: {  	[tilespmem:s0+$0x2030] =	vst v0  }
0x25: {  	[tilespmem:s0+$0x2040] =	vst v0  }
0x26: {  	[tilespmem:s0+$0x2050] =	vst v0  }
0x27: {  	[tilespmem:s0+$0x2060] =	vst v0  }
0x28: {  	[spmem:s7] =	stream.linear.scatter [tilespmem:s19], [sflag:$0x3], $0x4000, $0x38;
	[tilespmem:$0x1E000] =	vst v63  }
0x29: {  	_ =	swait.ge [sflag:s20], $0x4000  }
0x2a: {  	[sflag:s20] =	ssyncset.done $0x0  }
0x2b: {  	[sflag:s20] =	ssyncadd.s32 $0xFFFFC000  }
0x2c: {  	[spmem:s8] =	stream.linear.scatter [tilespmem:s19], [sflag:$0x3], $0x4000, $0x38;
	[tilespmem:$0x1E000] =	vst v63  }
0x2d: {  	_ =	swait.ge [sflag:s20], $0x4000  }
0x2e: {  	[sflag:s20] =	ssyncset.done $0x0  }
0x2f: {  	[sflag:s20] =	ssyncadd.s32 $0xFFFFC000  }
0x30: {  	[spmem:s9] =	stream.linear.scatter [tilespmem:s19], [sflag:$0x3], $0x4000, $0x38;
	[tilespmem:$0x1E000] =	vst v63  }
0x31: {  	_ =	swait.ge [sflag:s20], $0x4000  }
0x32: {  	[sflag:s20] =	ssyncset.done $0x0  }
0x33: {  	[sflag:s20] =	ssyncadd.s32 $0xFFFFC000  }
0x34: {  	[spmem:s10] =	stream.linear.scatter [tilespmem:s19], [sflag:$0x3], $0x4000, $0x38;
	[tilespmem:$0x1E000] =	vst v63  }
0x35: {  	_ =	swait.ge [sflag:s20], $0x4000  }
0x36: {  	[sflag:s20] =	ssyncset.done $0x0  }
0x37: {  	[sflag:s20] =	ssyncadd.s32 $0xFFFFC000  }
0x38: {  	[spmem:s11] =	stream.linear.scatter [tilespmem:s19], [sflag:$0x3], $0x4000, $0x38;
	[tilespmem:$0x1E000] =	vst v63  }
0x39: {  	_ =	swait.ge [sflag:s20], $0x4000  }
0x3a: {  	[sflag:s20] =	ssyncset.done $0x0  }
0x3b: {  	[sflag:s20] =	ssyncadd.s32 $0xFFFFC000  }
0x3c: {  	s0 =	simm.s32 $0x0;
	[bflag:$0x0] =	sbarrier.arrive $0xFFFF  }
.LBB2_4:
0x3d: {  	s2 =	sshll.u32 s0, $0xC  }
0x3e: {  	s2 =	sadd.s32 s2, s12  }
0x3f: {  	s2 =	sshrl.u32 s2, $0x3  }
0x40: {  	s13 =	sadd.s32 s5, s2  }
0x41: {  	[tilespmem:s31], [sflag:$0x3] =	stream.linear.gather [hbm4b:s13+s31], $0x1000, $0x38;
	[tilespmem:$0x1E000] =	vst v63  }
0x42: {  	_ =	swait.ge [sflag:s20], $0x1000  }
0x43: {  	[sflag:s20] =	ssyncset.done $0x0  }
0x44: {  	s2 =	sadd.s32 s6, s2;
	[sflag:s20] =	ssyncadd.s32 $0xFFFFF000  }
0x45: {  	[tilespmem:s21], [sflag:$0x3] =	stream.linear.gather [hbm4b:s2+s31], $0x1000, $0x38;
	[tilespmem:$0x1E000] =	vst v63  }
0x46: {  	_ =	swait.ge [sflag:s20], $0x1000  }
0x47: {  	[sflag:s20] =	ssyncset.done $0x0  }
0x48: {  	[sflag:s20] =	ssyncadd.s32 $0xFFFFF000  }
0x49: {  	[tilespmem:s19], [sflag:$0x1] =	stream.indirect.gather [hbm4b:s4+s22], $0x80, s31, s22, $0xb8;
	[tilespmem:$0x1E000] =	vst v63  }
0x4a: {  	s13 =	simm.s32 $0x80  }
0x4b: {  	[tilespmem:s23], [sflag:$0x2] =	stream.indirect.gather [hbm4b:s4+s22], $0x80, s13, s22, $0xb8;
	[tilespmem:$0x1E000] =	vst v63  }
0x4c: {  	_ =	swait.ge [sflag:s24], $0x4000  }
0x4d: {  	[sflag:s24] =	ssyncset.done $0x0  }
0x4e: {  	s14 =	simm.s32 $0x1000;
	[sflag:s24] =	ssyncadd.s32 $0xFFFFC000  }
0x4f: {  	[spmem:s1] =	stream.indirect.scatter.add.f32 [tilespmem:s19], [sflag:$0x3], $0x80, s14, s22, $0xb8;
	[tilespmem:$0x1E000] =	vst v63  }
0x50: {  	_ =	swait.ge [sflag:s20], $0x4000  }
0x51: {  	[sflag:s20] =	ssyncset.done $0x0  }
0x52: {  	s15 =	simm.s32 $0x100;
	[sflag:s20] =	ssyncadd.s32 $0xFFFFC000  }
0x53: {  	[tilespmem:s19], [sflag:$0x1] =	stream.indirect.gather [hbm4b:s4+s22], $0x80, s15, s22, $0xb8;
	[tilespmem:$0x1E000] =	vst v63  }
0x54: {  	_ =	swait.ge [sflag:s25], $0x4000  }
0x55: {  	[sflag:s25] =	ssyncset.done $0x0  }
0x56: {  	s16 =	simm.s32 $0x1080;
	[sflag:s25] =	ssyncadd.s32 $0xFFFFC000  }
0x57: {  	[spmem:s1] =	stream.indirect.scatter.add.f32 [tilespmem:s23], [sflag:$0x3], $0x80, s16, s22, $0xb8;
	[tilespmem:$0x1E000] =	vst v63  }
0x58: {  	_ =	swait.ge [sflag:s20], $0x4000  }
0x59: {  	s2 =	simm.s32 $0x100;
	s13 =	simm.s32 $0x800;
	[sflag:s20] =	ssyncset.done $0x0  }
.LBB2_5:
0x5a: {  	s14 =	sadd.s32 $0x80, s2  }
0x5b: {  	[sflag:s20] =	ssyncadd.s32 $0xFFFFC000;
	s15 =	smov.u32 s13;
	s16 =	sadd.s32 $0x400, s13  }
0x5c: {  	[tilespmem:s23], [sflag:$0x2] =	stream.indirect.gather [hbm4b:s4+s22], $0x80, s14, s22, $0xb8;
	[tilespmem:$0x1E000] =	vst v63  }
0x5d: {  	p0 =	sne.s32 s13, $0x3800;
	_ =	swait.ge [sflag:s24], $0x4000  }
0x5e: {  	[sflag:s24] =	ssyncset.done $0x0  }
0x5f: {  	s13 =	sadd.s32 $0x1000, s2;
	[sflag:s24] =	ssyncadd.s32 $0xFFFFC000  }
0x60: {  	[spmem:s1] =	stream.indirect.scatter.add.f32 [tilespmem:s19], [sflag:$0x3], $0x80, s13, s22, $0xb8;
	[tilespmem:$0x1E000] =	vst v63  }
0x61: {  	_ =	swait.ge [sflag:s20], $0x4000  }
0x62: {  	[sflag:s20] =	ssyncset.done $0x0  }
0x63: {  	s13 =	sadd.s32 $0x100, s2;
	[sflag:s20] =	ssyncadd.s32 $0xFFFFC000  }
0x64: {  	[tilespmem:s19], [sflag:$0x1] =	stream.indirect.gather [hbm4b:s4+s22], $0x80, s13, s22, $0xb8;
	[tilespmem:$0x1E000] =	vst v63  }
0x65: {  	_ =	swait.ge [sflag:s25], $0x4000  }
.Ltmp1:
0x66: {  	[sflag:s25] =	ssyncset.done $0x0;
	(pc) =	sbr.rel @p0 .LBB2_5-.Ltmp1, $4  }
0x67: {  	s2 =	sadd.s32 $0x1080, s2;
	[sflag:s25] =	ssyncadd.s32 $0xFFFFC000  }
0x68: {  	[spmem:s1] =	stream.indirect.scatter.add.f32 [tilespmem:s23], [sflag:$0x3], $0x80, s2, s22, $0xb8;
	[tilespmem:$0x1E000] =	vst v63  }
0x69: {  	_ =	swait.ge [sflag:s20], $0x4000  }
0x6a: {  	s13 =	smov.u32 s16;
	s2 =	sshra.s32 s15, $0x2;
	[sflag:s20] =	ssyncset.done $0x0  }
0x6b: {  	s13 =	sadd.s32 $0x80, s2;
	[sflag:s20] =	ssyncadd.s32 $0xFFFFC000  }
0x6c: {  	[tilespmem:s23], [sflag:$0x2] =	stream.indirect.gather [hbm4b:s4+s22], $0x80, s13, s22, $0xb8;
	[tilespmem:$0x1E000] =	vst v63  }
0x6d: {  	_ =	swait.ge [sflag:s24], $0x4000  }
0x6e: {  	[sflag:s24] =	ssyncset.done $0x0  }
0x6f: {  	s14 =	sadd.s32 $0x1000, s2;
	[sflag:s24] =	ssyncadd.s32 $0xFFFFC000  }
0x70: {  	[spmem:s1] =	stream.indirect.scatter.add.f32 [tilespmem:s19], [sflag:$0x3], $0x80, s14, s22, $0xb8;
	[tilespmem:$0x1E000] =	vst v63  }
0x71: {  	_ =	swait.ge [sflag:s20], $0x4000  }
0x72: {  	[sflag:s20] =	ssyncset.done $0x0  }
0x73: {  	s15 =	sadd.s32 $0x100, s2;
	[sflag:s20] =	ssyncadd.s32 $0xFFFFC000  }
0x74: {  	[tilespmem:s19], [sflag:$0x1] =	stream.indirect.gather [hbm4b:s4+s22], $0x80, s15, s22, $0xb8;
	[tilespmem:$0x1E000] =	vst v63  }
0x75: {  	_ =	swait.ge [sflag:s25], $0x4000  }
0x76: {  	[sflag:s25] =	ssyncset.done $0x0  }
0x77: {  	s16 =	sadd.s32 $0x1080, s2;
	[sflag:s25] =	ssyncadd.s32 $0xFFFFC000  }
0x78: {  	[spmem:s1] =	stream.indirect.scatter.add.f32 [tilespmem:s23], [sflag:$0x3], $0x80, s16, s22, $0xb8;
	[tilespmem:$0x1E000] =	vst v63  }
0x79: {  	_ =	swait.ge [sflag:s20], $0x4000  }
0x7a: {  	[sflag:s20] =	ssyncset.done $0x0  }
0x7b: {  	[sflag:s20] =	ssyncadd.s32 $0xFFFFC000  }
0x7c: {  	[tilespmem:s23], [sflag:$0x2] =	stream.indirect.gather [hbm4b:s4+s22], $0x80, s26, s22, $0xb8;
	[tilespmem:$0x1E000] =	vst v63  }
0x7d: {  	_ =	swait.ge [sflag:s24], $0x4000  }
0x7e: {  	[sflag:s24] =	ssyncset.done $0x0  }
0x7f: {  	[sflag:s24] =	ssyncadd.s32 $0xFFFFC000  }
0x80: {  	[spmem:s1] =	stream.indirect.scatter.add.f32 [tilespmem:s19], [sflag:$0x3], $0x80, s28, s22, $0xb8;
	[tilespmem:$0x1E000] =	vst v63  }
0x81: {  	_ =	swait.ge [sflag:s20], $0x4000  }
0x82: {  	[sflag:s20] =	ssyncset.done $0x0  }
0x83: {  	[sflag:s20] =	ssyncadd.s32 $0xFFFFC000  }
0x84: {  	s0 =	sadd.s32 $0x1, s0;
	_ =	swait.ge [sflag:s25], $0x4000  }
0x85: {  	p0 =	sne.s32 s0, $0x5;
	[sflag:s25] =	ssyncset.done $0x0  }
.Ltmp2:
0x86: {  	[sflag:s25] =	ssyncadd.s32 $0xFFFFC000;
	(pc) =	sbr.rel @p0 .LBB2_4-.Ltmp2, $4  }
0x87: {  	[spmem:s1] =	stream.indirect.scatter.add.f32 [tilespmem:s23], [sflag:$0x3], $0x80, s29, s22, $0xb8;
	[tilespmem:$0x1E000] =	vst v63  }
0x88: {  	_ =	swait.ge [sflag:s20], $0x4000  }
0x89: {  	[sflag:s20] =	ssyncset.done $0x0  }
0x8a: {  	[sflag:s20] =	ssyncadd.s32 $0xFFFFC000  }
0x8b: {  	[bflag:$0x0] =	sbarrier.arrive $0xFFFF  }
0x8c: {  	[tilespmem:s19], [sflag:$0x3] =	stream.linear.gather [spmem:s7], $0x4000, $0x38;
	[tilespmem:$0x1E000] =	vst v63  }
0x8d: {  	_ =	swait.ge [sflag:s20], $0x4000  }
0x8e: {  	[sflag:s20] =	ssyncset.done $0x0  }
0x8f: {  	s0 =	rddreg [dreg:$0x3];
	[sflag:s20] =	ssyncadd.s32 $0xFFFFC000  }
0x90: {  	[hbm4b:s0+s3] =	stream.linear.scatter [tilespmem:s19], [sflag:$0x3], $0x4000, $0x38;
	[tilespmem:$0x1E000] =	vst v63  }
0x91: {  	_ =	swait.ge [sflag:s20], $0x4000  }
0x92: {  	[sflag:s20] =	ssyncset.done $0x0  }
0x93: {  	[sflag:s20] =	ssyncadd.s32 $0xFFFFC000  }
0x94: {  	[tilespmem:s19], [sflag:$0x3] =	stream.linear.gather [spmem:s8], $0x4000, $0x38;
	[tilespmem:$0x1E000] =	vst v63  }
0x95: {  	_ =	swait.ge [sflag:s20], $0x4000  }
0x96: {  	[sflag:s20] =	ssyncset.done $0x0  }
0x97: {  	s14 =	rddreg [dreg:$0x4];
	[sflag:s20] =	ssyncadd.s32 $0xFFFFC000  }
0x98: {  	[hbm4b:s14+s3] =	stream.linear.scatter [tilespmem:s19], [sflag:$0x3], $0x4000, $0x38;
	[tilespmem:$0x1E000] =	vst v63  }
0x99: {  	_ =	swait.ge [sflag:s20], $0x4000  }
0x9a: {  	[sflag:s20] =	ssyncset.done $0x0  }
0x9b: {  	[sflag:s20] =	ssyncadd.s32 $0xFFFFC000  }
0x9c: {  	[tilespmem:s19], [sflag:$0x3] =	stream.linear.gather [spmem:s9], $0x4000, $0x38;
	[tilespmem:$0x1E000] =	vst v63  }
0x9d: {  	_ =	swait.ge [sflag:s20], $0x4000  }
0x9e: {  	[sflag:s20] =	ssyncset.done $0x0  }
0x9f: {  	s15 =	rddreg [dreg:$0x5];
	[sflag:s20] =	ssyncadd.s32 $0xFFFFC000  }
0xa0: {  	[hbm4b:s15+s3] =	stream.linear.scatter [tilespmem:s19], [sflag:$0x3], $0x4000, $0x38;
	[tilespmem:$0x1E000] =	vst v63  }
0xa1: {  	_ =	swait.ge [sflag:s20], $0x4000  }
0xa2: {  	[sflag:s20] =	ssyncset.done $0x0  }
0xa3: {  	[sflag:s20] =	ssyncadd.s32 $0xFFFFC000  }
0xa4: {  	[tilespmem:s19], [sflag:$0x3] =	stream.linear.gather [spmem:s10], $0x4000, $0x38;
	[tilespmem:$0x1E000] =	vst v63  }
0xa5: {  	_ =	swait.ge [sflag:s20], $0x4000  }
0xa6: {  	[sflag:s20] =	ssyncset.done $0x0  }
0xa7: {  	s16 =	rddreg [dreg:$0x6];
	[sflag:s20] =	ssyncadd.s32 $0xFFFFC000  }
0xa8: {  	[hbm4b:s16+s3] =	stream.linear.scatter [tilespmem:s19], [sflag:$0x3], $0x4000, $0x38;
	[tilespmem:$0x1E000] =	vst v63  }
0xa9: {  	_ =	swait.ge [sflag:s20], $0x4000  }
0xaa: {  	[sflag:s20] =	ssyncset.done $0x0  }
0xab: {  	[sflag:s20] =	ssyncadd.s32 $0xFFFFC000  }
0xac: {  	[tilespmem:s19], [sflag:$0x3] =	stream.linear.gather [spmem:s11], $0x4000, $0x38;
	[tilespmem:$0x1E000] =	vst v63  }
0xad: {  	s30 =	sadd.s32 $0x1, s30;
	_ =	swait.ge [sflag:s20], $0x4000  }
0xae: {  	p0 =	sne.s32 s30, s18;
	[sflag:s20] =	ssyncset.done $0x0  }
.Ltmp3:
0xaf: {  	[sflag:s20] =	ssyncadd.s32 $0xFFFFC000;
	(pc) =	sbr.rel @p0 .LBB2_1-.Ltmp3, $4  }
0xb0: {  	[hbm4b:s17+s3] =	stream.linear.scatter [tilespmem:s19], [sflag:$0x3], $0x4000, $0x38;
	[tilespmem:$0x1E000] =	vst v63  }
0xb1: {  	_ =	swait.ge [sflag:s20], $0x4000  }
0xb2: {  	[sflag:s20] =	ssyncset.done $0x0  }
0xb3: {  	[sflag:s20] =	ssyncadd.s32 $0xFFFFC000  }
0xb4: {  	_ =	sfence.sel $0x180000  }
0xb5: {  	[bflag:$0x0] =	sbarrier.arrive $0xFFFF  }
0xb6: {  	_ =	strace $0x9000004A  }
0xb7: {  	s0 =	stileid.u32;
	[bflag:$0x2] =	sbarrier.arrive $0xFFFF  }
0xb8: {  	p0 =	sne.s32 s0, $0x0;
	s0 =	rddreg [dreg:$0x2]  }
0xb9: {  	s0 =	sadd.s32 @!p0 $0x100000, s0  }
0xba: {  	[sflag:s0] =	ssyncadd.tile.s32 @!p0 $0x1;
	_ =	shalt  }
.Lfunc_end2:
_tile_overlayer_lowered:
.L_overlay_start_2:
0xbb: {  	(tag) =	ssettag $0x2  }
0xbc: {  	s0 =	rddreg [dreg:$0x0];
	s2 =	stileid.u32  }
0xbd: {  	s1 =	rddreg [dreg:$0x1];
	p0 =	sne.s32 s2, $0x0  }
0xbe: {  	s3 =	rddreg [dreg:$0x2];
	[bflag:$0x3] =	sbarrier.arrive $0xFFFF;
	s2 =	simm.s32 @!p0 $0x1C03  }
0xbf: {  	[timem:s3], [sflag:s2] =	dma.local @!p0 [hbm:s0], s1  }
0xc0: {  	s0 =	simm.s32 @!p0 $0x3  }
0xc1: {  	_ =	swait.ge @!p0 [sflag:s0], s1  }
0xc2: {  	s1 =	ssub.s32 @!p0 $0x0, s1;
	[sflag:s0] =	ssyncset.done @!p0 $0x0  }
0xc3: {  	[sflag:s0] =	ssyncadd.s32 @!p0 s1  }
0xc4: {  	[bflag:$0x3] =	sbarrier.arrive $0xFFFF  }
0xc5: {  	_ =	shalt  }

// kernel: kernel.18.cloned.1.call-start
scs
__scs_entry_jumppad:
0x0: {  	(pc) =	sbr.rel $0x88, $3  }
0x1: {  	(tag) =	ssettag $0x0;
	lr =	simm.s32 $0x1  }
0x2: {  	[smem:$0x3F7E] =	sst lr;
	_ =	strace $0xD0000000  }
0x3: {  	_ = 	snop  }
0x4: {  	_ = 	snop  }
0x5: {  	_ = 	snop  }
0x6: {  	_ = 	snop  }
0x7: {  	_ = 	snop  }
__scs_overlays_trampoline_lowered:
0x8: {  	[smem:$0x3F8D] =	sst s0  }
0x9: {  	[smem:$0x3F8E] =	sst s1  }
0xa: {  	[smem:$0x3F8F] =	sst s2  }
0xb: {  	[smem:$0x3F90] =	sst s3  }
0xc: {  	[smem:$0x3F91] =	sst s4  }
0xd: {  	[smem:$0x3F92] =	sst s5  }
0xe: {  	[smem:$0x3F93] =	sst s6  }
0xf: {  	[smem:$0x3F94] =	sst s7  }
0x10: {  	[smem:$0x3F95] =	sst s8  }
0x11: {  	[smem:$0x3F96] =	sst s9;
	s0 =	simm.s32 @!p0 $0x0  }
0x12: {  	s1 =	sld [smem:$0x3F7C];
	s0 =	simm.s32 @p0 $0x1  }
0x13: {  	[smem:$0x3F97] =	sst s0;
	s0 =	simm.s32 @!p1 $0x0  }
0x14: {  	s2 =	sld [smem:$0x3F7B];
	s0 =	simm.s32 @p1 $0x1  }
0x15: {  	[smem:$0x3F98] =	sst s0;
	s0 =	simm.s32 @!p2 $0x0  }
0x16: {  	s3 =	sld [smem:$0x3FDB];
	s0 =	simm.s32 @p2 $0x1  }
0x17: {  	s4 =	simm.s32 $0x1BF5;
	[smem:$0x3F9A] =	sst s0  }
0x18: {  	s0 =	sld [smem:$0x3F7D];
	_ =	swait.ge [sflag:s4], $0x0  }
0x19: {  	s7 =	sld [smem:$0x3F7E]  }
0x1a: {  	s8 =	sadd.s32 $0xFFFFE003, lr  }
0x1b: {  	s9 =	sadd.s32 $0xFFFFFEF7, lr;
	s5 =	simm.s32 $0xFFFFFFFF;
	p2 =	slt.u32 s8, $0xFFFFF086  }
0x1c: {  	p1 =	slt.u32 s9, $0xF7A;
	s5 =	simm.s32 @!p2 $0x0  }
0x1d: {  	s5 =	simm.s32 @p1 $0x1;
	p0 =	seq.s32 s7, s2  }
0x1e: {  	s7 =	smul.u32 @!p0 $0xF7A, s2;
	p2 =	seq.s32 @!p0 s5, $0x0  }
0x1f: {  	s9 =	smul.u32 $0xF7A, s1;
	s8 =	simm.s32 @!p0 $0x1BF5;
	p2 =	por !p2, p0  }
0x20: {  	[sflag:s8] =	ssyncset.s32 @!p0 $0xFFFFF086;
	s6 =	sadd.s32 @!p0 s3, s7;
	s7 =	simm.s32 @!p0 $0x108  }
0x21: {  	s3 =	sadd.s32 s3, s9;
	s6 =	sadd.s32 @!p0 $0x88, s6;
	s7 =	simm.s32 @p2 $0x1082  }
0x22: {  	[simem:s7], [sflag:s8] =	dma.local @!p0 [hbm:s6], $0xF7A  }
0x23: {  	s9 =	sor.u32 $0xD0000000, s2;
	s6 =	simm.s32 $0x108;
	_ =	swait.ge @!p0 [sflag:s8], $0x0  }
0x24: {  	s3 =	sadd.s32 $0x88, s3;
	s6 =	simm.s32 @!p1 $0x1082;
	[sflag:s4] =	ssyncset.s32 $0xFFFFF086  }
0x25: {  	[simem:s6], [sflag:s4] =	dma.local [hbm:s3], $0xF7A  }
0x26: {  	[smem:$0x3F7E] =	sst s1;
	(tag) =	ssettag s2;
	_ =	strace s9  }
0x27: {  	s1 =	sld [smem:$0x3F8E]  }
0x28: {  	s2 =	sld [smem:$0x3F8F]  }
0x29: {  	s4 =	sld [smem:$0x3F91]  }
0x2a: {  	p0 =	seq.s32 s5, $0x0;
	s5 =	sld [smem:$0x3F92]  }
0x2b: {  	s6 =	sld [smem:$0x3F93]  }
0x2c: {  	s7 =	sld [smem:$0x3F94]  }
0x2d: {  	s3 =	simm.s32 $0x108;
	s8 =	sld [smem:$0x3F95]  }
0x2e: {  	s3 =	simm.s32 @!p0 $0x1082;
	s9 =	sld [smem:$0x3F96]  }
0x2f: {  	lr =	sadd.s32 s0, s3;
	s0 =	sld [smem:$0x3F8D]  }
0x30: {  	s3 =	sld [smem:$0x3F90]  }
0x31: {  	[smem:$0x3F99] =	sst s10  }
0x32: {  	s10 =	sld [smem:$0x3F97];
	_ =	sdelay $0x3  }
0x33: {  	p0 =	seq.s32 s10, $0x1;
	s10 =	sld [smem:$0x3F99];
	_ =	sdelay $0x3  }
0x34: {  	[smem:$0x3F99] =	sst s10  }
0x35: {  	s10 =	sld [smem:$0x3F98];
	_ =	sdelay $0x3  }
0x36: {  	p1 =	seq.s32 s10, $0x1;
	s10 =	sld [smem:$0x3F99];
	_ =	sdelay $0x3  }
0x37: {  	[smem:$0x3F99] =	sst s10  }
0x38: {  	s10 =	sld [smem:$0x3F9A]  }
0x39: {  	_ = 	snop;
	(pc) =	sbr.ind lr, $3  }
0x3a: {  	_ = 	snop  }
0x3b: {  	_ = 	snop  }
0x3c: {  	p2 =	seq.s32 s10, $0x1;
	s10 =	sld [smem:$0x3F99]  }
0x3d: {  	_ =	shalt  }
0x3e: {  	_ =	shalt  }
0x3f: {  	_ =	shalt  }
0x40: {  	_ =	shalt  }
0x41: {  	_ =	shalt  }
0x42: {  	_ =	shalt  }
0x43: {  	_ =	shalt  }
0x44: {  	_ =	shalt  }
0x45: {  	_ =	shalt  }
0x46: {  	_ =	shalt  }
0x47: {  	_ =	shalt  }
0x48: {  	_ =	shalt  }
0x49: {  	_ =	shalt  }
0x4a: {  	_ =	shalt  }
0x4b: {  	_ =	shalt  }
0x4c: {  	_ =	shalt  }
0x4d: {  	_ =	shalt  }
0x4e: {  	_ =	shalt  }
0x4f: {  	_ =	shalt  }
0x50: {  	_ =	shalt  }
0x51: {  	_ =	shalt  }
0x52: {  	_ =	shalt  }
0x53: {  	_ =	shalt  }
0x54: {  	_ =	shalt  }
0x55: {  	_ =	shalt  }
0x56: {  	_ =	shalt  }
0x57: {  	_ =	shalt  }
0x58: {  	_ =	shalt  }
0x59: {  	_ =	shalt  }
0x5a: {  	_ =	shalt  }
0x5b: {  	_ =	shalt  }
0x5c: {  	_ =	shalt  }
0x5d: {  	_ =	shalt  }
0x5e: {  	_ =	shalt  }
0x5f: {  	_ =	shalt  }
0x60: {  	_ =	shalt  }
0x61: {  	_ =	shalt  }
0x62: {  	_ =	shalt  }
0x63: {  	_ =	shalt  }
0x64: {  	_ =	shalt  }
0x65: {  	_ =	shalt  }
0x66: {  	_ =	shalt  }
0x67: {  	_ =	shalt  }
0x68: {  	_ =	shalt  }
0x69: {  	_ =	shalt  }
0x6a: {  	_ =	shalt  }
0x6b: {  	_ =	shalt  }
0x6c: {  	_ =	shalt  }
0x6d: {  	_ =	shalt  }
0x6e: {  	_ =	shalt  }
0x6f: {  	_ =	shalt  }
0x70: {  	_ =	shalt  }
0x71: {  	_ =	shalt  }
0x72: {  	_ =	shalt  }
0x73: {  	_ =	shalt  }
0x74: {  	_ =	shalt  }
0x75: {  	_ =	shalt  }
0x76: {  	_ =	shalt  }
0x77: {  	_ =	shalt  }
0x78: {  	_ =	shalt  }
0x79: {  	_ =	shalt  }
0x7a: {  	_ =	shalt  }
0x7b: {  	_ =	shalt  }
0x7c: {  	_ =	shalt  }
0x7d: {  	_ =	shalt  }
0x7e: {  	_ =	shalt  }
0x7f: {  	_ =	shalt  }
0x80: {  	_ =	shalt  }
0x81: {  	_ =	shalt  }
0x82: {  	_ =	shalt  }
0x83: {  	_ =	shalt  }
0x84: {  	_ =	shalt  }
0x85: {  	_ =	shalt  }
0x86: {  	_ =	shalt  }
0x87: {  	_ =	shalt  }
.Lfunc_end0:
.L_simem_size_0:
called_computation.3_lowered:
.L_overlay_start_0:
0x88: {  	s2 =	sld [smem:$0x3FD9]  }
0x89: {  	s3 =	sld [smem:$0x3FFE];
	_ =	sdelay $0x1  }
0x8a: {  	s1 =	srdreg.scid  }
0x8b: {  	s0 =	sand.u32 $0x1, s1  }
0x8c: {  	s16 =	sshll.u32 s0, $0xA;
	s2 =	sadd.s32 s3, s2  }
0x8d: {  	s2 =	sadd.s32 s2, s16  }
0x8e: {  	[smem:$0x3FA5] =	sst s2  }
0x8f: {  	_ = 	snop  }
0x90: {  	(tm) =	ssettm $0x1  }
0x91: {  	s17 =	sld [smem:$0x3FFB];
	_ =	sdelay $0x3  }
0x92: {  	_ =	strace s17  }
0x93: {  	s2 =	sld [smem:$0x3FFC];
	_ =	sdelay $0x3  }
0x94: {  	_ =	strace s2  }
0x95: {  	s2 =	sld [smem:$0x3FFD];
	_ =	sdelay $0x3  }
0x96: {  	_ =	strace s2  }
0x97: {  	_ =	strace $0x8FFFFFFF  }
0x98: {  	s18 =	sld [smem:$0x3FDB];
	_ =	sdelay $0x1  }
0x99: {  	s19 =	simm.s32 $_scs_section_size  }
0x9a: {  	s4 =	simm.s32 $_size__tile_overlayer_lowered;
	s5 =	simm.s32 $_tile_overlayer_lowered  }
0x9b: {  	s22 =	simm.s32 $0x1BFF;
	s21 =	sshll.u32 s5, $0x1;
	s2 =	sadd.s32 s19, s18  }
0x9c: {  	s6 =	simm.s32 $0x0;
	s20 =	sshll.u32 s4, $0x1;
	s4 =	sadd.s32 s21, s2  }
0x9d: {  	[timem:s6], [sflag:s22] =	dma.local [hbm:s4], s20  }
0x9e: {  	_ =	swait.ge [sflag:s22], s20  }
0x9f: {  	s3 =	ssub.s32 $0x0, s20;
	[sflag:s22] =	ssyncset.done $0x0  }
0xa0: {  	[sflag:s22] =	ssyncadd.s32 s3;
	_ =	sdelay $0x1  }
0xa1: {  	s23 =	simm.s32 $0x1B8B  }
0xa2: {  	_ =	swait.ge [sflag:s23], $0x1  }
0xa3: {  	[sflag:s23] =	ssyncset.done $0x0  }
0xa4: {  	s25 =	simm.s32 $0x1B8E;
	s24 =	sld [smem:$0x3FFE];
	[sflag:s23] =	ssyncadd.s32 $0xFFFFFFFF  }
0xa5: {  	s26 =	simm.s32 $execute0_lowered;
	[smem:$0x3FD2] =	sst s25  }
0xa6: {  	s4 =	sshll.u32 s26, $0x1;
	_ =	strace $0x8000004C;
	[dreg:$0x1] =	wrdreg $0xFFFFFFFF  }
0xa7: {  	s28 =	simm.s32 $_size_execute0_lowered;
	s2 =	sadd.s32 s2, s4;
	[dreg:$0x0] =	wrdreg $0x0  }
0xa8: {  	s4 =	sshll.u32 s28, $0x1;
	[dreg:$0x2] =	wrdreg s2  }
0xa9: {  	[dreg:$0x3] =	wrdreg s4  }
0xaa: {  	[dreg:$0x4] =	wrdreg $0xC0  }
0xab: {  	_ =	task [dreg:s6], $0x5FFFF  }
0xac: {  	[dreg:$0x1] =	wrdreg $0xFFFFFFFF  }
0xad: {  	[dreg:$0x0] =	wrdreg $0x60  }
0xae: {  	[dreg:$0x2] =	wrdreg s24  }
0xaf: {  	[dreg:$0x3] =	wrdreg $0xA0000  }
0xb0: {  	[dreg:$0x4] =	wrdreg $0x9  }
0xb1: {  	_ =	task.clear_ibuf [dreg:s6], $0x5FFFF;
	_ =	strace $0x9000004C  }
0xb2: {  	s29 =	simm.s32 $0x9;
	_ =	strace $0x8000004E  }
0xb3: {  	_ =	swait.ge [sflag:s29], $0x1  }
0xb4: {  	[sflag:s29] =	ssyncadd.s32 $0xFFFFFFFF  }
0xb5: {  	_ =	strace $0x9000004E  }
0xb6: {  	_ =	sfence  }
0xb7: {  	s30 =	sld [smem:$0x0];
	_ =	sdelay $0x2  }
0xb8: {  	s31 =	sshll.u32 s1, $0xD;
	s1 =	sshrl.u32 s1, $0x2  }
0xb9: {  	s3 =	sand.u32 $0x4000, s31;
	s1 =	sadd.s32 s1, s30  }
0xba: {  	s0 =	sor.u32 s3, s0;
	s1 =	sshll.u32 s1, $0x11  }
0xbb: {  	s0 =	sor.u32 s1, s0  }
0xbc: {  	s0 =	sadd.s32 $0x8F2B, s0  }
0xbd: {  	[sflag:s0] =	ssyncadd.remote.s32 $0x1  }
0xbe: {  	_ =	sfence.sel $0xFFFF  }
0xbf: {  	[dreg:$0x0] =	wrdreg $0xFFFFFFFF;
	(pc) =	sbr.abs _section_cstart, $3  }
0xc0: {  	[dreg:$0x1] =	wrdreg $0xFFFFFFFF  }
0xc1: {  	_ =	task.clear_ibuf [dreg:s6], $0x2FFFF;
	_ =	strace $0x9FFFFFFF  }
0xc2: {  	(tm) =	ssettm $0x7FFFFFFF  }
0xc3: {  	_ =	shalt  }
tec
execute0_lowered:
.L_overlay_start_1:
0x0: {  	(tag) =	ssettag $0x1  }
0x1: {  	s0 =	rddreg [dreg:$0x0]  }
0x2: {  	s1 =	rddreg [dreg:$0x1];
	s3 =	simm.s32 $0x0  }
0x3: {  	s2 =	srdreg.scid;
	s14 =	stileid.u32;
	s28 =	simm.s32 $0x1F00  }
0x4: {  	s29 =	simm.s32 $0x1F80;
	s30 =	simm.s32 $0x0;
	s31 =	simm.s32 $0x0  }
0x5: {  	[smem:$0x7FF] =	sst s3;
	s4 =	sadd.s32 $0x80A00, s0;
	s7 =	smul.u32 $0x50000, s14  }
0x6: {  	s2 =	sand.u32 $0x1, s2;
	s5 =	sadd.s32 $0x1BE00, s0;
	s11 =	smul.u32 $0x14000, s14  }
0x7: {  	s6 =	sadd.s32 $0x7E00, s0;
	s0 =	sadd.s32 $0xD0A00, s0;
	s14 =	smul.u32 $0x5000, s14  }
0x8: {  	_ =	strace $0x8000004D;
	s8 =	ssub.s32 $0x2, s2;
	s17 =	smul.u32 $0x140000, s2  }
0x9: {  	s2 =	smul.u32 $0x50000, s2;
	s9 =	sshrl.u32 s8, $0x1;
	s7 =	sshrl.u32 s7, $0x2  }
0xa: {  	s12 =	sadd.s32 $0x4000, s11;
	s15 =	sadd.s32 $0x8000, s11;
	s16 =	sadd.s32 $0xC000, s11  }
0xb: {  	s18 =	sadd.s32 $0x10000, s11;
	s13 =	ssub.s32 s8, s9;
	s7 =	sadd.s32 s7, s1  }
0xc: {  	s8 =	sadd.s32 s12, s1;
	s9 =	sadd.s32 s15, s1;
	s10 =	sadd.s32 s16, s1  }
0xd: {  	s19 =	sadd.s32 s11, s17;
	s12 =	sadd.s32 s17, s12;
	s11 =	sadd.s32 s18, s1  }
0xe: {  	s22 =	sadd.s32 s17, s15;
	s23 =	sadd.s32 s17, s16;
	s24 =	sadd.s32 s17, s18  }
0xf: {  	s19 =	sshrl.u32 s19, $0x3;
	s20 =	sshrl.u32 s12, $0x3;
	s12 =	sadd.s32 s14, s2  }
0x10: {  	s2 =	sshrl.u32 s22, $0x3;
	s25 =	sshrl.u32 s23, $0x3;
	s18 =	sshrl.u32 s24, $0x3  }
0x11: {  	s22 =	simm.s32 $0x80;
	s23 =	simm.s32 $0x6000;
	s19 =	sadd.s32 s0, s19  }
0x12: {  	s24 =	simm.s32 $0x1;
	s21 =	sadd.s32 s0, s20;
	[dreg:$0x3] =	wrdreg s19  }
0x13: {  	s2 =	sadd.s32 s0, s2;
	s26 =	sadd.s32 s0, s25;
	[dreg:$0x4] =	wrdreg s21  }
0x14: {  	s17 =	sadd.s32 s0, s18;
	s18 =	smax.u32 s13, $0x1;
	[dreg:$0x5] =	wrdreg s2  }
0x15: {  	s20 =	simm.s32 $0x3;
	s25 =	simm.s32 $0x2;
	[dreg:$0x6] =	wrdreg s26  }
0x16: {  	v0 =	vimm.f32 $0.0e+00;
	s19 =	simm.s32 $0x2000;
	s21 =	simm.s32 $0x1000;
	s26 =	simm.s32 $0xF80  }
.LBB2_1:
0x17: {  	s0 =	simm.s32 $0x0;
	s2 =	simm.s32 $0x200  }
.LBB2_2:
0x18: {  	p0 =	sne.s32 s2, $0xFE00;
	[tilespmem:s0+$0x2070] =	vst v0  }
0x19: {  	[tilespmem:s0+$0x2000] =	vst v0  }
0x1a: {  	[tilespmem:s0+$0x2010] =	vst v0  }
.Ltmp0:
0x1b: {  	[tilespmem:s0+$0x2020] =	vst v0;
	(pc) =	sbr.rel @p0 .LBB2_2-.Ltmp0, $4  }
0x1c: {  	[tilespmem:s0+$0x2030] =	vst v0  }
0x1d: {  	[tilespmem:s0+$0x2040] =	vst v0  }
0x1e: {  	[tilespmem:s0+$0x2050] =	vst v0  }
0x1f: {  	[tilespmem:s0+$0x2060] =	vst v0;
	s0 =	sshra.s32 s2, $0x2;
	s2 =	sadd.s32 $0x200, s2  }
0x20: {  	[tilespmem:s0+$0x2070] =	vst v0  }
0x21: {  	[tilespmem:s0+$0x2000] =	vst v0  }
0x22: {  	[tilespmem:s0+$0x2010] =	vst v0  }
0x23: {  	[tilespmem:s0+$0x2020] =	vst v0  }
0x24: {  	[tilespmem:s0+$0x2030] =	vst v0  }
0x25: {  	[tilespmem:s0+$0x2040] =	vst v0  }
0x26: {  	[tilespmem:s0+$0x2050] =	vst v0  }
0x27: {  	[tilespmem:s0+$0x2060] =	vst v0  }
0x28: {  	[spmem:s7] =	stream.linear.scatter [tilespmem:s19], [sflag:$0x3], $0x4000, $0x38;
	[tilespmem:$0x1E000] =	vst v63  }
0x29: {  	_ =	swait.ge [sflag:s20], $0x4000  }
0x2a: {  	[sflag:s20] =	ssyncset.done $0x0  }
0x2b: {  	[sflag:s20] =	ssyncadd.s32 $0xFFFFC000  }
0x2c: {  	[spmem:s8] =	stream.linear.scatter [tilespmem:s19], [sflag:$0x3], $0x4000, $0x38;
	[tilespmem:$0x1E000] =	vst v63  }
0x2d: {  	_ =	swait.ge [sflag:s20], $0x4000  }
0x2e: {  	[sflag:s20] =	ssyncset.done $0x0  }
0x2f: {  	[sflag:s20] =	ssyncadd.s32 $0xFFFFC000  }
0x30: {  	[spmem:s9] =	stream.linear.scatter [tilespmem:s19], [sflag:$0x3], $0x4000, $0x38;
	[tilespmem:$0x1E000] =	vst v63  }
0x31: {  	_ =	swait.ge [sflag:s20], $0x4000  }
0x32: {  	[sflag:s20] =	ssyncset.done $0x0  }
0x33: {  	[sflag:s20] =	ssyncadd.s32 $0xFFFFC000  }
0x34: {  	[spmem:s10] =	stream.linear.scatter [tilespmem:s19], [sflag:$0x3], $0x4000, $0x38;
	[tilespmem:$0x1E000] =	vst v63  }
0x35: {  	_ =	swait.ge [sflag:s20], $0x4000  }
0x36: {  	[sflag:s20] =	ssyncset.done $0x0  }
0x37: {  	[sflag:s20] =	ssyncadd.s32 $0xFFFFC000  }
0x38: {  	[spmem:s11] =	stream.linear.scatter [tilespmem:s19], [sflag:$0x3], $0x4000, $0x38;
	[tilespmem:$0x1E000] =	vst v63  }
0x39: {  	_ =	swait.ge [sflag:s20], $0x4000  }
0x3a: {  	[sflag:s20] =	ssyncset.done $0x0  }
0x3b: {  	[sflag:s20] =	ssyncadd.s32 $0xFFFFC000  }
0x3c: {  	s0 =	simm.s32 $0x0;
	[bflag:$0x0] =	sbarrier.arrive $0xFFFF  }
.LBB2_4:
0x3d: {  	s2 =	sshll.u32 s0, $0xC  }
0x3e: {  	s2 =	sadd.s32 s2, s12  }
0x3f: {  	s2 =	sshrl.u32 s2, $0x3  }
0x40: {  	s13 =	sadd.s32 s5, s2  }
0x41: {  	[tilespmem:s31], [sflag:$0x3] =	stream.linear.gather [hbm4b:s13+s31], $0x1000, $0x38;
	[tilespmem:$0x1E000] =	vst v63  }
0x42: {  	_ =	swait.ge [sflag:s20], $0x1000  }
0x43: {  	[sflag:s20] =	ssyncset.done $0x0  }
0x44: {  	s2 =	sadd.s32 s6, s2;
	[sflag:s20] =	ssyncadd.s32 $0xFFFFF000  }
0x45: {  	[tilespmem:s21], [sflag:$0x3] =	stream.linear.gather [hbm4b:s2+s31], $0x1000, $0x38;
	[tilespmem:$0x1E000] =	vst v63  }
0x46: {  	_ =	swait.ge [sflag:s20], $0x1000  }
0x47: {  	[sflag:s20] =	ssyncset.done $0x0  }
0x48: {  	[sflag:s20] =	ssyncadd.s32 $0xFFFFF000  }
0x49: {  	[tilespmem:s19], [sflag:$0x1] =	stream.indirect.gather [hbm4b:s4+s22], $0x80, s31, s22, $0xb8;
	[tilespmem:$0x1E000] =	vst v63  }
0x4a: {  	s13 =	simm.s32 $0x80  }
0x4b: {  	[tilespmem:s23], [sflag:$0x2] =	stream.indirect.gather [hbm4b:s4+s22], $0x80, s13, s22, $0xb8;
	[tilespmem:$0x1E000] =	vst v63  }
0x4c: {  	_ =	swait.ge [sflag:s24], $0x4000  }
0x4d: {  	[sflag:s24] =	ssyncset.done $0x0  }
0x4e: {  	s14 =	simm.s32 $0x1000;
	[sflag:s24] =	ssyncadd.s32 $0xFFFFC000  }
0x4f: {  	[spmem:s1] =	stream.indirect.scatter.add.f32 [tilespmem:s19], [sflag:$0x3], $0x80, s14, s22, $0xb8;
	[tilespmem:$0x1E000] =	vst v63  }
0x50: {  	_ =	swait.ge [sflag:s20], $0x4000  }
0x51: {  	[sflag:s20] =	ssyncset.done $0x0  }
0x52: {  	s15 =	simm.s32 $0x100;
	[sflag:s20] =	ssyncadd.s32 $0xFFFFC000  }
0x53: {  	[tilespmem:s19], [sflag:$0x1] =	stream.indirect.gather [hbm4b:s4+s22], $0x80, s15, s22, $0xb8;
	[tilespmem:$0x1E000] =	vst v63  }
0x54: {  	_ =	swait.ge [sflag:s25], $0x4000  }
0x55: {  	[sflag:s25] =	ssyncset.done $0x0  }
0x56: {  	s16 =	simm.s32 $0x1080;
	[sflag:s25] =	ssyncadd.s32 $0xFFFFC000  }
0x57: {  	[spmem:s1] =	stream.indirect.scatter.add.f32 [tilespmem:s23], [sflag:$0x3], $0x80, s16, s22, $0xb8;
	[tilespmem:$0x1E000] =	vst v63  }
0x58: {  	_ =	swait.ge [sflag:s20], $0x4000  }
0x59: {  	s2 =	simm.s32 $0x100;
	s13 =	simm.s32 $0x800;
	[sflag:s20] =	ssyncset.done $0x0  }
.LBB2_5:
0x5a: {  	s14 =	sadd.s32 $0x80, s2  }
0x5b: {  	[sflag:s20] =	ssyncadd.s32 $0xFFFFC000;
	s15 =	smov.u32 s13;
	s16 =	sadd.s32 $0x400, s13  }
0x5c: {  	[tilespmem:s23], [sflag:$0x2] =	stream.indirect.gather [hbm4b:s4+s22], $0x80, s14, s22, $0xb8;
	[tilespmem:$0x1E000] =	vst v63  }
0x5d: {  	p0 =	sne.s32 s13, $0x3800;
	_ =	swait.ge [sflag:s24], $0x4000  }
0x5e: {  	[sflag:s24] =	ssyncset.done $0x0  }
0x5f: {  	s13 =	sadd.s32 $0x1000, s2;
	[sflag:s24] =	ssyncadd.s32 $0xFFFFC000  }
0x60: {  	[spmem:s1] =	stream.indirect.scatter.add.f32 [tilespmem:s19], [sflag:$0x3], $0x80, s13, s22, $0xb8;
	[tilespmem:$0x1E000] =	vst v63  }
0x61: {  	_ =	swait.ge [sflag:s20], $0x4000  }
0x62: {  	[sflag:s20] =	ssyncset.done $0x0  }
0x63: {  	s13 =	sadd.s32 $0x100, s2;
	[sflag:s20] =	ssyncadd.s32 $0xFFFFC000  }
0x64: {  	[tilespmem:s19], [sflag:$0x1] =	stream.indirect.gather [hbm4b:s4+s22], $0x80, s13, s22, $0xb8;
	[tilespmem:$0x1E000] =	vst v63  }
0x65: {  	_ =	swait.ge [sflag:s25], $0x4000  }
.Ltmp1:
0x66: {  	[sflag:s25] =	ssyncset.done $0x0;
	(pc) =	sbr.rel @p0 .LBB2_5-.Ltmp1, $4  }
0x67: {  	s2 =	sadd.s32 $0x1080, s2;
	[sflag:s25] =	ssyncadd.s32 $0xFFFFC000  }
0x68: {  	[spmem:s1] =	stream.indirect.scatter.add.f32 [tilespmem:s23], [sflag:$0x3], $0x80, s2, s22, $0xb8;
	[tilespmem:$0x1E000] =	vst v63  }
0x69: {  	_ =	swait.ge [sflag:s20], $0x4000  }
0x6a: {  	s13 =	smov.u32 s16;
	s2 =	sshra.s32 s15, $0x2;
	[sflag:s20] =	ssyncset.done $0x0  }
0x6b: {  	s13 =	sadd.s32 $0x80, s2;
	[sflag:s20] =	ssyncadd.s32 $0xFFFFC000  }
0x6c: {  	[tilespmem:s23], [sflag:$0x2] =	stream.indirect.gather [hbm4b:s4+s22], $0x80, s13, s22, $0xb8;
	[tilespmem:$0x1E000] =	vst v63  }
0x6d: {  	_ =	swait.ge [sflag:s24], $0x4000  }
0x6e: {  	[sflag:s24] =	ssyncset.done $0x0  }
0x6f: {  	s14 =	sadd.s32 $0x1000, s2;
	[sflag:s24] =	ssyncadd.s32 $0xFFFFC000  }
0x70: {  	[spmem:s1] =	stream.indirect.scatter.add.f32 [tilespmem:s19], [sflag:$0x3], $0x80, s14, s22, $0xb8;
	[tilespmem:$0x1E000] =	vst v63  }
0x71: {  	_ =	swait.ge [sflag:s20], $0x4000  }
0x72: {  	[sflag:s20] =	ssyncset.done $0x0  }
0x73: {  	s15 =	sadd.s32 $0x100, s2;
	[sflag:s20] =	ssyncadd.s32 $0xFFFFC000  }
0x74: {  	[tilespmem:s19], [sflag:$0x1] =	stream.indirect.gather [hbm4b:s4+s22], $0x80, s15, s22, $0xb8;
	[tilespmem:$0x1E000] =	vst v63  }
0x75: {  	_ =	swait.ge [sflag:s25], $0x4000  }
0x76: {  	[sflag:s25] =	ssyncset.done $0x0  }
0x77: {  	s16 =	sadd.s32 $0x1080, s2;
	[sflag:s25] =	ssyncadd.s32 $0xFFFFC000  }
0x78: {  	[spmem:s1] =	stream.indirect.scatter.add.f32 [tilespmem:s23], [sflag:$0x3], $0x80, s16, s22, $0xb8;
	[tilespmem:$0x1E000] =	vst v63  }
0x79: {  	_ =	swait.ge [sflag:s20], $0x4000  }
0x7a: {  	[sflag:s20] =	ssyncset.done $0x0  }
0x7b: {  	[sflag:s20] =	ssyncadd.s32 $0xFFFFC000  }
0x7c: {  	[tilespmem:s23], [sflag:$0x2] =	stream.indirect.gather [hbm4b:s4+s22], $0x80, s26, s22, $0xb8;
	[tilespmem:$0x1E000] =	vst v63  }
0x7d: {  	_ =	swait.ge [sflag:s24], $0x4000  }
0x7e: {  	[sflag:s24] =	ssyncset.done $0x0  }
0x7f: {  	[sflag:s24] =	ssyncadd.s32 $0xFFFFC000  }
0x80: {  	[spmem:s1] =	stream.indirect.scatter.add.f32 [tilespmem:s19], [sflag:$0x3], $0x80, s28, s22, $0xb8;
	[tilespmem:$0x1E000] =	vst v63  }
0x81: {  	_ =	swait.ge [sflag:s20], $0x4000  }
0x82: {  	[sflag:s20] =	ssyncset.done $0x0  }
0x83: {  	[sflag:s20] =	ssyncadd.s32 $0xFFFFC000  }
0x84: {  	s0 =	sadd.s32 $0x1, s0;
	_ =	swait.ge [sflag:s25], $0x4000  }
0x85: {  	p0 =	sne.s32 s0, $0x5;
	[sflag:s25] =	ssyncset.done $0x0  }
.Ltmp2:
0x86: {  	[sflag:s25] =	ssyncadd.s32 $0xFFFFC000;
	(pc) =	sbr.rel @p0 .LBB2_4-.Ltmp2, $4  }
0x87: {  	[spmem:s1] =	stream.indirect.scatter.add.f32 [tilespmem:s23], [sflag:$0x3], $0x80, s29, s22, $0xb8;
	[tilespmem:$0x1E000] =	vst v63  }
0x88: {  	_ =	swait.ge [sflag:s20], $0x4000  }
0x89: {  	[sflag:s20] =	ssyncset.done $0x0  }
0x8a: {  	[sflag:s20] =	ssyncadd.s32 $0xFFFFC000  }
0x8b: {  	[bflag:$0x0] =	sbarrier.arrive $0xFFFF  }
0x8c: {  	[tilespmem:s19], [sflag:$0x3] =	stream.linear.gather [spmem:s7], $0x4000, $0x38;
	[tilespmem:$0x1E000] =	vst v63  }
0x8d: {  	_ =	swait.ge [sflag:s20], $0x4000  }
0x8e: {  	[sflag:s20] =	ssyncset.done $0x0  }
0x8f: {  	s0 =	rddreg [dreg:$0x3];
	[sflag:s20] =	ssyncadd.s32 $0xFFFFC000  }
0x90: {  	[hbm4b:s0+s3] =	stream.linear.scatter [tilespmem:s19], [sflag:$0x3], $0x4000, $0x38;
	[tilespmem:$0x1E000] =	vst v63  }
0x91: {  	_ =	swait.ge [sflag:s20], $0x4000  }
0x92: {  	[sflag:s20] =	ssyncset.done $0x0  }
0x93: {  	[sflag:s20] =	ssyncadd.s32 $0xFFFFC000  }
0x94: {  	[tilespmem:s19], [sflag:$0x3] =	stream.linear.gather [spmem:s8], $0x4000, $0x38;
	[tilespmem:$0x1E000] =	vst v63  }
0x95: {  	_ =	swait.ge [sflag:s20], $0x4000  }
0x96: {  	[sflag:s20] =	ssyncset.done $0x0  }
0x97: {  	s14 =	rddreg [dreg:$0x4];
	[sflag:s20] =	ssyncadd.s32 $0xFFFFC000  }
0x98: {  	[hbm4b:s14+s3] =	stream.linear.scatter [tilespmem:s19], [sflag:$0x3], $0x4000, $0x38;
	[tilespmem:$0x1E000] =	vst v63  }
0x99: {  	_ =	swait.ge [sflag:s20], $0x4000  }
0x9a: {  	[sflag:s20] =	ssyncset.done $0x0  }
0x9b: {  	[sflag:s20] =	ssyncadd.s32 $0xFFFFC000  }
0x9c: {  	[tilespmem:s19], [sflag:$0x3] =	stream.linear.gather [spmem:s9], $0x4000, $0x38;
	[tilespmem:$0x1E000] =	vst v63  }
0x9d: {  	_ =	swait.ge [sflag:s20], $0x4000  }
0x9e: {  	[sflag:s20] =	ssyncset.done $0x0  }
0x9f: {  	s15 =	rddreg [dreg:$0x5];
	[sflag:s20] =	ssyncadd.s32 $0xFFFFC000  }
0xa0: {  	[hbm4b:s15+s3] =	stream.linear.scatter [tilespmem:s19], [sflag:$0x3], $0x4000, $0x38;
	[tilespmem:$0x1E000] =	vst v63  }
0xa1: {  	_ =	swait.ge [sflag:s20], $0x4000  }
0xa2: {  	[sflag:s20] =	ssyncset.done $0x0  }
0xa3: {  	[sflag:s20] =	ssyncadd.s32 $0xFFFFC000  }
0xa4: {  	[tilespmem:s19], [sflag:$0x3] =	stream.linear.gather [spmem:s10], $0x4000, $0x38;
	[tilespmem:$0x1E000] =	vst v63  }
0xa5: {  	_ =	swait.ge [sflag:s20], $0x4000  }
0xa6: {  	[sflag:s20] =	ssyncset.done $0x0  }
0xa7: {  	s16 =	rddreg [dreg:$0x6];
	[sflag:s20] =	ssyncadd.s32 $0xFFFFC000  }
0xa8: {  	[hbm4b:s16+s3] =	stream.linear.scatter [tilespmem:s19], [sflag:$0x3], $0x4000, $0x38;
	[tilespmem:$0x1E000] =	vst v63  }
0xa9: {  	_ =	swait.ge [sflag:s20], $0x4000  }
0xaa: {  	[sflag:s20] =	ssyncset.done $0x0  }
0xab: {  	[sflag:s20] =	ssyncadd.s32 $0xFFFFC000  }
0xac: {  	[tilespmem:s19], [sflag:$0x3] =	stream.linear.gather [spmem:s11], $0x4000, $0x38;
	[tilespmem:$0x1E000] =	vst v63  }
0xad: {  	s30 =	sadd.s32 $0x1, s30;
	_ =	swait.ge [sflag:s20], $0x4000  }
0xae: {  	p0 =	sne.s32 s30, s18;
	[sflag:s20] =	ssyncset.done $0x0  }
.Ltmp3:
0xaf: {  	[sflag:s20] =	ssyncadd.s32 $0xFFFFC000;
	(pc) =	sbr.rel @p0 .LBB2_1-.Ltmp3, $4  }
0xb0: {  	[hbm4b:s17+s3] =	stream.linear.scatter [tilespmem:s19], [sflag:$0x3], $0x4000, $0x38;
	[tilespmem:$0x1E000] =	vst v63  }
0xb1: {  	_ =	swait.ge [sflag:s20], $0x4000  }
0xb2: {  	[sflag:s20] =	ssyncset.done $0x0  }
0xb3: {  	[sflag:s20] =	ssyncadd.s32 $0xFFFFC000  }
0xb4: {  	_ =	sfence.sel $0x180000  }
0xb5: {  	[bflag:$0x0] =	sbarrier.arrive $0xFFFF  }
0xb6: {  	_ =	strace $0x9000004D  }
0xb7: {  	s0 =	stileid.u32;
	[bflag:$0x2] =	sbarrier.arrive $0xFFFF  }
0xb8: {  	p0 =	sne.s32 s0, $0x0;
	s0 =	rddreg [dreg:$0x2]  }
0xb9: {  	s0 =	sadd.s32 @!p0 $0x100000, s0  }
0xba: {  	[sflag:s0] =	ssyncadd.tile.s32 @!p0 $0x1;
	_ =	shalt  }
.Lfunc_end2:
_tile_overlayer_lowered:
.L_overlay_start_2:
0xbb: {  	(tag) =	ssettag $0x2  }
0xbc: {  	s0 =	rddreg [dreg:$0x0];
	s2 =	stileid.u32  }
0xbd: {  	s1 =	rddreg [dreg:$0x1];
	p0 =	sne.s32 s2, $0x0  }
0xbe: {  	s3 =	rddreg [dreg:$0x2];
	[bflag:$0x3] =	sbarrier.arrive $0xFFFF;
	s2 =	simm.s32 @!p0 $0x1C03  }
0xbf: {  	[timem:s3], [sflag:s2] =	dma.local @!p0 [hbm:s0], s1  }
0xc0: {  	s0 =	simm.s32 @!p0 $0x3  }
0xc1: {  	_ =	swait.ge @!p0 [sflag:s0], s1  }
0xc2: {  	s1 =	ssub.s32 @!p0 $0x0, s1;
	[sflag:s0] =	ssyncset.done @!p0 $0x0  }
0xc3: {  	[sflag:s0] =	ssyncadd.s32 @!p0 s1  }
0xc4: {  	[bflag:$0x3] =	sbarrier.arrive $0xFFFF  }
0xc5: {  	_ =	shalt  }

// kernel: sparse-core-data-format-call.cloned.1.call-start
scs
called_computation_lowered:
.L_overlay_start_0:
0x0: {  	s1 =	sld [smem:$0x3FD9]  }
0x1: {  	s2 =	sld [smem:$0x3FFE];
	_ =	sdelay $0x1  }
0x2: {  	s3 =	srdreg.scid  }
0x3: {  	s0 =	sand.u32 $0x1, s3  }
0x4: {  	s17 =	sshll.u32 s0, $0xA;
	s1 =	sadd.s32 s2, s1  }
0x5: {  	s1 =	sadd.s32 s1, s17  }
0x6: {  	[smem:$0x3FA5] =	sst s1  }
0x7: {  	_ = 	snop  }
0x8: {  	(tm) =	ssettm $0x1  }
0x9: {  	s18 =	sld [smem:$0x3FFB];
	_ =	sdelay $0x3  }
0xa: {  	_ =	strace s18  }
0xb: {  	s1 =	sld [smem:$0x3FFC];
	_ =	sdelay $0x3  }
0xc: {  	_ =	strace s1  }
0xd: {  	s1 =	sld [smem:$0x3FFD];
	_ =	sdelay $0x3  }
0xe: {  	_ =	strace s1  }
0xf: {  	_ =	strace $0x8FFFFFFF  }
0x10: {  	s19 =	sld [smem:$0x3FDB];
	_ =	sdelay $0x1  }
0x11: {  	s20 =	simm.s32 $_scs_section_size  }
0x12: {  	s4 =	simm.s32 $_size__tile_overlayer_lowered;
	s5 =	simm.s32 $_tile_overlayer_lowered  }
0x13: {  	s23 =	simm.s32 $0x1BFF;
	s22 =	sshll.u32 s5, $0x1;
	s1 =	sadd.s32 s20, s19  }
0x14: {  	s6 =	simm.s32 $0x0;
	s21 =	sshll.u32 s4, $0x1;
	s4 =	sadd.s32 s22, s1  }
0x15: {  	[timem:s6], [sflag:s23] =	dma.local [hbm:s4], s21  }
0x16: {  	_ =	swait.ge [sflag:s23], s21  }
0x17: {  	s2 =	ssub.s32 $0x0, s21;
	[sflag:s23] =	ssyncset.done $0x0  }
0x18: {  	[sflag:s23] =	ssyncadd.s32 s2;
	_ =	sdelay $0x1  }
0x19: {  	s24 =	simm.s32 $0x1B8B  }
0x1a: {  	_ =	swait.ge [sflag:s24], $0x1  }
0x1b: {  	[sflag:s24] =	ssyncset.done $0x0  }
0x1c: {  	s26 =	simm.s32 $0x1B8E;
	s25 =	sld [smem:$0x3FFE];
	[sflag:s24] =	ssyncadd.s32 $0xFFFFFFFF  }
0x1d: {  	s27 =	simm.s32 $execute0_lowered;
	[smem:$0x3FD2] =	sst s26  }
0x1e: {  	s4 =	sshll.u32 s27, $0x1;
	_ =	strace $0x8000004F;
	[dreg:$0x1] =	wrdreg $0xFFFFFFFF  }
0x1f: {  	s28 =	simm.s32 $_size_execute0_lowered;
	s1 =	sadd.s32 s1, s4;
	[dreg:$0x0] =	wrdreg $0x0  }
0x20: {  	s4 =	sshll.u32 s28, $0x1;
	[dreg:$0x2] =	wrdreg s1  }
0x21: {  	[dreg:$0x3] =	wrdreg s4  }
0x22: {  	[dreg:$0x4] =	wrdreg $0xC0  }
0x23: {  	_ =	task [dreg:s6], $0x5FFFF  }
0x24: {  	[dreg:$0x1] =	wrdreg $0xFFFFFFFF  }
0x25: {  	[dreg:$0x0] =	wrdreg $0x60  }
0x26: {  	[dreg:$0x2] =	wrdreg s25  }
0x27: {  	[dreg:$0x3] =	wrdreg $0x9  }
0x28: {  	_ =	task.clear_ibuf [dreg:s6], $0x4FFFF;
	_ =	strace $0x9000004F  }
0x29: {  	s29 =	simm.s32 $0x9;
	_ =	strace $0x80000051  }
0x2a: {  	_ =	swait.ge [sflag:s29], $0x1  }
0x2b: {  	[sflag:s29] =	ssyncadd.s32 $0xFFFFFFFF  }
0x2c: {  	_ =	strace $0x90000051  }
0x2d: {  	_ =	sfence  }
0x2e: {  	s30 =	sld [smem:$0x0];
	_ =	sdelay $0x2  }
0x2f: {  	s31 =	sshll.u32 s3, $0xD;
	s3 =	sshrl.u32 s3, $0x2  }
0x30: {  	s2 =	sand.u32 $0x4000, s31;
	s1 =	sadd.s32 s3, s30  }
0x31: {  	s0 =	sor.u32 s2, s0;
	s1 =	sshll.u32 s1, $0x11  }
0x32: {  	s0 =	sor.u32 s1, s0  }
0x33: {  	s0 =	sadd.s32 $0x8F2B, s0  }
0x34: {  	[sflag:s0] =	ssyncadd.remote.s32 $0x1  }
0x35: {  	_ =	sfence.sel $0xFFFF  }
0x36: {  	[dreg:$0x0] =	wrdreg $0xFFFFFFFF;
	(pc) =	sbr.abs _section_cstart, $3  }
0x37: {  	[dreg:$0x1] =	wrdreg $0xFFFFFFFF  }
0x38: {  	_ =	task.clear_ibuf [dreg:s6], $0x2FFFF;
	_ =	strace $0x9FFFFFFF  }
0x39: {  	(tm) =	ssettm $0x7FFFFFFF  }
tec
execute0_lowered:
.L_overlay_start_1:
0x0: {  	(tag) =	ssettag $0x1  }
0x1: {  	s1 =	rddreg [dreg:$0x0]  }
0x2: {  	s0 =	rddreg [dreg:$0x1]  }
0x3: {  	_ =	strace $0x80000050;
	s4 =	srdreg.scid;
	s6 =	simm.s32 $0x2  }
0x4: {  	s11 =	simm.s32 $0x0;
	p0 =	por $0x0, $0x0;
	s7 =	simm.s32 $0x2000  }
.Ltmp0:
0x5: {  	s12 =	simm.s32 $0x0;
	s9 =	simm.s32 $0x0;
	(pc) =	sbr.rel .LBB1_1-.Ltmp0, $4  }
0x6: {  	s2 =	sadd.s32 $0x6E00, s1;
	s3 =	sadd.s32 $0x106E00, s1;
	s5 =	sshll.u32 s4, $0x4  }
0x7: {  	s1 =	stileid.u32;
	s4 =	simm.s32 $0x1;
	s5 =	sand.u32 $0x10, s5  }
0x8: {  	s8 =	simm.s32 $0x0;
	[sflag:s4] =	ssyncpa.u1 $0x0;
	s5 =	sor.u32 s1, s5  }
0x9: {  	[sflag:s6] =	ssyncpa.u1 $0x0;
	s6 =	simm.s32 $0x800;
	s10 =	smov.u32 s5  }
.LBB1_7:
0xa: {  	s13 =	sadd.s32 $0x20, s9  }
0xb: {  	s11 =	sadd.s32 $0x20, s10;
	s15 =	smov.u32 s10;
	p2 =	sgt.s32 s13, $0x7F  }
0xc: {  	p1 =	slt.u32 s8, $0x2;
	s15 =	smov.u32 @p2 s11  }
0xd: {  	s8 =	sadd.s32 $0x1, s8;
	s13 =	simm.s32 @p2 $0x0;
	p2 =	sgt.s32 s15, $0x7F  }
0xe: {  	s15 =	smov.u32 @p2 s5;
	p2 =	sne.s32 s8, $0x12  }
.Ltmp1:
0xf: {  	_ = 	snop;
	(pc) =	sbr.rel @!p2 .LBB1_8-.Ltmp1, $4  }
0x10: {  	s14 =	simm.s32 @!p1 $0x2  }
0x11: {  	s12 =	smov.u32 s10;
	_ =	swait.ge @!p1 [sflag:s14], $0x4000  }
0x12: {  	p0 =	por !p0, !p0;
	s11 =	smov.u32 s9;
	[sflag:s14] =	ssyncset.done @!p1 $0x0  }
0x13: {  	s9 =	smov.u32 s13;
	[sflag:s14] =	ssyncadd.s32 @!p1 $0xFFFFC000;
	s10 =	smov.u32 s15  }
.LBB1_1:
0x14: {  	p1 =	sgt.u32 s8, $0xF  }
0x15: {  	s13 =	sxor.u32 @!p1 $0xFFFFFFFF, s8;
	s14 =	sshll.u32 @!p1 s10, $0xD  }
0x16: {  	s15 =	sshll.u32 @!p1 s9, $0x6;
	s14 =	sadd.s32 @!p1 s2, s14;
	s13 =	sshll.u32 @!p1 s13, $0xE  }
0x17: {  	s14 =	sadd.s32 @!p1 s15, s14;
	s13 =	sand.u32 @!p1 $0x4000, s13;
	s15 =	simm.s32 @!p1 $0x0  }
0x18: {  	[tilespmem:s13], [sflag:$0x1] =	stream.linear.gather @!p1 [hbm4b:s14+s15], $0x4000, $0x38;
	[tilespmem:$0x10000] =	vst v63  }
0x19: {  	p1 =	seq.s32 s8, $0x0  }
0x1a: {  	p2 =	seq.s32 @!p1 s8, $0x11  }
0x1b: {  	p1 =	por p1, p2  }
.Ltmp2:
0x1c: {  	_ = 	snop;
	(pc) =	sbr.rel @p1 .LBB1_7-.Ltmp2, $1  }
0x1d: {  	_ =	sdelay $0x3  }
0x1e: {  	s13 =	simm.s32 $0x1;
	_ =	swait.ge [sflag:s4], $0x4000;
	s16 =	sshll.u32 s8, $0xE  }
0x1f: {  	s13 =	simm.s32 @!p0 $0x0;
	[sflag:s4] =	ssyncset.done $0x0;
	s31 =	sand.u32 $0x4000, s16  }
0x20: {  	s16 =	simm.s32 $0x0;
	s14 =	sshll.u32 s13, $0xE;
	[sflag:s4] =	ssyncadd.s32 $0xFFFFC000  }
0x21: {  	s13 =	sor.u32 $0x200, s14;
	s15 =	sor.u32 $0x8800, s14;
	s14 =	sor.u32 $0x8000, s31  }
.LBB1_3:
0x22: {  	v0 =	vld [tilespmem:s13+$0xFFFFFE70]  }
0x23: {  	v1 =	vld [tilespmem:s13+$0x70]  }
0x24: {  	v2 =	vld [tilespmem:s13+$0x0]  }
0x25: {  	v3 =	vld [tilespmem:s13+$0xFFFFFE10]  }
0x26: {  	v4 =	vld [tilespmem:s13+$0x10]  }
0x27: {  	v5 =	vld [tilespmem:s13+$0xFFFFFE20]  }
0x28: {  	v7 =	vld [tilespmem:s13+$0x20]  }
0x29: {  	v11 =	vld [tilespmem:s13+$0x30];
	v6 =	vunpack.i.l.s16.s32 v0;
	v8 =	vunpack.i.u.s16.s32 v0;
	v9 =	vunpack.i.u.s16.s32 v1  }
0x2a: {  	v10 =	vunpack.i.l.s16.s32 v1;
	v0 =	vunpack.i.u.s16.s32 v2;
	v1 =	vunpack.i.l.s16.s32 v2;
	v2 =	vld [tilespmem:s13+$0xFFFFFE30]  }
0x2b: {  	v8 =	vpack.i.b32.b16 v9, v8;
	v9 =	vunpack.i.u.s16.s32 v3;
	v3 =	vunpack.i.l.s16.s32 v3  }
0x2c: {  	v12 =	vld [tilespmem:s13+$0xFFFFFE40];
	v6 =	vpack.i.b32.b16 v10, v6;
	[tilespmem:s15+$0x70] =	vst v8;
	v8 =	vunpack.i.u.s16.s32 v4;
	v4 =	vunpack.i.l.s16.s32 v4  }
0x2d: {  	v13 =	vld [tilespmem:s13+$0x40];
	v10 =	vunpack.i.u.s16.s32 v5;
	v5 =	vunpack.i.l.s16.s32 v5;
	[tilespmem:s15+$0xFFFFF870] =	vst v6;
	v3 =	vpack.i.b32.b16 v4, v3  }
0x2e: {  	v6 =	vunpack.i.l.s16.s32 v7;
	v4 =	vld [tilespmem:s13+$0xFFFFFE50];
	[tilespmem:s15+$0xFFFFF810] =	vst v3;
	v3 =	vpack.i.b32.b16 v8, v9;
	v8 =	vunpack.i.u.s16.s32 v7  }
0x2f: {  	v7 =	vunpack.i.l.s16.s32 v11;
	[tilespmem:s15+$0x10] =	vst v3;
	v3 =	vpack.i.b32.b16 v6, v5;
	v9 =	vunpack.i.u.s16.s32 v2;
	v6 =	vld [tilespmem:s13+$0x50]  }
0x30: {  	v5 =	vunpack.i.l.s16.s32 v2;
	v2 =	vld [tilespmem:s13+$0xFFFFFE60];
	[tilespmem:s15+$0xFFFFF820] =	vst v3;
	v3 =	vpack.i.b32.b16 v8, v10;
	v10 =	vunpack.i.u.s16.s32 v11  }
0x31: {  	s19 =	simm.s32 $0x0;
	v11 =	vpack.i.b32.b16 v7, v5;
	v7 =	vunpack.i.u.s16.s32 v12;
	v8 =	vunpack.i.l.s16.s32 v12;
	[tilespmem:s15+$0x20] =	vst v3;
	v3 =	vld [tilespmem:s13+$0x60]  }
0x32: {  	s20 =	sadd.s32 $0x80, s13;
	s18 =	smov.u32 s15;
	s17 =	smov.u32 s15;
	v5 =	vld [tilespmem:s13+$0xFFFFFE00];
	[tilespmem:s15+$0xFFFFF830] =	vst v11;
	v10 =	vpack.i.b32.b16 v10, v9;
	v9 =	vunpack.i.u.s16.s32 v13;
	v11 =	vunpack.i.l.s16.s32 v13  }
.LBB1_4:
0x33: {  	v12 =	vld [tilespmem:s20+$0xFFFFFE70];
	[tilespmem:s18+$0x30] =	vst v10;
	v8 =	vpack.i.b32.b16 v11, v8;
	v10 =	vunpack.i.u.s16.s32 v4;
	v4 =	vunpack.i.l.s16.s32 v4  }
0x34: {  	s19 =	sadd.s32 $0x2, s19;
	v7 =	vpack.i.b32.b16 v9, v7;
	v11 =	vld [tilespmem:s20+$0x70];
	[tilespmem:s18+$0xFFFFF840] =	vst v8;
	v8 =	vunpack.i.u.s16.s32 v6;
	v6 =	vunpack.i.l.s16.s32 v6  }
0x35: {  	p1 =	slt.u32 s19, $0x6;
	v9 =	vld [tilespmem:s20+$0x0];
	[tilespmem:s18+$0x40] =	vst v7;
	v4 =	vpack.i.b32.b16 v6, v4;
	v6 =	vunpack.i.u.s16.s32 v2;
	v2 =	vunpack.i.l.s16.s32 v2  }
0x36: {  	v7 =	vld [tilespmem:s20+$0xFFFFFE10];
	[tilespmem:s18+$0xFFFFF850] =	vst v4;
	v4 =	vpack.i.b32.b16 v8, v10;
	v8 =	vunpack.i.u.s16.s32 v3;
	v3 =	vunpack.i.l.s16.s32 v3  }
0x37: {  	v10 =	vld [tilespmem:s20+$0x10];
	v13 =	vunpack.i.u.s16.s32 v5;
	v5 =	vunpack.i.l.s16.s32 v5;
	[tilespmem:s18+$0x50] =	vst v4;
	v2 =	vpack.i.b32.b16 v3, v2  }
0x38: {  	v3 =	vld [tilespmem:s20+$0xFFFFFE20];
	v4 =	vunpack.i.l.s16.s32 v12;
	v1 =	vpack.i.b32.b16 v1, v5;
	v5 =	vpack.i.b32.b16 v0, v13;
	[tilespmem:s18+$0xFFFFF860] =	vst v2  }
0x39: {  	v12 =	vunpack.i.u.s16.s32 v12;
	v2 =	vld [tilespmem:s20+$0x20];
	v13 =	vunpack.i.u.s16.s32 v11;
	v11 =	vunpack.i.l.s16.s32 v11;
	[tilespmem:s18+$0xFFFFF800] =	vst v1  }
0x3a: {  	s18 =	sadd.s32 $0x1000, s18;
	v0 =	vunpack.i.u.s16.s32 v9;
	v1 =	vunpack.i.l.s16.s32 v9;
	v9 =	vld [tilespmem:s20+$0xFFFFFE30];
	v12 =	vpack.i.b32.b16 v13, v12;
	[tilespmem:s17+$0x0] =	vst v5  }
0x3b: {  	v6 =	vpack.i.b32.b16 v8, v6;
	v5 =	vunpack.i.u.s16.s32 v7;
	v7 =	vunpack.i.l.s16.s32 v7;
	v13 =	vld [tilespmem:s20+$0x30];
	[tilespmem:s18+$0x70] =	vst v12  }
0x3c: {  	v4 =	vpack.i.b32.b16 v11, v4;
	v8 =	vunpack.i.u.s16.s32 v10;
	v10 =	vunpack.i.l.s16.s32 v10;
	v12 =	vld [tilespmem:s20+$0xFFFFFE40];
	[tilespmem:s17+$0x60] =	vst v6;
	s17 =	smov.u32 s18  }
0x3d: {  	v6 =	vpack.i.b32.b16 v10, v7;
	v7 =	vunpack.i.u.s16.s32 v3;
	v3 =	vunpack.i.l.s16.s32 v3;
	v11 =	vld [tilespmem:s20+$0x40];
	[tilespmem:s18+$0xFFFFF870] =	vst v4  }
.Ltmp3:
0x3e: {  	v5 =	vpack.i.b32.b16 v8, v5;
	[tilespmem:s18+$0xFFFFF810] =	vst v6;
	v8 =	vunpack.i.u.s16.s32 v2;
	v2 =	vunpack.i.l.s16.s32 v2;
	v4 =	vld [tilespmem:s20+$0xFFFFFE50];
	(pc) =	sbr.rel @p1 .LBB1_4-.Ltmp3, $4  }
0x3f: {  	[tilespmem:s18+$0x10] =	vst v5;
	v2 =	vpack.i.b32.b16 v2, v3;
	v10 =	vunpack.i.u.s16.s32 v9;
	v3 =	vunpack.i.l.s16.s32 v9;
	v6 =	vld [tilespmem:s20+$0x50]  }
0x40: {  	v5 =	vpack.i.b32.b16 v8, v7;
	[tilespmem:s18+$0xFFFFF820] =	vst v2;
	v9 =	vunpack.i.u.s16.s32 v13;
	v7 =	vunpack.i.l.s16.s32 v13;
	v2 =	vld [tilespmem:s20+$0xFFFFFE60]  }
0x41: {  	[tilespmem:s18+$0x20] =	vst v5;
	v13 =	vpack.i.b32.b16 v7, v3;
	v7 =	vunpack.i.u.s16.s32 v12;
	v8 =	vunpack.i.l.s16.s32 v12;
	v3 =	vld [tilespmem:s20+$0x60]  }
0x42: {  	v10 =	vpack.i.b32.b16 v9, v10;
	v5 =	vld [tilespmem:s20+$0xFFFFFE00];
	[tilespmem:s18+$0xFFFFF830] =	vst v13;
	v9 =	vunpack.i.u.s16.s32 v11;
	v11 =	vunpack.i.l.s16.s32 v11;
	s20 =	sadd.s32 $0x80, s20  }
0x43: {  	[tilespmem:s18+$0x30] =	vst v10;
	v8 =	vpack.i.b32.b16 v11, v8  }
0x44: {  	v51 =	vunpack.i.l.s16.s32 v4;
	v7 =	vpack.i.b32.b16 v9, v7;
	[tilespmem:s18+$0xFFFFF840] =	vst v8;
	v52 =	vunpack.i.l.s16.s32 v6  }
0x45: {  	v53 =	vunpack.i.u.s16.s32 v4;
	v54 =	vunpack.i.u.s16.s32 v6;
	[tilespmem:s18+$0x40] =	vst v7;
	v55 =	vpack.i.b32.b16 v52, v51  }
0x46: {  	p1 =	slt.u32 s16, $0x1E;
	v56 =	vunpack.i.l.s16.s32 v2;
	v4 =	vpack.i.b32.b16 v54, v53;
	[tilespmem:s18+$0xFFFFF850] =	vst v55;
	v57 =	vunpack.i.l.s16.s32 v3  }
.Ltmp4:
0x47: {  	[tilespmem:s18+$0x50] =	vst v4;
	v58 =	vunpack.i.l.s16.s32 v5;
	v59 =	vpack.i.b32.b16 v57, v56;
	(pc) =	sbr.rel @p1 .LBB1_3-.Ltmp4, $4  }
0x48: {  	v61 =	vunpack.i.u.s16.s32 v2;
	v62 =	vunpack.i.u.s16.s32 v3;
	v1 =	vpack.i.b32.b16 v1, v58;
	[tilespmem:s18+$0xFFFFF860] =	vst v59  }
0x49: {  	v60 =	vunpack.i.u.s16.s32 v5;
	v63 =	vpack.i.b32.b16 v62, v61;
	[tilespmem:s18+$0xFFFFF800] =	vst v1  }
0x4a: {  	s31 =	sadd.s32 $0x2, s16;
	v0 =	vpack.i.b32.b16 v0, v60;
	[tilespmem:s17+$0x60] =	vst v63  }
0x4b: {  	s13 =	sadd.s32 $0x400, s13;
	s15 =	sadd.s32 $0x80, s15;
	s16 =	smov.u32 s31;
	[tilespmem:s17+$0x0] =	vst v0  }
.Ltmp5:
0x4c: {  	(pc) =	sbr.rel .LBB1_7-.Ltmp5, $4  }
0x4d: {  	s12 =	sshll.u32 s12, $0xD;
	s11 =	sshll.u32 s11, $0x3  }
0x4e: {  	s11 =	sand.u32 $0x3F0, s11;
	s12 =	sadd.s32 s3, s12  }
0x4f: {  	s11 =	sadd.s32 s11, s12  }
0x50: {  	[hbm4b:s11+s6] =	stream.strided.scatter [tilespmem:s14], [sflag:$0x2], $0x4000, s7, s6, $0x38;
	[tilespmem:$0x10000] =	vst v63  }
.LBB1_8:
0x51: {  	_ =	sfence.sel $0x180000  }
0x52: {  	s2 =	simm.s32 $0x1;
	[bflag:$0x0] =	sbarrier.arrive $0xFFFF  }
0x53: {  	s31 =	simm.s32 $0x2;
	[sflag:s2] =	ssyncpa.u1 $0x1  }
0x54: {  	[sflag:s31] =	ssyncpa.u1 $0x1  }
0x55: {  	p0 =	sne.s32 s1, $0x0;
	_ =	strace $0x90000050  }
0x56: {  	s0 =	sadd.s32 @!p0 $0x100000, s0;
	[bflag:$0x2] =	sbarrier.arrive $0xFFFF  }
0x57: {  	[sflag:s0] =	ssyncadd.tile.s32 @!p0 $0x1;
	_ =	shalt  }
.Lfunc_end1:
_tile_overlayer_lowered:
.L_overlay_start_2:
0x58: {  	(tag) =	ssettag $0x2  }
0x59: {  	s0 =	rddreg [dreg:$0x0];
	s2 =	stileid.u32  }
0x5a: {  	s1 =	rddreg [dreg:$0x1];
	p0 =	sne.s32 s2, $0x0  }
0x5b: {  	s3 =	rddreg [dreg:$0x2];
	[bflag:$0x3] =	sbarrier.arrive $0xFFFF;
	s2 =	simm.s32 @!p0 $0x1C01  }
0x5c: {  	[timem:s3], [sflag:s2] =	dma.local @!p0 [hbm:s0], s1  }
0x5d: {  	s0 =	simm.s32 @!p0 $0x1  }
0x5e: {  	_ =	swait.ge @!p0 [sflag:s0], s1  }
0x5f: {  	s1 =	ssub.s32 @!p0 $0x0, s1;
	[sflag:s0] =	ssyncset.done @!p0 $0x0  }
0x60: {  	[sflag:s0] =	ssyncadd.s32 @!p0 s1  }
0x61: {  	[bflag:$0x3] =	sbarrier.arrive $0xFFFF  }
0x62: {  	_ =	shalt  }

</sc_bundles>
